<compile_context>
chip_gen: v7x
topology: tpu7x:2x2x1
jax: 0.10.2.dev20260603
libtpu: 0.0.44.dev20260713+nightly
codegen_flags: <defaults>
</compile_context>

<pallas_src>
import functools

import jax
import jax.numpy as jnp
from jax import lax
from jax.experimental import pallas as pl
from jax.experimental.pallas import tpu as pltpu
from jax.experimental.pallas import tpu_sc as plsc

NUM_EMBEDDINGS = 8192
EMBEDDING_DIM = 256
BETA = 0.25


_BM = 2048
_BN = 2048
_NB = NUM_EMBEDDINGS // _BN


def _argmin_body(z_ref, w_ref, out_ref, best_val, best_idx):
    n = pl.program_id(1)
    zb = z_ref[...]
    wb = w_ref[...]
    prod = lax.dot_general(zb, wb, (((1,), (1,)), ((), ())),
                           preferred_element_type=jnp.float32)
    c = jnp.sum(wb * wb, axis=1)[None, :]
    e = prod - 0.5 * c
    row_max = jnp.max(e, axis=1, keepdims=True)
    idsf = lax.broadcasted_iota(jnp.int32, e.shape, 1).astype(jnp.float32)
    row_idx = jnp.min(jnp.where(e == row_max, idsf, jnp.float32(65536.0)),
                      axis=1, keepdims=True) + jnp.float32(n * _BN)
    row_max = jnp.broadcast_to(row_max, (_BM, 128))
    row_idx = jnp.broadcast_to(row_idx, (_BM, 128))

    @pl.when(n == 0)
    def _():
        best_val[...] = row_max
        best_idx[...] = row_idx

    @pl.when(n > 0)
    def _():
        better = row_max > best_val[...]
        best_val[...] = jnp.where(better, row_max, best_val[...])
        best_idx[...] = jnp.where(better, row_idx, best_idx[...])

    @pl.when(n == _NB - 1)
    def _():
        out_ref[...] = best_idx[:, :1].astype(jnp.int32)


def _argmin_call(zf, weight):
    m_blocks = zf.shape[0] // _BM
    return pl.pallas_call(
        _argmin_body,
        grid=(m_blocks, _NB),
        in_specs=[
            pl.BlockSpec((_BM, EMBEDDING_DIM), lambda m, n: (m, 0)),
            pl.BlockSpec((_BN, EMBEDDING_DIM), lambda m, n: (n, 0)),
        ],
        out_specs=pl.BlockSpec((_BM, 1), lambda m, n: (m, 0)),
        out_shape=jax.ShapeDtypeStruct((zf.shape[0], 1), jnp.int32),
        scratch_shapes=[
            pltpu.VMEM((_BM, 128), jnp.float32),
            pltpu.VMEM((_BM, 128), jnp.float32),
        ],
        compiler_params=pltpu.CompilerParams(
            dimension_semantics=("arbitrary", "arbitrary")),
    )(zf, weight)



_NC = 2
_NS = 16
_NW = _NC * _NS
_TOKENS = 16384
_TPW = _TOKENS // _NW
_CH = 64
_NCH = _TPW // _CH
_IDX_W = 64
_SAMPLES = 16
_TOK_PER_SAMPLE = 1024


def _sc_body(w_hbm, idx_hbm, z_hbm, zq_hbm, loss_hbm, cnt_hbm,
             idx_v, rows0, rows1, zv0, zv1, pidx_v, pres_v, acc_v, cnt_v,
             g0, g1, zs0, zs1, o0, o1):
    wid = lax.axis_index("s") * _NC + lax.axis_index("c")
    pltpu.sync_copy(idx_hbm.at[pl.ds(wid * _NCH, _NCH)], idx_v)

    rows = (rows0, rows1)
    zv = (zv0, zv1)
    gsem = (g0, g1)
    zsem = (zs0, zs1)
    osem = (o0, o1)

    def tok0(ch):
        return wid * _TPW + ch * _CH

    gat = [None, None]
    zcp = [None, None]
    ocp = [None, None]
    gat[0] = pltpu.async_copy(w_hbm.at[idx_v.at[0]], rows[0], gsem[0])
    zcp[0] = pltpu.async_copy(z_hbm.at[pl.ds(tok0(0), _CH)], zv[0], zsem[0])

    acc = jnp.zeros((16,), jnp.float32)
    for ch in range(_NCH):
        b = ch % 2
        nb = (ch + 1) % 2
        if ch + 1 < _NCH:
            if ch >= 1:
                ocp[nb].wait()
            gat[nb] = pltpu.async_copy(w_hbm.at[idx_v.at[ch + 1]],
                                       rows[nb], gsem[nb])
            zcp[nb] = pltpu.async_copy(z_hbm.at[pl.ds(tok0(ch + 1), _CH)],
                                       zv[nb], zsem[nb])
        gat[b].wait()
        ocp[b] = pltpu.async_copy(rows[b], zq_hbm.at[pl.ds(tok0(ch), _CH)],
                                  osem[b])
        zcp[b].wait()
        rv, zr = rows[b], zv[b]

        def body(r, a, rv=rv, zr=zr):
            for cidx in range(EMBEDDING_DIM // 16):
                sl = pl.ds(cidx * 16, 16)
                dd = rv[r, sl] - zr[r, sl]
                a = a + dd * dd
            return a

        acc = lax.fori_loop(0, _CH, body, acc)
    ocp[0].wait()
    ocp[1].wait()

    acc_v[...] = acc
    pltpu.sync_copy(acc_v, loss_hbm.at[wid])

    @pl.when(wid < _SAMPLES)
    def _():
        srow = wid * (_TOK_PER_SAMPLE // _IDX_W)
        pltpu.sync_copy(idx_hbm.at[pl.ds(srow, _TOK_PER_SAMPLE // _IDX_W)],
                        pidx_v)

        def zero_body(i, _):
            pres_v[pl.ds(i * 16, 16)] = jnp.zeros((16,), jnp.float32)
            return 0

        lax.fori_loop(0, NUM_EMBEDDINGS // 16, zero_body, 0)
        ones = jnp.ones((16,), jnp.float32)
        for ra in range(_TOK_PER_SAMPLE // _IDX_W):
            for rb in range(_IDX_W // 16):
                iv = pidx_v[ra, pl.ds(rb * 16, 16)]
                plsc.store_scatter(pres_v, [iv], ones)

        def cnt_body(i, a):
            return a + pres_v[pl.ds(i * 16, 16)]

        cvec = lax.fori_loop(0, NUM_EMBEDDINGS // 16, cnt_body,
                             jnp.zeros((16,), jnp.float32))
        cnt_v[...] = cvec
        pltpu.sync_copy(cnt_v, cnt_hbm.at[wid])


@functools.partial(jax.jit, static_argnums=())
def _sc_call(weight, idx2, zf):
    kern = functools.partial(
        pl.kernel,
        out_type=[
            jax.ShapeDtypeStruct((_TOKENS, EMBEDDING_DIM), jnp.float32),
            jax.ShapeDtypeStruct((_NW, 16), jnp.float32),
            jax.ShapeDtypeStruct((_SAMPLES, 16), jnp.float32),
        ],
        mesh=plsc.VectorSubcoreMesh(core_axis_name="c", subcore_axis_name="s"),
        scratch_types=[
            pltpu.VMEM((_NCH, _IDX_W), jnp.int32),
            pltpu.VMEM((_CH, EMBEDDING_DIM), jnp.float32),
            pltpu.VMEM((_CH, EMBEDDING_DIM), jnp.float32),
            pltpu.VMEM((_CH, EMBEDDING_DIM), jnp.float32),
            pltpu.VMEM((_CH, EMBEDDING_DIM), jnp.float32),
            pltpu.VMEM((_TOK_PER_SAMPLE // _IDX_W, _IDX_W), jnp.int32),
            pltpu.VMEM((NUM_EMBEDDINGS,), jnp.float32),
            pltpu.VMEM((16,), jnp.float32),
            pltpu.VMEM((16,), jnp.float32),
            pltpu.SemaphoreType.DMA,
            pltpu.SemaphoreType.DMA,
            pltpu.SemaphoreType.DMA,
            pltpu.SemaphoreType.DMA,
            pltpu.SemaphoreType.DMA,
            pltpu.SemaphoreType.DMA,
        ],
        compiler_params=pltpu.CompilerParams(needs_layout_passes=False),
    )(_sc_body)
    return kern(weight, idx2, zf)


def kernel(z, weight):
    b, h, w, d = z.shape
    zf = z.reshape(-1, d)
    idx = _argmin_call(zf, weight)
    idx2 = idx.reshape(_TOKENS // _IDX_W, _IDX_W)
    zq_st, loss_parts, cnt_parts = _sc_call(weight, idx2, zf)
    mean_sq = jnp.sum(loss_parts) / jnp.float32(zf.size)
    loss = mean_sq + jnp.float32(BETA) * mean_sq
    diversity = jnp.sum(cnt_parts) / jnp.float32(_TOKENS)
    return (zq_st.reshape(b, h, w, d), idx.reshape(b, h, w), loss, diversity)

# --- scband reference (transcript-rebuilt; emitter-appended) ---
"""Pipeline reference for scband-vector-quantizer-16226386444566 (READ-ONLY COPY).

The authoritative reference and input builder live on the scoring server;
editing this copy changes nothing except your own understanding.
"""

import jax, jax.numpy as jnp
import numpy as np

NUM_EMBEDDINGS = 8192
EMBEDDING_DIM = 256
BETA = 0.25


def setup_inputs(seed: int = 0) -> dict:
    key = jax.random.key(seed)
    k1, k2 = jax.random.split(key)
    z = jax.random.normal(k1, (16, 32, 32, EMBEDDING_DIM), dtype=jnp.float32)
    # nn.Embedding weight initialized uniform(-1/K, 1/K) as in NNVQ.__init__
    weight = jax.random.uniform(
        k2, (NUM_EMBEDDINGS, EMBEDDING_DIM),
        minval=-1.0 / NUM_EMBEDDINGS, maxval=1.0 / NUM_EMBEDDINGS,
        dtype=jnp.float32,
    )
    return {"z": z, "weight": weight}


def reference(z, weight):
    # d = sum(w^2, dim=1) - 2 * einsum('... d, ne d -> ... ne')
    d = jnp.sum(weight ** 2, axis=1) - 2.0 * jnp.einsum('bhwd,nd->bhwn', z, weight)
    index = jnp.argmin(d, axis=-1)  # [B, H, W]
    z_q = jnp.take(weight, index, axis=0)  # embedding lookup
    loss = jnp.mean((jax.lax.stop_gradient(z_q) - z) ** 2) \
        + BETA * jnp.mean((z_q - jax.lax.stop_gradient(z)) ** 2)
    # straight-through estimator
    z_q_st = z + jax.lax.stop_gradient(z_q - z)
    # diversity: sum over batch of per-sample unique code count / num tokens
    def _unique_count(idx2d):
        return (jnp.bincount(idx2d.reshape(-1), length=NUM_EMBEDDINGS) > 0).sum()
    counts = jax.vmap(_unique_count)(index)
    diversity = counts.sum().astype(jnp.float32) / float(np.prod(z_q.shape[:-1]))
    return (z_q_st, index, loss, diversity)

if __name__ == "__main__":
    import jax
    _d = setup_inputs()
    print(jax.jit(kernel)(*tuple(_d.values())))

</pallas_src>

<mosaic_0001>
#map = affine_map<(d0, d1) -> (0, 0)>
module attributes {stable_mosaic.version = 14 : i64} {
  func.func @_sc_body(%arg0: i32, %arg1: i32, %arg2: memref<8192x256xf32, #tpu.memory_space<hbm>>, %arg3: memref<256x64xi32, #tpu.memory_space<hbm>>, %arg4: memref<16384x256xf32, #tpu.memory_space<hbm>>, %arg5: memref<16384x256xf32, #tpu.memory_space<hbm>>, %arg6: memref<32x16xf32, #tpu.memory_space<hbm>>, %arg7: memref<16x16xf32, #tpu.memory_space<hbm>>, %arg8: memref<8x64xi32, #tpu.memory_space<vmem>>, %arg9: memref<64x256xf32, #tpu.memory_space<vmem>>, %arg10: memref<64x256xf32, #tpu.memory_space<vmem>>, %arg11: memref<64x256xf32, #tpu.memory_space<vmem>>, %arg12: memref<64x256xf32, #tpu.memory_space<vmem>>, %arg13: memref<16x64xi32, #tpu.memory_space<vmem>>, %arg14: memref<8192xf32, #tpu.memory_space<vmem>>, %arg15: memref<16xf32, #tpu.memory_space<vmem>>, %arg16: memref<16xf32, #tpu.memory_space<vmem>>, %arg17: memref<!tpu.dma_semaphore, #tpu.memory_space<semaphore_mem>>, %arg18: memref<!tpu.dma_semaphore, #tpu.memory_space<semaphore_mem>>, %arg19: memref<!tpu.dma_semaphore, #tpu.memory_space<semaphore_mem>>, %arg20: memref<!tpu.dma_semaphore, #tpu.memory_space<semaphore_mem>>, %arg21: memref<!tpu.dma_semaphore, #tpu.memory_space<semaphore_mem>>, %arg22: memref<!tpu.dma_semaphore, #tpu.memory_space<semaphore_mem>>) attributes {dimension_semantics = [#tpu.dimension_semantics<core_parallel>, #tpu.dimension_semantics<subcore_parallel>], iteration_bounds = array<i64: 2, 16>, scalar_prefetch = 0 : i64, scratch_operands = 15 : i64, tpu.core_type = #tpu.core_type<sc_vector_subcore>, window_params = [{transform_indices = #map}, {transform_indices = #map}, {transform_indices = #map}, {transform_indices = #map}, {transform_indices = #map}, {transform_indices = #map}]} {
    %mul3A = arith.constant 2 : i32
    %mul3A_0 = arith.muli %arg1, %mul3A : i32
    %add3A = arith.addi %mul3A_0, %arg0 : i32
    %mul3A_1 = arith.constant 8 : i32
    %mul3A_2 = arith.muli %add3A, %mul3A_1 : i32
    "tpu.region"() ({
      %run_scoped3A = tpu.sem_alloc : memref<!tpu.dma_semaphore, #tpu.memory_space<semaphore_mem>>
      %dma_start3A_356 = arith.constant 0 : i32
      %dma_start3A_357 = tpu.memref_slice %arg3[%mul3A_2, %dma_start3A_356] : memref<256x64xi32, #tpu.memory_space<hbm>> -> memref<8x64xi32, #tpu.memory_space<hbm>>
      %dma_start3A_358 = arith.constant 0 : i32
      %dma_start3A_359 = tpu.memref_slice %arg3[%mul3A_2, %dma_start3A_358] : memref<256x64xi32, #tpu.memory_space<hbm>> -> memref<8x64xi32, #tpu.memory_space<hbm>>
      tpu.enqueue_dma source(%dma_start3A_359 : memref<8x64xi32, #tpu.memory_space<hbm>>) target(%arg8 : memref<8x64xi32, #tpu.memory_space<vmem>>) target_semaphore(%run_scoped3A : memref<!tpu.dma_semaphore, #tpu.memory_space<semaphore_mem>>)
      %dma_wait3A_360 = arith.constant 0 : i32
      %dma_wait3A_361 = tpu.memref_slice %arg3[%mul3A_2, %dma_wait3A_360] : memref<256x64xi32, #tpu.memory_space<hbm>> -> memref<8x64xi32, #tpu.memory_space<hbm>>
      %dma_wait3A_362 = arith.constant 0 : i32
      %dma_wait3A_363 = tpu.memref_slice %arg3[%mul3A_2, %dma_wait3A_362] : memref<256x64xi32, #tpu.memory_space<hbm>> -> memref<8x64xi32, #tpu.memory_space<hbm>>
      tpu.wait_dma2 semaphore(%run_scoped3A : memref<!tpu.dma_semaphore, #tpu.memory_space<semaphore_mem>>) src(%dma_wait3A_363 : memref<8x64xi32, #tpu.memory_space<hbm>>) dst(%arg8 : memref<8x64xi32, #tpu.memory_space<vmem>>)
      tpu.yield
    }) : () -> ()
    %dma_start3A = arith.constant 0 : i32
    %dma_start3A_3 = arith.constant 0 : i32
    %dma_start3A_4 = tpu.memref_slice %arg8[%dma_start3A, %dma_start3A_3] : memref<8x64xi32, #tpu.memory_space<vmem>> -> memref<1x64xi32, #tpu.memory_space<vmem>>
    %dma_start3A_5 = tpu.memref_squeeze %dma_start3A_4 : memref<1x64xi32, #tpu.memory_space<vmem>> -> memref<64xi32, #tpu.memory_space<vmem>>
    %dma_start3A_6 = arith.constant 0 : i32
    %dma_start3A_7 = arith.constant 0 : i32
    %dma_start3A_8 = tpu.memref_slice %arg2[%dma_start3A_6, %dma_start3A_7] : memref<8192x256xf32, #tpu.memory_space<hbm>> -> memref<8192x256xf32, #tpu.memory_space<hbm>>
    tpu.enqueue_indirect_dma source(%dma_start3A_8 : memref<8192x256xf32, #tpu.memory_space<hbm>>) target(%arg9 : memref<64x256xf32, #tpu.memory_space<vmem>>) offsets(%dma_start3A_5 : memref<64xi32, #tpu.memory_space<vmem>>) semaphore(%arg17 : memref<!tpu.dma_semaphore, #tpu.memory_space<semaphore_mem>>)
    %mul3A_9 = arith.constant 512 : i32
    %mul3A_10 = arith.muli %add3A, %mul3A_9 : i32
    %add3A_11 = arith.constant 0 : i32
    %add3A_12 = arith.addi %mul3A_10, %add3A_11 : i32
    %dma_start3A_13 = arith.constant 0 : i32
    %dma_start3A_14 = tpu.memref_slice %arg4[%add3A_12, %dma_start3A_13] : memref<16384x256xf32, #tpu.memory_space<hbm>> -> memref<64x256xf32, #tpu.memory_space<hbm>>
    %dma_start3A_15 = arith.constant 0 : i32
    %dma_start3A_16 = tpu.memref_slice %arg4[%add3A_12, %dma_start3A_15] : memref<16384x256xf32, #tpu.memory_space<hbm>> -> memref<64x256xf32, #tpu.memory_space<hbm>>
    tpu.enqueue_dma source(%dma_start3A_16 : memref<64x256xf32, #tpu.memory_space<hbm>>) target(%arg11 : memref<64x256xf32, #tpu.memory_space<vmem>>) target_semaphore(%arg19 : memref<!tpu.dma_semaphore, #tpu.memory_space<semaphore_mem>>)
    %broadcast_in_dim3A = arith.constant 0.000000e+00 : f32
    %broadcast_in_dim3A_17 = vector.broadcast %broadcast_in_dim3A : f32 to vector<16xf32>
    %dma_start3A_18 = arith.constant 1 : i32
    %dma_start3A_19 = arith.constant 0 : i32
    %dma_start3A_20 = tpu.memref_slice %arg8[%dma_start3A_18, %dma_start3A_19] : memref<8x64xi32, #tpu.memory_space<vmem>> -> memref<1x64xi32, #tpu.memory_space<vmem>>
    %dma_start3A_21 = tpu.memref_squeeze %dma_start3A_20 : memref<1x64xi32, #tpu.memory_space<vmem>> -> memref<64xi32, #tpu.memory_space<vmem>>
    %dma_start3A_22 = arith.constant 0 : i32
    %dma_start3A_23 = arith.constant 0 : i32
    %dma_start3A_24 = tpu.memref_slice %arg2[%dma_start3A_22, %dma_start3A_23] : memref<8192x256xf32, #tpu.memory_space<hbm>> -> memref<8192x256xf32, #tpu.memory_space<hbm>>
    tpu.enqueue_indirect_dma source(%dma_start3A_24 : memref<8192x256xf32, #tpu.memory_space<hbm>>) target(%arg10 : memref<64x256xf32, #tpu.memory_space<vmem>>) offsets(%dma_start3A_21 : memref<64xi32, #tpu.memory_space<vmem>>) semaphore(%arg18 : memref<!tpu.dma_semaphore, #tpu.memory_space<semaphore_mem>>)
    %mul3A_25 = arith.constant 512 : i32
    %mul3A_26 = arith.muli %add3A, %mul3A_25 : i32
    %add3A_27 = arith.constant 64 : i32
    %add3A_28 = arith.addi %mul3A_26, %add3A_27 : i32
    %dma_start3A_29 = arith.constant 0 : i32
    %dma_start3A_30 = tpu.memref_slice %arg4[%add3A_28, %dma_start3A_29] : memref<16384x256xf32, #tpu.memory_space<hbm>> -> memref<64x256xf32, #tpu.memory_space<hbm>>
    %dma_start3A_31 = arith.constant 0 : i32
    %dma_start3A_32 = tpu.memref_slice %arg4[%add3A_28, %dma_start3A_31] : memref<16384x256xf32, #tpu.memory_space<hbm>> -> memref<64x256xf32, #tpu.memory_space<hbm>>
    tpu.enqueue_dma source(%dma_start3A_32 : memref<64x256xf32, #tpu.memory_space<hbm>>) target(%arg12 : memref<64x256xf32, #tpu.memory_space<vmem>>) target_semaphore(%arg20 : memref<!tpu.dma_semaphore, #tpu.memory_space<semaphore_mem>>)
    %dma_wait3A = arith.constant 0 : i32
    %dma_wait3A_33 = arith.constant 0 : i32
    %dma_wait3A_34 = tpu.memref_slice %arg8[%dma_wait3A, %dma_wait3A_33] : memref<8x64xi32, #tpu.memory_space<vmem>> -> memref<1x64xi32, #tpu.memory_space<vmem>>
    %dma_wait3A_35 = tpu.memref_squeeze %dma_wait3A_34 : memref<1x64xi32, #tpu.memory_space<vmem>> -> memref<64xi32, #tpu.memory_space<vmem>>
    %dma_wait3A_36 = arith.constant 0 : i32
    %dma_wait3A_37 = arith.constant 0 : i32
    %dma_wait3A_38 = tpu.memref_slice %arg2[%dma_wait3A_36, %dma_wait3A_37] : memref<8192x256xf32, #tpu.memory_space<hbm>> -> memref<8192x256xf32, #tpu.memory_space<hbm>>
    tpu.wait_indirect_dma semaphore(%arg17 : memref<!tpu.dma_semaphore, #tpu.memory_space<semaphore_mem>>) src(%dma_wait3A_38 : memref<8192x256xf32, #tpu.memory_space<hbm>>) dst(%arg9 : memref<64x256xf32, #tpu.memory_space<vmem>>)
    %mul3A_39 = arith.constant 512 : i32
    %mul3A_40 = arith.muli %add3A, %mul3A_39 : i32
    %add3A_41 = arith.constant 0 : i32
    %add3A_42 = arith.addi %mul3A_40, %add3A_41 : i32
    %dma_start3A_43 = arith.constant 0 : i32
    %dma_start3A_44 = tpu.memref_slice %arg5[%add3A_42, %dma_start3A_43] : memref<16384x256xf32, #tpu.memory_space<hbm>> -> memref<64x256xf32, #tpu.memory_space<hbm>>
    %dma_start3A_45 = arith.constant 0 : i32
    %dma_start3A_46 = tpu.memref_slice %arg5[%add3A_42, %dma_start3A_45] : memref<16384x256xf32, #tpu.memory_space<hbm>> -> memref<64x256xf32, #tpu.memory_space<hbm>>
    tpu.enqueue_dma source(%arg9 : memref<64x256xf32, #tpu.memory_space<vmem>>) target(%dma_start3A_46 : memref<64x256xf32, #tpu.memory_space<hbm>>) target_semaphore(%arg21 : memref<!tpu.dma_semaphore, #tpu.memory_space<semaphore_mem>>)
    %dma_wait3A_47 = arith.constant 0 : i32
    %dma_wait3A_48 = tpu.memref_slice %arg4[%add3A_12, %dma_wait3A_47] : memref<16384x256xf32, #tpu.memory_space<hbm>> -> memref<64x256xf32, #tpu.memory_space<hbm>>
    %dma_wait3A_49 = arith.constant 0 : i32
    %dma_wait3A_50 = tpu.memref_slice %arg4[%add3A_12, %dma_wait3A_49] : memref<16384x256xf32, #tpu.memory_space<hbm>> -> memref<64x256xf32, #tpu.memory_space<hbm>>
    tpu.wait_dma2 semaphore(%arg19 : memref<!tpu.dma_semaphore, #tpu.memory_space<semaphore_mem>>) src(%dma_wait3A_50 : memref<64x256xf32, #tpu.memory_space<hbm>>) dst(%arg11 : memref<64x256xf32, #tpu.memory_space<vmem>>)
    %scan3A = arith.constant 0 : i32
    %scan3A_51 = arith.constant 64 : i32
    %scan3A_52 = arith.addi %scan3A, %scan3A_51 : i32
    %scan3A_53 = arith.constant 1 : i32
    %scan3A_54 = scf.for %scan3A_356 = %scan3A to %scan3A_52 step %scan3A_53 iter_args(%scan3A_357 = %broadcast_in_dim3A_17) -> (vector<16xf32>)  : i32 {
      %get3A = arith.index_cast %scan3A_356 : i32 to index
      %get3A_358 = arith.constant 0 : index
      %get3A_359 = tpu.vector_load %arg9[%get3A, %get3A_358] {strides = array<i32>} : memref<64x256xf32, #tpu.memory_space<vmem>>, vector<16xf32>,
      %get3A_360 = arith.index_cast %scan3A_356 : i32 to index
      %get3A_361 = arith.constant 0 : index
      %get3A_362 = tpu.vector_load %arg11[%get3A_360, %get3A_361] {strides = array<i32>} : memref<64x256xf32, #tpu.memory_space<vmem>>, vector<16xf32>,
      %sub3A = arith.subf %get3A_359, %get3A_362 : vector<16xf32>
      %mul3A_363 = arith.mulf %sub3A, %sub3A : vector<16xf32>
      %add3A_364 = arith.addf %scan3A_357, %mul3A_363 : vector<16xf32>
      %get3A_365 = arith.index_cast %scan3A_356 : i32 to index
      %get3A_366 = arith.constant 16 : index
      %get3A_367 = tpu.vector_load %arg9[%get3A_365, %get3A_366] {strides = array<i32>} : memref<64x256xf32, #tpu.memory_space<vmem>>, vector<16xf32>,
      %get3A_368 = arith.index_cast %scan3A_356 : i32 to index
      %get3A_369 = arith.constant 16 : index
      %get3A_370 = tpu.vector_load %arg11[%get3A_368, %get3A_369] {strides = array<i32>} : memref<64x256xf32, #tpu.memory_space<vmem>>, vector<16xf32>,
      %sub3A_371 = arith.subf %get3A_367, %get3A_370 : vector<16xf32>
      %mul3A_372 = arith.mulf %sub3A_371, %sub3A_371 : vector<16xf32>
      %add3A_373 = arith.addf %add3A_364, %mul3A_372 : vector<16xf32>
      %get3A_374 = arith.index_cast %scan3A_356 : i32 to index
      %get3A_375 = arith.constant 32 : index
      %get3A_376 = tpu.vector_load %arg9[%get3A_374, %get3A_375] {strides = array<i32>} : memref<64x256xf32, #tpu.memory_space<vmem>>, vector<16xf32>,
      %get3A_377 = arith.index_cast %scan3A_356 : i32 to index
      %get3A_378 = arith.constant 32 : index
      %get3A_379 = tpu.vector_load %arg11[%get3A_377, %get3A_378] {strides = array<i32>} : memref<64x256xf32, #tpu.memory_space<vmem>>, vector<16xf32>,
      %sub3A_380 = arith.subf %get3A_376, %get3A_379 : vector<16xf32>
      %mul3A_381 = arith.mulf %sub3A_380, %sub3A_380 : vector<16xf32>
      %add3A_382 = arith.addf %add3A_373, %mul3A_381 : vector<16xf32>
      %get3A_383 = arith.index_cast %scan3A_356 : i32 to index
      %get3A_384 = arith.constant 48 : index
      %get3A_385 = tpu.vector_load %arg9[%get3A_383, %get3A_384] {strides = array<i32>} : memref<64x256xf32, #tpu.memory_space<vmem>>, vector<16xf32>,
      %get3A_386 = arith.index_cast %scan3A_356 : i32 to index
      %get3A_387 = arith.constant 48 : index
      %get3A_388 = tpu.vector_load %arg11[%get3A_386, %get3A_387] {strides = array<i32>} : memref<64x256xf32, #tpu.memory_space<vmem>>, vector<16xf32>,
      %sub3A_389 = arith.subf %get3A_385, %get3A_388 : vector<16xf32>
      %mul3A_390 = arith.mulf %sub3A_389, %sub3A_389 : vector<16xf32>
      %add3A_391 = arith.addf %add3A_382, %mul3A_390 : vector<16xf32>
      %get3A_392 = arith.index_cast %scan3A_356 : i32 to index
      %get3A_393 = arith.constant 64 : index
      %get3A_394 = tpu.vector_load %arg9[%get3A_392, %get3A_393] {strides = array<i32>} : memref<64x256xf32, #tpu.memory_space<vmem>>, vector<16xf32>,
      %get3A_395 = arith.index_cast %scan3A_356 : i32 to index
      %get3A_396 = arith.constant 64 : index
      %get3A_397 = tpu.vector_load %arg11[%get3A_395, %get3A_396] {strides = array<i32>} : memref<64x256xf32, #tpu.memory_space<vmem>>, vector<16xf32>,
      %sub3A_398 = arith.subf %get3A_394, %get3A_397 : vector<16xf32>
      %mul3A_399 = arith.mulf %sub3A_398, %sub3A_398 : vector<16xf32>
      %add3A_400 = arith.addf %add3A_391, %mul3A_399 : vector<16xf32>
      %get3A_401 = arith.index_cast %scan3A_356 : i32 to index
      %get3A_402 = arith.constant 80 : index
      %get3A_403 = tpu.vector_load %arg9[%get3A_401, %get3A_402] {strides = array<i32>} : memref<64x256xf32, #tpu.memory_space<vmem>>, vector<16xf32>,
      %get3A_404 = arith.index_cast %scan3A_356 : i32 to index
      %get3A_405 = arith.constant 80 : index
      %get3A_406 = tpu.vector_load %arg11[%get3A_404, %get3A_405] {strides = array<i32>} : memref<64x256xf32, #tpu.memory_space<vmem>>, vector<16xf32>,
      %sub3A_407 = arith.subf %get3A_403, %get3A_406 : vector<16xf32>
      %mul3A_408 = arith.mulf %sub3A_407, %sub3A_407 : vector<16xf32>
      %add3A_409 = arith.addf %add3A_400, %mul3A_408 : vector<16xf32>
      %get3A_410 = arith.index_cast %scan3A_356 : i32 to index
      %get3A_411 = arith.constant 96 : index
      %get3A_412 = tpu.vector_load %arg9[%get3A_410, %get3A_411] {strides = array<i32>} : memref<64x256xf32, #tpu.memory_space<vmem>>, vector<16xf32>,
      %get3A_413 = arith.index_cast %scan3A_356 : i32 to index
      %get3A_414 = arith.constant 96 : index
      %get3A_415 = tpu.vector_load %arg11[%get3A_413, %get3A_414] {strides = array<i32>} : memref<64x256xf32, #tpu.memory_space<vmem>>, vector<16xf32>,
      %sub3A_416 = arith.subf %get3A_412, %get3A_415 : vector<16xf32>
      %mul3A_417 = arith.mulf %sub3A_416, %sub3A_416 : vector<16xf32>
      %add3A_418 = arith.addf %add3A_409, %mul3A_417 : vector<16xf32>
      %get3A_419 = arith.index_cast %scan3A_356 : i32 to index
      %get3A_420 = arith.constant 112 : index
      %get3A_421 = tpu.vector_load %arg9[%get3A_419, %get3A_420] {strides = array<i32>} : memref<64x256xf32, #tpu.memory_space<vmem>>, vector<16xf32>,
      %get3A_422 = arith.index_cast %scan3A_356 : i32 to index
      %get3A_423 = arith.constant 112 : index
      %get3A_424 = tpu.vector_load %arg11[%get3A_422, %get3A_423] {strides = array<i32>} : memref<64x256xf32, #tpu.memory_space<vmem>>, vector<16xf32>,
      %sub3A_425 = arith.subf %get3A_421, %get3A_424 : vector<16xf32>
      %mul3A_426 = arith.mulf %sub3A_425, %sub3A_425 : vector<16xf32>
      %add3A_427 = arith.addf %add3A_418, %mul3A_426 : vector<16xf32>
      %get3A_428 = arith.index_cast %scan3A_356 : i32 to index
      %get3A_429 = arith.constant 128 : index
      %get3A_430 = tpu.vector_load %arg9[%get3A_428, %get3A_429] {strides = array<i32>} : memref<64x256xf32, #tpu.memory_space<vmem>>, vector<16xf32>,
      %get3A_431 = arith.index_cast %scan3A_356 : i32 to index
      %get3A_432 = arith.constant 128 : index
      %get3A_433 = tpu.vector_load %arg11[%get3A_431, %get3A_432] {strides = array<i32>} : memref<64x256xf32, #tpu.memory_space<vmem>>, vector<16xf32>,
      %sub3A_434 = arith.subf %get3A_430, %get3A_433 : vector<16xf32>
      %mul3A_435 = arith.mulf %sub3A_434, %sub3A_434 : vector<16xf32>
      %add3A_436 = arith.addf %add3A_427, %mul3A_435 : vector<16xf32>
      %get3A_437 = arith.index_cast %scan3A_356 : i32 to index
      %get3A_438 = arith.constant 144 : index
      %get3A_439 = tpu.vector_load %arg9[%get3A_437, %get3A_438] {strides = array<i32>} : memref<64x256xf32, #tpu.memory_space<vmem>>, vector<16xf32>,
      %get3A_440 = arith.index_cast %scan3A_356 : i32 to index
      %get3A_441 = arith.constant 144 : index
      %get3A_442 = tpu.vector_load %arg11[%get3A_440, %get3A_441] {strides = array<i32>} : memref<64x256xf32, #tpu.memory_space<vmem>>, vector<16xf32>,
      %sub3A_443 = arith.subf %get3A_439, %get3A_442 : vector<16xf32>
      %mul3A_444 = arith.mulf %sub3A_443, %sub3A_443 : vector<16xf32>
      %add3A_445 = arith.addf %add3A_436, %mul3A_444 : vector<16xf32>
      %get3A_446 = arith.index_cast %scan3A_356 : i32 to index
      %get3A_447 = arith.constant 160 : index
      %get3A_448 = tpu.vector_load %arg9[%get3A_446, %get3A_447] {strides = array<i32>} : memref<64x256xf32, #tpu.memory_space<vmem>>, vector<16xf32>,
      %get3A_449 = arith.index_cast %scan3A_356 : i32 to index
      %get3A_450 = arith.constant 160 : index
      %get3A_451 = tpu.vector_load %arg11[%get3A_449, %get3A_450] {strides = array<i32>} : memref<64x256xf32, #tpu.memory_space<vmem>>, vector<16xf32>,
      %sub3A_452 = arith.subf %get3A_448, %get3A_451 : vector<16xf32>
      %mul3A_453 = arith.mulf %sub3A_452, %sub3A_452 : vector<16xf32>
      %add3A_454 = arith.addf %add3A_445, %mul3A_453 : vector<16xf32>
      %get3A_455 = arith.index_cast %scan3A_356 : i32 to index
      %get3A_456 = arith.constant 176 : index
      %get3A_457 = tpu.vector_load %arg9[%get3A_455, %get3A_456] {strides = array<i32>} : memref<64x256xf32, #tpu.memory_space<vmem>>, vector<16xf32>,
      %get3A_458 = arith.index_cast %scan3A_356 : i32 to index
      %get3A_459 = arith.constant 176 : index
      %get3A_460 = tpu.vector_load %arg11[%get3A_458, %get3A_459] {strides = array<i32>} : memref<64x256xf32, #tpu.memory_space<vmem>>, vector<16xf32>,
      %sub3A_461 = arith.subf %get3A_457, %get3A_460 : vector<16xf32>
      %mul3A_462 = arith.mulf %sub3A_461, %sub3A_461 : vector<16xf32>
      %add3A_463 = arith.addf %add3A_454, %mul3A_462 : vector<16xf32>
      %get3A_464 = arith.index_cast %scan3A_356 : i32 to index
      %get3A_465 = arith.constant 192 : index
      %get3A_466 = tpu.vector_load %arg9[%get3A_464, %get3A_465] {strides = array<i32>} : memref<64x256xf32, #tpu.memory_space<vmem>>, vector<16xf32>,
      %get3A_467 = arith.index_cast %scan3A_356 : i32 to index
      %get3A_468 = arith.constant 192 : index
      %get3A_469 = tpu.vector_load %arg11[%get3A_467, %get3A_468] {strides = array<i32>} : memref<64x256xf32, #tpu.memory_space<vmem>>, vector<16xf32>,
      %sub3A_470 = arith.subf %get3A_466, %get3A_469 : vector<16xf32>
      %mul3A_471 = arith.mulf %sub3A_470, %sub3A_470 : vector<16xf32>
      %add3A_472 = arith.addf %add3A_463, %mul3A_471 : vector<16xf32>
      %get3A_473 = arith.index_cast %scan3A_356 : i32 to index
      %get3A_474 = arith.constant 208 : index
      %get3A_475 = tpu.vector_load %arg9[%get3A_473, %get3A_474] {strides = array<i32>} : memref<64x256xf32, #tpu.memory_space<vmem>>, vector<16xf32>,
      %get3A_476 = arith.index_cast %scan3A_356 : i32 to index
      %get3A_477 = arith.constant 208 : index
      %get3A_478 = tpu.vector_load %arg11[%get3A_476, %get3A_477] {strides = array<i32>} : memref<64x256xf32, #tpu.memory_space<vmem>>, vector<16xf32>,
      %sub3A_479 = arith.subf %get3A_475, %get3A_478 : vector<16xf32>
      %mul3A_480 = arith.mulf %sub3A_479, %sub3A_479 : vector<16xf32>
      %add3A_481 = arith.addf %add3A_472, %mul3A_480 : vector<16xf32>
      %get3A_482 = arith.index_cast %scan3A_356 : i32 to index
      %get3A_483 = arith.constant 224 : index
      %get3A_484 = tpu.vector_load %arg9[%get3A_482, %get3A_483] {strides = array<i32>} : memref<64x256xf32, #tpu.memory_space<vmem>>, vector<16xf32>,
      %get3A_485 = arith.index_cast %scan3A_356 : i32 to index
      %get3A_486 = arith.constant 224 : index
      %get3A_487 = tpu.vector_load %arg11[%get3A_485, %get3A_486] {strides = array<i32>} : memref<64x256xf32, #tpu.memory_space<vmem>>, vector<16xf32>,
      %sub3A_488 = arith.subf %get3A_484, %get3A_487 : vector<16xf32>
      %mul3A_489 = arith.mulf %sub3A_488, %sub3A_488 : vector<16xf32>
      %add3A_490 = arith.addf %add3A_481, %mul3A_489 : vector<16xf32>
      %get3A_491 = arith.index_cast %scan3A_356 : i32 to index
      %get3A_492 = arith.constant 240 : index
      %get3A_493 = tpu.vector_load %arg9[%get3A_491, %get3A_492] {strides = array<i32>} : memref<64x256xf32, #tpu.memory_space<vmem>>, vector<16xf32>,
      %get3A_494 = arith.index_cast %scan3A_356 : i32 to index
      %get3A_495 = arith.constant 240 : index
      %get3A_496 = tpu.vector_load %arg11[%get3A_494, %get3A_495] {strides = array<i32>} : memref<64x256xf32, #tpu.memory_space<vmem>>, vector<16xf32>,
      %sub3A_497 = arith.subf %get3A_493, %get3A_496 : vector<16xf32>
      %mul3A_498 = arith.mulf %sub3A_497, %sub3A_497 : vector<16xf32>
      %add3A_499 = arith.addf %add3A_490, %mul3A_498 : vector<16xf32>
      scf.yield %add3A_499 : vector<16xf32>
    }
    %scan3A_55 = arith.constant 64 : i32
    %dma_wait3A_56 = arith.constant 0 : i32
    %dma_wait3A_57 = tpu.memref_slice %arg5[%add3A_42, %dma_wait3A_56] : memref<16384x256xf32, #tpu.memory_space<hbm>> -> memref<64x256xf32, #tpu.memory_space<hbm>>
    %dma_wait3A_58 = arith.constant 0 : i32
    %dma_wait3A_59 = tpu.memref_slice %arg5[%add3A_42, %dma_wait3A_58] : memref<16384x256xf32, #tpu.memory_space<hbm>> -> memref<64x256xf32, #tpu.memory_space<hbm>>
    tpu.wait_dma2 semaphore(%arg21 : memref<!tpu.dma_semaphore, #tpu.memory_space<semaphore_mem>>) src(%arg9 : memref<64x256xf32, #tpu.memory_space<vmem>>) dst(%dma_wait3A_59 : memref<64x256xf32, #tpu.memory_space<hbm>>)
    %dma_start3A_60 = arith.constant 2 : i32
    %dma_start3A_61 = arith.constant 0 : i32
    %dma_start3A_62 = tpu.memref_slice %arg8[%dma_start3A_60, %dma_start3A_61] : memref<8x64xi32, #tpu.memory_space<vmem>> -> memref<1x64xi32, #tpu.memory_space<vmem>>
    %dma_start3A_63 = tpu.memref_squeeze %dma_start3A_62 : memref<1x64xi32, #tpu.memory_space<vmem>> -> memref<64xi32, #tpu.memory_space<vmem>>
    %dma_start3A_64 = arith.constant 0 : i32
    %dma_start3A_65 = arith.constant 0 : i32
    %dma_start3A_66 = tpu.memref_slice %arg2[%dma_start3A_64, %dma_start3A_65] : memref<8192x256xf32, #tpu.memory_space<hbm>> -> memref<8192x256xf32, #tpu.memory_space<hbm>>
    tpu.enqueue_indirect_dma source(%dma_start3A_66 : memref<8192x256xf32, #tpu.memory_space<hbm>>) target(%arg9 : memref<64x256xf32, #tpu.memory_space<vmem>>) offsets(%dma_start3A_63 : memref<64xi32, #tpu.memory_space<vmem>>) semaphore(%arg17 : memref<!tpu.dma_semaphore, #tpu.memory_space<semaphore_mem>>)
    %mul3A_67 = arith.constant 512 : i32
    %mul3A_68 = arith.muli %add3A, %mul3A_67 : i32
    %add3A_69 = arith.constant 128 : i32
    %add3A_70 = arith.addi %mul3A_68, %add3A_69 : i32
    %dma_start3A_71 = arith.constant 0 : i32
    %dma_start3A_72 = tpu.memref_slice %arg4[%add3A_70, %dma_start3A_71] : memref<16384x256xf32, #tpu.memory_space<hbm>> -> memref<64x256xf32, #tpu.memory_space<hbm>>
    %dma_start3A_73 = arith.constant 0 : i32
    %dma_start3A_74 = tpu.memref_slice %arg4[%add3A_70, %dma_start3A_73] : memref<16384x256xf32, #tpu.memory_space<hbm>> -> memref<64x256xf32, #tpu.memory_space<hbm>>
    tpu.enqueue_dma source(%dma_start3A_74 : memref<64x256xf32, #tpu.memory_space<hbm>>) target(%arg11 : memref<64x256xf32, #tpu.memory_space<vmem>>) target_semaphore(%arg19 : memref<!tpu.dma_semaphore, #tpu.memory_space<semaphore_mem>>)
    %dma_wait3A_75 = arith.constant 1 : i32
    %dma_wait3A_76 = arith.constant 0 : i32
    %dma_wait3A_77 = tpu.memref_slice %arg8[%dma_wait3A_75, %dma_wait3A_76] : memref<8x64xi32, #tpu.memory_space<vmem>> -> memref<1x64xi32, #tpu.memory_space<vmem>>
    %dma_wait3A_78 = tpu.memref_squeeze %dma_wait3A_77 : memref<1x64xi32, #tpu.memory_space<vmem>> -> memref<64xi32, #tpu.memory_space<vmem>>
    %dma_wait3A_79 = arith.constant 0 : i32
    %dma_wait3A_80 = arith.constant 0 : i32
    %dma_wait3A_81 = tpu.memref_slice %arg2[%dma_wait3A_79, %dma_wait3A_80] : memref<8192x256xf32, #tpu.memory_space<hbm>> -> memref<8192x256xf32, #tpu.memory_space<hbm>>
    tpu.wait_indirect_dma semaphore(%arg18 : memref<!tpu.dma_semaphore, #tpu.memory_space<semaphore_mem>>) src(%dma_wait3A_81 : memref<8192x256xf32, #tpu.memory_space<hbm>>) dst(%arg10 : memref<64x256xf32, #tpu.memory_space<vmem>>)
    %mul3A_82 = arith.constant 512 : i32
    %mul3A_83 = arith.muli %add3A, %mul3A_82 : i32
    %add3A_84 = arith.constant 64 : i32
    %add3A_85 = arith.addi %mul3A_83, %add3A_84 : i32
    %dma_start3A_86 = arith.constant 0 : i32
    %dma_start3A_87 = tpu.memref_slice %arg5[%add3A_85, %dma_start3A_86] : memref<16384x256xf32, #tpu.memory_space<hbm>> -> memref<64x256xf32, #tpu.memory_space<hbm>>
    %dma_start3A_88 = arith.constant 0 : i32
    %dma_start3A_89 = tpu.memref_slice %arg5[%add3A_85, %dma_start3A_88] : memref<16384x256xf32, #tpu.memory_space<hbm>> -> memref<64x256xf32, #tpu.memory_space<hbm>>
    tpu.enqueue_dma source(%arg10 : memref<64x256xf32, #tpu.memory_space<vmem>>) target(%dma_start3A_89 : memref<64x256xf32, #tpu.memory_space<hbm>>) target_semaphore(%arg22 : memref<!tpu.dma_semaphore, #tpu.memory_space<semaphore_mem>>)
    %dma_wait3A_90 = arith.constant 0 : i32
    %dma_wait3A_91 = tpu.memref_slice %arg4[%add3A_28, %dma_wait3A_90] : memref<16384x256xf32, #tpu.memory_space<hbm>> -> memref<64x256xf32, #tpu.memory_space<hbm>>
    %dma_wait3A_92 = arith.constant 0 : i32
    %dma_wait3A_93 = tpu.memref_slice %arg4[%add3A_28, %dma_wait3A_92] : memref<16384x256xf32, #tpu.memory_space<hbm>> -> memref<64x256xf32, #tpu.memory_space<hbm>>
    tpu.wait_dma2 semaphore(%arg20 : memref<!tpu.dma_semaphore, #tpu.memory_space<semaphore_mem>>) src(%dma_wait3A_93 : memref<64x256xf32, #tpu.memory_space<hbm>>) dst(%arg12 : memref<64x256xf32, #tpu.memory_space<vmem>>)
    %scan3A_94 = arith.constant 0 : i32
    %scan3A_95 = arith.constant 64 : i32
    %scan3A_96 = arith.addi %scan3A_94, %scan3A_95 : i32
    %scan3A_97 = arith.constant 1 : i32
    %scan3A_98 = scf.for %scan3A_356 = %scan3A_94 to %scan3A_96 step %scan3A_97 iter_args(%scan3A_357 = %scan3A_54) -> (vector<16xf32>)  : i32 {
      %get3A = arith.index_cast %scan3A_356 : i32 to index
      %get3A_358 = arith.constant 0 : index
      %get3A_359 = tpu.vector_load %arg10[%get3A, %get3A_358] {strides = array<i32>} : memref<64x256xf32, #tpu.memory_space<vmem>>, vector<16xf32>,
      %get3A_360 = arith.index_cast %scan3A_356 : i32 to index
      %get3A_361 = arith.constant 0 : index
      %get3A_362 = tpu.vector_load %arg12[%get3A_360, %get3A_361] {strides = array<i32>} : memref<64x256xf32, #tpu.memory_space<vmem>>, vector<16xf32>,
      %sub3A = arith.subf %get3A_359, %get3A_362 : vector<16xf32>
      %mul3A_363 = arith.mulf %sub3A, %sub3A : vector<16xf32>
      %add3A_364 = arith.addf %scan3A_357, %mul3A_363 : vector<16xf32>
      %get3A_365 = arith.index_cast %scan3A_356 : i32 to index
      %get3A_366 = arith.constant 16 : index
      %get3A_367 = tpu.vector_load %arg10[%get3A_365, %get3A_366] {strides = array<i32>} : memref<64x256xf32, #tpu.memory_space<vmem>>, vector<16xf32>,
      %get3A_368 = arith.index_cast %scan3A_356 : i32 to index
      %get3A_369 = arith.constant 16 : index
      %get3A_370 = tpu.vector_load %arg12[%get3A_368, %get3A_369] {strides = array<i32>} : memref<64x256xf32, #tpu.memory_space<vmem>>, vector<16xf32>,
      %sub3A_371 = arith.subf %get3A_367, %get3A_370 : vector<16xf32>
      %mul3A_372 = arith.mulf %sub3A_371, %sub3A_371 : vector<16xf32>
      %add3A_373 = arith.addf %add3A_364, %mul3A_372 : vector<16xf32>
      %get3A_374 = arith.index_cast %scan3A_356 : i32 to index
      %get3A_375 = arith.constant 32 : index
      %get3A_376 = tpu.vector_load %arg10[%get3A_374, %get3A_375] {strides = array<i32>} : memref<64x256xf32, #tpu.memory_space<vmem>>, vector<16xf32>,
      %get3A_377 = arith.index_cast %scan3A_356 : i32 to index
      %get3A_378 = arith.constant 32 : index
      %get3A_379 = tpu.vector_load %arg12[%get3A_377, %get3A_378] {strides = array<i32>} : memref<64x256xf32, #tpu.memory_space<vmem>>, vector<16xf32>,
      %sub3A_380 = arith.subf %get3A_376, %get3A_379 : vector<16xf32>
      %mul3A_381 = arith.mulf %sub3A_380, %sub3A_380 : vector<16xf32>
      %add3A_382 = arith.addf %add3A_373, %mul3A_381 : vector<16xf32>
      %get3A_383 = arith.index_cast %scan3A_356 : i32 to index
      %get3A_384 = arith.constant 48 : index
      %get3A_385 = tpu.vector_load %arg10[%get3A_383, %get3A_384] {strides = array<i32>} : memref<64x256xf32, #tpu.memory_space<vmem>>, vector<16xf32>,
      %get3A_386 = arith.index_cast %scan3A_356 : i32 to index
      %get3A_387 = arith.constant 48 : index
      %get3A_388 = tpu.vector_load %arg12[%get3A_386, %get3A_387] {strides = array<i32>} : memref<64x256xf32, #tpu.memory_space<vmem>>, vector<16xf32>,
      %sub3A_389 = arith.subf %get3A_385, %get3A_388 : vector<16xf32>
      %mul3A_390 = arith.mulf %sub3A_389, %sub3A_389 : vector<16xf32>
      %add3A_391 = arith.addf %add3A_382, %mul3A_390 : vector<16xf32>
      %get3A_392 = arith.index_cast %scan3A_356 : i32 to index
      %get3A_393 = arith.constant 64 : index
      %get3A_394 = tpu.vector_load %arg10[%get3A_392, %get3A_393] {strides = array<i32>} : memref<64x256xf32, #tpu.memory_space<vmem>>, vector<16xf32>,
      %get3A_395 = arith.index_cast %scan3A_356 : i32 to index
      %get3A_396 = arith.constant 64 : index
      %get3A_397 = tpu.vector_load %arg12[%get3A_395, %get3A_396] {strides = array<i32>} : memref<64x256xf32, #tpu.memory_space<vmem>>, vector<16xf32>,
      %sub3A_398 = arith.subf %get3A_394, %get3A_397 : vector<16xf32>
      %mul3A_399 = arith.mulf %sub3A_398, %sub3A_398 : vector<16xf32>
      %add3A_400 = arith.addf %add3A_391, %mul3A_399 : vector<16xf32>
      %get3A_401 = arith.index_cast %scan3A_356 : i32 to index
      %get3A_402 = arith.constant 80 : index
      %get3A_403 = tpu.vector_load %arg10[%get3A_401, %get3A_402] {strides = array<i32>} : memref<64x256xf32, #tpu.memory_space<vmem>>, vector<16xf32>,
      %get3A_404 = arith.index_cast %scan3A_356 : i32 to index
      %get3A_405 = arith.constant 80 : index
      %get3A_406 = tpu.vector_load %arg12[%get3A_404, %get3A_405] {strides = array<i32>} : memref<64x256xf32, #tpu.memory_space<vmem>>, vector<16xf32>,
      %sub3A_407 = arith.subf %get3A_403, %get3A_406 : vector<16xf32>
      %mul3A_408 = arith.mulf %sub3A_407, %sub3A_407 : vector<16xf32>
      %add3A_409 = arith.addf %add3A_400, %mul3A_408 : vector<16xf32>
      %get3A_410 = arith.index_cast %scan3A_356 : i32 to index
      %get3A_411 = arith.constant 96 : index
      %get3A_412 = tpu.vector_load %arg10[%get3A_410, %get3A_411] {strides = array<i32>} : memref<64x256xf32, #tpu.memory_space<vmem>>, vector<16xf32>,
      %get3A_413 = arith.index_cast %scan3A_356 : i32 to index
      %get3A_414 = arith.constant 96 : index
      %get3A_415 = tpu.vector_load %arg12[%get3A_413, %get3A_414] {strides = array<i32>} : memref<64x256xf32, #tpu.memory_space<vmem>>, vector<16xf32>,
      %sub3A_416 = arith.subf %get3A_412, %get3A_415 : vector<16xf32>
      %mul3A_417 = arith.mulf %sub3A_416, %sub3A_416 : vector<16xf32>
      %add3A_418 = arith.addf %add3A_409, %mul3A_417 : vector<16xf32>
      %get3A_419 = arith.index_cast %scan3A_356 : i32 to index
      %get3A_420 = arith.constant 112 : index
      %get3A_421 = tpu.vector_load %arg10[%get3A_419, %get3A_420] {strides = array<i32>} : memref<64x256xf32, #tpu.memory_space<vmem>>, vector<16xf32>,
      %get3A_422 = arith.index_cast %scan3A_356 : i32 to index
      %get3A_423 = arith.constant 112 : index
      %get3A_424 = tpu.vector_load %arg12[%get3A_422, %get3A_423] {strides = array<i32>} : memref<64x256xf32, #tpu.memory_space<vmem>>, vector<16xf32>,
      %sub3A_425 = arith.subf %get3A_421, %get3A_424 : vector<16xf32>
      %mul3A_426 = arith.mulf %sub3A_425, %sub3A_425 : vector<16xf32>
      %add3A_427 = arith.addf %add3A_418, %mul3A_426 : vector<16xf32>
      %get3A_428 = arith.index_cast %scan3A_356 : i32 to index
      %get3A_429 = arith.constant 128 : index
      %get3A_430 = tpu.vector_load %arg10[%get3A_428, %get3A_429] {strides = array<i32>} : memref<64x256xf32, #tpu.memory_space<vmem>>, vector<16xf32>,
      %get3A_431 = arith.index_cast %scan3A_356 : i32 to index
      %get3A_432 = arith.constant 128 : index
      %get3A_433 = tpu.vector_load %arg12[%get3A_431, %get3A_432] {strides = array<i32>} : memref<64x256xf32, #tpu.memory_space<vmem>>, vector<16xf32>,
      %sub3A_434 = arith.subf %get3A_430, %get3A_433 : vector<16xf32>
      %mul3A_435 = arith.mulf %sub3A_434, %sub3A_434 : vector<16xf32>
      %add3A_436 = arith.addf %add3A_427, %mul3A_435 : vector<16xf32>
      %get3A_437 = arith.index_cast %scan3A_356 : i32 to index
      %get3A_438 = arith.constant 144 : index
      %get3A_439 = tpu.vector_load %arg10[%get3A_437, %get3A_438] {strides = array<i32>} : memref<64x256xf32, #tpu.memory_space<vmem>>, vector<16xf32>,
      %get3A_440 = arith.index_cast %scan3A_356 : i32 to index
      %get3A_441 = arith.constant 144 : index
      %get3A_442 = tpu.vector_load %arg12[%get3A_440, %get3A_441] {strides = array<i32>} : memref<64x256xf32, #tpu.memory_space<vmem>>, vector<16xf32>,
      %sub3A_443 = arith.subf %get3A_439, %get3A_442 : vector<16xf32>
      %mul3A_444 = arith.mulf %sub3A_443, %sub3A_443 : vector<16xf32>
      %add3A_445 = arith.addf %add3A_436, %mul3A_444 : vector<16xf32>
      %get3A_446 = arith.index_cast %scan3A_356 : i32 to index
      %get3A_447 = arith.constant 160 : index
      %get3A_448 = tpu.vector_load %arg10[%get3A_446, %get3A_447] {strides = array<i32>} : memref<64x256xf32, #tpu.memory_space<vmem>>, vector<16xf32>,
      %get3A_449 = arith.index_cast %scan3A_356 : i32 to index
      %get3A_450 = arith.constant 160 : index
      %get3A_451 = tpu.vector_load %arg12[%get3A_449, %get3A_450] {strides = array<i32>} : memref<64x256xf32, #tpu.memory_space<vmem>>, vector<16xf32>,
      %sub3A_452 = arith.subf %get3A_448, %get3A_451 : vector<16xf32>
      %mul3A_453 = arith.mulf %sub3A_452, %sub3A_452 : vector<16xf32>
      %add3A_454 = arith.addf %add3A_445, %mul3A_453 : vector<16xf32>
      %get3A_455 = arith.index_cast %scan3A_356 : i32 to index
      %get3A_456 = arith.constant 176 : index
      %get3A_457 = tpu.vector_load %arg10[%get3A_455, %get3A_456] {strides = array<i32>} : memref<64x256xf32, #tpu.memory_space<vmem>>, vector<16xf32>,
      %get3A_458 = arith.index_cast %scan3A_356 : i32 to index
      %get3A_459 = arith.constant 176 : index
      %get3A_460 = tpu.vector_load %arg12[%get3A_458, %get3A_459] {strides = array<i32>} : memref<64x256xf32, #tpu.memory_space<vmem>>, vector<16xf32>,
      %sub3A_461 = arith.subf %get3A_457, %get3A_460 : vector<16xf32>
      %mul3A_462 = arith.mulf %sub3A_461, %sub3A_461 : vector<16xf32>
      %add3A_463 = arith.addf %add3A_454, %mul3A_462 : vector<16xf32>
      %get3A_464 = arith.index_cast %scan3A_356 : i32 to index
      %get3A_465 = arith.constant 192 : index
      %get3A_466 = tpu.vector_load %arg10[%get3A_464, %get3A_465] {strides = array<i32>} : memref<64x256xf32, #tpu.memory_space<vmem>>, vector<16xf32>,
      %get3A_467 = arith.index_cast %scan3A_356 : i32 to index
      %get3A_468 = arith.constant 192 : index
      %get3A_469 = tpu.vector_load %arg12[%get3A_467, %get3A_468] {strides = array<i32>} : memref<64x256xf32, #tpu.memory_space<vmem>>, vector<16xf32>,
      %sub3A_470 = arith.subf %get3A_466, %get3A_469 : vector<16xf32>
      %mul3A_471 = arith.mulf %sub3A_470, %sub3A_470 : vector<16xf32>
      %add3A_472 = arith.addf %add3A_463, %mul3A_471 : vector<16xf32>
      %get3A_473 = arith.index_cast %scan3A_356 : i32 to index
      %get3A_474 = arith.constant 208 : index
      %get3A_475 = tpu.vector_load %arg10[%get3A_473, %get3A_474] {strides = array<i32>} : memref<64x256xf32, #tpu.memory_space<vmem>>, vector<16xf32>,
      %get3A_476 = arith.index_cast %scan3A_356 : i32 to index
      %get3A_477 = arith.constant 208 : index
      %get3A_478 = tpu.vector_load %arg12[%get3A_476, %get3A_477] {strides = array<i32>} : memref<64x256xf32, #tpu.memory_space<vmem>>, vector<16xf32>,
      %sub3A_479 = arith.subf %get3A_475, %get3A_478 : vector<16xf32>
      %mul3A_480 = arith.mulf %sub3A_479, %sub3A_479 : vector<16xf32>
      %add3A_481 = arith.addf %add3A_472, %mul3A_480 : vector<16xf32>
      %get3A_482 = arith.index_cast %scan3A_356 : i32 to index
      %get3A_483 = arith.constant 224 : index
      %get3A_484 = tpu.vector_load %arg10[%get3A_482, %get3A_483] {strides = array<i32>} : memref<64x256xf32, #tpu.memory_space<vmem>>, vector<16xf32>,
      %get3A_485 = arith.index_cast %scan3A_356 : i32 to index
      %get3A_486 = arith.constant 224 : index
      %get3A_487 = tpu.vector_load %arg12[%get3A_485, %get3A_486] {strides = array<i32>} : memref<64x256xf32, #tpu.memory_space<vmem>>, vector<16xf32>,
      %sub3A_488 = arith.subf %get3A_484, %get3A_487 : vector<16xf32>
      %mul3A_489 = arith.mulf %sub3A_488, %sub3A_488 : vector<16xf32>
      %add3A_490 = arith.addf %add3A_481, %mul3A_489 : vector<16xf32>
      %get3A_491 = arith.index_cast %scan3A_356 : i32 to index
      %get3A_492 = arith.constant 240 : index
      %get3A_493 = tpu.vector_load %arg10[%get3A_491, %get3A_492] {strides = array<i32>} : memref<64x256xf32, #tpu.memory_space<vmem>>, vector<16xf32>,
      %get3A_494 = arith.index_cast %scan3A_356 : i32 to index
      %get3A_495 = arith.constant 240 : index
      %get3A_496 = tpu.vector_load %arg12[%get3A_494, %get3A_495] {strides = array<i32>} : memref<64x256xf32, #tpu.memory_space<vmem>>, vector<16xf32>,
      %sub3A_497 = arith.subf %get3A_493, %get3A_496 : vector<16xf32>
      %mul3A_498 = arith.mulf %sub3A_497, %sub3A_497 : vector<16xf32>
      %add3A_499 = arith.addf %add3A_490, %mul3A_498 : vector<16xf32>
      scf.yield %add3A_499 : vector<16xf32>
    }
    %scan3A_99 = arith.constant 64 : i32
    %dma_wait3A_100 = arith.constant 0 : i32
    %dma_wait3A_101 = tpu.memref_slice %arg5[%add3A_85, %dma_wait3A_100] : memref<16384x256xf32, #tpu.memory_space<hbm>> -> memref<64x256xf32, #tpu.memory_space<hbm>>
    %dma_wait3A_102 = arith.constant 0 : i32
    %dma_wait3A_103 = tpu.memref_slice %arg5[%add3A_85, %dma_wait3A_102] : memref<16384x256xf32, #tpu.memory_space<hbm>> -> memref<64x256xf32, #tpu.memory_space<hbm>>
    tpu.wait_dma2 semaphore(%arg22 : memref<!tpu.dma_semaphore, #tpu.memory_space<semaphore_mem>>) src(%arg10 : memref<64x256xf32, #tpu.memory_space<vmem>>) dst(%dma_wait3A_103 : memref<64x256xf32, #tpu.memory_space<hbm>>)
    %dma_start3A_104 = arith.constant 3 : i32
    %dma_start3A_105 = arith.constant 0 : i32
    %dma_start3A_106 = tpu.memref_slice %arg8[%dma_start3A_104, %dma_start3A_105] : memref<8x64xi32, #tpu.memory_space<vmem>> -> memref<1x64xi32, #tpu.memory_space<vmem>>
    %dma_start3A_107 = tpu.memref_squeeze %dma_start3A_106 : memref<1x64xi32, #tpu.memory_space<vmem>> -> memref<64xi32, #tpu.memory_space<vmem>>
    %dma_start3A_108 = arith.constant 0 : i32
    %dma_start3A_109 = arith.constant 0 : i32
    %dma_start3A_110 = tpu.memref_slice %arg2[%dma_start3A_108, %dma_start3A_109] : memref<8192x256xf32, #tpu.memory_space<hbm>> -> memref<8192x256xf32, #tpu.memory_space<hbm>>
    tpu.enqueue_indirect_dma source(%dma_start3A_110 : memref<8192x256xf32, #tpu.memory_space<hbm>>) target(%arg10 : memref<64x256xf32, #tpu.memory_space<vmem>>) offsets(%dma_start3A_107 : memref<64xi32, #tpu.memory_space<vmem>>) semaphore(%arg18 : memref<!tpu.dma_semaphore, #tpu.memory_space<semaphore_mem>>)
    %mul3A_111 = arith.constant 512 : i32
    %mul3A_112 = arith.muli %add3A, %mul3A_111 : i32
    %add3A_113 = arith.constant 192 : i32
    %add3A_114 = arith.addi %mul3A_112, %add3A_113 : i32
    %dma_start3A_115 = arith.constant 0 : i32
    %dma_start3A_116 = tpu.memref_slice %arg4[%add3A_114, %dma_start3A_115] : memref<16384x256xf32, #tpu.memory_space<hbm>> -> memref<64x256xf32, #tpu.memory_space<hbm>>
    %dma_start3A_117 = arith.constant 0 : i32
    %dma_start3A_118 = tpu.memref_slice %arg4[%add3A_114, %dma_start3A_117] : memref<16384x256xf32, #tpu.memory_space<hbm>> -> memref<64x256xf32, #tpu.memory_space<hbm>>
    tpu.enqueue_dma source(%dma_start3A_118 : memref<64x256xf32, #tpu.memory_space<hbm>>) target(%arg12 : memref<64x256xf32, #tpu.memory_space<vmem>>) target_semaphore(%arg20 : memref<!tpu.dma_semaphore, #tpu.memory_space<semaphore_mem>>)
    %dma_wait3A_119 = arith.constant 2 : i32
    %dma_wait3A_120 = arith.constant 0 : i32
    %dma_wait3A_121 = tpu.memref_slice %arg8[%dma_wait3A_119, %dma_wait3A_120] : memref<8x64xi32, #tpu.memory_space<vmem>> -> memref<1x64xi32, #tpu.memory_space<vmem>>
    %dma_wait3A_122 = tpu.memref_squeeze %dma_wait3A_121 : memref<1x64xi32, #tpu.memory_space<vmem>> -> memref<64xi32, #tpu.memory_space<vmem>>
    %dma_wait3A_123 = arith.constant 0 : i32
    %dma_wait3A_124 = arith.constant 0 : i32
    %dma_wait3A_125 = tpu.memref_slice %arg2[%dma_wait3A_123, %dma_wait3A_124] : memref<8192x256xf32, #tpu.memory_space<hbm>> -> memref<8192x256xf32, #tpu.memory_space<hbm>>
    tpu.wait_indirect_dma semaphore(%arg17 : memref<!tpu.dma_semaphore, #tpu.memory_space<semaphore_mem>>) src(%dma_wait3A_125 : memref<8192x256xf32, #tpu.memory_space<hbm>>) dst(%arg9 : memref<64x256xf32, #tpu.memory_space<vmem>>)
    %mul3A_126 = arith.constant 512 : i32
    %mul3A_127 = arith.muli %add3A, %mul3A_126 : i32
    %add3A_128 = arith.constant 128 : i32
    %add3A_129 = arith.addi %mul3A_127, %add3A_128 : i32
    %dma_start3A_130 = arith.constant 0 : i32
    %dma_start3A_131 = tpu.memref_slice %arg5[%add3A_129, %dma_start3A_130] : memref<16384x256xf32, #tpu.memory_space<hbm>> -> memref<64x256xf32, #tpu.memory_space<hbm>>
    %dma_start3A_132 = arith.constant 0 : i32
    %dma_start3A_133 = tpu.memref_slice %arg5[%add3A_129, %dma_start3A_132] : memref<16384x256xf32, #tpu.memory_space<hbm>> -> memref<64x256xf32, #tpu.memory_space<hbm>>
    tpu.enqueue_dma source(%arg9 : memref<64x256xf32, #tpu.memory_space<vmem>>) target(%dma_start3A_133 : memref<64x256xf32, #tpu.memory_space<hbm>>) target_semaphore(%arg21 : memref<!tpu.dma_semaphore, #tpu.memory_space<semaphore_mem>>)
    %dma_wait3A_134 = arith.constant 0 : i32
    %dma_wait3A_135 = tpu.memref_slice %arg4[%add3A_70, %dma_wait3A_134] : memref<16384x256xf32, #tpu.memory_space<hbm>> -> memref<64x256xf32, #tpu.memory_space<hbm>>
    %dma_wait3A_136 = arith.constant 0 : i32
    %dma_wait3A_137 = tpu.memref_slice %arg4[%add3A_70, %dma_wait3A_136] : memref<16384x256xf32, #tpu.memory_space<hbm>> -> memref<64x256xf32, #tpu.memory_space<hbm>>
    tpu.wait_dma2 semaphore(%arg19 : memref<!tpu.dma_semaphore, #tpu.memory_space<semaphore_mem>>) src(%dma_wait3A_137 : memref<64x256xf32, #tpu.memory_space<hbm>>) dst(%arg11 : memref<64x256xf32, #tpu.memory_space<vmem>>)
    %scan3A_138 = arith.constant 0 : i32
    %scan3A_139 = arith.constant 64 : i32
    %scan3A_140 = arith.addi %scan3A_138, %scan3A_139 : i32
    %scan3A_141 = arith.constant 1 : i32
    %scan3A_142 = scf.for %scan3A_356 = %scan3A_138 to %scan3A_140 step %scan3A_141 iter_args(%scan3A_357 = %scan3A_98) -> (vector<16xf32>)  : i32 {
      %get3A = arith.index_cast %scan3A_356 : i32 to index
      %get3A_358 = arith.constant 0 : index
      %get3A_359 = tpu.vector_load %arg9[%get3A, %get3A_358] {strides = array<i32>} : memref<64x256xf32, #tpu.memory_space<vmem>>, vector<16xf32>,
      %get3A_360 = arith.index_cast %scan3A_356 : i32 to index
      %get3A_361 = arith.constant 0 : index
      %get3A_362 = tpu.vector_load %arg11[%get3A_360, %get3A_361] {strides = array<i32>} : memref<64x256xf32, #tpu.memory_space<vmem>>, vector<16xf32>,
      %sub3A = arith.subf %get3A_359, %get3A_362 : vector<16xf32>
      %mul3A_363 = arith.mulf %sub3A, %sub3A : vector<16xf32>
      %add3A_364 = arith.addf %scan3A_357, %mul3A_363 : vector<16xf32>
      %get3A_365 = arith.index_cast %scan3A_356 : i32 to index
      %get3A_366 = arith.constant 16 : index
      %get3A_367 = tpu.vector_load %arg9[%get3A_365, %get3A_366] {strides = array<i32>} : memref<64x256xf32, #tpu.memory_space<vmem>>, vector<16xf32>,
      %get3A_368 = arith.index_cast %scan3A_356 : i32 to index
      %get3A_369 = arith.constant 16 : index
      %get3A_370 = tpu.vector_load %arg11[%get3A_368, %get3A_369] {strides = array<i32>} : memref<64x256xf32, #tpu.memory_space<vmem>>, vector<16xf32>,
      %sub3A_371 = arith.subf %get3A_367, %get3A_370 : vector<16xf32>
      %mul3A_372 = arith.mulf %sub3A_371, %sub3A_371 : vector<16xf32>
      %add3A_373 = arith.addf %add3A_364, %mul3A_372 : vector<16xf32>
      %get3A_374 = arith.index_cast %scan3A_356 : i32 to index
      %get3A_375 = arith.constant 32 : index
      %get3A_376 = tpu.vector_load %arg9[%get3A_374, %get3A_375] {strides = array<i32>} : memref<64x256xf32, #tpu.memory_space<vmem>>, vector<16xf32>,
      %get3A_377 = arith.index_cast %scan3A_356 : i32 to index
      %get3A_378 = arith.constant 32 : index
      %get3A_379 = tpu.vector_load %arg11[%get3A_377, %get3A_378] {strides = array<i32>} : memref<64x256xf32, #tpu.memory_space<vmem>>, vector<16xf32>,
      %sub3A_380 = arith.subf %get3A_376, %get3A_379 : vector<16xf32>
      %mul3A_381 = arith.mulf %sub3A_380, %sub3A_380 : vector<16xf32>
      %add3A_382 = arith.addf %add3A_373, %mul3A_381 : vector<16xf32>
      %get3A_383 = arith.index_cast %scan3A_356 : i32 to index
      %get3A_384 = arith.constant 48 : index
      %get3A_385 = tpu.vector_load %arg9[%get3A_383, %get3A_384] {strides = array<i32>} : memref<64x256xf32, #tpu.memory_space<vmem>>, vector<16xf32>,
      %get3A_386 = arith.index_cast %scan3A_356 : i32 to index
      %get3A_387 = arith.constant 48 : index
      %get3A_388 = tpu.vector_load %arg11[%get3A_386, %get3A_387] {strides = array<i32>} : memref<64x256xf32, #tpu.memory_space<vmem>>, vector<16xf32>,
      %sub3A_389 = arith.subf %get3A_385, %get3A_388 : vector<16xf32>
      %mul3A_390 = arith.mulf %sub3A_389, %sub3A_389 : vector<16xf32>
      %add3A_391 = arith.addf %add3A_382, %mul3A_390 : vector<16xf32>
      %get3A_392 = arith.index_cast %scan3A_356 : i32 to index
      %get3A_393 = arith.constant 64 : index
      %get3A_394 = tpu.vector_load %arg9[%get3A_392, %get3A_393] {strides = array<i32>} : memref<64x256xf32, #tpu.memory_space<vmem>>, vector<16xf32>,
      %get3A_395 = arith.index_cast %scan3A_356 : i32 to index
      %get3A_396 = arith.constant 64 : index
      %get3A_397 = tpu.vector_load %arg11[%get3A_395, %get3A_396] {strides = array<i32>} : memref<64x256xf32, #tpu.memory_space<vmem>>, vector<16xf32>,
      %sub3A_398 = arith.subf %get3A_394, %get3A_397 : vector<16xf32>
      %mul3A_399 = arith.mulf %sub3A_398, %sub3A_398 : vector<16xf32>
      %add3A_400 = arith.addf %add3A_391, %mul3A_399 : vector<16xf32>
      %get3A_401 = arith.index_cast %scan3A_356 : i32 to index
      %get3A_402 = arith.constant 80 : index
      %get3A_403 = tpu.vector_load %arg9[%get3A_401, %get3A_402] {strides = array<i32>} : memref<64x256xf32, #tpu.memory_space<vmem>>, vector<16xf32>,
      %get3A_404 = arith.index_cast %scan3A_356 : i32 to index
      %get3A_405 = arith.constant 80 : index
      %get3A_406 = tpu.vector_load %arg11[%get3A_404, %get3A_405] {strides = array<i32>} : memref<64x256xf32, #tpu.memory_space<vmem>>, vector<16xf32>,
      %sub3A_407 = arith.subf %get3A_403, %get3A_406 : vector<16xf32>
      %mul3A_408 = arith.mulf %sub3A_407, %sub3A_407 : vector<16xf32>
      %add3A_409 = arith.addf %add3A_400, %mul3A_408 : vector<16xf32>
      %get3A_410 = arith.index_cast %scan3A_356 : i32 to index
      %get3A_411 = arith.constant 96 : index
      %get3A_412 = tpu.vector_load %arg9[%get3A_410, %get3A_411] {strides = array<i32>} : memref<64x256xf32, #tpu.memory_space<vmem>>, vector<16xf32>,
      %get3A_413 = arith.index_cast %scan3A_356 : i32 to index
      %get3A_414 = arith.constant 96 : index
      %get3A_415 = tpu.vector_load %arg11[%get3A_413, %get3A_414] {strides = array<i32>} : memref<64x256xf32, #tpu.memory_space<vmem>>, vector<16xf32>,
      %sub3A_416 = arith.subf %get3A_412, %get3A_415 : vector<16xf32>
      %mul3A_417 = arith.mulf %sub3A_416, %sub3A_416 : vector<16xf32>
      %add3A_418 = arith.addf %add3A_409, %mul3A_417 : vector<16xf32>
      %get3A_419 = arith.index_cast %scan3A_356 : i32 to index
      %get3A_420 = arith.constant 112 : index
      %get3A_421 = tpu.vector_load %arg9[%get3A_419, %get3A_420] {strides = array<i32>} : memref<64x256xf32, #tpu.memory_space<vmem>>, vector<16xf32>,
      %get3A_422 = arith.index_cast %scan3A_356 : i32 to index
      %get3A_423 = arith.constant 112 : index
      %get3A_424 = tpu.vector_load %arg11[%get3A_422, %get3A_423] {strides = array<i32>} : memref<64x256xf32, #tpu.memory_space<vmem>>, vector<16xf32>,
      %sub3A_425 = arith.subf %get3A_421, %get3A_424 : vector<16xf32>
      %mul3A_426 = arith.mulf %sub3A_425, %sub3A_425 : vector<16xf32>
      %add3A_427 = arith.addf %add3A_418, %mul3A_426 : vector<16xf32>
      %get3A_428 = arith.index_cast %scan3A_356 : i32 to index
      %get3A_429 = arith.constant 128 : index
      %get3A_430 = tpu.vector_load %arg9[%get3A_428, %get3A_429] {strides = array<i32>} : memref<64x256xf32, #tpu.memory_space<vmem>>, vector<16xf32>,
      %get3A_431 = arith.index_cast %scan3A_356 : i32 to index
      %get3A_432 = arith.constant 128 : index
      %get3A_433 = tpu.vector_load %arg11[%get3A_431, %get3A_432] {strides = array<i32>} : memref<64x256xf32, #tpu.memory_space<vmem>>, vector<16xf32>,
      %sub3A_434 = arith.subf %get3A_430, %get3A_433 : vector<16xf32>
      %mul3A_435 = arith.mulf %sub3A_434, %sub3A_434 : vector<16xf32>
      %add3A_436 = arith.addf %add3A_427, %mul3A_435 : vector<16xf32>
      %get3A_437 = arith.index_cast %scan3A_356 : i32 to index
      %get3A_438 = arith.constant 144 : index
      %get3A_439 = tpu.vector_load %arg9[%get3A_437, %get3A_438] {strides = array<i32>} : memref<64x256xf32, #tpu.memory_space<vmem>>, vector<16xf32>,
      %get3A_440 = arith.index_cast %scan3A_356 : i32 to index
      %get3A_441 = arith.constant 144 : index
      %get3A_442 = tpu.vector_load %arg11[%get3A_440, %get3A_441] {strides = array<i32>} : memref<64x256xf32, #tpu.memory_space<vmem>>, vector<16xf32>,
      %sub3A_443 = arith.subf %get3A_439, %get3A_442 : vector<16xf32>
      %mul3A_444 = arith.mulf %sub3A_443, %sub3A_443 : vector<16xf32>
      %add3A_445 = arith.addf %add3A_436, %mul3A_444 : vector<16xf32>
      %get3A_446 = arith.index_cast %scan3A_356 : i32 to index
      %get3A_447 = arith.constant 160 : index
      %get3A_448 = tpu.vector_load %arg9[%get3A_446, %get3A_447] {strides = array<i32>} : memref<64x256xf32, #tpu.memory_space<vmem>>, vector<16xf32>,
      %get3A_449 = arith.index_cast %scan3A_356 : i32 to index
      %get3A_450 = arith.constant 160 : index
      %get3A_451 = tpu.vector_load %arg11[%get3A_449, %get3A_450] {strides = array<i32>} : memref<64x256xf32, #tpu.memory_space<vmem>>, vector<16xf32>,
      %sub3A_452 = arith.subf %get3A_448, %get3A_451 : vector<16xf32>
      %mul3A_453 = arith.mulf %sub3A_452, %sub3A_452 : vector<16xf32>
      %add3A_454 = arith.addf %add3A_445, %mul3A_453 : vector<16xf32>
      %get3A_455 = arith.index_cast %scan3A_356 : i32 to index
      %get3A_456 = arith.constant 176 : index
      %get3A_457 = tpu.vector_load %arg9[%get3A_455, %get3A_456] {strides = array<i32>} : memref<64x256xf32, #tpu.memory_space<vmem>>, vector<16xf32>,
      %get3A_458 = arith.index_cast %scan3A_356 : i32 to index
      %get3A_459 = arith.constant 176 : index
      %get3A_460 = tpu.vector_load %arg11[%get3A_458, %get3A_459] {strides = array<i32>} : memref<64x256xf32, #tpu.memory_space<vmem>>, vector<16xf32>,
      %sub3A_461 = arith.subf %get3A_457, %get3A_460 : vector<16xf32>
      %mul3A_462 = arith.mulf %sub3A_461, %sub3A_461 : vector<16xf32>
      %add3A_463 = arith.addf %add3A_454, %mul3A_462 : vector<16xf32>
      %get3A_464 = arith.index_cast %scan3A_356 : i32 to index
      %get3A_465 = arith.constant 192 : index
      %get3A_466 = tpu.vector_load %arg9[%get3A_464, %get3A_465] {strides = array<i32>} : memref<64x256xf32, #tpu.memory_space<vmem>>, vector<16xf32>,
      %get3A_467 = arith.index_cast %scan3A_356 : i32 to index
      %get3A_468 = arith.constant 192 : index
      %get3A_469 = tpu.vector_load %arg11[%get3A_467, %get3A_468] {strides = array<i32>} : memref<64x256xf32, #tpu.memory_space<vmem>>, vector<16xf32>,
      %sub3A_470 = arith.subf %get3A_466, %get3A_469 : vector<16xf32>
      %mul3A_471 = arith.mulf %sub3A_470, %sub3A_470 : vector<16xf32>
      %add3A_472 = arith.addf %add3A_463, %mul3A_471 : vector<16xf32>
      %get3A_473 = arith.index_cast %scan3A_356 : i32 to index
      %get3A_474 = arith.constant 208 : index
      %get3A_475 = tpu.vector_load %arg9[%get3A_473, %get3A_474] {strides = array<i32>} : memref<64x256xf32, #tpu.memory_space<vmem>>, vector<16xf32>,
      %get3A_476 = arith.index_cast %scan3A_356 : i32 to index
      %get3A_477 = arith.constant 208 : index
      %get3A_478 = tpu.vector_load %arg11[%get3A_476, %get3A_477] {strides = array<i32>} : memref<64x256xf32, #tpu.memory_space<vmem>>, vector<16xf32>,
      %sub3A_479 = arith.subf %get3A_475, %get3A_478 : vector<16xf32>
      %mul3A_480 = arith.mulf %sub3A_479, %sub3A_479 : vector<16xf32>
      %add3A_481 = arith.addf %add3A_472, %mul3A_480 : vector<16xf32>
      %get3A_482 = arith.index_cast %scan3A_356 : i32 to index
      %get3A_483 = arith.constant 224 : index
      %get3A_484 = tpu.vector_load %arg9[%get3A_482, %get3A_483] {strides = array<i32>} : memref<64x256xf32, #tpu.memory_space<vmem>>, vector<16xf32>,
      %get3A_485 = arith.index_cast %scan3A_356 : i32 to index
      %get3A_486 = arith.constant 224 : index
      %get3A_487 = tpu.vector_load %arg11[%get3A_485, %get3A_486] {strides = array<i32>} : memref<64x256xf32, #tpu.memory_space<vmem>>, vector<16xf32>,
      %sub3A_488 = arith.subf %get3A_484, %get3A_487 : vector<16xf32>
      %mul3A_489 = arith.mulf %sub3A_488, %sub3A_488 : vector<16xf32>
      %add3A_490 = arith.addf %add3A_481, %mul3A_489 : vector<16xf32>
      %get3A_491 = arith.index_cast %scan3A_356 : i32 to index
      %get3A_492 = arith.constant 240 : index
      %get3A_493 = tpu.vector_load %arg9[%get3A_491, %get3A_492] {strides = array<i32>} : memref<64x256xf32, #tpu.memory_space<vmem>>, vector<16xf32>,
      %get3A_494 = arith.index_cast %scan3A_356 : i32 to index
      %get3A_495 = arith.constant 240 : index
      %get3A_496 = tpu.vector_load %arg11[%get3A_494, %get3A_495] {strides = array<i32>} : memref<64x256xf32, #tpu.memory_space<vmem>>, vector<16xf32>,
      %sub3A_497 = arith.subf %get3A_493, %get3A_496 : vector<16xf32>
      %mul3A_498 = arith.mulf %sub3A_497, %sub3A_497 : vector<16xf32>
      %add3A_499 = arith.addf %add3A_490, %mul3A_498 : vector<16xf32>
      scf.yield %add3A_499 : vector<16xf32>
    }
    %scan3A_143 = arith.constant 64 : i32
    %dma_wait3A_144 = arith.constant 0 : i32
    %dma_wait3A_145 = tpu.memref_slice %arg5[%add3A_129, %dma_wait3A_144] : memref<16384x256xf32, #tpu.memory_space<hbm>> -> memref<64x256xf32, #tpu.memory_space<hbm>>
    %dma_wait3A_146 = arith.constant 0 : i32
    %dma_wait3A_147 = tpu.memref_slice %arg5[%add3A_129, %dma_wait3A_146] : memref<16384x256xf32, #tpu.memory_space<hbm>> -> memref<64x256xf32, #tpu.memory_space<hbm>>
    tpu.wait_dma2 semaphore(%arg21 : memref<!tpu.dma_semaphore, #tpu.memory_space<semaphore_mem>>) src(%arg9 : memref<64x256xf32, #tpu.memory_space<vmem>>) dst(%dma_wait3A_147 : memref<64x256xf32, #tpu.memory_space<hbm>>)
    %dma_start3A_148 = arith.constant 4 : i32
    %dma_start3A_149 = arith.constant 0 : i32
    %dma_start3A_150 = tpu.memref_slice %arg8[%dma_start3A_148, %dma_start3A_149] : memref<8x64xi32, #tpu.memory_space<vmem>> -> memref<1x64xi32, #tpu.memory_space<vmem>>
    %dma_start3A_151 = tpu.memref_squeeze %dma_start3A_150 : memref<1x64xi32, #tpu.memory_space<vmem>> -> memref<64xi32, #tpu.memory_space<vmem>>
    %dma_start3A_152 = arith.constant 0 : i32
    %dma_start3A_153 = arith.constant 0 : i32
    %dma_start3A_154 = tpu.memref_slice %arg2[%dma_start3A_152, %dma_start3A_153] : memref<8192x256xf32, #tpu.memory_space<hbm>> -> memref<8192x256xf32, #tpu.memory_space<hbm>>
    tpu.enqueue_indirect_dma source(%dma_start3A_154 : memref<8192x256xf32, #tpu.memory_space<hbm>>) target(%arg9 : memref<64x256xf32, #tpu.memory_space<vmem>>) offsets(%dma_start3A_151 : memref<64xi32, #tpu.memory_space<vmem>>) semaphore(%arg17 : memref<!tpu.dma_semaphore, #tpu.memory_space<semaphore_mem>>)
    %mul3A_155 = arith.constant 512 : i32
    %mul3A_156 = arith.muli %add3A, %mul3A_155 : i32
    %add3A_157 = arith.constant 256 : i32
    %add3A_158 = arith.addi %mul3A_156, %add3A_157 : i32
    %dma_start3A_159 = arith.constant 0 : i32
    %dma_start3A_160 = tpu.memref_slice %arg4[%add3A_158, %dma_start3A_159] : memref<16384x256xf32, #tpu.memory_space<hbm>> -> memref<64x256xf32, #tpu.memory_space<hbm>>
    %dma_start3A_161 = arith.constant 0 : i32
    %dma_start3A_162 = tpu.memref_slice %arg4[%add3A_158, %dma_start3A_161] : memref<16384x256xf32, #tpu.memory_space<hbm>> -> memref<64x256xf32, #tpu.memory_space<hbm>>
    tpu.enqueue_dma source(%dma_start3A_162 : memref<64x256xf32, #tpu.memory_space<hbm>>) target(%arg11 : memref<64x256xf32, #tpu.memory_space<vmem>>) target_semaphore(%arg19 : memref<!tpu.dma_semaphore, #tpu.memory_space<semaphore_mem>>)
    %dma_wait3A_163 = arith.constant 3 : i32
    %dma_wait3A_164 = arith.constant 0 : i32
    %dma_wait3A_165 = tpu.memref_slice %arg8[%dma_wait3A_163, %dma_wait3A_164] : memref<8x64xi32, #tpu.memory_space<vmem>> -> memref<1x64xi32, #tpu.memory_space<vmem>>
    %dma_wait3A_166 = tpu.memref_squeeze %dma_wait3A_165 : memref<1x64xi32, #tpu.memory_space<vmem>> -> memref<64xi32, #tpu.memory_space<vmem>>
    %dma_wait3A_167 = arith.constant 0 : i32
    %dma_wait3A_168 = arith.constant 0 : i32
    %dma_wait3A_169 = tpu.memref_slice %arg2[%dma_wait3A_167, %dma_wait3A_168] : memref<8192x256xf32, #tpu.memory_space<hbm>> -> memref<8192x256xf32, #tpu.memory_space<hbm>>
    tpu.wait_indirect_dma semaphore(%arg18 : memref<!tpu.dma_semaphore, #tpu.memory_space<semaphore_mem>>) src(%dma_wait3A_169 : memref<8192x256xf32, #tpu.memory_space<hbm>>) dst(%arg10 : memref<64x256xf32, #tpu.memory_space<vmem>>)
    %mul3A_170 = arith.constant 512 : i32
    %mul3A_171 = arith.muli %add3A, %mul3A_170 : i32
    %add3A_172 = arith.constant 192 : i32
    %add3A_173 = arith.addi %mul3A_171, %add3A_172 : i32
    %dma_start3A_174 = arith.constant 0 : i32
    %dma_start3A_175 = tpu.memref_slice %arg5[%add3A_173, %dma_start3A_174] : memref<16384x256xf32, #tpu.memory_space<hbm>> -> memref<64x256xf32, #tpu.memory_space<hbm>>
    %dma_start3A_176 = arith.constant 0 : i32
    %dma_start3A_177 = tpu.memref_slice %arg5[%add3A_173, %dma_start3A_176] : memref<16384x256xf32, #tpu.memory_space<hbm>> -> memref<64x256xf32, #tpu.memory_space<hbm>>
    tpu.enqueue_dma source(%arg10 : memref<64x256xf32, #tpu.memory_space<vmem>>) target(%dma_start3A_177 : memref<64x256xf32, #tpu.memory_space<hbm>>) target_semaphore(%arg22 : memref<!tpu.dma_semaphore, #tpu.memory_space<semaphore_mem>>)
    %dma_wait3A_178 = arith.constant 0 : i32
    %dma_wait3A_179 = tpu.memref_slice %arg4[%add3A_114, %dma_wait3A_178] : memref<16384x256xf32, #tpu.memory_space<hbm>> -> memref<64x256xf32, #tpu.memory_space<hbm>>
    %dma_wait3A_180 = arith.constant 0 : i32
    %dma_wait3A_181 = tpu.memref_slice %arg4[%add3A_114, %dma_wait3A_180] : memref<16384x256xf32, #tpu.memory_space<hbm>> -> memref<64x256xf32, #tpu.memory_space<hbm>>
    tpu.wait_dma2 semaphore(%arg20 : memref<!tpu.dma_semaphore, #tpu.memory_space<semaphore_mem>>) src(%dma_wait3A_181 : memref<64x256xf32, #tpu.memory_space<hbm>>) dst(%arg12 : memref<64x256xf32, #tpu.memory_space<vmem>>)
    %scan3A_182 = arith.constant 0 : i32
    %scan3A_183 = arith.constant 64 : i32
    %scan3A_184 = arith.addi %scan3A_182, %scan3A_183 : i32
    %scan3A_185 = arith.constant 1 : i32
    %scan3A_186 = scf.for %scan3A_356 = %scan3A_182 to %scan3A_184 step %scan3A_185 iter_args(%scan3A_357 = %scan3A_142) -> (vector<16xf32>)  : i32 {
      %get3A = arith.index_cast %scan3A_356 : i32 to index
      %get3A_358 = arith.constant 0 : index
      %get3A_359 = tpu.vector_load %arg10[%get3A, %get3A_358] {strides = array<i32>} : memref<64x256xf32, #tpu.memory_space<vmem>>, vector<16xf32>,
      %get3A_360 = arith.index_cast %scan3A_356 : i32 to index
      %get3A_361 = arith.constant 0 : index
      %get3A_362 = tpu.vector_load %arg12[%get3A_360, %get3A_361] {strides = array<i32>} : memref<64x256xf32, #tpu.memory_space<vmem>>, vector<16xf32>,
      %sub3A = arith.subf %get3A_359, %get3A_362 : vector<16xf32>
      %mul3A_363 = arith.mulf %sub3A, %sub3A : vector<16xf32>
      %add3A_364 = arith.addf %scan3A_357, %mul3A_363 : vector<16xf32>
      %get3A_365 = arith.index_cast %scan3A_356 : i32 to index
      %get3A_366 = arith.constant 16 : index
      %get3A_367 = tpu.vector_load %arg10[%get3A_365, %get3A_366] {strides = array<i32>} : memref<64x256xf32, #tpu.memory_space<vmem>>, vector<16xf32>,
      %get3A_368 = arith.index_cast %scan3A_356 : i32 to index
      %get3A_369 = arith.constant 16 : index
      %get3A_370 = tpu.vector_load %arg12[%get3A_368, %get3A_369] {strides = array<i32>} : memref<64x256xf32, #tpu.memory_space<vmem>>, vector<16xf32>,
      %sub3A_371 = arith.subf %get3A_367, %get3A_370 : vector<16xf32>
      %mul3A_372 = arith.mulf %sub3A_371, %sub3A_371 : vector<16xf32>
      %add3A_373 = arith.addf %add3A_364, %mul3A_372 : vector<16xf32>
      %get3A_374 = arith.index_cast %scan3A_356 : i32 to index
      %get3A_375 = arith.constant 32 : index
      %get3A_376 = tpu.vector_load %arg10[%get3A_374, %get3A_375] {strides = array<i32>} : memref<64x256xf32, #tpu.memory_space<vmem>>, vector<16xf32>,
      %get3A_377 = arith.index_cast %scan3A_356 : i32 to index
      %get3A_378 = arith.constant 32 : index
      %get3A_379 = tpu.vector_load %arg12[%get3A_377, %get3A_378] {strides = array<i32>} : memref<64x256xf32, #tpu.memory_space<vmem>>, vector<16xf32>,
      %sub3A_380 = arith.subf %get3A_376, %get3A_379 : vector<16xf32>
      %mul3A_381 = arith.mulf %sub3A_380, %sub3A_380 : vector<16xf32>
      %add3A_382 = arith.addf %add3A_373, %mul3A_381 : vector<16xf32>
      %get3A_383 = arith.index_cast %scan3A_356 : i32 to index
      %get3A_384 = arith.constant 48 : index
      %get3A_385 = tpu.vector_load %arg10[%get3A_383, %get3A_384] {strides = array<i32>} : memref<64x256xf32, #tpu.memory_space<vmem>>, vector<16xf32>,
      %get3A_386 = arith.index_cast %scan3A_356 : i32 to index
      %get3A_387 = arith.constant 48 : index
      %get3A_388 = tpu.vector_load %arg12[%get3A_386, %get3A_387] {strides = array<i32>} : memref<64x256xf32, #tpu.memory_space<vmem>>, vector<16xf32>,
      %sub3A_389 = arith.subf %get3A_385, %get3A_388 : vector<16xf32>
      %mul3A_390 = arith.mulf %sub3A_389, %sub3A_389 : vector<16xf32>
      %add3A_391 = arith.addf %add3A_382, %mul3A_390 : vector<16xf32>
      %get3A_392 = arith.index_cast %scan3A_356 : i32 to index
      %get3A_393 = arith.constant 64 : index
      %get3A_394 = tpu.vector_load %arg10[%get3A_392, %get3A_393] {strides = array<i32>} : memref<64x256xf32, #tpu.memory_space<vmem>>, vector<16xf32>,
      %get3A_395 = arith.index_cast %scan3A_356 : i32 to index
      %get3A_396 = arith.constant 64 : index
      %get3A_397 = tpu.vector_load %arg12[%get3A_395, %get3A_396] {strides = array<i32>} : memref<64x256xf32, #tpu.memory_space<vmem>>, vector<16xf32>,
      %sub3A_398 = arith.subf %get3A_394, %get3A_397 : vector<16xf32>
      %mul3A_399 = arith.mulf %sub3A_398, %sub3A_398 : vector<16xf32>
      %add3A_400 = arith.addf %add3A_391, %mul3A_399 : vector<16xf32>
      %get3A_401 = arith.index_cast %scan3A_356 : i32 to index
      %get3A_402 = arith.constant 80 : index
      %get3A_403 = tpu.vector_load %arg10[%get3A_401, %get3A_402] {strides = array<i32>} : memref<64x256xf32, #tpu.memory_space<vmem>>, vector<16xf32>,
      %get3A_404 = arith.index_cast %scan3A_356 : i32 to index
      %get3A_405 = arith.constant 80 : index
      %get3A_406 = tpu.vector_load %arg12[%get3A_404, %get3A_405] {strides = array<i32>} : memref<64x256xf32, #tpu.memory_space<vmem>>, vector<16xf32>,
      %sub3A_407 = arith.subf %get3A_403, %get3A_406 : vector<16xf32>
      %mul3A_408 = arith.mulf %sub3A_407, %sub3A_407 : vector<16xf32>
      %add3A_409 = arith.addf %add3A_400, %mul3A_408 : vector<16xf32>
      %get3A_410 = arith.index_cast %scan3A_356 : i32 to index
      %get3A_411 = arith.constant 96 : index
      %get3A_412 = tpu.vector_load %arg10[%get3A_410, %get3A_411] {strides = array<i32>} : memref<64x256xf32, #tpu.memory_space<vmem>>, vector<16xf32>,
      %get3A_413 = arith.index_cast %scan3A_356 : i32 to index
      %get3A_414 = arith.constant 96 : index
      %get3A_415 = tpu.vector_load %arg12[%get3A_413, %get3A_414] {strides = array<i32>} : memref<64x256xf32, #tpu.memory_space<vmem>>, vector<16xf32>,
      %sub3A_416 = arith.subf %get3A_412, %get3A_415 : vector<16xf32>
      %mul3A_417 = arith.mulf %sub3A_416, %sub3A_416 : vector<16xf32>
      %add3A_418 = arith.addf %add3A_409, %mul3A_417 : vector<16xf32>
      %get3A_419 = arith.index_cast %scan3A_356 : i32 to index
      %get3A_420 = arith.constant 112 : index
      %get3A_421 = tpu.vector_load %arg10[%get3A_419, %get3A_420] {strides = array<i32>} : memref<64x256xf32, #tpu.memory_space<vmem>>, vector<16xf32>,
      %get3A_422 = arith.index_cast %scan3A_356 : i32 to index
      %get3A_423 = arith.constant 112 : index
      %get3A_424 = tpu.vector_load %arg12[%get3A_422, %get3A_423] {strides = array<i32>} : memref<64x256xf32, #tpu.memory_space<vmem>>, vector<16xf32>,
      %sub3A_425 = arith.subf %get3A_421, %get3A_424 : vector<16xf32>
      %mul3A_426 = arith.mulf %sub3A_425, %sub3A_425 : vector<16xf32>
      %add3A_427 = arith.addf %add3A_418, %mul3A_426 : vector<16xf32>
      %get3A_428 = arith.index_cast %scan3A_356 : i32 to index
      %get3A_429 = arith.constant 128 : index
      %get3A_430 = tpu.vector_load %arg10[%get3A_428, %get3A_429] {strides = array<i32>} : memref<64x256xf32, #tpu.memory_space<vmem>>, vector<16xf32>,
      %get3A_431 = arith.index_cast %scan3A_356 : i32 to index
      %get3A_432 = arith.constant 128 : index
      %get3A_433 = tpu.vector_load %arg12[%get3A_431, %get3A_432] {strides = array<i32>} : memref<64x256xf32, #tpu.memory_space<vmem>>, vector<16xf32>,
      %sub3A_434 = arith.subf %get3A_430, %get3A_433 : vector<16xf32>
      %mul3A_435 = arith.mulf %sub3A_434, %sub3A_434 : vector<16xf32>
      %add3A_436 = arith.addf %add3A_427, %mul3A_435 : vector<16xf32>
      %get3A_437 = arith.index_cast %scan3A_356 : i32 to index
      %get3A_438 = arith.constant 144 : index
      %get3A_439 = tpu.vector_load %arg10[%get3A_437, %get3A_438] {strides = array<i32>} : memref<64x256xf32, #tpu.memory_space<vmem>>, vector<16xf32>,
      %get3A_440 = arith.index_cast %scan3A_356 : i32 to index
      %get3A_441 = arith.constant 144 : index
      %get3A_442 = tpu.vector_load %arg12[%get3A_440, %get3A_441] {strides = array<i32>} : memref<64x256xf32, #tpu.memory_space<vmem>>, vector<16xf32>,
      %sub3A_443 = arith.subf %get3A_439, %get3A_442 : vector<16xf32>
      %mul3A_444 = arith.mulf %sub3A_443, %sub3A_443 : vector<16xf32>
      %add3A_445 = arith.addf %add3A_436, %mul3A_444 : vector<16xf32>
      %get3A_446 = arith.index_cast %scan3A_356 : i32 to index
      %get3A_447 = arith.constant 160 : index
      %get3A_448 = tpu.vector_load %arg10[%get3A_446, %get3A_447] {strides = array<i32>} : memref<64x256xf32, #tpu.memory_space<vmem>>, vector<16xf32>,
      %get3A_449 = arith.index_cast %scan3A_356 : i32 to index
      %get3A_450 = arith.constant 160 : index
      %get3A_451 = tpu.vector_load %arg12[%get3A_449, %get3A_450] {strides = array<i32>} : memref<64x256xf32, #tpu.memory_space<vmem>>, vector<16xf32>,
      %sub3A_452 = arith.subf %get3A_448, %get3A_451 : vector<16xf32>
      %mul3A_453 = arith.mulf %sub3A_452, %sub3A_452 : vector<16xf32>
      %add3A_454 = arith.addf %add3A_445, %mul3A_453 : vector<16xf32>
      %get3A_455 = arith.index_cast %scan3A_356 : i32 to index
      %get3A_456 = arith.constant 176 : index
      %get3A_457 = tpu.vector_load %arg10[%get3A_455, %get3A_456] {strides = array<i32>} : memref<64x256xf32, #tpu.memory_space<vmem>>, vector<16xf32>,
      %get3A_458 = arith.index_cast %scan3A_356 : i32 to index
      %get3A_459 = arith.constant 176 : index
      %get3A_460 = tpu.vector_load %arg12[%get3A_458, %get3A_459] {strides = array<i32>} : memref<64x256xf32, #tpu.memory_space<vmem>>, vector<16xf32>,
      %sub3A_461 = arith.subf %get3A_457, %get3A_460 : vector<16xf32>
      %mul3A_462 = arith.mulf %sub3A_461, %sub3A_461 : vector<16xf32>
      %add3A_463 = arith.addf %add3A_454, %mul3A_462 : vector<16xf32>
      %get3A_464 = arith.index_cast %scan3A_356 : i32 to index
      %get3A_465 = arith.constant 192 : index
      %get3A_466 = tpu.vector_load %arg10[%get3A_464, %get3A_465] {strides = array<i32>} : memref<64x256xf32, #tpu.memory_space<vmem>>, vector<16xf32>,
      %get3A_467 = arith.index_cast %scan3A_356 : i32 to index
      %get3A_468 = arith.constant 192 : index
      %get3A_469 = tpu.vector_load %arg12[%get3A_467, %get3A_468] {strides = array<i32>} : memref<64x256xf32, #tpu.memory_space<vmem>>, vector<16xf32>,
      %sub3A_470 = arith.subf %get3A_466, %get3A_469 : vector<16xf32>
      %mul3A_471 = arith.mulf %sub3A_470, %sub3A_470 : vector<16xf32>
      %add3A_472 = arith.addf %add3A_463, %mul3A_471 : vector<16xf32>
      %get3A_473 = arith.index_cast %scan3A_356 : i32 to index
      %get3A_474 = arith.constant 208 : index
      %get3A_475 = tpu.vector_load %arg10[%get3A_473, %get3A_474] {strides = array<i32>} : memref<64x256xf32, #tpu.memory_space<vmem>>, vector<16xf32>,
      %get3A_476 = arith.index_cast %scan3A_356 : i32 to index
      %get3A_477 = arith.constant 208 : index
      %get3A_478 = tpu.vector_load %arg12[%get3A_476, %get3A_477] {strides = array<i32>} : memref<64x256xf32, #tpu.memory_space<vmem>>, vector<16xf32>,
      %sub3A_479 = arith.subf %get3A_475, %get3A_478 : vector<16xf32>
      %mul3A_480 = arith.mulf %sub3A_479, %sub3A_479 : vector<16xf32>
      %add3A_481 = arith.addf %add3A_472, %mul3A_480 : vector<16xf32>
      %get3A_482 = arith.index_cast %scan3A_356 : i32 to index
      %get3A_483 = arith.constant 224 : index
      %get3A_484 = tpu.vector_load %arg10[%get3A_482, %get3A_483] {strides = array<i32>} : memref<64x256xf32, #tpu.memory_space<vmem>>, vector<16xf32>,
      %get3A_485 = arith.index_cast %scan3A_356 : i32 to index
      %get3A_486 = arith.constant 224 : index
      %get3A_487 = tpu.vector_load %arg12[%get3A_485, %get3A_486] {strides = array<i32>} : memref<64x256xf32, #tpu.memory_space<vmem>>, vector<16xf32>,
      %sub3A_488 = arith.subf %get3A_484, %get3A_487 : vector<16xf32>
      %mul3A_489 = arith.mulf %sub3A_488, %sub3A_488 : vector<16xf32>
      %add3A_490 = arith.addf %add3A_481, %mul3A_489 : vector<16xf32>
      %get3A_491 = arith.index_cast %scan3A_356 : i32 to index
      %get3A_492 = arith.constant 240 : index
      %get3A_493 = tpu.vector_load %arg10[%get3A_491, %get3A_492] {strides = array<i32>} : memref<64x256xf32, #tpu.memory_space<vmem>>, vector<16xf32>,
      %get3A_494 = arith.index_cast %scan3A_356 : i32 to index
      %get3A_495 = arith.constant 240 : index
      %get3A_496 = tpu.vector_load %arg12[%get3A_494, %get3A_495] {strides = array<i32>} : memref<64x256xf32, #tpu.memory_space<vmem>>, vector<16xf32>,
      %sub3A_497 = arith.subf %get3A_493, %get3A_496 : vector<16xf32>
      %mul3A_498 = arith.mulf %sub3A_497, %sub3A_497 : vector<16xf32>
      %add3A_499 = arith.addf %add3A_490, %mul3A_498 : vector<16xf32>
      scf.yield %add3A_499 : vector<16xf32>
    }
    %scan3A_187 = arith.constant 64 : i32
    %dma_wait3A_188 = arith.constant 0 : i32
    %dma_wait3A_189 = tpu.memref_slice %arg5[%add3A_173, %dma_wait3A_188] : memref<16384x256xf32, #tpu.memory_space<hbm>> -> memref<64x256xf32, #tpu.memory_space<hbm>>
    %dma_wait3A_190 = arith.constant 0 : i32
    %dma_wait3A_191 = tpu.memref_slice %arg5[%add3A_173, %dma_wait3A_190] : memref<16384x256xf32, #tpu.memory_space<hbm>> -> memref<64x256xf32, #tpu.memory_space<hbm>>
    tpu.wait_dma2 semaphore(%arg22 : memref<!tpu.dma_semaphore, #tpu.memory_space<semaphore_mem>>) src(%arg10 : memref<64x256xf32, #tpu.memory_space<vmem>>) dst(%dma_wait3A_191 : memref<64x256xf32, #tpu.memory_space<hbm>>)
    %dma_start3A_192 = arith.constant 5 : i32
    %dma_start3A_193 = arith.constant 0 : i32
    %dma_start3A_194 = tpu.memref_slice %arg8[%dma_start3A_192, %dma_start3A_193] : memref<8x64xi32, #tpu.memory_space<vmem>> -> memref<1x64xi32, #tpu.memory_space<vmem>>
    %dma_start3A_195 = tpu.memref_squeeze %dma_start3A_194 : memref<1x64xi32, #tpu.memory_space<vmem>> -> memref<64xi32, #tpu.memory_space<vmem>>
    %dma_start3A_196 = arith.constant 0 : i32
    %dma_start3A_197 = arith.constant 0 : i32
    %dma_start3A_198 = tpu.memref_slice %arg2[%dma_start3A_196, %dma_start3A_197] : memref<8192x256xf32, #tpu.memory_space<hbm>> -> memref<8192x256xf32, #tpu.memory_space<hbm>>
    tpu.enqueue_indirect_dma source(%dma_start3A_198 : memref<8192x256xf32, #tpu.memory_space<hbm>>) target(%arg10 : memref<64x256xf32, #tpu.memory_space<vmem>>) offsets(%dma_start3A_195 : memref<64xi32, #tpu.memory_space<vmem>>) semaphore(%arg18 : memref<!tpu.dma_semaphore, #tpu.memory_space<semaphore_mem>>)
    %mul3A_199 = arith.constant 512 : i32
    %mul3A_200 = arith.muli %add3A, %mul3A_199 : i32
    %add3A_201 = arith.constant 320 : i32
    %add3A_202 = arith.addi %mul3A_200, %add3A_201 : i32
    %dma_start3A_203 = arith.constant 0 : i32
    %dma_start3A_204 = tpu.memref_slice %arg4[%add3A_202, %dma_start3A_203] : memref<16384x256xf32, #tpu.memory_space<hbm>> -> memref<64x256xf32, #tpu.memory_space<hbm>>
    %dma_start3A_205 = arith.constant 0 : i32
    %dma_start3A_206 = tpu.memref_slice %arg4[%add3A_202, %dma_start3A_205] : memref<16384x256xf32, #tpu.memory_space<hbm>> -> memref<64x256xf32, #tpu.memory_space<hbm>>
    tpu.enqueue_dma source(%dma_start3A_206 : memref<64x256xf32, #tpu.memory_space<hbm>>) target(%arg12 : memref<64x256xf32, #tpu.memory_space<vmem>>) target_semaphore(%arg20 : memref<!tpu.dma_semaphore, #tpu.memory_space<semaphore_mem>>)
    %dma_wait3A_207 = arith.constant 4 : i32
    %dma_wait3A_208 = arith.constant 0 : i32
    %dma_wait3A_209 = tpu.memref_slice %arg8[%dma_wait3A_207, %dma_wait3A_208] : memref<8x64xi32, #tpu.memory_space<vmem>> -> memref<1x64xi32, #tpu.memory_space<vmem>>
    %dma_wait3A_210 = tpu.memref_squeeze %dma_wait3A_209 : memref<1x64xi32, #tpu.memory_space<vmem>> -> memref<64xi32, #tpu.memory_space<vmem>>
    %dma_wait3A_211 = arith.constant 0 : i32
    %dma_wait3A_212 = arith.constant 0 : i32
    %dma_wait3A_213 = tpu.memref_slice %arg2[%dma_wait3A_211, %dma_wait3A_212] : memref<8192x256xf32, #tpu.memory_space<hbm>> -> memref<8192x256xf32, #tpu.memory_space<hbm>>
    tpu.wait_indirect_dma semaphore(%arg17 : memref<!tpu.dma_semaphore, #tpu.memory_space<semaphore_mem>>) src(%dma_wait3A_213 : memref<8192x256xf32, #tpu.memory_space<hbm>>) dst(%arg9 : memref<64x256xf32, #tpu.memory_space<vmem>>)
    %mul3A_214 = arith.constant 512 : i32
    %mul3A_215 = arith.muli %add3A, %mul3A_214 : i32
    %add3A_216 = arith.constant 256 : i32
    %add3A_217 = arith.addi %mul3A_215, %add3A_216 : i32
    %dma_start3A_218 = arith.constant 0 : i32
    %dma_start3A_219 = tpu.memref_slice %arg5[%add3A_217, %dma_start3A_218] : memref<16384x256xf32, #tpu.memory_space<hbm>> -> memref<64x256xf32, #tpu.memory_space<hbm>>
    %dma_start3A_220 = arith.constant 0 : i32
    %dma_start3A_221 = tpu.memref_slice %arg5[%add3A_217, %dma_start3A_220] : memref<16384x256xf32, #tpu.memory_space<hbm>> -> memref<64x256xf32, #tpu.memory_space<hbm>>
    tpu.enqueue_dma source(%arg9 : memref<64x256xf32, #tpu.memory_space<vmem>>) target(%dma_start3A_221 : memref<64x256xf32, #tpu.memory_space<hbm>>) target_semaphore(%arg21 : memref<!tpu.dma_semaphore, #tpu.memory_space<semaphore_mem>>)
    %dma_wait3A_222 = arith.constant 0 : i32
    %dma_wait3A_223 = tpu.memref_slice %arg4[%add3A_158, %dma_wait3A_222] : memref<16384x256xf32, #tpu.memory_space<hbm>> -> memref<64x256xf32, #tpu.memory_space<hbm>>
    %dma_wait3A_224 = arith.constant 0 : i32
    %dma_wait3A_225 = tpu.memref_slice %arg4[%add3A_158, %dma_wait3A_224] : memref<16384x256xf32, #tpu.memory_space<hbm>> -> memref<64x256xf32, #tpu.memory_space<hbm>>
    tpu.wait_dma2 semaphore(%arg19 : memref<!tpu.dma_semaphore, #tpu.memory_space<semaphore_mem>>) src(%dma_wait3A_225 : memref<64x256xf32, #tpu.memory_space<hbm>>) dst(%arg11 : memref<64x256xf32, #tpu.memory_space<vmem>>)
    %scan3A_226 = arith.constant 0 : i32
    %scan3A_227 = arith.constant 64 : i32
    %scan3A_228 = arith.addi %scan3A_226, %scan3A_227 : i32
    %scan3A_229 = arith.constant 1 : i32
    %scan3A_230 = scf.for %scan3A_356 = %scan3A_226 to %scan3A_228 step %scan3A_229 iter_args(%scan3A_357 = %scan3A_186) -> (vector<16xf32>)  : i32 {
      %get3A = arith.index_cast %scan3A_356 : i32 to index
      %get3A_358 = arith.constant 0 : index
      %get3A_359 = tpu.vector_load %arg9[%get3A, %get3A_358] {strides = array<i32>} : memref<64x256xf32, #tpu.memory_space<vmem>>, vector<16xf32>,
      %get3A_360 = arith.index_cast %scan3A_356 : i32 to index
      %get3A_361 = arith.constant 0 : index
      %get3A_362 = tpu.vector_load %arg11[%get3A_360, %get3A_361] {strides = array<i32>} : memref<64x256xf32, #tpu.memory_space<vmem>>, vector<16xf32>,
      %sub3A = arith.subf %get3A_359, %get3A_362 : vector<16xf32>
      %mul3A_363 = arith.mulf %sub3A, %sub3A : vector<16xf32>
      %add3A_364 = arith.addf %scan3A_357, %mul3A_363 : vector<16xf32>
      %get3A_365 = arith.index_cast %scan3A_356 : i32 to index
      %get3A_366 = arith.constant 16 : index
      %get3A_367 = tpu.vector_load %arg9[%get3A_365, %get3A_366] {strides = array<i32>} : memref<64x256xf32, #tpu.memory_space<vmem>>, vector<16xf32>,
      %get3A_368 = arith.index_cast %scan3A_356 : i32 to index
      %get3A_369 = arith.constant 16 : index
      %get3A_370 = tpu.vector_load %arg11[%get3A_368, %get3A_369] {strides = array<i32>} : memref<64x256xf32, #tpu.memory_space<vmem>>, vector<16xf32>,
      %sub3A_371 = arith.subf %get3A_367, %get3A_370 : vector<16xf32>
      %mul3A_372 = arith.mulf %sub3A_371, %sub3A_371 : vector<16xf32>
      %add3A_373 = arith.addf %add3A_364, %mul3A_372 : vector<16xf32>
      %get3A_374 = arith.index_cast %scan3A_356 : i32 to index
      %get3A_375 = arith.constant 32 : index
      %get3A_376 = tpu.vector_load %arg9[%get3A_374, %get3A_375] {strides = array<i32>} : memref<64x256xf32, #tpu.memory_space<vmem>>, vector<16xf32>,
      %get3A_377 = arith.index_cast %scan3A_356 : i32 to index
      %get3A_378 = arith.constant 32 : index
      %get3A_379 = tpu.vector_load %arg11[%get3A_377, %get3A_378] {strides = array<i32>} : memref<64x256xf32, #tpu.memory_space<vmem>>, vector<16xf32>,
      %sub3A_380 = arith.subf %get3A_376, %get3A_379 : vector<16xf32>
      %mul3A_381 = arith.mulf %sub3A_380, %sub3A_380 : vector<16xf32>
      %add3A_382 = arith.addf %add3A_373, %mul3A_381 : vector<16xf32>
      %get3A_383 = arith.index_cast %scan3A_356 : i32 to index
      %get3A_384 = arith.constant 48 : index
      %get3A_385 = tpu.vector_load %arg9[%get3A_383, %get3A_384] {strides = array<i32>} : memref<64x256xf32, #tpu.memory_space<vmem>>, vector<16xf32>,
      %get3A_386 = arith.index_cast %scan3A_356 : i32 to index
      %get3A_387 = arith.constant 48 : index
      %get3A_388 = tpu.vector_load %arg11[%get3A_386, %get3A_387] {strides = array<i32>} : memref<64x256xf32, #tpu.memory_space<vmem>>, vector<16xf32>,
      %sub3A_389 = arith.subf %get3A_385, %get3A_388 : vector<16xf32>
      %mul3A_390 = arith.mulf %sub3A_389, %sub3A_389 : vector<16xf32>
      %add3A_391 = arith.addf %add3A_382, %mul3A_390 : vector<16xf32>
      %get3A_392 = arith.index_cast %scan3A_356 : i32 to index
      %get3A_393 = arith.constant 64 : index
      %get3A_394 = tpu.vector_load %arg9[%get3A_392, %get3A_393] {strides = array<i32>} : memref<64x256xf32, #tpu.memory_space<vmem>>, vector<16xf32>,
      %get3A_395 = arith.index_cast %scan3A_356 : i32 to index
      %get3A_396 = arith.constant 64 : index
      %get3A_397 = tpu.vector_load %arg11[%get3A_395, %get3A_396] {strides = array<i32>} : memref<64x256xf32, #tpu.memory_space<vmem>>, vector<16xf32>,
      %sub3A_398 = arith.subf %get3A_394, %get3A_397 : vector<16xf32>
      %mul3A_399 = arith.mulf %sub3A_398, %sub3A_398 : vector<16xf32>
      %add3A_400 = arith.addf %add3A_391, %mul3A_399 : vector<16xf32>
      %get3A_401 = arith.index_cast %scan3A_356 : i32 to index
      %get3A_402 = arith.constant 80 : index
      %get3A_403 = tpu.vector_load %arg9[%get3A_401, %get3A_402] {strides = array<i32>} : memref<64x256xf32, #tpu.memory_space<vmem>>, vector<16xf32>,
      %get3A_404 = arith.index_cast %scan3A_356 : i32 to index
      %get3A_405 = arith.constant 80 : index
      %get3A_406 = tpu.vector_load %arg11[%get3A_404, %get3A_405] {strides = array<i32>} : memref<64x256xf32, #tpu.memory_space<vmem>>, vector<16xf32>,
      %sub3A_407 = arith.subf %get3A_403, %get3A_406 : vector<16xf32>
      %mul3A_408 = arith.mulf %sub3A_407, %sub3A_407 : vector<16xf32>
      %add3A_409 = arith.addf %add3A_400, %mul3A_408 : vector<16xf32>
      %get3A_410 = arith.index_cast %scan3A_356 : i32 to index
      %get3A_411 = arith.constant 96 : index
      %get3A_412 = tpu.vector_load %arg9[%get3A_410, %get3A_411] {strides = array<i32>} : memref<64x256xf32, #tpu.memory_space<vmem>>, vector<16xf32>,
      %get3A_413 = arith.index_cast %scan3A_356 : i32 to index
      %get3A_414 = arith.constant 96 : index
      %get3A_415 = tpu.vector_load %arg11[%get3A_413, %get3A_414] {strides = array<i32>} : memref<64x256xf32, #tpu.memory_space<vmem>>, vector<16xf32>,
      %sub3A_416 = arith.subf %get3A_412, %get3A_415 : vector<16xf32>
      %mul3A_417 = arith.mulf %sub3A_416, %sub3A_416 : vector<16xf32>
      %add3A_418 = arith.addf %add3A_409, %mul3A_417 : vector<16xf32>
      %get3A_419 = arith.index_cast %scan3A_356 : i32 to index
      %get3A_420 = arith.constant 112 : index
      %get3A_421 = tpu.vector_load %arg9[%get3A_419, %get3A_420] {strides = array<i32>} : memref<64x256xf32, #tpu.memory_space<vmem>>, vector<16xf32>,
      %get3A_422 = arith.index_cast %scan3A_356 : i32 to index
      %get3A_423 = arith.constant 112 : index
      %get3A_424 = tpu.vector_load %arg11[%get3A_422, %get3A_423] {strides = array<i32>} : memref<64x256xf32, #tpu.memory_space<vmem>>, vector<16xf32>,
      %sub3A_425 = arith.subf %get3A_421, %get3A_424 : vector<16xf32>
      %mul3A_426 = arith.mulf %sub3A_425, %sub3A_425 : vector<16xf32>
      %add3A_427 = arith.addf %add3A_418, %mul3A_426 : vector<16xf32>
      %get3A_428 = arith.index_cast %scan3A_356 : i32 to index
      %get3A_429 = arith.constant 128 : index
      %get3A_430 = tpu.vector_load %arg9[%get3A_428, %get3A_429] {strides = array<i32>} : memref<64x256xf32, #tpu.memory_space<vmem>>, vector<16xf32>,
      %get3A_431 = arith.index_cast %scan3A_356 : i32 to index
      %get3A_432 = arith.constant 128 : index
      %get3A_433 = tpu.vector_load %arg11[%get3A_431, %get3A_432] {strides = array<i32>} : memref<64x256xf32, #tpu.memory_space<vmem>>, vector<16xf32>,
      %sub3A_434 = arith.subf %get3A_430, %get3A_433 : vector<16xf32>
      %mul3A_435 = arith.mulf %sub3A_434, %sub3A_434 : vector<16xf32>
      %add3A_436 = arith.addf %add3A_427, %mul3A_435 : vector<16xf32>
      %get3A_437 = arith.index_cast %scan3A_356 : i32 to index
      %get3A_438 = arith.constant 144 : index
      %get3A_439 = tpu.vector_load %arg9[%get3A_437, %get3A_438] {strides = array<i32>} : memref<64x256xf32, #tpu.memory_space<vmem>>, vector<16xf32>,
      %get3A_440 = arith.index_cast %scan3A_356 : i32 to index
      %get3A_441 = arith.constant 144 : index
      %get3A_442 = tpu.vector_load %arg11[%get3A_440, %get3A_441] {strides = array<i32>} : memref<64x256xf32, #tpu.memory_space<vmem>>, vector<16xf32>,
      %sub3A_443 = arith.subf %get3A_439, %get3A_442 : vector<16xf32>
      %mul3A_444 = arith.mulf %sub3A_443, %sub3A_443 : vector<16xf32>
      %add3A_445 = arith.addf %add3A_436, %mul3A_444 : vector<16xf32>
      %get3A_446 = arith.index_cast %scan3A_356 : i32 to index
      %get3A_447 = arith.constant 160 : index
      %get3A_448 = tpu.vector_load %arg9[%get3A_446, %get3A_447] {strides = array<i32>} : memref<64x256xf32, #tpu.memory_space<vmem>>, vector<16xf32>,
      %get3A_449 = arith.index_cast %scan3A_356 : i32 to index
      %get3A_450 = arith.constant 160 : index
      %get3A_451 = tpu.vector_load %arg11[%get3A_449, %get3A_450] {strides = array<i32>} : memref<64x256xf32, #tpu.memory_space<vmem>>, vector<16xf32>,
      %sub3A_452 = arith.subf %get3A_448, %get3A_451 : vector<16xf32>
      %mul3A_453 = arith.mulf %sub3A_452, %sub3A_452 : vector<16xf32>
      %add3A_454 = arith.addf %add3A_445, %mul3A_453 : vector<16xf32>
      %get3A_455 = arith.index_cast %scan3A_356 : i32 to index
      %get3A_456 = arith.constant 176 : index
      %get3A_457 = tpu.vector_load %arg9[%get3A_455, %get3A_456] {strides = array<i32>} : memref<64x256xf32, #tpu.memory_space<vmem>>, vector<16xf32>,
      %get3A_458 = arith.index_cast %scan3A_356 : i32 to index
      %get3A_459 = arith.constant 176 : index
      %get3A_460 = tpu.vector_load %arg11[%get3A_458, %get3A_459] {strides = array<i32>} : memref<64x256xf32, #tpu.memory_space<vmem>>, vector<16xf32>,
      %sub3A_461 = arith.subf %get3A_457, %get3A_460 : vector<16xf32>
      %mul3A_462 = arith.mulf %sub3A_461, %sub3A_461 : vector<16xf32>
      %add3A_463 = arith.addf %add3A_454, %mul3A_462 : vector<16xf32>
      %get3A_464 = arith.index_cast %scan3A_356 : i32 to index
      %get3A_465 = arith.constant 192 : index
      %get3A_466 = tpu.vector_load %arg9[%get3A_464, %get3A_465] {strides = array<i32>} : memref<64x256xf32, #tpu.memory_space<vmem>>, vector<16xf32>,
      %get3A_467 = arith.index_cast %scan3A_356 : i32 to index
      %get3A_468 = arith.constant 192 : index
      %get3A_469 = tpu.vector_load %arg11[%get3A_467, %get3A_468] {strides = array<i32>} : memref<64x256xf32, #tpu.memory_space<vmem>>, vector<16xf32>,
      %sub3A_470 = arith.subf %get3A_466, %get3A_469 : vector<16xf32>
      %mul3A_471 = arith.mulf %sub3A_470, %sub3A_470 : vector<16xf32>
      %add3A_472 = arith.addf %add3A_463, %mul3A_471 : vector<16xf32>
      %get3A_473 = arith.index_cast %scan3A_356 : i32 to index
      %get3A_474 = arith.constant 208 : index
      %get3A_475 = tpu.vector_load %arg9[%get3A_473, %get3A_474] {strides = array<i32>} : memref<64x256xf32, #tpu.memory_space<vmem>>, vector<16xf32>,
      %get3A_476 = arith.index_cast %scan3A_356 : i32 to index
      %get3A_477 = arith.constant 208 : index
      %get3A_478 = tpu.vector_load %arg11[%get3A_476, %get3A_477] {strides = array<i32>} : memref<64x256xf32, #tpu.memory_space<vmem>>, vector<16xf32>,
      %sub3A_479 = arith.subf %get3A_475, %get3A_478 : vector<16xf32>
      %mul3A_480 = arith.mulf %sub3A_479, %sub3A_479 : vector<16xf32>
      %add3A_481 = arith.addf %add3A_472, %mul3A_480 : vector<16xf32>
      %get3A_482 = arith.index_cast %scan3A_356 : i32 to index
      %get3A_483 = arith.constant 224 : index
      %get3A_484 = tpu.vector_load %arg9[%get3A_482, %get3A_483] {strides = array<i32>} : memref<64x256xf32, #tpu.memory_space<vmem>>, vector<16xf32>,
      %get3A_485 = arith.index_cast %scan3A_356 : i32 to index
      %get3A_486 = arith.constant 224 : index
      %get3A_487 = tpu.vector_load %arg11[%get3A_485, %get3A_486] {strides = array<i32>} : memref<64x256xf32, #tpu.memory_space<vmem>>, vector<16xf32>,
      %sub3A_488 = arith.subf %get3A_484, %get3A_487 : vector<16xf32>
      %mul3A_489 = arith.mulf %sub3A_488, %sub3A_488 : vector<16xf32>
      %add3A_490 = arith.addf %add3A_481, %mul3A_489 : vector<16xf32>
      %get3A_491 = arith.index_cast %scan3A_356 : i32 to index
      %get3A_492 = arith.constant 240 : index
      %get3A_493 = tpu.vector_load %arg9[%get3A_491, %get3A_492] {strides = array<i32>} : memref<64x256xf32, #tpu.memory_space<vmem>>, vector<16xf32>,
      %get3A_494 = arith.index_cast %scan3A_356 : i32 to index
      %get3A_495 = arith.constant 240 : index
      %get3A_496 = tpu.vector_load %arg11[%get3A_494, %get3A_495] {strides = array<i32>} : memref<64x256xf32, #tpu.memory_space<vmem>>, vector<16xf32>,
      %sub3A_497 = arith.subf %get3A_493, %get3A_496 : vector<16xf32>
      %mul3A_498 = arith.mulf %sub3A_497, %sub3A_497 : vector<16xf32>
      %add3A_499 = arith.addf %add3A_490, %mul3A_498 : vector<16xf32>
      scf.yield %add3A_499 : vector<16xf32>
    }
    %scan3A_231 = arith.constant 64 : i32
    %dma_wait3A_232 = arith.constant 0 : i32
    %dma_wait3A_233 = tpu.memref_slice %arg5[%add3A_217, %dma_wait3A_232] : memref<16384x256xf32, #tpu.memory_space<hbm>> -> memref<64x256xf32, #tpu.memory_space<hbm>>
    %dma_wait3A_234 = arith.constant 0 : i32
    %dma_wait3A_235 = tpu.memref_slice %arg5[%add3A_217, %dma_wait3A_234] : memref<16384x256xf32, #tpu.memory_space<hbm>> -> memref<64x256xf32, #tpu.memory_space<hbm>>
    tpu.wait_dma2 semaphore(%arg21 : memref<!tpu.dma_semaphore, #tpu.memory_space<semaphore_mem>>) src(%arg9 : memref<64x256xf32, #tpu.memory_space<vmem>>) dst(%dma_wait3A_235 : memref<64x256xf32, #tpu.memory_space<hbm>>)
    %dma_start3A_236 = arith.constant 6 : i32
    %dma_start3A_237 = arith.constant 0 : i32
    %dma_start3A_238 = tpu.memref_slice %arg8[%dma_start3A_236, %dma_start3A_237] : memref<8x64xi32, #tpu.memory_space<vmem>> -> memref<1x64xi32, #tpu.memory_space<vmem>>
    %dma_start3A_239 = tpu.memref_squeeze %dma_start3A_238 : memref<1x64xi32, #tpu.memory_space<vmem>> -> memref<64xi32, #tpu.memory_space<vmem>>
    %dma_start3A_240 = arith.constant 0 : i32
    %dma_start3A_241 = arith.constant 0 : i32
    %dma_start3A_242 = tpu.memref_slice %arg2[%dma_start3A_240, %dma_start3A_241] : memref<8192x256xf32, #tpu.memory_space<hbm>> -> memref<8192x256xf32, #tpu.memory_space<hbm>>
    tpu.enqueue_indirect_dma source(%dma_start3A_242 : memref<8192x256xf32, #tpu.memory_space<hbm>>) target(%arg9 : memref<64x256xf32, #tpu.memory_space<vmem>>) offsets(%dma_start3A_239 : memref<64xi32, #tpu.memory_space<vmem>>) semaphore(%arg17 : memref<!tpu.dma_semaphore, #tpu.memory_space<semaphore_mem>>)
    %mul3A_243 = arith.constant 512 : i32
    %mul3A_244 = arith.muli %add3A, %mul3A_243 : i32
    %add3A_245 = arith.constant 384 : i32
    %add3A_246 = arith.addi %mul3A_244, %add3A_245 : i32
    %dma_start3A_247 = arith.constant 0 : i32
    %dma_start3A_248 = tpu.memref_slice %arg4[%add3A_246, %dma_start3A_247] : memref<16384x256xf32, #tpu.memory_space<hbm>> -> memref<64x256xf32, #tpu.memory_space<hbm>>
    %dma_start3A_249 = arith.constant 0 : i32
    %dma_start3A_250 = tpu.memref_slice %arg4[%add3A_246, %dma_start3A_249] : memref<16384x256xf32, #tpu.memory_space<hbm>> -> memref<64x256xf32, #tpu.memory_space<hbm>>
    tpu.enqueue_dma source(%dma_start3A_250 : memref<64x256xf32, #tpu.memory_space<hbm>>) target(%arg11 : memref<64x256xf32, #tpu.memory_space<vmem>>) target_semaphore(%arg19 : memref<!tpu.dma_semaphore, #tpu.memory_space<semaphore_mem>>)
    %dma_wait3A_251 = arith.constant 5 : i32
    %dma_wait3A_252 = arith.constant 0 : i32
    %dma_wait3A_253 = tpu.memref_slice %arg8[%dma_wait3A_251, %dma_wait3A_252] : memref<8x64xi32, #tpu.memory_space<vmem>> -> memref<1x64xi32, #tpu.memory_space<vmem>>
    %dma_wait3A_254 = tpu.memref_squeeze %dma_wait3A_253 : memref<1x64xi32, #tpu.memory_space<vmem>> -> memref<64xi32, #tpu.memory_space<vmem>>
    %dma_wait3A_255 = arith.constant 0 : i32
    %dma_wait3A_256 = arith.constant 0 : i32
    %dma_wait3A_257 = tpu.memref_slice %arg2[%dma_wait3A_255, %dma_wait3A_256] : memref<8192x256xf32, #tpu.memory_space<hbm>> -> memref<8192x256xf32, #tpu.memory_space<hbm>>
    tpu.wait_indirect_dma semaphore(%arg18 : memref<!tpu.dma_semaphore, #tpu.memory_space<semaphore_mem>>) src(%dma_wait3A_257 : memref<8192x256xf32, #tpu.memory_space<hbm>>) dst(%arg10 : memref<64x256xf32, #tpu.memory_space<vmem>>)
    %mul3A_258 = arith.constant 512 : i32
    %mul3A_259 = arith.muli %add3A, %mul3A_258 : i32
    %add3A_260 = arith.constant 320 : i32
    %add3A_261 = arith.addi %mul3A_259, %add3A_260 : i32
    %dma_start3A_262 = arith.constant 0 : i32
    %dma_start3A_263 = tpu.memref_slice %arg5[%add3A_261, %dma_start3A_262] : memref<16384x256xf32, #tpu.memory_space<hbm>> -> memref<64x256xf32, #tpu.memory_space<hbm>>
    %dma_start3A_264 = arith.constant 0 : i32
    %dma_start3A_265 = tpu.memref_slice %arg5[%add3A_261, %dma_start3A_264] : memref<16384x256xf32, #tpu.memory_space<hbm>> -> memref<64x256xf32, #tpu.memory_space<hbm>>
    tpu.enqueue_dma source(%arg10 : memref<64x256xf32, #tpu.memory_space<vmem>>) target(%dma_start3A_265 : memref<64x256xf32, #tpu.memory_space<hbm>>) target_semaphore(%arg22 : memref<!tpu.dma_semaphore, #tpu.memory_space<semaphore_mem>>)
    %dma_wait3A_266 = arith.constant 0 : i32
    %dma_wait3A_267 = tpu.memref_slice %arg4[%add3A_202, %dma_wait3A_266] : memref<16384x256xf32, #tpu.memory_space<hbm>> -> memref<64x256xf32, #tpu.memory_space<hbm>>
    %dma_wait3A_268 = arith.constant 0 : i32
    %dma_wait3A_269 = tpu.memref_slice %arg4[%add3A_202, %dma_wait3A_268] : memref<16384x256xf32, #tpu.memory_space<hbm>> -> memref<64x256xf32, #tpu.memory_space<hbm>>
    tpu.wait_dma2 semaphore(%arg20 : memref<!tpu.dma_semaphore, #tpu.memory_space<semaphore_mem>>) src(%dma_wait3A_269 : memref<64x256xf32, #tpu.memory_space<hbm>>) dst(%arg12 : memref<64x256xf32, #tpu.memory_space<vmem>>)
    %scan3A_270 = arith.constant 0 : i32
    %scan3A_271 = arith.constant 64 : i32
    %scan3A_272 = arith.addi %scan3A_270, %scan3A_271 : i32
    %scan3A_273 = arith.constant 1 : i32
    %scan3A_274 = scf.for %scan3A_356 = %scan3A_270 to %scan3A_272 step %scan3A_273 iter_args(%scan3A_357 = %scan3A_230) -> (vector<16xf32>)  : i32 {
      %get3A = arith.index_cast %scan3A_356 : i32 to index
      %get3A_358 = arith.constant 0 : index
      %get3A_359 = tpu.vector_load %arg10[%get3A, %get3A_358] {strides = array<i32>} : memref<64x256xf32, #tpu.memory_space<vmem>>, vector<16xf32>,
      %get3A_360 = arith.index_cast %scan3A_356 : i32 to index
      %get3A_361 = arith.constant 0 : index
      %get3A_362 = tpu.vector_load %arg12[%get3A_360, %get3A_361] {strides = array<i32>} : memref<64x256xf32, #tpu.memory_space<vmem>>, vector<16xf32>,
      %sub3A = arith.subf %get3A_359, %get3A_362 : vector<16xf32>
      %mul3A_363 = arith.mulf %sub3A, %sub3A : vector<16xf32>
      %add3A_364 = arith.addf %scan3A_357, %mul3A_363 : vector<16xf32>
      %get3A_365 = arith.index_cast %scan3A_356 : i32 to index
      %get3A_366 = arith.constant 16 : index
      %get3A_367 = tpu.vector_load %arg10[%get3A_365, %get3A_366] {strides = array<i32>} : memref<64x256xf32, #tpu.memory_space<vmem>>, vector<16xf32>,
      %get3A_368 = arith.index_cast %scan3A_356 : i32 to index
      %get3A_369 = arith.constant 16 : index
      %get3A_370 = tpu.vector_load %arg12[%get3A_368, %get3A_369] {strides = array<i32>} : memref<64x256xf32, #tpu.memory_space<vmem>>, vector<16xf32>,
      %sub3A_371 = arith.subf %get3A_367, %get3A_370 : vector<16xf32>
      %mul3A_372 = arith.mulf %sub3A_371, %sub3A_371 : vector<16xf32>
      %add3A_373 = arith.addf %add3A_364, %mul3A_372 : vector<16xf32>
      %get3A_374 = arith.index_cast %scan3A_356 : i32 to index
      %get3A_375 = arith.constant 32 : index
      %get3A_376 = tpu.vector_load %arg10[%get3A_374, %get3A_375] {strides = array<i32>} : memref<64x256xf32, #tpu.memory_space<vmem>>, vector<16xf32>,
      %get3A_377 = arith.index_cast %scan3A_356 : i32 to index
      %get3A_378 = arith.constant 32 : index
      %get3A_379 = tpu.vector_load %arg12[%get3A_377, %get3A_378] {strides = array<i32>} : memref<64x256xf32, #tpu.memory_space<vmem>>, vector<16xf32>,
      %sub3A_380 = arith.subf %get3A_376, %get3A_379 : vector<16xf32>
      %mul3A_381 = arith.mulf %sub3A_380, %sub3A_380 : vector<16xf32>
      %add3A_382 = arith.addf %add3A_373, %mul3A_381 : vector<16xf32>
      %get3A_383 = arith.index_cast %scan3A_356 : i32 to index
      %get3A_384 = arith.constant 48 : index
      %get3A_385 = tpu.vector_load %arg10[%get3A_383, %get3A_384] {strides = array<i32>} : memref<64x256xf32, #tpu.memory_space<vmem>>, vector<16xf32>,
      %get3A_386 = arith.index_cast %scan3A_356 : i32 to index
      %get3A_387 = arith.constant 48 : index
      %get3A_388 = tpu.vector_load %arg12[%get3A_386, %get3A_387] {strides = array<i32>} : memref<64x256xf32, #tpu.memory_space<vmem>>, vector<16xf32>,
      %sub3A_389 = arith.subf %get3A_385, %get3A_388 : vector<16xf32>
      %mul3A_390 = arith.mulf %sub3A_389, %sub3A_389 : vector<16xf32>
      %add3A_391 = arith.addf %add3A_382, %mul3A_390 : vector<16xf32>
      %get3A_392 = arith.index_cast %scan3A_356 : i32 to index
      %get3A_393 = arith.constant 64 : index
      %get3A_394 = tpu.vector_load %arg10[%get3A_392, %get3A_393] {strides = array<i32>} : memref<64x256xf32, #tpu.memory_space<vmem>>, vector<16xf32>,
      %get3A_395 = arith.index_cast %scan3A_356 : i32 to index
      %get3A_396 = arith.constant 64 : index
      %get3A_397 = tpu.vector_load %arg12[%get3A_395, %get3A_396] {strides = array<i32>} : memref<64x256xf32, #tpu.memory_space<vmem>>, vector<16xf32>,
      %sub3A_398 = arith.subf %get3A_394, %get3A_397 : vector<16xf32>
      %mul3A_399 = arith.mulf %sub3A_398, %sub3A_398 : vector<16xf32>
      %add3A_400 = arith.addf %add3A_391, %mul3A_399 : vector<16xf32>
      %get3A_401 = arith.index_cast %scan3A_356 : i32 to index
      %get3A_402 = arith.constant 80 : index
      %get3A_403 = tpu.vector_load %arg10[%get3A_401, %get3A_402] {strides = array<i32>} : memref<64x256xf32, #tpu.memory_space<vmem>>, vector<16xf32>,
      %get3A_404 = arith.index_cast %scan3A_356 : i32 to index
      %get3A_405 = arith.constant 80 : index
      %get3A_406 = tpu.vector_load %arg12[%get3A_404, %get3A_405] {strides = array<i32>} : memref<64x256xf32, #tpu.memory_space<vmem>>, vector<16xf32>,
      %sub3A_407 = arith.subf %get3A_403, %get3A_406 : vector<16xf32>
      %mul3A_408 = arith.mulf %sub3A_407, %sub3A_407 : vector<16xf32>
      %add3A_409 = arith.addf %add3A_400, %mul3A_408 : vector<16xf32>
      %get3A_410 = arith.index_cast %scan3A_356 : i32 to index
      %get3A_411 = arith.constant 96 : index
      %get3A_412 = tpu.vector_load %arg10[%get3A_410, %get3A_411] {strides = array<i32>} : memref<64x256xf32, #tpu.memory_space<vmem>>, vector<16xf32>,
      %get3A_413 = arith.index_cast %scan3A_356 : i32 to index
      %get3A_414 = arith.constant 96 : index
      %get3A_415 = tpu.vector_load %arg12[%get3A_413, %get3A_414] {strides = array<i32>} : memref<64x256xf32, #tpu.memory_space<vmem>>, vector<16xf32>,
      %sub3A_416 = arith.subf %get3A_412, %get3A_415 : vector<16xf32>
      %mul3A_417 = arith.mulf %sub3A_416, %sub3A_416 : vector<16xf32>
      %add3A_418 = arith.addf %add3A_409, %mul3A_417 : vector<16xf32>
      %get3A_419 = arith.index_cast %scan3A_356 : i32 to index
      %get3A_420 = arith.constant 112 : index
      %get3A_421 = tpu.vector_load %arg10[%get3A_419, %get3A_420] {strides = array<i32>} : memref<64x256xf32, #tpu.memory_space<vmem>>, vector<16xf32>,
      %get3A_422 = arith.index_cast %scan3A_356 : i32 to index
      %get3A_423 = arith.constant 112 : index
      %get3A_424 = tpu.vector_load %arg12[%get3A_422, %get3A_423] {strides = array<i32>} : memref<64x256xf32, #tpu.memory_space<vmem>>, vector<16xf32>,
      %sub3A_425 = arith.subf %get3A_421, %get3A_424 : vector<16xf32>
      %mul3A_426 = arith.mulf %sub3A_425, %sub3A_425 : vector<16xf32>
      %add3A_427 = arith.addf %add3A_418, %mul3A_426 : vector<16xf32>
      %get3A_428 = arith.index_cast %scan3A_356 : i32 to index
      %get3A_429 = arith.constant 128 : index
      %get3A_430 = tpu.vector_load %arg10[%get3A_428, %get3A_429] {strides = array<i32>} : memref<64x256xf32, #tpu.memory_space<vmem>>, vector<16xf32>,
      %get3A_431 = arith.index_cast %scan3A_356 : i32 to index
      %get3A_432 = arith.constant 128 : index
      %get3A_433 = tpu.vector_load %arg12[%get3A_431, %get3A_432] {strides = array<i32>} : memref<64x256xf32, #tpu.memory_space<vmem>>, vector<16xf32>,
      %sub3A_434 = arith.subf %get3A_430, %get3A_433 : vector<16xf32>
      %mul3A_435 = arith.mulf %sub3A_434, %sub3A_434 : vector<16xf32>
      %add3A_436 = arith.addf %add3A_427, %mul3A_435 : vector<16xf32>
      %get3A_437 = arith.index_cast %scan3A_356 : i32 to index
      %get3A_438 = arith.constant 144 : index
      %get3A_439 = tpu.vector_load %arg10[%get3A_437, %get3A_438] {strides = array<i32>} : memref<64x256xf32, #tpu.memory_space<vmem>>, vector<16xf32>,
      %get3A_440 = arith.index_cast %scan3A_356 : i32 to index
      %get3A_441 = arith.constant 144 : index
      %get3A_442 = tpu.vector_load %arg12[%get3A_440, %get3A_441] {strides = array<i32>} : memref<64x256xf32, #tpu.memory_space<vmem>>, vector<16xf32>,
      %sub3A_443 = arith.subf %get3A_439, %get3A_442 : vector<16xf32>
      %mul3A_444 = arith.mulf %sub3A_443, %sub3A_443 : vector<16xf32>
      %add3A_445 = arith.addf %add3A_436, %mul3A_444 : vector<16xf32>
      %get3A_446 = arith.index_cast %scan3A_356 : i32 to index
      %get3A_447 = arith.constant 160 : index
      %get3A_448 = tpu.vector_load %arg10[%get3A_446, %get3A_447] {strides = array<i32>} : memref<64x256xf32, #tpu.memory_space<vmem>>, vector<16xf32>,
      %get3A_449 = arith.index_cast %scan3A_356 : i32 to index
      %get3A_450 = arith.constant 160 : index
      %get3A_451 = tpu.vector_load %arg12[%get3A_449, %get3A_450] {strides = array<i32>} : memref<64x256xf32, #tpu.memory_space<vmem>>, vector<16xf32>,
      %sub3A_452 = arith.subf %get3A_448, %get3A_451 : vector<16xf32>
      %mul3A_453 = arith.mulf %sub3A_452, %sub3A_452 : vector<16xf32>
      %add3A_454 = arith.addf %add3A_445, %mul3A_453 : vector<16xf32>
      %get3A_455 = arith.index_cast %scan3A_356 : i32 to index
      %get3A_456 = arith.constant 176 : index
      %get3A_457 = tpu.vector_load %arg10[%get3A_455, %get3A_456] {strides = array<i32>} : memref<64x256xf32, #tpu.memory_space<vmem>>, vector<16xf32>,
      %get3A_458 = arith.index_cast %scan3A_356 : i32 to index
      %get3A_459 = arith.constant 176 : index
      %get3A_460 = tpu.vector_load %arg12[%get3A_458, %get3A_459] {strides = array<i32>} : memref<64x256xf32, #tpu.memory_space<vmem>>, vector<16xf32>,
      %sub3A_461 = arith.subf %get3A_457, %get3A_460 : vector<16xf32>
      %mul3A_462 = arith.mulf %sub3A_461, %sub3A_461 : vector<16xf32>
      %add3A_463 = arith.addf %add3A_454, %mul3A_462 : vector<16xf32>
      %get3A_464 = arith.index_cast %scan3A_356 : i32 to index
      %get3A_465 = arith.constant 192 : index
      %get3A_466 = tpu.vector_load %arg10[%get3A_464, %get3A_465] {strides = array<i32>} : memref<64x256xf32, #tpu.memory_space<vmem>>, vector<16xf32>,
      %get3A_467 = arith.index_cast %scan3A_356 : i32 to index
      %get3A_468 = arith.constant 192 : index
      %get3A_469 = tpu.vector_load %arg12[%get3A_467, %get3A_468] {strides = array<i32>} : memref<64x256xf32, #tpu.memory_space<vmem>>, vector<16xf32>,
      %sub3A_470 = arith.subf %get3A_466, %get3A_469 : vector<16xf32>
      %mul3A_471 = arith.mulf %sub3A_470, %sub3A_470 : vector<16xf32>
      %add3A_472 = arith.addf %add3A_463, %mul3A_471 : vector<16xf32>
      %get3A_473 = arith.index_cast %scan3A_356 : i32 to index
      %get3A_474 = arith.constant 208 : index
      %get3A_475 = tpu.vector_load %arg10[%get3A_473, %get3A_474] {strides = array<i32>} : memref<64x256xf32, #tpu.memory_space<vmem>>, vector<16xf32>,
      %get3A_476 = arith.index_cast %scan3A_356 : i32 to index
      %get3A_477 = arith.constant 208 : index
      %get3A_478 = tpu.vector_load %arg12[%get3A_476, %get3A_477] {strides = array<i32>} : memref<64x256xf32, #tpu.memory_space<vmem>>, vector<16xf32>,
      %sub3A_479 = arith.subf %get3A_475, %get3A_478 : vector<16xf32>
      %mul3A_480 = arith.mulf %sub3A_479, %sub3A_479 : vector<16xf32>
      %add3A_481 = arith.addf %add3A_472, %mul3A_480 : vector<16xf32>
      %get3A_482 = arith.index_cast %scan3A_356 : i32 to index
      %get3A_483 = arith.constant 224 : index
      %get3A_484 = tpu.vector_load %arg10[%get3A_482, %get3A_483] {strides = array<i32>} : memref<64x256xf32, #tpu.memory_space<vmem>>, vector<16xf32>,
      %get3A_485 = arith.index_cast %scan3A_356 : i32 to index
      %get3A_486 = arith.constant 224 : index
      %get3A_487 = tpu.vector_load %arg12[%get3A_485, %get3A_486] {strides = array<i32>} : memref<64x256xf32, #tpu.memory_space<vmem>>, vector<16xf32>,
      %sub3A_488 = arith.subf %get3A_484, %get3A_487 : vector<16xf32>
      %mul3A_489 = arith.mulf %sub3A_488, %sub3A_488 : vector<16xf32>
      %add3A_490 = arith.addf %add3A_481, %mul3A_489 : vector<16xf32>
      %get3A_491 = arith.index_cast %scan3A_356 : i32 to index
      %get3A_492 = arith.constant 240 : index
      %get3A_493 = tpu.vector_load %arg10[%get3A_491, %get3A_492] {strides = array<i32>} : memref<64x256xf32, #tpu.memory_space<vmem>>, vector<16xf32>,
      %get3A_494 = arith.index_cast %scan3A_356 : i32 to index
      %get3A_495 = arith.constant 240 : index
      %get3A_496 = tpu.vector_load %arg12[%get3A_494, %get3A_495] {strides = array<i32>} : memref<64x256xf32, #tpu.memory_space<vmem>>, vector<16xf32>,
      %sub3A_497 = arith.subf %get3A_493, %get3A_496 : vector<16xf32>
      %mul3A_498 = arith.mulf %sub3A_497, %sub3A_497 : vector<16xf32>
      %add3A_499 = arith.addf %add3A_490, %mul3A_498 : vector<16xf32>
      scf.yield %add3A_499 : vector<16xf32>
    }
    %scan3A_275 = arith.constant 64 : i32
    %dma_wait3A_276 = arith.constant 0 : i32
    %dma_wait3A_277 = tpu.memref_slice %arg5[%add3A_261, %dma_wait3A_276] : memref<16384x256xf32, #tpu.memory_space<hbm>> -> memref<64x256xf32, #tpu.memory_space<hbm>>
    %dma_wait3A_278 = arith.constant 0 : i32
    %dma_wait3A_279 = tpu.memref_slice %arg5[%add3A_261, %dma_wait3A_278] : memref<16384x256xf32, #tpu.memory_space<hbm>> -> memref<64x256xf32, #tpu.memory_space<hbm>>
    tpu.wait_dma2 semaphore(%arg22 : memref<!tpu.dma_semaphore, #tpu.memory_space<semaphore_mem>>) src(%arg10 : memref<64x256xf32, #tpu.memory_space<vmem>>) dst(%dma_wait3A_279 : memref<64x256xf32, #tpu.memory_space<hbm>>)
    %dma_start3A_280 = arith.constant 7 : i32
    %dma_start3A_281 = arith.constant 0 : i32
    %dma_start3A_282 = tpu.memref_slice %arg8[%dma_start3A_280, %dma_start3A_281] : memref<8x64xi32, #tpu.memory_space<vmem>> -> memref<1x64xi32, #tpu.memory_space<vmem>>
    %dma_start3A_283 = tpu.memref_squeeze %dma_start3A_282 : memref<1x64xi32, #tpu.memory_space<vmem>> -> memref<64xi32, #tpu.memory_space<vmem>>
    %dma_start3A_284 = arith.constant 0 : i32
    %dma_start3A_285 = arith.constant 0 : i32
    %dma_start3A_286 = tpu.memref_slice %arg2[%dma_start3A_284, %dma_start3A_285] : memref<8192x256xf32, #tpu.memory_space<hbm>> -> memref<8192x256xf32, #tpu.memory_space<hbm>>
    tpu.enqueue_indirect_dma source(%dma_start3A_286 : memref<8192x256xf32, #tpu.memory_space<hbm>>) target(%arg10 : memref<64x256xf32, #tpu.memory_space<vmem>>) offsets(%dma_start3A_283 : memref<64xi32, #tpu.memory_space<vmem>>) semaphore(%arg18 : memref<!tpu.dma_semaphore, #tpu.memory_space<semaphore_mem>>)
    %mul3A_287 = arith.constant 512 : i32
    %mul3A_288 = arith.muli %add3A, %mul3A_287 : i32
    %add3A_289 = arith.constant 448 : i32
    %add3A_290 = arith.addi %mul3A_288, %add3A_289 : i32
    %dma_start3A_291 = arith.constant 0 : i32
    %dma_start3A_292 = tpu.memref_slice %arg4[%add3A_290, %dma_start3A_291] : memref<16384x256xf32, #tpu.memory_space<hbm>> -> memref<64x256xf32, #tpu.memory_space<hbm>>
    %dma_start3A_293 = arith.constant 0 : i32
    %dma_start3A_294 = tpu.memref_slice %arg4[%add3A_290, %dma_start3A_293] : memref<16384x256xf32, #tpu.memory_space<hbm>> -> memref<64x256xf32, #tpu.memory_space<hbm>>
    tpu.enqueue_dma source(%dma_start3A_294 : memref<64x256xf32, #tpu.memory_space<hbm>>) target(%arg12 : memref<64x256xf32, #tpu.memory_space<vmem>>) target_semaphore(%arg20 : memref<!tpu.dma_semaphore, #tpu.memory_space<semaphore_mem>>)
    %dma_wait3A_295 = arith.constant 6 : i32
    %dma_wait3A_296 = arith.constant 0 : i32
    %dma_wait3A_297 = tpu.memref_slice %arg8[%dma_wait3A_295, %dma_wait3A_296] : memref<8x64xi32, #tpu.memory_space<vmem>> -> memref<1x64xi32, #tpu.memory_space<vmem>>
    %dma_wait3A_298 = tpu.memref_squeeze %dma_wait3A_297 : memref<1x64xi32, #tpu.memory_space<vmem>> -> memref<64xi32, #tpu.memory_space<vmem>>
    %dma_wait3A_299 = arith.constant 0 : i32
    %dma_wait3A_300 = arith.constant 0 : i32
    %dma_wait3A_301 = tpu.memref_slice %arg2[%dma_wait3A_299, %dma_wait3A_300] : memref<8192x256xf32, #tpu.memory_space<hbm>> -> memref<8192x256xf32, #tpu.memory_space<hbm>>
    tpu.wait_indirect_dma semaphore(%arg17 : memref<!tpu.dma_semaphore, #tpu.memory_space<semaphore_mem>>) src(%dma_wait3A_301 : memref<8192x256xf32, #tpu.memory_space<hbm>>) dst(%arg9 : memref<64x256xf32, #tpu.memory_space<vmem>>)
    %mul3A_302 = arith.constant 512 : i32
    %mul3A_303 = arith.muli %add3A, %mul3A_302 : i32
    %add3A_304 = arith.constant 384 : i32
    %add3A_305 = arith.addi %mul3A_303, %add3A_304 : i32
    %dma_start3A_306 = arith.constant 0 : i32
    %dma_start3A_307 = tpu.memref_slice %arg5[%add3A_305, %dma_start3A_306] : memref<16384x256xf32, #tpu.memory_space<hbm>> -> memref<64x256xf32, #tpu.memory_space<hbm>>
    %dma_start3A_308 = arith.constant 0 : i32
    %dma_start3A_309 = tpu.memref_slice %arg5[%add3A_305, %dma_start3A_308] : memref<16384x256xf32, #tpu.memory_space<hbm>> -> memref<64x256xf32, #tpu.memory_space<hbm>>
    tpu.enqueue_dma source(%arg9 : memref<64x256xf32, #tpu.memory_space<vmem>>) target(%dma_start3A_309 : memref<64x256xf32, #tpu.memory_space<hbm>>) target_semaphore(%arg21 : memref<!tpu.dma_semaphore, #tpu.memory_space<semaphore_mem>>)
    %dma_wait3A_310 = arith.constant 0 : i32
    %dma_wait3A_311 = tpu.memref_slice %arg4[%add3A_246, %dma_wait3A_310] : memref<16384x256xf32, #tpu.memory_space<hbm>> -> memref<64x256xf32, #tpu.memory_space<hbm>>
    %dma_wait3A_312 = arith.constant 0 : i32
    %dma_wait3A_313 = tpu.memref_slice %arg4[%add3A_246, %dma_wait3A_312] : memref<16384x256xf32, #tpu.memory_space<hbm>> -> memref<64x256xf32, #tpu.memory_space<hbm>>
    tpu.wait_dma2 semaphore(%arg19 : memref<!tpu.dma_semaphore, #tpu.memory_space<semaphore_mem>>) src(%dma_wait3A_313 : memref<64x256xf32, #tpu.memory_space<hbm>>) dst(%arg11 : memref<64x256xf32, #tpu.memory_space<vmem>>)
    %scan3A_314 = arith.constant 0 : i32
    %scan3A_315 = arith.constant 64 : i32
    %scan3A_316 = arith.addi %scan3A_314, %scan3A_315 : i32
    %scan3A_317 = arith.constant 1 : i32
    %scan3A_318 = scf.for %scan3A_356 = %scan3A_314 to %scan3A_316 step %scan3A_317 iter_args(%scan3A_357 = %scan3A_274) -> (vector<16xf32>)  : i32 {
      %get3A = arith.index_cast %scan3A_356 : i32 to index
      %get3A_358 = arith.constant 0 : index
      %get3A_359 = tpu.vector_load %arg9[%get3A, %get3A_358] {strides = array<i32>} : memref<64x256xf32, #tpu.memory_space<vmem>>, vector<16xf32>,
      %get3A_360 = arith.index_cast %scan3A_356 : i32 to index
      %get3A_361 = arith.constant 0 : index
      %get3A_362 = tpu.vector_load %arg11[%get3A_360, %get3A_361] {strides = array<i32>} : memref<64x256xf32, #tpu.memory_space<vmem>>, vector<16xf32>,
      %sub3A = arith.subf %get3A_359, %get3A_362 : vector<16xf32>
      %mul3A_363 = arith.mulf %sub3A, %sub3A : vector<16xf32>
      %add3A_364 = arith.addf %scan3A_357, %mul3A_363 : vector<16xf32>
      %get3A_365 = arith.index_cast %scan3A_356 : i32 to index
      %get3A_366 = arith.constant 16 : index
      %get3A_367 = tpu.vector_load %arg9[%get3A_365, %get3A_366] {strides = array<i32>} : memref<64x256xf32, #tpu.memory_space<vmem>>, vector<16xf32>,
      %get3A_368 = arith.index_cast %scan3A_356 : i32 to index
      %get3A_369 = arith.constant 16 : index
      %get3A_370 = tpu.vector_load %arg11[%get3A_368, %get3A_369] {strides = array<i32>} : memref<64x256xf32, #tpu.memory_space<vmem>>, vector<16xf32>,
      %sub3A_371 = arith.subf %get3A_367, %get3A_370 : vector<16xf32>
      %mul3A_372 = arith.mulf %sub3A_371, %sub3A_371 : vector<16xf32>
      %add3A_373 = arith.addf %add3A_364, %mul3A_372 : vector<16xf32>
      %get3A_374 = arith.index_cast %scan3A_356 : i32 to index
      %get3A_375 = arith.constant 32 : index
      %get3A_376 = tpu.vector_load %arg9[%get3A_374, %get3A_375] {strides = array<i32>} : memref<64x256xf32, #tpu.memory_space<vmem>>, vector<16xf32>,
      %get3A_377 = arith.index_cast %scan3A_356 : i32 to index
      %get3A_378 = arith.constant 32 : index
      %get3A_379 = tpu.vector_load %arg11[%get3A_377, %get3A_378] {strides = array<i32>} : memref<64x256xf32, #tpu.memory_space<vmem>>, vector<16xf32>,
      %sub3A_380 = arith.subf %get3A_376, %get3A_379 : vector<16xf32>
      %mul3A_381 = arith.mulf %sub3A_380, %sub3A_380 : vector<16xf32>
      %add3A_382 = arith.addf %add3A_373, %mul3A_381 : vector<16xf32>
      %get3A_383 = arith.index_cast %scan3A_356 : i32 to index
      %get3A_384 = arith.constant 48 : index
      %get3A_385 = tpu.vector_load %arg9[%get3A_383, %get3A_384] {strides = array<i32>} : memref<64x256xf32, #tpu.memory_space<vmem>>, vector<16xf32>,
      %get3A_386 = arith.index_cast %scan3A_356 : i32 to index
      %get3A_387 = arith.constant 48 : index
      %get3A_388 = tpu.vector_load %arg11[%get3A_386, %get3A_387] {strides = array<i32>} : memref<64x256xf32, #tpu.memory_space<vmem>>, vector<16xf32>,
      %sub3A_389 = arith.subf %get3A_385, %get3A_388 : vector<16xf32>
      %mul3A_390 = arith.mulf %sub3A_389, %sub3A_389 : vector<16xf32>
      %add3A_391 = arith.addf %add3A_382, %mul3A_390 : vector<16xf32>
      %get3A_392 = arith.index_cast %scan3A_356 : i32 to index
      %get3A_393 = arith.constant 64 : index
      %get3A_394 = tpu.vector_load %arg9[%get3A_392, %get3A_393] {strides = array<i32>} : memref<64x256xf32, #tpu.memory_space<vmem>>, vector<16xf32>,
      %get3A_395 = arith.index_cast %scan3A_356 : i32 to index
      %get3A_396 = arith.constant 64 : index
      %get3A_397 = tpu.vector_load %arg11[%get3A_395, %get3A_396] {strides = array<i32>} : memref<64x256xf32, #tpu.memory_space<vmem>>, vector<16xf32>,
      %sub3A_398 = arith.subf %get3A_394, %get3A_397 : vector<16xf32>
      %mul3A_399 = arith.mulf %sub3A_398, %sub3A_398 : vector<16xf32>
      %add3A_400 = arith.addf %add3A_391, %mul3A_399 : vector<16xf32>
      %get3A_401 = arith.index_cast %scan3A_356 : i32 to index
      %get3A_402 = arith.constant 80 : index
      %get3A_403 = tpu.vector_load %arg9[%get3A_401, %get3A_402] {strides = array<i32>} : memref<64x256xf32, #tpu.memory_space<vmem>>, vector<16xf32>,
      %get3A_404 = arith.index_cast %scan3A_356 : i32 to index
      %get3A_405 = arith.constant 80 : index
      %get3A_406 = tpu.vector_load %arg11[%get3A_404, %get3A_405] {strides = array<i32>} : memref<64x256xf32, #tpu.memory_space<vmem>>, vector<16xf32>,
      %sub3A_407 = arith.subf %get3A_403, %get3A_406 : vector<16xf32>
      %mul3A_408 = arith.mulf %sub3A_407, %sub3A_407 : vector<16xf32>
      %add3A_409 = arith.addf %add3A_400, %mul3A_408 : vector<16xf32>
      %get3A_410 = arith.index_cast %scan3A_356 : i32 to index
      %get3A_411 = arith.constant 96 : index
      %get3A_412 = tpu.vector_load %arg9[%get3A_410, %get3A_411] {strides = array<i32>} : memref<64x256xf32, #tpu.memory_space<vmem>>, vector<16xf32>,
      %get3A_413 = arith.index_cast %scan3A_356 : i32 to index
      %get3A_414 = arith.constant 96 : index
      %get3A_415 = tpu.vector_load %arg11[%get3A_413, %get3A_414] {strides = array<i32>} : memref<64x256xf32, #tpu.memory_space<vmem>>, vector<16xf32>,
      %sub3A_416 = arith.subf %get3A_412, %get3A_415 : vector<16xf32>
      %mul3A_417 = arith.mulf %sub3A_416, %sub3A_416 : vector<16xf32>
      %add3A_418 = arith.addf %add3A_409, %mul3A_417 : vector<16xf32>
      %get3A_419 = arith.index_cast %scan3A_356 : i32 to index
      %get3A_420 = arith.constant 112 : index
      %get3A_421 = tpu.vector_load %arg9[%get3A_419, %get3A_420] {strides = array<i32>} : memref<64x256xf32, #tpu.memory_space<vmem>>, vector<16xf32>,
      %get3A_422 = arith.index_cast %scan3A_356 : i32 to index
      %get3A_423 = arith.constant 112 : index
      %get3A_424 = tpu.vector_load %arg11[%get3A_422, %get3A_423] {strides = array<i32>} : memref<64x256xf32, #tpu.memory_space<vmem>>, vector<16xf32>,
      %sub3A_425 = arith.subf %get3A_421, %get3A_424 : vector<16xf32>
      %mul3A_426 = arith.mulf %sub3A_425, %sub3A_425 : vector<16xf32>
      %add3A_427 = arith.addf %add3A_418, %mul3A_426 : vector<16xf32>
      %get3A_428 = arith.index_cast %scan3A_356 : i32 to index
      %get3A_429 = arith.constant 128 : index
      %get3A_430 = tpu.vector_load %arg9[%get3A_428, %get3A_429] {strides = array<i32>} : memref<64x256xf32, #tpu.memory_space<vmem>>, vector<16xf32>,
      %get3A_431 = arith.index_cast %scan3A_356 : i32 to index
      %get3A_432 = arith.constant 128 : index
      %get3A_433 = tpu.vector_load %arg11[%get3A_431, %get3A_432] {strides = array<i32>} : memref<64x256xf32, #tpu.memory_space<vmem>>, vector<16xf32>,
      %sub3A_434 = arith.subf %get3A_430, %get3A_433 : vector<16xf32>
      %mul3A_435 = arith.mulf %sub3A_434, %sub3A_434 : vector<16xf32>
      %add3A_436 = arith.addf %add3A_427, %mul3A_435 : vector<16xf32>
      %get3A_437 = arith.index_cast %scan3A_356 : i32 to index
      %get3A_438 = arith.constant 144 : index
      %get3A_439 = tpu.vector_load %arg9[%get3A_437, %get3A_438] {strides = array<i32>} : memref<64x256xf32, #tpu.memory_space<vmem>>, vector<16xf32>,
      %get3A_440 = arith.index_cast %scan3A_356 : i32 to index
      %get3A_441 = arith.constant 144 : index
      %get3A_442 = tpu.vector_load %arg11[%get3A_440, %get3A_441] {strides = array<i32>} : memref<64x256xf32, #tpu.memory_space<vmem>>, vector<16xf32>,
      %sub3A_443 = arith.subf %get3A_439, %get3A_442 : vector<16xf32>
      %mul3A_444 = arith.mulf %sub3A_443, %sub3A_443 : vector<16xf32>
      %add3A_445 = arith.addf %add3A_436, %mul3A_444 : vector<16xf32>
      %get3A_446 = arith.index_cast %scan3A_356 : i32 to index
      %get3A_447 = arith.constant 160 : index
      %get3A_448 = tpu.vector_load %arg9[%get3A_446, %get3A_447] {strides = array<i32>} : memref<64x256xf32, #tpu.memory_space<vmem>>, vector<16xf32>,
      %get3A_449 = arith.index_cast %scan3A_356 : i32 to index
      %get3A_450 = arith.constant 160 : index
      %get3A_451 = tpu.vector_load %arg11[%get3A_449, %get3A_450] {strides = array<i32>} : memref<64x256xf32, #tpu.memory_space<vmem>>, vector<16xf32>,
      %sub3A_452 = arith.subf %get3A_448, %get3A_451 : vector<16xf32>
      %mul3A_453 = arith.mulf %sub3A_452, %sub3A_452 : vector<16xf32>
      %add3A_454 = arith.addf %add3A_445, %mul3A_453 : vector<16xf32>
      %get3A_455 = arith.index_cast %scan3A_356 : i32 to index
      %get3A_456 = arith.constant 176 : index
      %get3A_457 = tpu.vector_load %arg9[%get3A_455, %get3A_456] {strides = array<i32>} : memref<64x256xf32, #tpu.memory_space<vmem>>, vector<16xf32>,
      %get3A_458 = arith.index_cast %scan3A_356 : i32 to index
      %get3A_459 = arith.constant 176 : index
      %get3A_460 = tpu.vector_load %arg11[%get3A_458, %get3A_459] {strides = array<i32>} : memref<64x256xf32, #tpu.memory_space<vmem>>, vector<16xf32>,
      %sub3A_461 = arith.subf %get3A_457, %get3A_460 : vector<16xf32>
      %mul3A_462 = arith.mulf %sub3A_461, %sub3A_461 : vector<16xf32>
      %add3A_463 = arith.addf %add3A_454, %mul3A_462 : vector<16xf32>
      %get3A_464 = arith.index_cast %scan3A_356 : i32 to index
      %get3A_465 = arith.constant 192 : index
      %get3A_466 = tpu.vector_load %arg9[%get3A_464, %get3A_465] {strides = array<i32>} : memref<64x256xf32, #tpu.memory_space<vmem>>, vector<16xf32>,
      %get3A_467 = arith.index_cast %scan3A_356 : i32 to index
      %get3A_468 = arith.constant 192 : index
      %get3A_469 = tpu.vector_load %arg11[%get3A_467, %get3A_468] {strides = array<i32>} : memref<64x256xf32, #tpu.memory_space<vmem>>, vector<16xf32>,
      %sub3A_470 = arith.subf %get3A_466, %get3A_469 : vector<16xf32>
      %mul3A_471 = arith.mulf %sub3A_470, %sub3A_470 : vector<16xf32>
      %add3A_472 = arith.addf %add3A_463, %mul3A_471 : vector<16xf32>
      %get3A_473 = arith.index_cast %scan3A_356 : i32 to index
      %get3A_474 = arith.constant 208 : index
      %get3A_475 = tpu.vector_load %arg9[%get3A_473, %get3A_474] {strides = array<i32>} : memref<64x256xf32, #tpu.memory_space<vmem>>, vector<16xf32>,
      %get3A_476 = arith.index_cast %scan3A_356 : i32 to index
      %get3A_477 = arith.constant 208 : index
      %get3A_478 = tpu.vector_load %arg11[%get3A_476, %get3A_477] {strides = array<i32>} : memref<64x256xf32, #tpu.memory_space<vmem>>, vector<16xf32>,
      %sub3A_479 = arith.subf %get3A_475, %get3A_478 : vector<16xf32>
      %mul3A_480 = arith.mulf %sub3A_479, %sub3A_479 : vector<16xf32>
      %add3A_481 = arith.addf %add3A_472, %mul3A_480 : vector<16xf32>
      %get3A_482 = arith.index_cast %scan3A_356 : i32 to index
      %get3A_483 = arith.constant 224 : index
      %get3A_484 = tpu.vector_load %arg9[%get3A_482, %get3A_483] {strides = array<i32>} : memref<64x256xf32, #tpu.memory_space<vmem>>, vector<16xf32>,
      %get3A_485 = arith.index_cast %scan3A_356 : i32 to index
      %get3A_486 = arith.constant 224 : index
      %get3A_487 = tpu.vector_load %arg11[%get3A_485, %get3A_486] {strides = array<i32>} : memref<64x256xf32, #tpu.memory_space<vmem>>, vector<16xf32>,
      %sub3A_488 = arith.subf %get3A_484, %get3A_487 : vector<16xf32>
      %mul3A_489 = arith.mulf %sub3A_488, %sub3A_488 : vector<16xf32>
      %add3A_490 = arith.addf %add3A_481, %mul3A_489 : vector<16xf32>
      %get3A_491 = arith.index_cast %scan3A_356 : i32 to index
      %get3A_492 = arith.constant 240 : index
      %get3A_493 = tpu.vector_load %arg9[%get3A_491, %get3A_492] {strides = array<i32>} : memref<64x256xf32, #tpu.memory_space<vmem>>, vector<16xf32>,
      %get3A_494 = arith.index_cast %scan3A_356 : i32 to index
      %get3A_495 = arith.constant 240 : index
      %get3A_496 = tpu.vector_load %arg11[%get3A_494, %get3A_495] {strides = array<i32>} : memref<64x256xf32, #tpu.memory_space<vmem>>, vector<16xf32>,
      %sub3A_497 = arith.subf %get3A_493, %get3A_496 : vector<16xf32>
      %mul3A_498 = arith.mulf %sub3A_497, %sub3A_497 : vector<16xf32>
      %add3A_499 = arith.addf %add3A_490, %mul3A_498 : vector<16xf32>
      scf.yield %add3A_499 : vector<16xf32>
    }
    %scan3A_319 = arith.constant 64 : i32
    %dma_wait3A_320 = arith.constant 7 : i32
    %dma_wait3A_321 = arith.constant 0 : i32
    %dma_wait3A_322 = tpu.memref_slice %arg8[%dma_wait3A_320, %dma_wait3A_321] : memref<8x64xi32, #tpu.memory_space<vmem>> -> memref<1x64xi32, #tpu.memory_space<vmem>>
    %dma_wait3A_323 = tpu.memref_squeeze %dma_wait3A_322 : memref<1x64xi32, #tpu.memory_space<vmem>> -> memref<64xi32, #tpu.memory_space<vmem>>
    %dma_wait3A_324 = arith.constant 0 : i32
    %dma_wait3A_325 = arith.constant 0 : i32
    %dma_wait3A_326 = tpu.memref_slice %arg2[%dma_wait3A_324, %dma_wait3A_325] : memref<8192x256xf32, #tpu.memory_space<hbm>> -> memref<8192x256xf32, #tpu.memory_space<hbm>>
    tpu.wait_indirect_dma semaphore(%arg18 : memref<!tpu.dma_semaphore, #tpu.memory_space<semaphore_mem>>) src(%dma_wait3A_326 : memref<8192x256xf32, #tpu.memory_space<hbm>>) dst(%arg10 : memref<64x256xf32, #tpu.memory_space<vmem>>)
    %mul3A_327 = arith.constant 512 : i32
    %mul3A_328 = arith.muli %add3A, %mul3A_327 : i32
    %add3A_329 = arith.constant 448 : i32
    %add3A_330 = arith.addi %mul3A_328, %add3A_329 : i32
    %dma_start3A_331 = arith.constant 0 : i32
    %dma_start3A_332 = tpu.memref_slice %arg5[%add3A_330, %dma_start3A_331] : memref<16384x256xf32, #tpu.memory_space<hbm>> -> memref<64x256xf32, #tpu.memory_space<hbm>>
    %dma_start3A_333 = arith.constant 0 : i32
    %dma_start3A_334 = tpu.memref_slice %arg5[%add3A_330, %dma_start3A_333] : memref<16384x256xf32, #tpu.memory_space<hbm>> -> memref<64x256xf32, #tpu.memory_space<hbm>>
    tpu.enqueue_dma source(%arg10 : memref<64x256xf32, #tpu.memory_space<vmem>>) target(%dma_start3A_334 : memref<64x256xf32, #tpu.memory_space<hbm>>) target_semaphore(%arg22 : memref<!tpu.dma_semaphore, #tpu.memory_space<semaphore_mem>>)
    %dma_wait3A_335 = arith.constant 0 : i32
    %dma_wait3A_336 = tpu.memref_slice %arg4[%add3A_290, %dma_wait3A_335] : memref<16384x256xf32, #tpu.memory_space<hbm>> -> memref<64x256xf32, #tpu.memory_space<hbm>>
    %dma_wait3A_337 = arith.constant 0 : i32
    %dma_wait3A_338 = tpu.memref_slice %arg4[%add3A_290, %dma_wait3A_337] : memref<16384x256xf32, #tpu.memory_space<hbm>> -> memref<64x256xf32, #tpu.memory_space<hbm>>
    tpu.wait_dma2 semaphore(%arg20 : memref<!tpu.dma_semaphore, #tpu.memory_space<semaphore_mem>>) src(%dma_wait3A_338 : memref<64x256xf32, #tpu.memory_space<hbm>>) dst(%arg12 : memref<64x256xf32, #tpu.memory_space<vmem>>)
    %scan3A_339 = arith.constant 0 : i32
    %scan3A_340 = arith.constant 64 : i32
    %scan3A_341 = arith.addi %scan3A_339, %scan3A_340 : i32
    %scan3A_342 = arith.constant 1 : i32
    %scan3A_343 = scf.for %scan3A_356 = %scan3A_339 to %scan3A_341 step %scan3A_342 iter_args(%scan3A_357 = %scan3A_318) -> (vector<16xf32>)  : i32 {
      %get3A = arith.index_cast %scan3A_356 : i32 to index
      %get3A_358 = arith.constant 0 : index
      %get3A_359 = tpu.vector_load %arg10[%get3A, %get3A_358] {strides = array<i32>} : memref<64x256xf32, #tpu.memory_space<vmem>>, vector<16xf32>,
      %get3A_360 = arith.index_cast %scan3A_356 : i32 to index
      %get3A_361 = arith.constant 0 : index
      %get3A_362 = tpu.vector_load %arg12[%get3A_360, %get3A_361] {strides = array<i32>} : memref<64x256xf32, #tpu.memory_space<vmem>>, vector<16xf32>,
      %sub3A = arith.subf %get3A_359, %get3A_362 : vector<16xf32>
      %mul3A_363 = arith.mulf %sub3A, %sub3A : vector<16xf32>
      %add3A_364 = arith.addf %scan3A_357, %mul3A_363 : vector<16xf32>
      %get3A_365 = arith.index_cast %scan3A_356 : i32 to index
      %get3A_366 = arith.constant 16 : index
      %get3A_367 = tpu.vector_load %arg10[%get3A_365, %get3A_366] {strides = array<i32>} : memref<64x256xf32, #tpu.memory_space<vmem>>, vector<16xf32>,
      %get3A_368 = arith.index_cast %scan3A_356 : i32 to index
      %get3A_369 = arith.constant 16 : index
      %get3A_370 = tpu.vector_load %arg12[%get3A_368, %get3A_369] {strides = array<i32>} : memref<64x256xf32, #tpu.memory_space<vmem>>, vector<16xf32>,
      %sub3A_371 = arith.subf %get3A_367, %get3A_370 : vector<16xf32>
      %mul3A_372 = arith.mulf %sub3A_371, %sub3A_371 : vector<16xf32>
      %add3A_373 = arith.addf %add3A_364, %mul3A_372 : vector<16xf32>
      %get3A_374 = arith.index_cast %scan3A_356 : i32 to index
      %get3A_375 = arith.constant 32 : index
      %get3A_376 = tpu.vector_load %arg10[%get3A_374, %get3A_375] {strides = array<i32>} : memref<64x256xf32, #tpu.memory_space<vmem>>, vector<16xf32>,
      %get3A_377 = arith.index_cast %scan3A_356 : i32 to index
      %get3A_378 = arith.constant 32 : index
      %get3A_379 = tpu.vector_load %arg12[%get3A_377, %get3A_378] {strides = array<i32>} : memref<64x256xf32, #tpu.memory_space<vmem>>, vector<16xf32>,
      %sub3A_380 = arith.subf %get3A_376, %get3A_379 : vector<16xf32>
      %mul3A_381 = arith.mulf %sub3A_380, %sub3A_380 : vector<16xf32>
      %add3A_382 = arith.addf %add3A_373, %mul3A_381 : vector<16xf32>
      %get3A_383 = arith.index_cast %scan3A_356 : i32 to index
      %get3A_384 = arith.constant 48 : index
      %get3A_385 = tpu.vector_load %arg10[%get3A_383, %get3A_384] {strides = array<i32>} : memref<64x256xf32, #tpu.memory_space<vmem>>, vector<16xf32>,
      %get3A_386 = arith.index_cast %scan3A_356 : i32 to index
      %get3A_387 = arith.constant 48 : index
      %get3A_388 = tpu.vector_load %arg12[%get3A_386, %get3A_387] {strides = array<i32>} : memref<64x256xf32, #tpu.memory_space<vmem>>, vector<16xf32>,
      %sub3A_389 = arith.subf %get3A_385, %get3A_388 : vector<16xf32>
      %mul3A_390 = arith.mulf %sub3A_389, %sub3A_389 : vector<16xf32>
      %add3A_391 = arith.addf %add3A_382, %mul3A_390 : vector<16xf32>
      %get3A_392 = arith.index_cast %scan3A_356 : i32 to index
      %get3A_393 = arith.constant 64 : index
      %get3A_394 = tpu.vector_load %arg10[%get3A_392, %get3A_393] {strides = array<i32>} : memref<64x256xf32, #tpu.memory_space<vmem>>, vector<16xf32>,
      %get3A_395 = arith.index_cast %scan3A_356 : i32 to index
      %get3A_396 = arith.constant 64 : index
      %get3A_397 = tpu.vector_load %arg12[%get3A_395, %get3A_396] {strides = array<i32>} : memref<64x256xf32, #tpu.memory_space<vmem>>, vector<16xf32>,
      %sub3A_398 = arith.subf %get3A_394, %get3A_397 : vector<16xf32>
      %mul3A_399 = arith.mulf %sub3A_398, %sub3A_398 : vector<16xf32>
      %add3A_400 = arith.addf %add3A_391, %mul3A_399 : vector<16xf32>
      %get3A_401 = arith.index_cast %scan3A_356 : i32 to index
      %get3A_402 = arith.constant 80 : index
      %get3A_403 = tpu.vector_load %arg10[%get3A_401, %get3A_402] {strides = array<i32>} : memref<64x256xf32, #tpu.memory_space<vmem>>, vector<16xf32>,
      %get3A_404 = arith.index_cast %scan3A_356 : i32 to index
      %get3A_405 = arith.constant 80 : index
      %get3A_406 = tpu.vector_load %arg12[%get3A_404, %get3A_405] {strides = array<i32>} : memref<64x256xf32, #tpu.memory_space<vmem>>, vector<16xf32>,
      %sub3A_407 = arith.subf %get3A_403, %get3A_406 : vector<16xf32>
      %mul3A_408 = arith.mulf %sub3A_407, %sub3A_407 : vector<16xf32>
      %add3A_409 = arith.addf %add3A_400, %mul3A_408 : vector<16xf32>
      %get3A_410 = arith.index_cast %scan3A_356 : i32 to index
      %get3A_411 = arith.constant 96 : index
      %get3A_412 = tpu.vector_load %arg10[%get3A_410, %get3A_411] {strides = array<i32>} : memref<64x256xf32, #tpu.memory_space<vmem>>, vector<16xf32>,
      %get3A_413 = arith.index_cast %scan3A_356 : i32 to index
      %get3A_414 = arith.constant 96 : index
      %get3A_415 = tpu.vector_load %arg12[%get3A_413, %get3A_414] {strides = array<i32>} : memref<64x256xf32, #tpu.memory_space<vmem>>, vector<16xf32>,
      %sub3A_416 = arith.subf %get3A_412, %get3A_415 : vector<16xf32>
      %mul3A_417 = arith.mulf %sub3A_416, %sub3A_416 : vector<16xf32>
      %add3A_418 = arith.addf %add3A_409, %mul3A_417 : vector<16xf32>
      %get3A_419 = arith.index_cast %scan3A_356 : i32 to index
      %get3A_420 = arith.constant 112 : index
      %get3A_421 = tpu.vector_load %arg10[%get3A_419, %get3A_420] {strides = array<i32>} : memref<64x256xf32, #tpu.memory_space<vmem>>, vector<16xf32>,
      %get3A_422 = arith.index_cast %scan3A_356 : i32 to index
      %get3A_423 = arith.constant 112 : index
      %get3A_424 = tpu.vector_load %arg12[%get3A_422, %get3A_423] {strides = array<i32>} : memref<64x256xf32, #tpu.memory_space<vmem>>, vector<16xf32>,
      %sub3A_425 = arith.subf %get3A_421, %get3A_424 : vector<16xf32>
      %mul3A_426 = arith.mulf %sub3A_425, %sub3A_425 : vector<16xf32>
      %add3A_427 = arith.addf %add3A_418, %mul3A_426 : vector<16xf32>
      %get3A_428 = arith.index_cast %scan3A_356 : i32 to index
      %get3A_429 = arith.constant 128 : index
      %get3A_430 = tpu.vector_load %arg10[%get3A_428, %get3A_429] {strides = array<i32>} : memref<64x256xf32, #tpu.memory_space<vmem>>, vector<16xf32>,
      %get3A_431 = arith.index_cast %scan3A_356 : i32 to index
      %get3A_432 = arith.constant 128 : index
      %get3A_433 = tpu.vector_load %arg12[%get3A_431, %get3A_432] {strides = array<i32>} : memref<64x256xf32, #tpu.memory_space<vmem>>, vector<16xf32>,
      %sub3A_434 = arith.subf %get3A_430, %get3A_433 : vector<16xf32>
      %mul3A_435 = arith.mulf %sub3A_434, %sub3A_434 : vector<16xf32>
      %add3A_436 = arith.addf %add3A_427, %mul3A_435 : vector<16xf32>
      %get3A_437 = arith.index_cast %scan3A_356 : i32 to index
      %get3A_438 = arith.constant 144 : index
      %get3A_439 = tpu.vector_load %arg10[%get3A_437, %get3A_438] {strides = array<i32>} : memref<64x256xf32, #tpu.memory_space<vmem>>, vector<16xf32>,
      %get3A_440 = arith.index_cast %scan3A_356 : i32 to index
      %get3A_441 = arith.constant 144 : index
      %get3A_442 = tpu.vector_load %arg12[%get3A_440, %get3A_441] {strides = array<i32>} : memref<64x256xf32, #tpu.memory_space<vmem>>, vector<16xf32>,
      %sub3A_443 = arith.subf %get3A_439, %get3A_442 : vector<16xf32>
      %mul3A_444 = arith.mulf %sub3A_443, %sub3A_443 : vector<16xf32>
      %add3A_445 = arith.addf %add3A_436, %mul3A_444 : vector<16xf32>
      %get3A_446 = arith.index_cast %scan3A_356 : i32 to index
      %get3A_447 = arith.constant 160 : index
      %get3A_448 = tpu.vector_load %arg10[%get3A_446, %get3A_447] {strides = array<i32>} : memref<64x256xf32, #tpu.memory_space<vmem>>, vector<16xf32>,
      %get3A_449 = arith.index_cast %scan3A_356 : i32 to index
      %get3A_450 = arith.constant 160 : index
      %get3A_451 = tpu.vector_load %arg12[%get3A_449, %get3A_450] {strides = array<i32>} : memref<64x256xf32, #tpu.memory_space<vmem>>, vector<16xf32>,
      %sub3A_452 = arith.subf %get3A_448, %get3A_451 : vector<16xf32>
      %mul3A_453 = arith.mulf %sub3A_452, %sub3A_452 : vector<16xf32>
      %add3A_454 = arith.addf %add3A_445, %mul3A_453 : vector<16xf32>
      %get3A_455 = arith.index_cast %scan3A_356 : i32 to index
      %get3A_456 = arith.constant 176 : index
      %get3A_457 = tpu.vector_load %arg10[%get3A_455, %get3A_456] {strides = array<i32>} : memref<64x256xf32, #tpu.memory_space<vmem>>, vector<16xf32>,
      %get3A_458 = arith.index_cast %scan3A_356 : i32 to index
      %get3A_459 = arith.constant 176 : index
      %get3A_460 = tpu.vector_load %arg12[%get3A_458, %get3A_459] {strides = array<i32>} : memref<64x256xf32, #tpu.memory_space<vmem>>, vector<16xf32>,
      %sub3A_461 = arith.subf %get3A_457, %get3A_460 : vector<16xf32>
      %mul3A_462 = arith.mulf %sub3A_461, %sub3A_461 : vector<16xf32>
      %add3A_463 = arith.addf %add3A_454, %mul3A_462 : vector<16xf32>
      %get3A_464 = arith.index_cast %scan3A_356 : i32 to index
      %get3A_465 = arith.constant 192 : index
      %get3A_466 = tpu.vector_load %arg10[%get3A_464, %get3A_465] {strides = array<i32>} : memref<64x256xf32, #tpu.memory_space<vmem>>, vector<16xf32>,
      %get3A_467 = arith.index_cast %scan3A_356 : i32 to index
      %get3A_468 = arith.constant 192 : index
      %get3A_469 = tpu.vector_load %arg12[%get3A_467, %get3A_468] {strides = array<i32>} : memref<64x256xf32, #tpu.memory_space<vmem>>, vector<16xf32>,
      %sub3A_470 = arith.subf %get3A_466, %get3A_469 : vector<16xf32>
      %mul3A_471 = arith.mulf %sub3A_470, %sub3A_470 : vector<16xf32>
      %add3A_472 = arith.addf %add3A_463, %mul3A_471 : vector<16xf32>
      %get3A_473 = arith.index_cast %scan3A_356 : i32 to index
      %get3A_474 = arith.constant 208 : index
      %get3A_475 = tpu.vector_load %arg10[%get3A_473, %get3A_474] {strides = array<i32>} : memref<64x256xf32, #tpu.memory_space<vmem>>, vector<16xf32>,
      %get3A_476 = arith.index_cast %scan3A_356 : i32 to index
      %get3A_477 = arith.constant 208 : index
      %get3A_478 = tpu.vector_load %arg12[%get3A_476, %get3A_477] {strides = array<i32>} : memref<64x256xf32, #tpu.memory_space<vmem>>, vector<16xf32>,
      %sub3A_479 = arith.subf %get3A_475, %get3A_478 : vector<16xf32>
      %mul3A_480 = arith.mulf %sub3A_479, %sub3A_479 : vector<16xf32>
      %add3A_481 = arith.addf %add3A_472, %mul3A_480 : vector<16xf32>
      %get3A_482 = arith.index_cast %scan3A_356 : i32 to index
      %get3A_483 = arith.constant 224 : index
      %get3A_484 = tpu.vector_load %arg10[%get3A_482, %get3A_483] {strides = array<i32>} : memref<64x256xf32, #tpu.memory_space<vmem>>, vector<16xf32>,
      %get3A_485 = arith.index_cast %scan3A_356 : i32 to index
      %get3A_486 = arith.constant 224 : index
      %get3A_487 = tpu.vector_load %arg12[%get3A_485, %get3A_486] {strides = array<i32>} : memref<64x256xf32, #tpu.memory_space<vmem>>, vector<16xf32>,
      %sub3A_488 = arith.subf %get3A_484, %get3A_487 : vector<16xf32>
      %mul3A_489 = arith.mulf %sub3A_488, %sub3A_488 : vector<16xf32>
      %add3A_490 = arith.addf %add3A_481, %mul3A_489 : vector<16xf32>
      %get3A_491 = arith.index_cast %scan3A_356 : i32 to index
      %get3A_492 = arith.constant 240 : index
      %get3A_493 = tpu.vector_load %arg10[%get3A_491, %get3A_492] {strides = array<i32>} : memref<64x256xf32, #tpu.memory_space<vmem>>, vector<16xf32>,
      %get3A_494 = arith.index_cast %scan3A_356 : i32 to index
      %get3A_495 = arith.constant 240 : index
      %get3A_496 = tpu.vector_load %arg12[%get3A_494, %get3A_495] {strides = array<i32>} : memref<64x256xf32, #tpu.memory_space<vmem>>, vector<16xf32>,
      %sub3A_497 = arith.subf %get3A_493, %get3A_496 : vector<16xf32>
      %mul3A_498 = arith.mulf %sub3A_497, %sub3A_497 : vector<16xf32>
      %add3A_499 = arith.addf %add3A_490, %mul3A_498 : vector<16xf32>
      scf.yield %add3A_499 : vector<16xf32>
    }
    %scan3A_344 = arith.constant 64 : i32
    %dma_wait3A_345 = arith.constant 0 : i32
    %dma_wait3A_346 = tpu.memref_slice %arg5[%add3A_305, %dma_wait3A_345] : memref<16384x256xf32, #tpu.memory_space<hbm>> -> memref<64x256xf32, #tpu.memory_space<hbm>>
    %dma_wait3A_347 = arith.constant 0 : i32
    %dma_wait3A_348 = tpu.memref_slice %arg5[%add3A_305, %dma_wait3A_347] : memref<16384x256xf32, #tpu.memory_space<hbm>> -> memref<64x256xf32, #tpu.memory_space<hbm>>
    tpu.wait_dma2 semaphore(%arg21 : memref<!tpu.dma_semaphore, #tpu.memory_space<semaphore_mem>>) src(%arg9 : memref<64x256xf32, #tpu.memory_space<vmem>>) dst(%dma_wait3A_348 : memref<64x256xf32, #tpu.memory_space<hbm>>)
    %dma_wait3A_349 = arith.constant 0 : i32
    %dma_wait3A_350 = tpu.memref_slice %arg5[%add3A_330, %dma_wait3A_349] : memref<16384x256xf32, #tpu.memory_space<hbm>> -> memref<64x256xf32, #tpu.memory_space<hbm>>
    %dma_wait3A_351 = arith.constant 0 : i32
    %dma_wait3A_352 = tpu.memref_slice %arg5[%add3A_330, %dma_wait3A_351] : memref<16384x256xf32, #tpu.memory_space<hbm>> -> memref<64x256xf32, #tpu.memory_space<hbm>>
    tpu.wait_dma2 semaphore(%arg22 : memref<!tpu.dma_semaphore, #tpu.memory_space<semaphore_mem>>) src(%arg10 : memref<64x256xf32, #tpu.memory_space<vmem>>) dst(%dma_wait3A_352 : memref<64x256xf32, #tpu.memory_space<hbm>>)
    %swap3A = arith.constant 0 : index
    %swap3A_353 = tpu.vector_load %arg15[%swap3A] {strides = array<i32>} : memref<16xf32, #tpu.memory_space<vmem>>, vector<16xf32>,
    tpu.vector_store %arg15[%swap3A], %scan3A_343 {strides = array<i32>} : memref<16xf32, #tpu.memory_space<vmem>>, vector<16xf32>,
    "tpu.region"() ({
      %run_scoped3A = tpu.sem_alloc : memref<!tpu.dma_semaphore, #tpu.memory_space<semaphore_mem>>
      %dma_start3A_356 = arith.constant 0 : i32
      %dma_start3A_357 = tpu.memref_slice %arg6[%add3A, %dma_start3A_356] : memref<32x16xf32, #tpu.memory_space<hbm>> -> memref<1x16xf32, #tpu.memory_space<hbm>>
      %dma_start3A_358 = tpu.memref_squeeze %dma_start3A_357 : memref<1x16xf32, #tpu.memory_space<hbm>> -> memref<16xf32, #tpu.memory_space<hbm>>
      %dma_start3A_359 = arith.constant 0 : i32
      %dma_start3A_360 = tpu.memref_slice %arg6[%add3A, %dma_start3A_359] : memref<32x16xf32, #tpu.memory_space<hbm>> -> memref<1x16xf32, #tpu.memory_space<hbm>>
      %dma_start3A_361 = tpu.memref_squeeze %dma_start3A_360 : memref<1x16xf32, #tpu.memory_space<hbm>> -> memref<16xf32, #tpu.memory_space<hbm>>
      tpu.enqueue_dma source(%arg15 : memref<16xf32, #tpu.memory_space<vmem>>) target(%dma_start3A_361 : memref<16xf32, #tpu.memory_space<hbm>>) target_semaphore(%run_scoped3A : memref<!tpu.dma_semaphore, #tpu.memory_space<semaphore_mem>>)
      %dma_wait3A_362 = arith.constant 0 : i32
      %dma_wait3A_363 = tpu.memref_slice %arg6[%add3A, %dma_wait3A_362] : memref<32x16xf32, #tpu.memory_space<hbm>> -> memref<1x16xf32, #tpu.memory_space<hbm>>
      %dma_wait3A_364 = tpu.memref_squeeze %dma_wait3A_363 : memref<1x16xf32, #tpu.memory_space<hbm>> -> memref<16xf32, #tpu.memory_space<hbm>>
      %dma_wait3A_365 = arith.constant 0 : i32
      %dma_wait3A_366 = tpu.memref_slice %arg6[%add3A, %dma_wait3A_365] : memref<32x16xf32, #tpu.memory_space<hbm>> -> memref<1x16xf32, #tpu.memory_space<hbm>>
      %dma_wait3A_367 = tpu.memref_squeeze %dma_wait3A_366 : memref<1x16xf32, #tpu.memory_space<hbm>> -> memref<16xf32, #tpu.memory_space<hbm>>
      tpu.wait_dma2 semaphore(%run_scoped3A : memref<!tpu.dma_semaphore, #tpu.memory_space<semaphore_mem>>) src(%arg15 : memref<16xf32, #tpu.memory_space<vmem>>) dst(%dma_wait3A_367 : memref<16xf32, #tpu.memory_space<hbm>>)
      tpu.yield
    }) : () -> ()
    %lt3A = arith.constant 16 : i32
    %lt3A_354 = arith.cmpi slt, %add3A, %lt3A : i32
    %convert_element_type3A = arith.extui %lt3A_354 : i1 to i32
    %cond3A = arith.constant 0 : i32
    %cond3A_355 = arith.cmpi ne, %convert_element_type3A, %cond3A : i32
    scf.if %cond3A_355 {
      %mul3A_356 = arith.constant 16 : i32
      %mul3A_357 = arith.muli %add3A, %mul3A_356 : i32
      "tpu.region"() ({
        %run_scoped3A = tpu.sem_alloc : memref<!tpu.dma_semaphore, #tpu.memory_space<semaphore_mem>>
        %dma_start3A_632 = arith.constant 0 : i32
        %dma_start3A_633 = tpu.memref_slice %arg3[%mul3A_357, %dma_start3A_632] : memref<256x64xi32, #tpu.memory_space<hbm>> -> memref<16x64xi32, #tpu.memory_space<hbm>>
        %dma_start3A_634 = arith.constant 0 : i32
        %dma_start3A_635 = tpu.memref_slice %arg3[%mul3A_357, %dma_start3A_634] : memref<256x64xi32, #tpu.memory_space<hbm>> -> memref<16x64xi32, #tpu.memory_space<hbm>>
        tpu.enqueue_dma source(%dma_start3A_635 : memref<16x64xi32, #tpu.memory_space<hbm>>) target(%arg13 : memref<16x64xi32, #tpu.memory_space<vmem>>) target_semaphore(%run_scoped3A : memref<!tpu.dma_semaphore, #tpu.memory_space<semaphore_mem>>)
        %dma_wait3A_636 = arith.constant 0 : i32
        %dma_wait3A_637 = tpu.memref_slice %arg3[%mul3A_357, %dma_wait3A_636] : memref<256x64xi32, #tpu.memory_space<hbm>> -> memref<16x64xi32, #tpu.memory_space<hbm>>
        %dma_wait3A_638 = arith.constant 0 : i32
        %dma_wait3A_639 = tpu.memref_slice %arg3[%mul3A_357, %dma_wait3A_638] : memref<256x64xi32, #tpu.memory_space<hbm>> -> memref<16x64xi32, #tpu.memory_space<hbm>>
        tpu.wait_dma2 semaphore(%run_scoped3A : memref<!tpu.dma_semaphore, #tpu.memory_space<semaphore_mem>>) src(%dma_wait3A_639 : memref<16x64xi32, #tpu.memory_space<hbm>>) dst(%arg13 : memref<16x64xi32, #tpu.memory_space<vmem>>)
        tpu.yield
      }) : () -> ()
      %scan3A_358 = arith.constant 0 : i32
      %scan3A_359 = arith.constant 0 : i32
      %scan3A_360 = arith.constant 512 : i32
      %scan3A_361 = arith.addi %scan3A_359, %scan3A_360 : i32
      %scan3A_362 = arith.constant 1 : i32
      %scan3A_363 = scf.for %scan3A_632 = %scan3A_359 to %scan3A_361 step %scan3A_362 iter_args(%scan3A_633 = %scan3A_358) -> (i32)  : i32 {
        %broadcast_in_dim3A_634 = arith.constant 0.000000e+00 : f32
        %broadcast_in_dim3A_635 = vector.broadcast %broadcast_in_dim3A_634 : f32 to vector<16xf32>
        %mul3A_636 = arith.constant 16 : i32
        %mul3A_637 = arith.muli %scan3A_632, %mul3A_636 : i32
        %swap3A_638 = arith.index_cast %mul3A_637 : i32 to index
        %swap3A_639 = tpu.vector_load %arg14[%swap3A_638] {strides = array<i32>} : memref<8192xf32, #tpu.memory_space<vmem>>, vector<16xf32>,
        tpu.vector_store %arg14[%swap3A_638], %broadcast_in_dim3A_635 {strides = array<i32>} : memref<8192xf32, #tpu.memory_space<vmem>>, vector<16xf32>,
        %scan3A_640 = arith.constant 0 : i32
        scf.yield %scan3A_640 : i32
      }
      %scan3A_364 = arith.constant 512 : i32
      %broadcast_in_dim3A_365 = arith.constant 1.000000e+00 : f32
      %broadcast_in_dim3A_366 = vector.broadcast %broadcast_in_dim3A_365 : f32 to vector<16xf32>
      %get3A = arith.constant 0 : i32
      %get3A_367 = arith.index_cast %get3A : i32 to index
      %get3A_368 = arith.constant 0 : index
      %get3A_369 = tpu.vector_load %arg13[%get3A_367, %get3A_368] {strides = array<i32>} : memref<16x64xi32, #tpu.memory_space<vmem>>, vector<16xi32>,
      tpu.vector_store_idx %arg14[%get3A_369], %broadcast_in_dim3A_366 : memref<8192xf32, #tpu.memory_space<vmem>>[vector<16xi32>], vector<16xf32>,
      %get3A_370 = arith.constant 0 : i32
      %get3A_371 = arith.index_cast %get3A_370 : i32 to index
      %get3A_372 = arith.constant 16 : index
      %get3A_373 = tpu.vector_load %arg13[%get3A_371, %get3A_372] {strides = array<i32>} : memref<16x64xi32, #tpu.memory_space<vmem>>, vector<16xi32>,
      tpu.vector_store_idx %arg14[%get3A_373], %broadcast_in_dim3A_366 : memref<8192xf32, #tpu.memory_space<vmem>>[vector<16xi32>], vector<16xf32>,
      %get3A_374 = arith.constant 0 : i32
      %get3A_375 = arith.index_cast %get3A_374 : i32 to index
      %get3A_376 = arith.constant 32 : index
      %get3A_377 = tpu.vector_load %arg13[%get3A_375, %get3A_376] {strides = array<i32>} : memref<16x64xi32, #tpu.memory_space<vmem>>, vector<16xi32>,
      tpu.vector_store_idx %arg14[%get3A_377], %broadcast_in_dim3A_366 : memref<8192xf32, #tpu.memory_space<vmem>>[vector<16xi32>], vector<16xf32>,
      %get3A_378 = arith.constant 0 : i32
      %get3A_379 = arith.index_cast %get3A_378 : i32 to index
      %get3A_380 = arith.constant 48 : index
      %get3A_381 = tpu.vector_load %arg13[%get3A_379, %get3A_380] {strides = array<i32>} : memref<16x64xi32, #tpu.memory_space<vmem>>, vector<16xi32>,
      tpu.vector_store_idx %arg14[%get3A_381], %broadcast_in_dim3A_366 : memref<8192xf32, #tpu.memory_space<vmem>>[vector<16xi32>], vector<16xf32>,
      %get3A_382 = arith.constant 1 : i32
      %get3A_383 = arith.index_cast %get3A_382 : i32 to index
      %get3A_384 = arith.constant 0 : index
      %get3A_385 = tpu.vector_load %arg13[%get3A_383, %get3A_384] {strides = array<i32>} : memref<16x64xi32, #tpu.memory_space<vmem>>, vector<16xi32>,
      tpu.vector_store_idx %arg14[%get3A_385], %broadcast_in_dim3A_366 : memref<8192xf32, #tpu.memory_space<vmem>>[vector<16xi32>], vector<16xf32>,
      %get3A_386 = arith.constant 1 : i32
      %get3A_387 = arith.index_cast %get3A_386 : i32 to index
      %get3A_388 = arith.constant 16 : index
      %get3A_389 = tpu.vector_load %arg13[%get3A_387, %get3A_388] {strides = array<i32>} : memref<16x64xi32, #tpu.memory_space<vmem>>, vector<16xi32>,
      tpu.vector_store_idx %arg14[%get3A_389], %broadcast_in_dim3A_366 : memref<8192xf32, #tpu.memory_space<vmem>>[vector<16xi32>], vector<16xf32>,
      %get3A_390 = arith.constant 1 : i32
      %get3A_391 = arith.index_cast %get3A_390 : i32 to index
      %get3A_392 = arith.constant 32 : index
      %get3A_393 = tpu.vector_load %arg13[%get3A_391, %get3A_392] {strides = array<i32>} : memref<16x64xi32, #tpu.memory_space<vmem>>, vector<16xi32>,
      tpu.vector_store_idx %arg14[%get3A_393], %broadcast_in_dim3A_366 : memref<8192xf32, #tpu.memory_space<vmem>>[vector<16xi32>], vector<16xf32>,
      %get3A_394 = arith.constant 1 : i32
      %get3A_395 = arith.index_cast %get3A_394 : i32 to index
      %get3A_396 = arith.constant 48 : index
      %get3A_397 = tpu.vector_load %arg13[%get3A_395, %get3A_396] {strides = array<i32>} : memref<16x64xi32, #tpu.memory_space<vmem>>, vector<16xi32>,
      tpu.vector_store_idx %arg14[%get3A_397], %broadcast_in_dim3A_366 : memref<8192xf32, #tpu.memory_space<vmem>>[vector<16xi32>], vector<16xf32>,
      %get3A_398 = arith.constant 2 : i32
      %get3A_399 = arith.index_cast %get3A_398 : i32 to index
      %get3A_400 = arith.constant 0 : index
      %get3A_401 = tpu.vector_load %arg13[%get3A_399, %get3A_400] {strides = array<i32>} : memref<16x64xi32, #tpu.memory_space<vmem>>, vector<16xi32>,
      tpu.vector_store_idx %arg14[%get3A_401], %broadcast_in_dim3A_366 : memref<8192xf32, #tpu.memory_space<vmem>>[vector<16xi32>], vector<16xf32>,
      %get3A_402 = arith.constant 2 : i32
      %get3A_403 = arith.index_cast %get3A_402 : i32 to index
      %get3A_404 = arith.constant 16 : index
      %get3A_405 = tpu.vector_load %arg13[%get3A_403, %get3A_404] {strides = array<i32>} : memref<16x64xi32, #tpu.memory_space<vmem>>, vector<16xi32>,
      tpu.vector_store_idx %arg14[%get3A_405], %broadcast_in_dim3A_366 : memref<8192xf32, #tpu.memory_space<vmem>>[vector<16xi32>], vector<16xf32>,
      %get3A_406 = arith.constant 2 : i32
      %get3A_407 = arith.index_cast %get3A_406 : i32 to index
      %get3A_408 = arith.constant 32 : index
      %get3A_409 = tpu.vector_load %arg13[%get3A_407, %get3A_408] {strides = array<i32>} : memref<16x64xi32, #tpu.memory_space<vmem>>, vector<16xi32>,
      tpu.vector_store_idx %arg14[%get3A_409], %broadcast_in_dim3A_366 : memref<8192xf32, #tpu.memory_space<vmem>>[vector<16xi32>], vector<16xf32>,
      %get3A_410 = arith.constant 2 : i32
      %get3A_411 = arith.index_cast %get3A_410 : i32 to index
      %get3A_412 = arith.constant 48 : index
      %get3A_413 = tpu.vector_load %arg13[%get3A_411, %get3A_412] {strides = array<i32>} : memref<16x64xi32, #tpu.memory_space<vmem>>, vector<16xi32>,
      tpu.vector_store_idx %arg14[%get3A_413], %broadcast_in_dim3A_366 : memref<8192xf32, #tpu.memory_space<vmem>>[vector<16xi32>], vector<16xf32>,
      %get3A_414 = arith.constant 3 : i32
      %get3A_415 = arith.index_cast %get3A_414 : i32 to index
      %get3A_416 = arith.constant 0 : index
      %get3A_417 = tpu.vector_load %arg13[%get3A_415, %get3A_416] {strides = array<i32>} : memref<16x64xi32, #tpu.memory_space<vmem>>, vector<16xi32>,
      tpu.vector_store_idx %arg14[%get3A_417], %broadcast_in_dim3A_366 : memref<8192xf32, #tpu.memory_space<vmem>>[vector<16xi32>], vector<16xf32>,
      %get3A_418 = arith.constant 3 : i32
      %get3A_419 = arith.index_cast %get3A_418 : i32 to index
      %get3A_420 = arith.constant 16 : index
      %get3A_421 = tpu.vector_load %arg13[%get3A_419, %get3A_420] {strides = array<i32>} : memref<16x64xi32, #tpu.memory_space<vmem>>, vector<16xi32>,
      tpu.vector_store_idx %arg14[%get3A_421], %broadcast_in_dim3A_366 : memref<8192xf32, #tpu.memory_space<vmem>>[vector<16xi32>], vector<16xf32>,
      %get3A_422 = arith.constant 3 : i32
      %get3A_423 = arith.index_cast %get3A_422 : i32 to index
      %get3A_424 = arith.constant 32 : index
      %get3A_425 = tpu.vector_load %arg13[%get3A_423, %get3A_424] {strides = array<i32>} : memref<16x64xi32, #tpu.memory_space<vmem>>, vector<16xi32>,
      tpu.vector_store_idx %arg14[%get3A_425], %broadcast_in_dim3A_366 : memref<8192xf32, #tpu.memory_space<vmem>>[vector<16xi32>], vector<16xf32>,
      %get3A_426 = arith.constant 3 : i32
      %get3A_427 = arith.index_cast %get3A_426 : i32 to index
      %get3A_428 = arith.constant 48 : index
      %get3A_429 = tpu.vector_load %arg13[%get3A_427, %get3A_428] {strides = array<i32>} : memref<16x64xi32, #tpu.memory_space<vmem>>, vector<16xi32>,
      tpu.vector_store_idx %arg14[%get3A_429], %broadcast_in_dim3A_366 : memref<8192xf32, #tpu.memory_space<vmem>>[vector<16xi32>], vector<16xf32>,
      %get3A_430 = arith.constant 4 : i32
      %get3A_431 = arith.index_cast %get3A_430 : i32 to index
      %get3A_432 = arith.constant 0 : index
      %get3A_433 = tpu.vector_load %arg13[%get3A_431, %get3A_432] {strides = array<i32>} : memref<16x64xi32, #tpu.memory_space<vmem>>, vector<16xi32>,
      tpu.vector_store_idx %arg14[%get3A_433], %broadcast_in_dim3A_366 : memref<8192xf32, #tpu.memory_space<vmem>>[vector<16xi32>], vector<16xf32>,
      %get3A_434 = arith.constant 4 : i32
      %get3A_435 = arith.index_cast %get3A_434 : i32 to index
      %get3A_436 = arith.constant 16 : index
      %get3A_437 = tpu.vector_load %arg13[%get3A_435, %get3A_436] {strides = array<i32>} : memref<16x64xi32, #tpu.memory_space<vmem>>, vector<16xi32>,
      tpu.vector_store_idx %arg14[%get3A_437], %broadcast_in_dim3A_366 : memref<8192xf32, #tpu.memory_space<vmem>>[vector<16xi32>], vector<16xf32>,
      %get3A_438 = arith.constant 4 : i32
      %get3A_439 = arith.index_cast %get3A_438 : i32 to index
      %get3A_440 = arith.constant 32 : index
      %get3A_441 = tpu.vector_load %arg13[%get3A_439, %get3A_440] {strides = array<i32>} : memref<16x64xi32, #tpu.memory_space<vmem>>, vector<16xi32>,
      tpu.vector_store_idx %arg14[%get3A_441], %broadcast_in_dim3A_366 : memref<8192xf32, #tpu.memory_space<vmem>>[vector<16xi32>], vector<16xf32>,
      %get3A_442 = arith.constant 4 : i32
      %get3A_443 = arith.index_cast %get3A_442 : i32 to index
      %get3A_444 = arith.constant 48 : index
      %get3A_445 = tpu.vector_load %arg13[%get3A_443, %get3A_444] {strides = array<i32>} : memref<16x64xi32, #tpu.memory_space<vmem>>, vector<16xi32>,
      tpu.vector_store_idx %arg14[%get3A_445], %broadcast_in_dim3A_366 : memref<8192xf32, #tpu.memory_space<vmem>>[vector<16xi32>], vector<16xf32>,
      %get3A_446 = arith.constant 5 : i32
      %get3A_447 = arith.index_cast %get3A_446 : i32 to index
      %get3A_448 = arith.constant 0 : index
      %get3A_449 = tpu.vector_load %arg13[%get3A_447, %get3A_448] {strides = array<i32>} : memref<16x64xi32, #tpu.memory_space<vmem>>, vector<16xi32>,
      tpu.vector_store_idx %arg14[%get3A_449], %broadcast_in_dim3A_366 : memref<8192xf32, #tpu.memory_space<vmem>>[vector<16xi32>], vector<16xf32>,
      %get3A_450 = arith.constant 5 : i32
      %get3A_451 = arith.index_cast %get3A_450 : i32 to index
      %get3A_452 = arith.constant 16 : index
      %get3A_453 = tpu.vector_load %arg13[%get3A_451, %get3A_452] {strides = array<i32>} : memref<16x64xi32, #tpu.memory_space<vmem>>, vector<16xi32>,
      tpu.vector_store_idx %arg14[%get3A_453], %broadcast_in_dim3A_366 : memref<8192xf32, #tpu.memory_space<vmem>>[vector<16xi32>], vector<16xf32>,
      %get3A_454 = arith.constant 5 : i32
      %get3A_455 = arith.index_cast %get3A_454 : i32 to index
      %get3A_456 = arith.constant 32 : index
      %get3A_457 = tpu.vector_load %arg13[%get3A_455, %get3A_456] {strides = array<i32>} : memref<16x64xi32, #tpu.memory_space<vmem>>, vector<16xi32>,
      tpu.vector_store_idx %arg14[%get3A_457], %broadcast_in_dim3A_366 : memref<8192xf32, #tpu.memory_space<vmem>>[vector<16xi32>], vector<16xf32>,
      %get3A_458 = arith.constant 5 : i32
      %get3A_459 = arith.index_cast %get3A_458 : i32 to index
      %get3A_460 = arith.constant 48 : index
      %get3A_461 = tpu.vector_load %arg13[%get3A_459, %get3A_460] {strides = array<i32>} : memref<16x64xi32, #tpu.memory_space<vmem>>, vector<16xi32>,
      tpu.vector_store_idx %arg14[%get3A_461], %broadcast_in_dim3A_366 : memref<8192xf32, #tpu.memory_space<vmem>>[vector<16xi32>], vector<16xf32>,
      %get3A_462 = arith.constant 6 : i32
      %get3A_463 = arith.index_cast %get3A_462 : i32 to index
      %get3A_464 = arith.constant 0 : index
      %get3A_465 = tpu.vector_load %arg13[%get3A_463, %get3A_464] {strides = array<i32>} : memref<16x64xi32, #tpu.memory_space<vmem>>, vector<16xi32>,
      tpu.vector_store_idx %arg14[%get3A_465], %broadcast_in_dim3A_366 : memref<8192xf32, #tpu.memory_space<vmem>>[vector<16xi32>], vector<16xf32>,
      %get3A_466 = arith.constant 6 : i32
      %get3A_467 = arith.index_cast %get3A_466 : i32 to index
      %get3A_468 = arith.constant 16 : index
      %get3A_469 = tpu.vector_load %arg13[%get3A_467, %get3A_468] {strides = array<i32>} : memref<16x64xi32, #tpu.memory_space<vmem>>, vector<16xi32>,
      tpu.vector_store_idx %arg14[%get3A_469], %broadcast_in_dim3A_366 : memref<8192xf32, #tpu.memory_space<vmem>>[vector<16xi32>], vector<16xf32>,
      %get3A_470 = arith.constant 6 : i32
      %get3A_471 = arith.index_cast %get3A_470 : i32 to index
      %get3A_472 = arith.constant 32 : index
      %get3A_473 = tpu.vector_load %arg13[%get3A_471, %get3A_472] {strides = array<i32>} : memref<16x64xi32, #tpu.memory_space<vmem>>, vector<16xi32>,
      tpu.vector_store_idx %arg14[%get3A_473], %broadcast_in_dim3A_366 : memref<8192xf32, #tpu.memory_space<vmem>>[vector<16xi32>], vector<16xf32>,
      %get3A_474 = arith.constant 6 : i32
      %get3A_475 = arith.index_cast %get3A_474 : i32 to index
      %get3A_476 = arith.constant 48 : index
      %get3A_477 = tpu.vector_load %arg13[%get3A_475, %get3A_476] {strides = array<i32>} : memref<16x64xi32, #tpu.memory_space<vmem>>, vector<16xi32>,
      tpu.vector_store_idx %arg14[%get3A_477], %broadcast_in_dim3A_366 : memref<8192xf32, #tpu.memory_space<vmem>>[vector<16xi32>], vector<16xf32>,
      %get3A_478 = arith.constant 7 : i32
      %get3A_479 = arith.index_cast %get3A_478 : i32 to index
      %get3A_480 = arith.constant 0 : index
      %get3A_481 = tpu.vector_load %arg13[%get3A_479, %get3A_480] {strides = array<i32>} : memref<16x64xi32, #tpu.memory_space<vmem>>, vector<16xi32>,
      tpu.vector_store_idx %arg14[%get3A_481], %broadcast_in_dim3A_366 : memref<8192xf32, #tpu.memory_space<vmem>>[vector<16xi32>], vector<16xf32>,
      %get3A_482 = arith.constant 7 : i32
      %get3A_483 = arith.index_cast %get3A_482 : i32 to index
      %get3A_484 = arith.constant 16 : index
      %get3A_485 = tpu.vector_load %arg13[%get3A_483, %get3A_484] {strides = array<i32>} : memref<16x64xi32, #tpu.memory_space<vmem>>, vector<16xi32>,
      tpu.vector_store_idx %arg14[%get3A_485], %broadcast_in_dim3A_366 : memref<8192xf32, #tpu.memory_space<vmem>>[vector<16xi32>], vector<16xf32>,
      %get3A_486 = arith.constant 7 : i32
      %get3A_487 = arith.index_cast %get3A_486 : i32 to index
      %get3A_488 = arith.constant 32 : index
      %get3A_489 = tpu.vector_load %arg13[%get3A_487, %get3A_488] {strides = array<i32>} : memref<16x64xi32, #tpu.memory_space<vmem>>, vector<16xi32>,
      tpu.vector_store_idx %arg14[%get3A_489], %broadcast_in_dim3A_366 : memref<8192xf32, #tpu.memory_space<vmem>>[vector<16xi32>], vector<16xf32>,
      %get3A_490 = arith.constant 7 : i32
      %get3A_491 = arith.index_cast %get3A_490 : i32 to index
      %get3A_492 = arith.constant 48 : index
      %get3A_493 = tpu.vector_load %arg13[%get3A_491, %get3A_492] {strides = array<i32>} : memref<16x64xi32, #tpu.memory_space<vmem>>, vector<16xi32>,
      tpu.vector_store_idx %arg14[%get3A_493], %broadcast_in_dim3A_366 : memref<8192xf32, #tpu.memory_space<vmem>>[vector<16xi32>], vector<16xf32>,
      %get3A_494 = arith.constant 8 : i32
      %get3A_495 = arith.index_cast %get3A_494 : i32 to index
      %get3A_496 = arith.constant 0 : index
      %get3A_497 = tpu.vector_load %arg13[%get3A_495, %get3A_496] {strides = array<i32>} : memref<16x64xi32, #tpu.memory_space<vmem>>, vector<16xi32>,
      tpu.vector_store_idx %arg14[%get3A_497], %broadcast_in_dim3A_366 : memref<8192xf32, #tpu.memory_space<vmem>>[vector<16xi32>], vector<16xf32>,
      %get3A_498 = arith.constant 8 : i32
      %get3A_499 = arith.index_cast %get3A_498 : i32 to index
      %get3A_500 = arith.constant 16 : index
      %get3A_501 = tpu.vector_load %arg13[%get3A_499, %get3A_500] {strides = array<i32>} : memref<16x64xi32, #tpu.memory_space<vmem>>, vector<16xi32>,
      tpu.vector_store_idx %arg14[%get3A_501], %broadcast_in_dim3A_366 : memref<8192xf32, #tpu.memory_space<vmem>>[vector<16xi32>], vector<16xf32>,
      %get3A_502 = arith.constant 8 : i32
      %get3A_503 = arith.index_cast %get3A_502 : i32 to index
      %get3A_504 = arith.constant 32 : index
      %get3A_505 = tpu.vector_load %arg13[%get3A_503, %get3A_504] {strides = array<i32>} : memref<16x64xi32, #tpu.memory_space<vmem>>, vector<16xi32>,
      tpu.vector_store_idx %arg14[%get3A_505], %broadcast_in_dim3A_366 : memref<8192xf32, #tpu.memory_space<vmem>>[vector<16xi32>], vector<16xf32>,
      %get3A_506 = arith.constant 8 : i32
      %get3A_507 = arith.index_cast %get3A_506 : i32 to index
      %get3A_508 = arith.constant 48 : index
      %get3A_509 = tpu.vector_load %arg13[%get3A_507, %get3A_508] {strides = array<i32>} : memref<16x64xi32, #tpu.memory_space<vmem>>, vector<16xi32>,
      tpu.vector_store_idx %arg14[%get3A_509], %broadcast_in_dim3A_366 : memref<8192xf32, #tpu.memory_space<vmem>>[vector<16xi32>], vector<16xf32>,
      %get3A_510 = arith.constant 9 : i32
      %get3A_511 = arith.index_cast %get3A_510 : i32 to index
      %get3A_512 = arith.constant 0 : index
      %get3A_513 = tpu.vector_load %arg13[%get3A_511, %get3A_512] {strides = array<i32>} : memref<16x64xi32, #tpu.memory_space<vmem>>, vector<16xi32>,
      tpu.vector_store_idx %arg14[%get3A_513], %broadcast_in_dim3A_366 : memref<8192xf32, #tpu.memory_space<vmem>>[vector<16xi32>], vector<16xf32>,
      %get3A_514 = arith.constant 9 : i32
      %get3A_515 = arith.index_cast %get3A_514 : i32 to index
      %get3A_516 = arith.constant 16 : index
      %get3A_517 = tpu.vector_load %arg13[%get3A_515, %get3A_516] {strides = array<i32>} : memref<16x64xi32, #tpu.memory_space<vmem>>, vector<16xi32>,
      tpu.vector_store_idx %arg14[%get3A_517], %broadcast_in_dim3A_366 : memref<8192xf32, #tpu.memory_space<vmem>>[vector<16xi32>], vector<16xf32>,
      %get3A_518 = arith.constant 9 : i32
      %get3A_519 = arith.index_cast %get3A_518 : i32 to index
      %get3A_520 = arith.constant 32 : index
      %get3A_521 = tpu.vector_load %arg13[%get3A_519, %get3A_520] {strides = array<i32>} : memref<16x64xi32, #tpu.memory_space<vmem>>, vector<16xi32>,
      tpu.vector_store_idx %arg14[%get3A_521], %broadcast_in_dim3A_366 : memref<8192xf32, #tpu.memory_space<vmem>>[vector<16xi32>], vector<16xf32>,
      %get3A_522 = arith.constant 9 : i32
      %get3A_523 = arith.index_cast %get3A_522 : i32 to index
      %get3A_524 = arith.constant 48 : index
      %get3A_525 = tpu.vector_load %arg13[%get3A_523, %get3A_524] {strides = array<i32>} : memref<16x64xi32, #tpu.memory_space<vmem>>, vector<16xi32>,
      tpu.vector_store_idx %arg14[%get3A_525], %broadcast_in_dim3A_366 : memref<8192xf32, #tpu.memory_space<vmem>>[vector<16xi32>], vector<16xf32>,
      %get3A_526 = arith.constant 10 : i32
      %get3A_527 = arith.index_cast %get3A_526 : i32 to index
      %get3A_528 = arith.constant 0 : index
      %get3A_529 = tpu.vector_load %arg13[%get3A_527, %get3A_528] {strides = array<i32>} : memref<16x64xi32, #tpu.memory_space<vmem>>, vector<16xi32>,
      tpu.vector_store_idx %arg14[%get3A_529], %broadcast_in_dim3A_366 : memref<8192xf32, #tpu.memory_space<vmem>>[vector<16xi32>], vector<16xf32>,
      %get3A_530 = arith.constant 10 : i32
      %get3A_531 = arith.index_cast %get3A_530 : i32 to index
      %get3A_532 = arith.constant 16 : index
      %get3A_533 = tpu.vector_load %arg13[%get3A_531, %get3A_532] {strides = array<i32>} : memref<16x64xi32, #tpu.memory_space<vmem>>, vector<16xi32>,
      tpu.vector_store_idx %arg14[%get3A_533], %broadcast_in_dim3A_366 : memref<8192xf32, #tpu.memory_space<vmem>>[vector<16xi32>], vector<16xf32>,
      %get3A_534 = arith.constant 10 : i32
      %get3A_535 = arith.index_cast %get3A_534 : i32 to index
      %get3A_536 = arith.constant 32 : index
      %get3A_537 = tpu.vector_load %arg13[%get3A_535, %get3A_536] {strides = array<i32>} : memref<16x64xi32, #tpu.memory_space<vmem>>, vector<16xi32>,
      tpu.vector_store_idx %arg14[%get3A_537], %broadcast_in_dim3A_366 : memref<8192xf32, #tpu.memory_space<vmem>>[vector<16xi32>], vector<16xf32>,
      %get3A_538 = arith.constant 10 : i32
      %get3A_539 = arith.index_cast %get3A_538 : i32 to index
      %get3A_540 = arith.constant 48 : index
      %get3A_541 = tpu.vector_load %arg13[%get3A_539, %get3A_540] {strides = array<i32>} : memref<16x64xi32, #tpu.memory_space<vmem>>, vector<16xi32>,
      tpu.vector_store_idx %arg14[%get3A_541], %broadcast_in_dim3A_366 : memref<8192xf32, #tpu.memory_space<vmem>>[vector<16xi32>], vector<16xf32>,
      %get3A_542 = arith.constant 11 : i32
      %get3A_543 = arith.index_cast %get3A_542 : i32 to index
      %get3A_544 = arith.constant 0 : index
      %get3A_545 = tpu.vector_load %arg13[%get3A_543, %get3A_544] {strides = array<i32>} : memref<16x64xi32, #tpu.memory_space<vmem>>, vector<16xi32>,
      tpu.vector_store_idx %arg14[%get3A_545], %broadcast_in_dim3A_366 : memref<8192xf32, #tpu.memory_space<vmem>>[vector<16xi32>], vector<16xf32>,
      %get3A_546 = arith.constant 11 : i32
      %get3A_547 = arith.index_cast %get3A_546 : i32 to index
      %get3A_548 = arith.constant 16 : index
      %get3A_549 = tpu.vector_load %arg13[%get3A_547, %get3A_548] {strides = array<i32>} : memref<16x64xi32, #tpu.memory_space<vmem>>, vector<16xi32>,
      tpu.vector_store_idx %arg14[%get3A_549], %broadcast_in_dim3A_366 : memref<8192xf32, #tpu.memory_space<vmem>>[vector<16xi32>], vector<16xf32>,
      %get3A_550 = arith.constant 11 : i32
      %get3A_551 = arith.index_cast %get3A_550 : i32 to index
      %get3A_552 = arith.constant 32 : index
      %get3A_553 = tpu.vector_load %arg13[%get3A_551, %get3A_552] {strides = array<i32>} : memref<16x64xi32, #tpu.memory_space<vmem>>, vector<16xi32>,
      tpu.vector_store_idx %arg14[%get3A_553], %broadcast_in_dim3A_366 : memref<8192xf32, #tpu.memory_space<vmem>>[vector<16xi32>], vector<16xf32>,
      %get3A_554 = arith.constant 11 : i32
      %get3A_555 = arith.index_cast %get3A_554 : i32 to index
      %get3A_556 = arith.constant 48 : index
      %get3A_557 = tpu.vector_load %arg13[%get3A_555, %get3A_556] {strides = array<i32>} : memref<16x64xi32, #tpu.memory_space<vmem>>, vector<16xi32>,
      tpu.vector_store_idx %arg14[%get3A_557], %broadcast_in_dim3A_366 : memref<8192xf32, #tpu.memory_space<vmem>>[vector<16xi32>], vector<16xf32>,
      %get3A_558 = arith.constant 12 : i32
      %get3A_559 = arith.index_cast %get3A_558 : i32 to index
      %get3A_560 = arith.constant 0 : index
      %get3A_561 = tpu.vector_load %arg13[%get3A_559, %get3A_560] {strides = array<i32>} : memref<16x64xi32, #tpu.memory_space<vmem>>, vector<16xi32>,
      tpu.vector_store_idx %arg14[%get3A_561], %broadcast_in_dim3A_366 : memref<8192xf32, #tpu.memory_space<vmem>>[vector<16xi32>], vector<16xf32>,
      %get3A_562 = arith.constant 12 : i32
      %get3A_563 = arith.index_cast %get3A_562 : i32 to index
      %get3A_564 = arith.constant 16 : index
      %get3A_565 = tpu.vector_load %arg13[%get3A_563, %get3A_564] {strides = array<i32>} : memref<16x64xi32, #tpu.memory_space<vmem>>, vector<16xi32>,
      tpu.vector_store_idx %arg14[%get3A_565], %broadcast_in_dim3A_366 : memref<8192xf32, #tpu.memory_space<vmem>>[vector<16xi32>], vector<16xf32>,
      %get3A_566 = arith.constant 12 : i32
      %get3A_567 = arith.index_cast %get3A_566 : i32 to index
      %get3A_568 = arith.constant 32 : index
      %get3A_569 = tpu.vector_load %arg13[%get3A_567, %get3A_568] {strides = array<i32>} : memref<16x64xi32, #tpu.memory_space<vmem>>, vector<16xi32>,
      tpu.vector_store_idx %arg14[%get3A_569], %broadcast_in_dim3A_366 : memref<8192xf32, #tpu.memory_space<vmem>>[vector<16xi32>], vector<16xf32>,
      %get3A_570 = arith.constant 12 : i32
      %get3A_571 = arith.index_cast %get3A_570 : i32 to index
      %get3A_572 = arith.constant 48 : index
      %get3A_573 = tpu.vector_load %arg13[%get3A_571, %get3A_572] {strides = array<i32>} : memref<16x64xi32, #tpu.memory_space<vmem>>, vector<16xi32>,
      tpu.vector_store_idx %arg14[%get3A_573], %broadcast_in_dim3A_366 : memref<8192xf32, #tpu.memory_space<vmem>>[vector<16xi32>], vector<16xf32>,
      %get3A_574 = arith.constant 13 : i32
      %get3A_575 = arith.index_cast %get3A_574 : i32 to index
      %get3A_576 = arith.constant 0 : index
      %get3A_577 = tpu.vector_load %arg13[%get3A_575, %get3A_576] {strides = array<i32>} : memref<16x64xi32, #tpu.memory_space<vmem>>, vector<16xi32>,
      tpu.vector_store_idx %arg14[%get3A_577], %broadcast_in_dim3A_366 : memref<8192xf32, #tpu.memory_space<vmem>>[vector<16xi32>], vector<16xf32>,
      %get3A_578 = arith.constant 13 : i32
      %get3A_579 = arith.index_cast %get3A_578 : i32 to index
      %get3A_580 = arith.constant 16 : index
      %get3A_581 = tpu.vector_load %arg13[%get3A_579, %get3A_580] {strides = array<i32>} : memref<16x64xi32, #tpu.memory_space<vmem>>, vector<16xi32>,
      tpu.vector_store_idx %arg14[%get3A_581], %broadcast_in_dim3A_366 : memref<8192xf32, #tpu.memory_space<vmem>>[vector<16xi32>], vector<16xf32>,
      %get3A_582 = arith.constant 13 : i32
      %get3A_583 = arith.index_cast %get3A_582 : i32 to index
      %get3A_584 = arith.constant 32 : index
      %get3A_585 = tpu.vector_load %arg13[%get3A_583, %get3A_584] {strides = array<i32>} : memref<16x64xi32, #tpu.memory_space<vmem>>, vector<16xi32>,
      tpu.vector_store_idx %arg14[%get3A_585], %broadcast_in_dim3A_366 : memref<8192xf32, #tpu.memory_space<vmem>>[vector<16xi32>], vector<16xf32>,
      %get3A_586 = arith.constant 13 : i32
      %get3A_587 = arith.index_cast %get3A_586 : i32 to index
      %get3A_588 = arith.constant 48 : index
      %get3A_589 = tpu.vector_load %arg13[%get3A_587, %get3A_588] {strides = array<i32>} : memref<16x64xi32, #tpu.memory_space<vmem>>, vector<16xi32>,
      tpu.vector_store_idx %arg14[%get3A_589], %broadcast_in_dim3A_366 : memref<8192xf32, #tpu.memory_space<vmem>>[vector<16xi32>], vector<16xf32>,
      %get3A_590 = arith.constant 14 : i32
      %get3A_591 = arith.index_cast %get3A_590 : i32 to index
      %get3A_592 = arith.constant 0 : index
      %get3A_593 = tpu.vector_load %arg13[%get3A_591, %get3A_592] {strides = array<i32>} : memref<16x64xi32, #tpu.memory_space<vmem>>, vector<16xi32>,
      tpu.vector_store_idx %arg14[%get3A_593], %broadcast_in_dim3A_366 : memref<8192xf32, #tpu.memory_space<vmem>>[vector<16xi32>], vector<16xf32>,
      %get3A_594 = arith.constant 14 : i32
      %get3A_595 = arith.index_cast %get3A_594 : i32 to index
      %get3A_596 = arith.constant 16 : index
      %get3A_597 = tpu.vector_load %arg13[%get3A_595, %get3A_596] {strides = array<i32>} : memref<16x64xi32, #tpu.memory_space<vmem>>, vector<16xi32>,
      tpu.vector_store_idx %arg14[%get3A_597], %broadcast_in_dim3A_366 : memref<8192xf32, #tpu.memory_space<vmem>>[vector<16xi32>], vector<16xf32>,
      %get3A_598 = arith.constant 14 : i32
      %get3A_599 = arith.index_cast %get3A_598 : i32 to index
      %get3A_600 = arith.constant 32 : index
      %get3A_601 = tpu.vector_load %arg13[%get3A_599, %get3A_600] {strides = array<i32>} : memref<16x64xi32, #tpu.memory_space<vmem>>, vector<16xi32>,
      tpu.vector_store_idx %arg14[%get3A_601], %broadcast_in_dim3A_366 : memref<8192xf32, #tpu.memory_space<vmem>>[vector<16xi32>], vector<16xf32>,
      %get3A_602 = arith.constant 14 : i32
      %get3A_603 = arith.index_cast %get3A_602 : i32 to index
      %get3A_604 = arith.constant 48 : index
      %get3A_605 = tpu.vector_load %arg13[%get3A_603, %get3A_604] {strides = array<i32>} : memref<16x64xi32, #tpu.memory_space<vmem>>, vector<16xi32>,
      tpu.vector_store_idx %arg14[%get3A_605], %broadcast_in_dim3A_366 : memref<8192xf32, #tpu.memory_space<vmem>>[vector<16xi32>], vector<16xf32>,
      %get3A_606 = arith.constant 15 : i32
      %get3A_607 = arith.index_cast %get3A_606 : i32 to index
      %get3A_608 = arith.constant 0 : index
      %get3A_609 = tpu.vector_load %arg13[%get3A_607, %get3A_608] {strides = array<i32>} : memref<16x64xi32, #tpu.memory_space<vmem>>, vector<16xi32>,
      tpu.vector_store_idx %arg14[%get3A_609], %broadcast_in_dim3A_366 : memref<8192xf32, #tpu.memory_space<vmem>>[vector<16xi32>], vector<16xf32>,
      %get3A_610 = arith.constant 15 : i32
      %get3A_611 = arith.index_cast %get3A_610 : i32 to index
      %get3A_612 = arith.constant 16 : index
      %get3A_613 = tpu.vector_load %arg13[%get3A_611, %get3A_612] {strides = array<i32>} : memref<16x64xi32, #tpu.memory_space<vmem>>, vector<16xi32>,
      tpu.vector_store_idx %arg14[%get3A_613], %broadcast_in_dim3A_366 : memref<8192xf32, #tpu.memory_space<vmem>>[vector<16xi32>], vector<16xf32>,
      %get3A_614 = arith.constant 15 : i32
      %get3A_615 = arith.index_cast %get3A_614 : i32 to index
      %get3A_616 = arith.constant 32 : index
      %get3A_617 = tpu.vector_load %arg13[%get3A_615, %get3A_616] {strides = array<i32>} : memref<16x64xi32, #tpu.memory_space<vmem>>, vector<16xi32>,
      tpu.vector_store_idx %arg14[%get3A_617], %broadcast_in_dim3A_366 : memref<8192xf32, #tpu.memory_space<vmem>>[vector<16xi32>], vector<16xf32>,
      %get3A_618 = arith.constant 15 : i32
      %get3A_619 = arith.index_cast %get3A_618 : i32 to index
      %get3A_620 = arith.constant 48 : index
      %get3A_621 = tpu.vector_load %arg13[%get3A_619, %get3A_620] {strides = array<i32>} : memref<16x64xi32, #tpu.memory_space<vmem>>, vector<16xi32>,
      tpu.vector_store_idx %arg14[%get3A_621], %broadcast_in_dim3A_366 : memref<8192xf32, #tpu.memory_space<vmem>>[vector<16xi32>], vector<16xf32>,
      %broadcast_in_dim3A_622 = arith.constant 0.000000e+00 : f32
      %broadcast_in_dim3A_623 = vector.broadcast %broadcast_in_dim3A_622 : f32 to vector<16xf32>
      %scan3A_624 = arith.constant 0 : i32
      %scan3A_625 = arith.constant 512 : i32
      %scan3A_626 = arith.addi %scan3A_624, %scan3A_625 : i32
      %scan3A_627 = arith.constant 1 : i32
      %scan3A_628 = scf.for %scan3A_632 = %scan3A_624 to %scan3A_626 step %scan3A_627 iter_args(%scan3A_633 = %broadcast_in_dim3A_623) -> (vector<16xf32>)  : i32 {
        %mul3A_634 = arith.constant 16 : i32
        %mul3A_635 = arith.muli %scan3A_632, %mul3A_634 : i32
        %get3A_636 = arith.index_cast %mul3A_635 : i32 to index
        %get3A_637 = tpu.vector_load %arg14[%get3A_636] {strides = array<i32>} : memref<8192xf32, #tpu.memory_space<vmem>>, vector<16xf32>,
        %add3A_638 = arith.addf %scan3A_633, %get3A_637 : vector<16xf32>
        scf.yield %add3A_638 : vector<16xf32>
      }
      %scan3A_629 = arith.constant 512 : i32
      %swap3A_630 = arith.constant 0 : index
      %swap3A_631 = tpu.vector_load %arg16[%swap3A_630] {strides = array<i32>} : memref<16xf32, #tpu.memory_space<vmem>>, vector<16xf32>,
      tpu.vector_store %arg16[%swap3A_630], %scan3A_628 {strides = array<i32>} : memref<16xf32, #tpu.memory_space<vmem>>, vector<16xf32>,
      "tpu.region"() ({
        %run_scoped3A = tpu.sem_alloc : memref<!tpu.dma_semaphore, #tpu.memory_space<semaphore_mem>>
        %dma_start3A_632 = arith.constant 0 : i32
        %dma_start3A_633 = tpu.memref_slice %arg7[%add3A, %dma_start3A_632] : memref<16x16xf32, #tpu.memory_space<hbm>> -> memref<1x16xf32, #tpu.memory_space<hbm>>
        %dma_start3A_634 = tpu.memref_squeeze %dma_start3A_633 : memref<1x16xf32, #tpu.memory_space<hbm>> -> memref<16xf32, #tpu.memory_space<hbm>>
        %dma_start3A_635 = arith.constant 0 : i32
        %dma_start3A_636 = tpu.memref_slice %arg7[%add3A, %dma_start3A_635] : memref<16x16xf32, #tpu.memory_space<hbm>> -> memref<1x16xf32, #tpu.memory_space<hbm>>
        %dma_start3A_637 = tpu.memref_squeeze %dma_start3A_636 : memref<1x16xf32, #tpu.memory_space<hbm>> -> memref<16xf32, #tpu.memory_space<hbm>>
        tpu.enqueue_dma source(%arg16 : memref<16xf32, #tpu.memory_space<vmem>>) target(%dma_start3A_637 : memref<16xf32, #tpu.memory_space<hbm>>) target_semaphore(%run_scoped3A : memref<!tpu.dma_semaphore, #tpu.memory_space<semaphore_mem>>)
        %dma_wait3A_638 = arith.constant 0 : i32
        %dma_wait3A_639 = tpu.memref_slice %arg7[%add3A, %dma_wait3A_638] : memref<16x16xf32, #tpu.memory_space<hbm>> -> memref<1x16xf32, #tpu.memory_space<hbm>>
        %dma_wait3A_640 = tpu.memref_squeeze %dma_wait3A_639 : memref<1x16xf32, #tpu.memory_space<hbm>> -> memref<16xf32, #tpu.memory_space<hbm>>
        %dma_wait3A_641 = arith.constant 0 : i32
        %dma_wait3A_642 = tpu.memref_slice %arg7[%add3A, %dma_wait3A_641] : memref<16x16xf32, #tpu.memory_space<hbm>> -> memref<1x16xf32, #tpu.memory_space<hbm>>
        %dma_wait3A_643 = tpu.memref_squeeze %dma_wait3A_642 : memref<1x16xf32, #tpu.memory_space<hbm>> -> memref<16xf32, #tpu.memory_space<hbm>>
        tpu.wait_dma2 semaphore(%run_scoped3A : memref<!tpu.dma_semaphore, #tpu.memory_space<semaphore_mem>>) src(%arg16 : memref<16xf32, #tpu.memory_space<vmem>>) dst(%dma_wait3A_643 : memref<16xf32, #tpu.memory_space<hbm>>)
        tpu.yield
      }) : () -> ()
    } else {
    }
    return
  }
}

</mosaic_0001>

<sc_bundles>
// kernel: _sc_call.3.cloned.1.call-start
scs
__scs_entry_jumppad:
0x0: {  	(pc) =	sbr.rel $0x88, $3  }
0x1: {  	(tag) =	ssettag $0x0;
	lr =	simm.s32 $0x1  }
0x2: {  	[smem:$0x3F9E] =	sst lr;
	_ =	strace $0xD0000000  }
0x3: {  	_ = 	snop  }
0x4: {  	_ = 	snop  }
0x5: {  	_ = 	snop  }
0x6: {  	_ = 	snop  }
0x7: {  	_ = 	snop  }
__scs_overlays_trampoline_lowered:
0x8: {  	[smem:$0x3FAD] =	sst s0  }
0x9: {  	[smem:$0x3FAE] =	sst s1  }
0xa: {  	[smem:$0x3FAF] =	sst s2  }
0xb: {  	[smem:$0x3FB0] =	sst s3  }
0xc: {  	[smem:$0x3FB1] =	sst s4  }
0xd: {  	[smem:$0x3FB2] =	sst s5  }
0xe: {  	[smem:$0x3FB3] =	sst s6  }
0xf: {  	[smem:$0x3FB4] =	sst s7  }
0x10: {  	[smem:$0x3FB5] =	sst s8  }
0x11: {  	[smem:$0x3FB6] =	sst s9;
	s0 =	simm.s32 @!p0 $0x0  }
0x12: {  	s1 =	sld [smem:$0x3F9C];
	s0 =	simm.s32 @p0 $0x1  }
0x13: {  	[smem:$0x3FB7] =	sst s0;
	s0 =	simm.s32 @!p1 $0x0  }
0x14: {  	s2 =	sld [smem:$0x3F9B];
	s0 =	simm.s32 @p1 $0x1  }
0x15: {  	[smem:$0x3FB8] =	sst s0;
	s0 =	simm.s32 @!p2 $0x0  }
0x16: {  	s3 =	sld [smem:$0x3FDB];
	s0 =	simm.s32 @p2 $0x1  }
0x17: {  	s4 =	simm.s32 $0x1BF5;
	[smem:$0x3FBA] =	sst s0  }
0x18: {  	s0 =	sld [smem:$0x3F9D];
	_ =	swait.ge [sflag:s4], $0x0  }
0x19: {  	s7 =	sld [smem:$0x3F9E]  }
0x1a: {  	s8 =	sadd.s32 $0xFFFFE003, lr  }
0x1b: {  	s9 =	sadd.s32 $0xFFFFFEF7, lr;
	s5 =	simm.s32 $0xFFFFFFFF;
	p2 =	slt.u32 s8, $0xFFFFF086  }
0x1c: {  	p1 =	slt.u32 s9, $0xF7A;
	s5 =	simm.s32 @!p2 $0x0  }
0x1d: {  	s5 =	simm.s32 @p1 $0x1;
	p0 =	seq.s32 s7, s2  }
0x1e: {  	s7 =	smul.u32 @!p0 $0xF7A, s2;
	p2 =	seq.s32 @!p0 s5, $0x0  }
0x1f: {  	s9 =	smul.u32 $0xF7A, s1;
	s8 =	simm.s32 @!p0 $0x1BF5;
	p2 =	por !p2, p0  }
0x20: {  	[sflag:s8] =	ssyncset.s32 @!p0 $0xFFFFF086;
	s6 =	sadd.s32 @!p0 s3, s7;
	s7 =	simm.s32 @!p0 $0x108  }
0x21: {  	s3 =	sadd.s32 s3, s9;
	s6 =	sadd.s32 @!p0 $0x88, s6;
	s7 =	simm.s32 @p2 $0x1082  }
0x22: {  	[simem:s7], [sflag:s8] =	dma.local @!p0 [hbm:s6], $0xF7A  }
0x23: {  	s9 =	sor.u32 $0xD0000000, s2;
	s6 =	simm.s32 $0x108;
	_ =	swait.ge @!p0 [sflag:s8], $0x0  }
0x24: {  	s3 =	sadd.s32 $0x88, s3;
	s6 =	simm.s32 @!p1 $0x1082;
	[sflag:s4] =	ssyncset.s32 $0xFFFFF086  }
0x25: {  	[simem:s6], [sflag:s4] =	dma.local [hbm:s3], $0xF7A  }
0x26: {  	[smem:$0x3F9E] =	sst s1;
	(tag) =	ssettag s2;
	_ =	strace s9  }
0x27: {  	s1 =	sld [smem:$0x3FAE]  }
0x28: {  	s2 =	sld [smem:$0x3FAF]  }
0x29: {  	s4 =	sld [smem:$0x3FB1]  }
0x2a: {  	p0 =	seq.s32 s5, $0x0;
	s5 =	sld [smem:$0x3FB2]  }
0x2b: {  	s6 =	sld [smem:$0x3FB3]  }
0x2c: {  	s7 =	sld [smem:$0x3FB4]  }
0x2d: {  	s3 =	simm.s32 $0x108;
	s8 =	sld [smem:$0x3FB5]  }
0x2e: {  	s3 =	simm.s32 @!p0 $0x1082;
	s9 =	sld [smem:$0x3FB6]  }
0x2f: {  	lr =	sadd.s32 s0, s3;
	s0 =	sld [smem:$0x3FAD]  }
0x30: {  	s3 =	sld [smem:$0x3FB0]  }
0x31: {  	[smem:$0x3FB9] =	sst s10  }
0x32: {  	s10 =	sld [smem:$0x3FB7];
	_ =	sdelay $0x3  }
0x33: {  	p0 =	seq.s32 s10, $0x1;
	s10 =	sld [smem:$0x3FB9];
	_ =	sdelay $0x3  }
0x34: {  	[smem:$0x3FB9] =	sst s10  }
0x35: {  	s10 =	sld [smem:$0x3FB8];
	_ =	sdelay $0x3  }
0x36: {  	p1 =	seq.s32 s10, $0x1;
	s10 =	sld [smem:$0x3FB9];
	_ =	sdelay $0x3  }
0x37: {  	[smem:$0x3FB9] =	sst s10  }
0x38: {  	s10 =	sld [smem:$0x3FBA]  }
0x39: {  	_ = 	snop;
	(pc) =	sbr.ind lr, $3  }
0x3a: {  	_ = 	snop  }
0x3b: {  	_ = 	snop  }
0x3c: {  	p2 =	seq.s32 s10, $0x1;
	s10 =	sld [smem:$0x3FB9]  }
0x3d: {  	_ =	shalt  }
0x3e: {  	_ =	shalt  }
0x3f: {  	_ =	shalt  }
0x40: {  	_ =	shalt  }
0x41: {  	_ =	shalt  }
0x42: {  	_ =	shalt  }
0x43: {  	_ =	shalt  }
0x44: {  	_ =	shalt  }
0x45: {  	_ =	shalt  }
0x46: {  	_ =	shalt  }
0x47: {  	_ =	shalt  }
0x48: {  	_ =	shalt  }
0x49: {  	_ =	shalt  }
0x4a: {  	_ =	shalt  }
0x4b: {  	_ =	shalt  }
0x4c: {  	_ =	shalt  }
0x4d: {  	_ =	shalt  }
0x4e: {  	_ =	shalt  }
0x4f: {  	_ =	shalt  }
0x50: {  	_ =	shalt  }
0x51: {  	_ =	shalt  }
0x52: {  	_ =	shalt  }
0x53: {  	_ =	shalt  }
0x54: {  	_ =	shalt  }
0x55: {  	_ =	shalt  }
0x56: {  	_ =	shalt  }
0x57: {  	_ =	shalt  }
0x58: {  	_ =	shalt  }
0x59: {  	_ =	shalt  }
0x5a: {  	_ =	shalt  }
0x5b: {  	_ =	shalt  }
0x5c: {  	_ =	shalt  }
0x5d: {  	_ =	shalt  }
0x5e: {  	_ =	shalt  }
0x5f: {  	_ =	shalt  }
0x60: {  	_ =	shalt  }
0x61: {  	_ =	shalt  }
0x62: {  	_ =	shalt  }
0x63: {  	_ =	shalt  }
0x64: {  	_ =	shalt  }
0x65: {  	_ =	shalt  }
0x66: {  	_ =	shalt  }
0x67: {  	_ =	shalt  }
0x68: {  	_ =	shalt  }
0x69: {  	_ =	shalt  }
0x6a: {  	_ =	shalt  }
0x6b: {  	_ =	shalt  }
0x6c: {  	_ =	shalt  }
0x6d: {  	_ =	shalt  }
0x6e: {  	_ =	shalt  }
0x6f: {  	_ =	shalt  }
0x70: {  	_ =	shalt  }
0x71: {  	_ =	shalt  }
0x72: {  	_ =	shalt  }
0x73: {  	_ =	shalt  }
0x74: {  	_ =	shalt  }
0x75: {  	_ =	shalt  }
0x76: {  	_ =	shalt  }
0x77: {  	_ =	shalt  }
0x78: {  	_ =	shalt  }
0x79: {  	_ =	shalt  }
0x7a: {  	_ =	shalt  }
0x7b: {  	_ =	shalt  }
0x7c: {  	_ =	shalt  }
0x7d: {  	_ =	shalt  }
0x7e: {  	_ =	shalt  }
0x7f: {  	_ =	shalt  }
0x80: {  	_ =	shalt  }
0x81: {  	_ =	shalt  }
0x82: {  	_ =	shalt  }
0x83: {  	_ =	shalt  }
0x84: {  	_ =	shalt  }
0x85: {  	_ =	shalt  }
0x86: {  	_ =	shalt  }
0x87: {  	_ =	shalt  }
.Lfunc_end0:
.L_simem_size_0:
called_computation_lowered:
.L_overlay_start_0:
0x88: {  	s2 =	sld [smem:$0x3FD9]  }
0x89: {  	s3 =	sld [smem:$0x3FFE];
	_ =	sdelay $0x1  }
0x8a: {  	s1 =	srdreg.scid  }
0x8b: {  	s0 =	sand.u32 $0x1, s1  }
0x8c: {  	s14 =	sshll.u32 s0, $0xA;
	s2 =	sadd.s32 s3, s2  }
0x8d: {  	s2 =	sadd.s32 s2, s14  }
0x8e: {  	[smem:$0x3FC5] =	sst s2  }
0x8f: {  	_ = 	snop  }
0x90: {  	s2 =	sld [smem:$0x3FD0];
	_ =	sdelay $0x1  }
0x91: {  	s15 =	sld [smem:$0x3FC9]  }
0x92: {  	s5 =	simm.s32 $0xA;
	s6 =	simm.s32 $0x10;
	s4 =	sld [smem:$0x3FC7]  }
0x93: {  	[smem:s6], [sflag:s5] =	dma.local [hbm:s2], $0x1  }
0x94: {  	_ =	swait.eq [sflag:s5], $0x1  }
0x95: {  	[sflag:s5] =	ssyncset.done $0x0  }
0x96: {  	s16 =	sld [smem:$0x10];
	[sflag:s5] =	ssyncadd.s32 $0xFFFFFFFF  }
0x97: {  	s17 =	sld [smem:$0x12];
	(tm) =	ssettm $0x1  }
0x98: {  	s18 =	sld [smem:$0x3FFB];
	_ =	sdelay $0x3  }
0x99: {  	_ =	strace s18  }
0x9a: {  	s6 =	sld [smem:$0x3FFC];
	_ =	sdelay $0x3  }
0x9b: {  	_ =	strace s6  }
0x9c: {  	s6 =	sld [smem:$0x3FFD];
	_ =	sdelay $0x3  }
0x9d: {  	_ =	strace s6  }
0x9e: {  	_ =	strace $0x8FFFFFFF  }
0x9f: {  	s19 =	sld [smem:$0x3FDB];
	_ =	sdelay $0x1  }
0xa0: {  	s7 =	simm.s32 $_scs_section_size  }
0xa1: {  	s8 =	simm.s32 $_size__tile_overlayer_lowered;
	s9 =	simm.s32 $_tile_overlayer_lowered  }
0xa2: {  	s22 =	simm.s32 $0x1BFF;
	s21 =	sshll.u32 s9, $0x1;
	s6 =	sadd.s32 s7, s19  }
0xa3: {  	s10 =	simm.s32 $0x0;
	s20 =	sshll.u32 s8, $0x1;
	s8 =	sadd.s32 s21, s6  }
0xa4: {  	[timem:s10], [sflag:s22] =	dma.local [hbm:s8], s20  }
0xa5: {  	_ =	swait.ge [sflag:s22], s20  }
0xa6: {  	s7 =	ssub.s32 $0x0, s20;
	[sflag:s22] =	ssyncset.done $0x0  }
0xa7: {  	[sflag:s22] =	ssyncadd.s32 s7;
	_ =	sdelay $0x1  }
0xa8: {  	s23 =	simm.s32 $0x1B8B  }
0xa9: {  	_ =	swait.ge [sflag:s23], $0x1  }
0xaa: {  	[sflag:s23] =	ssyncset.done $0x0  }
0xab: {  	s25 =	simm.s32 $0x1B8E;
	s24 =	sld [smem:$0x3FFE];
	[sflag:s23] =	ssyncadd.s32 $0xFFFFFFFF  }
0xac: {  	s26 =	simm.s32 $execute0_lowered;
	[smem:$0x3FD2] =	sst s25  }
0xad: {  	s8 =	sshll.u32 s26, $0x1;
	_ =	strace $0x80000046;
	[dreg:$0x1] =	wrdreg $0xFFFFFFFF  }
0xae: {  	s28 =	simm.s32 $_size_execute0_lowered;
	s6 =	sadd.s32 s6, s8;
	[dreg:$0x0] =	wrdreg $0x0  }
0xaf: {  	s8 =	sshll.u32 s28, $0x1;
	[dreg:$0x2] =	wrdreg s6  }
0xb0: {  	[dreg:$0x3] =	wrdreg s8  }
0xb1: {  	[dreg:$0x4] =	wrdreg $0xC0  }
0xb2: {  	_ =	task [dreg:s10], $0x5FFFF  }
0xb3: {  	[dreg:$0x1] =	wrdreg $0xFFFFFFFF  }
0xb4: {  	[dreg:$0x0] =	wrdreg $0x60  }
0xb5: {  	[dreg:$0x2] =	wrdreg s15  }
0xb6: {  	[dreg:$0x3] =	wrdreg s24  }
0xb7: {  	[dreg:$0x4] =	wrdreg s4  }
0xb8: {  	[dreg:$0x5] =	wrdreg s16  }
0xb9: {  	[dreg:$0x6] =	wrdreg s17  }
0xba: {  	[dreg:$0x7] =	wrdreg $0x9  }
0xbb: {  	_ =	task.clear_ibuf [dreg:s10], $0x8FFFF;
	_ =	strace $0x90000046  }
0xbc: {  	s29 =	simm.s32 $0x9;
	_ =	strace $0x80000048  }
0xbd: {  	_ =	swait.ge [sflag:s29], $0x1  }
0xbe: {  	[sflag:s29] =	ssyncadd.s32 $0xFFFFFFFF  }
0xbf: {  	_ =	strace $0x90000048  }
0xc0: {  	_ =	sfence  }
0xc1: {  	s30 =	sld [smem:$0x0];
	_ =	sdelay $0x2  }
0xc2: {  	s31 =	sshll.u32 s1, $0xD;
	s1 =	sshrl.u32 s1, $0x2  }
0xc3: {  	s3 =	sand.u32 $0x4000, s31;
	s1 =	sadd.s32 s1, s30  }
0xc4: {  	s0 =	sor.u32 s3, s0;
	s1 =	sshll.u32 s1, $0x11  }
0xc5: {  	s0 =	sor.u32 s1, s0  }
0xc6: {  	s0 =	sadd.s32 $0x8F2B, s0  }
0xc7: {  	[sflag:s0] =	ssyncadd.remote.s32 $0x1  }
0xc8: {  	_ =	sfence.sel $0xFFFF  }
0xc9: {  	[dreg:$0x0] =	wrdreg $0xFFFFFFFF;
	(pc) =	sbr.abs _section_cstart, $3  }
0xca: {  	[dreg:$0x1] =	wrdreg $0xFFFFFFFF  }
0xcb: {  	_ =	task.clear_ibuf [dreg:s10], $0x2FFFF;
	_ =	strace $0x9FFFFFFF  }
0xcc: {  	(tm) =	ssettm $0x7FFFFFFF  }
0xcd: {  	_ =	shalt  }
tec
execute0_lowered:
.L_overlay_start_1:
0x0: {  	(tag) =	ssettag $0x1  }
0x1: {  	s0 =	rddreg [dreg:$0x0]  }
0x2: {  	s1 =	rddreg [dreg:$0x1]  }
0x3: {  	s3 =	rddreg [dreg:$0x2]  }
0x4: {  	s4 =	rddreg [dreg:$0x3]  }
0x5: {  	s5 =	rddreg [dreg:$0x4]  }
0x6: {  	s6 =	srdreg.scid;
	s14 =	stileid.u32  }
0x7: {  	s2 =	simm.s32 $0x0;
	s31 =	simm.s32 $0x2400;
	s6 =	sand.u32 $0x1, s6  }
0x8: {  	s7 =	sshll.u32 s14, $0x1;
	[smem:$0x7FF] =	sst s2;
	s8 =	sadd.s32 $0x800, s1  }
0x9: {  	p0 =	sgt.u32 s14, $0x7;
	s14 =	simm.s32 $0x5;
	s7 =	sor.u32 s6, s7  }
0xa: {  	s6 =	ssub.s32 $0x2, s6;
	s9 =	sshll.u32 s7, $0x4;
	s10 =	sshll.u32 s7, $0xE  }
0xb: {  	s11 =	sshrl.u32 s6, $0x1;
	s26 =	sshll.u32 s7, $0x7;
	s28 =	sshll.u32 s7, $0x8  }
0xc: {  	s7 =	simm.s32 $0x6400;
	s1 =	sadd.s32 s9, s1;
	s12 =	sor.u32 $0x800, s10  }
0xd: {  	s6 =	ssub.s32 s6, s11;
	s30 =	sadd.s32 s3, s10;
	s15 =	sadd.s32 s4, s10  }
0xe: {  	s16 =	sor.u32 $0x1000, s10;
	s18 =	sor.u32 $0x2000, s10;
	s19 =	sor.u32 $0x2800, s10  }
0xf: {  	s22 =	sor.u32 $0x3000, s10;
	s29 =	sadd.s32 s5, s9;
	[dreg:$0x6] =	wrdreg s30  }
0x10: {  	s5 =	simm.s32 $0x5400;
	s13 =	sadd.s32 s3, s12;
	[dreg:$0x8] =	wrdreg s15  }
0x11: {  	s9 =	simm.s32 $0x7400;
	s15 =	sadd.s32 s3, s16;
	[dreg:$0x7] =	wrdreg s13  }
0x12: {  	s12 =	sadd.s32 s4, s12;
	s11 =	sadd.s32 s4, s16;
	[dreg:$0x9] =	wrdreg s15  }
0x13: {  	s20 =	sadd.s32 s3, s18;
	s21 =	sadd.s32 s3, s19;
	[dreg:$0xa] =	wrdreg s12  }
0x14: {  	s23 =	sadd.s32 s3, s22;
	s24 =	sadd.s32 s4, s22;
	[dreg:$0xc] =	wrdreg s11  }
0x15: {  	s1 =	sadd.s32 $0x1800, s1;
	s30 =	smax.u32 s6, $0x1;
	[dreg:$0xd] =	wrdreg s20  }
0x16: {  	s16 =	simm.s32 $0x2C00;
	s6 =	simm.s32 $0x5C00;
	[dreg:$0xf] =	wrdreg s21  }
0x17: {  	s13 =	sor.u32 $0x1800, s10;
	s11 =	sadd.s32 s4, s18;
	[dreg:$0x11] =	wrdreg s23  }
0x18: {  	s10 =	sor.u32 $0x3800, s10;
	s12 =	sadd.s32 s4, s19;
	[dreg:$0x14] =	wrdreg s24  }
0x19: {  	s21 =	simm.s32 $0x3C00;
	s23 =	simm.s32 $0x8400;
	s15 =	simm.s32 $0x2  }
0x1a: {  	s18 =	simm.s32 $0x6;
	s19 =	simm.s32 $0x10C00;
	[dreg:$0x10] =	wrdreg s11  }
0x1b: {  	s20 =	simm.s32 $0x0;
	s17 =	sadd.s32 s3, s13;
	[dreg:$0x12] =	wrdreg s12  }
0x1c: {  	s13 =	sadd.s32 s4, s13;
	s3 =	sadd.s32 s3, s10;
	[dreg:$0xb] =	wrdreg s17  }
0x1d: {  	s25 =	sadd.s32 s4, s10;
	s4 =	simm.s32 $0x4C00;
	[dreg:$0xe] =	wrdreg s13  }
0x1e: {  	s10 =	simm.s32 $0x7C00;
	s11 =	simm.s32 $0xC400;
	[dreg:$0x13] =	wrdreg s3  }
0x1f: {  	s12 =	simm.s32 $0x1;
	[dreg:$0x15] =	wrdreg s25;
	s3 =	sadd.s32 s8, s26  }
.Ltmp0:
0x20: {  	[dreg:$0x16] =	wrdreg s3;
	s3 =	sadd.s32 s8, s28;
	(pc) =	sbr.rel .LBB2_1-.Ltmp0, $4  }
0x21: {  	s25 =	simm.s32 $0x7;
	s26 =	simm.s32 $0x400;
	[dreg:$0x17] =	wrdreg s3  }
0x22: {  	v2 =	vlaneseq.u32;
	vm0 =	vmmov $0xffff;
	s13 =	simm.s32 $0x3;
	_ =	strace $0x80000047;
	[dreg:$0x18] =	wrdreg s1  }
0x23: {  	v3 =	vimm.f32 $0.0e+00;
	v4 =	vimm.f32 $1.000000000e+00;
	v1 =	vshrl.u32 v2, $0x3;
	s17 =	simm.s32 $0x4;
	s8 =	simm.s32 $0x6C00;
	[dreg:$0x19] =	wrdreg s29  }
0x24: {  	v0 =	vand.u32 $0x7, v2;
	v2 =	vor.u32 $0x8, v2;
	v1 =	vmul.u32 $0x8, v1;
	s3 =	simm.s32 $0x4400;
	[dreg:$0x1a] =	wrdreg s30;
	s1 =	simm.s32 $0x3400  }
.LBB2_22:
0x25: {  	v5 =	vadd.f32 v6, v5;
	_ =	sdelay $0x1  }
0x26: {  	s22 =	rddreg [dreg:$0x19];
	s24 =	simm.s32 $0x12C80;
	[tilespmem:$0x12C80] =	vst v5  }
0x27: {  	[hbm4b:s22+s2] =	stream.linear.scatter [tilespmem:s24], [sflag:$0x7], $0x80, $0x38;
	[tilespmem:$0x12D00] =	vst v63  }
0x28: {  	_ =	swait.ge [sflag:s25], $0x80  }
0x29: {  	[sflag:s25] =	ssyncset.done $0x0  }
0x2a: {  	[sflag:s25] =	ssyncadd.s32 $0xFFFFFF80  }
.LBB2_23:
0x2b: {  	s20 =	sadd.s32 $0x1, s20;
	s22 =	rddreg [dreg:$0x1a]  }
0x2c: {  	p1 =	sne.s32 s20, s22  }
.Ltmp1:
0x2d: {  	_ = 	snop;
	(pc) =	sbr.rel @!p1 .LBB2_24-.Ltmp1, $1  }
0x2e: {  	_ =	sdelay $0x3  }
.LBB2_1:
0x2f: {  	s22 =	rddreg [dreg:$0x16]  }
0x30: {  	[tilespmem:s2], [sflag:$0x7] =	stream.linear.gather [hbm4b:s22+s2], $0x400, $0x38;
	[tilespmem:$0x12D00] =	vst v63  }
0x31: {  	_ =	swait.ge [sflag:s25], $0x400  }
0x32: {  	[sflag:s25] =	ssyncset.done $0x0  }
0x33: {  	[sflag:s25] =	ssyncadd.s32 $0xFFFFFC00  }
0x34: {  	v5 =	vld [tilespmem:$0x0];
	_ =	sdelay $0x4  }
0x35: {  	v6 =	vshll.u32 v5, $0x1  }
0x36: {  	v5 =	vand.u32 $0x7, v5;
	v6 =	vand.u32 $0xFFFFFFF0, v6  }
0x37: {  	v5 =	vor.u32 v5, v6  }
0x38: {  	v6 =	vperm.xlane v5, v0;
	_ =	sdelay $0x1  }
0x39: {  	v5 =	vperm.xlane v5, v2;
	v6 =	vadd.s32 v1, v6;
	_ =	sdelay $0x1  }
0x3a: {  	v5 =	vadd.s32 v1, v5;
	_ =	sdelay $0x2  }
0x3b: {  	[tilespmem:s26], [sflag:$0x1] =	stream.indirect_vreg.gather [hbm4b:s0+s2], $0x80, v6, vm0, $0xb8;
	[tilespmem:$0x12D00] =	vst v63  }
0x3c: {  	s29 =	simm.s32 $0xC00  }
0x3d: {  	[tilespmem:s29], [sflag:$0x1] =	stream.indirect_vreg.gather [hbm4b:s0+s2], $0x80, v5, vm0, $0xb8;
	[tilespmem:$0x12D00] =	vst v63  }
0x3e: {  	v5 =	vld [tilespmem:$0x10];
	_ =	sdelay $0x4  }
0x3f: {  	v6 =	vshll.u32 v5, $0x1  }
0x40: {  	v5 =	vand.u32 $0x7, v5;
	v6 =	vand.u32 $0xFFFFFFF0, v6  }
0x41: {  	v5 =	vor.u32 v5, v6  }
0x42: {  	v6 =	vperm.xlane v5, v0;
	_ =	sdelay $0x1  }
0x43: {  	v5 =	vperm.xlane v5, v2;
	v6 =	vadd.s32 v1, v6;
	_ =	sdelay $0x1  }
0x44: {  	v5 =	vadd.s32 v1, v5;
	_ =	sdelay $0x1  }
0x45: {  	s30 =	simm.s32 $0x1400  }
0x46: {  	[tilespmem:s30], [sflag:$0x1] =	stream.indirect_vreg.gather [hbm4b:s0+s2], $0x80, v6, vm0, $0xb8;
	[tilespmem:$0x12D00] =	vst v63  }
0x47: {  	s24 =	simm.s32 $0x1C00  }
0x48: {  	[tilespmem:s24], [sflag:$0x1] =	stream.indirect_vreg.gather [hbm4b:s0+s2], $0x80, v5, vm0, $0xb8;
	[tilespmem:$0x12D00] =	vst v63  }
0x49: {  	v5 =	vld [tilespmem:$0x20];
	_ =	sdelay $0x4  }
0x4a: {  	v6 =	vshll.u32 v5, $0x1  }
0x4b: {  	v5 =	vand.u32 $0x7, v5;
	v6 =	vand.u32 $0xFFFFFFF0, v6  }
0x4c: {  	v5 =	vor.u32 v5, v6  }
0x4d: {  	v6 =	vperm.xlane v5, v0;
	_ =	sdelay $0x1  }
0x4e: {  	v5 =	vperm.xlane v5, v2;
	v6 =	vadd.s32 v1, v6;
	_ =	sdelay $0x1  }
0x4f: {  	v5 =	vadd.s32 v1, v5;
	_ =	sdelay $0x2  }
0x50: {  	[tilespmem:s31], [sflag:$0x1] =	stream.indirect_vreg.gather [hbm4b:s0+s2], $0x80, v6, vm0, $0xb8;
	[tilespmem:$0x12D00] =	vst v63  }
0x51: {  	_ = 	snop  }
0x52: {  	[tilespmem:s16], [sflag:$0x1] =	stream.indirect_vreg.gather [hbm4b:s0+s2], $0x80, v5, vm0, $0xb8;
	[tilespmem:$0x12D00] =	vst v63  }
0x53: {  	v5 =	vld [tilespmem:$0x30];
	_ =	sdelay $0x4  }
0x54: {  	v6 =	vshll.u32 v5, $0x1  }
0x55: {  	v5 =	vand.u32 $0x7, v5;
	v6 =	vand.u32 $0xFFFFFFF0, v6  }
0x56: {  	v5 =	vor.u32 v5, v6  }
0x57: {  	v6 =	vperm.xlane v5, v0;
	_ =	sdelay $0x1  }
0x58: {  	v5 =	vperm.xlane v5, v2;
	v6 =	vadd.s32 v1, v6;
	_ =	sdelay $0x1  }
0x59: {  	v5 =	vadd.s32 v1, v5;
	_ =	sdelay $0x2  }
0x5a: {  	[tilespmem:s1], [sflag:$0x1] =	stream.indirect_vreg.gather [hbm4b:s0+s2], $0x80, v6, vm0, $0xb8;
	[tilespmem:$0x12D00] =	vst v63  }
0x5b: {  	_ = 	snop  }
0x5c: {  	[tilespmem:s21], [sflag:$0x1] =	stream.indirect_vreg.gather [hbm4b:s0+s2], $0x80, v5, vm0, $0xb8;
	[tilespmem:$0x12D00] =	vst v63  }
0x5d: {  	s29 =	rddreg [dreg:$0x6]  }
0x5e: {  	[tilespmem:s23], [sflag:$0x3] =	stream.linear.gather [hbm4b:s29+s2], $0x4000, $0x38;
	[tilespmem:$0x12D00] =	vst v63  }
0x5f: {  	v5 =	vld [tilespmem:$0x80];
	_ =	sdelay $0x4  }
0x60: {  	v6 =	vshll.u32 v5, $0x1  }
0x61: {  	v5 =	vand.u32 $0x7, v5;
	v6 =	vand.u32 $0xFFFFFFF0, v6  }
0x62: {  	v5 =	vor.u32 v5, v6  }
0x63: {  	v6 =	vperm.xlane v5, v0;
	_ =	sdelay $0x1  }
0x64: {  	v5 =	vperm.xlane v5, v2;
	v6 =	vadd.s32 v1, v6;
	_ =	sdelay $0x1  }
0x65: {  	v5 =	vadd.s32 v1, v5;
	_ =	sdelay $0x2  }
0x66: {  	[tilespmem:s3], [sflag:$0x2] =	stream.indirect_vreg.gather [hbm4b:s0+s2], $0x80, v6, vm0, $0xb8;
	[tilespmem:$0x12D00] =	vst v63  }
0x67: {  	_ = 	snop  }
0x68: {  	[tilespmem:s4], [sflag:$0x2] =	stream.indirect_vreg.gather [hbm4b:s0+s2], $0x80, v5, vm0, $0xb8;
	[tilespmem:$0x12D00] =	vst v63  }
0x69: {  	v5 =	vld [tilespmem:$0x90];
	_ =	sdelay $0x4  }
0x6a: {  	v6 =	vshll.u32 v5, $0x1  }
0x6b: {  	v5 =	vand.u32 $0x7, v5;
	v6 =	vand.u32 $0xFFFFFFF0, v6  }
0x6c: {  	v5 =	vor.u32 v5, v6  }
0x6d: {  	v6 =	vperm.xlane v5, v0;
	_ =	sdelay $0x1  }
0x6e: {  	v5 =	vperm.xlane v5, v2;
	v6 =	vadd.s32 v1, v6;
	_ =	sdelay $0x1  }
0x6f: {  	v5 =	vadd.s32 v1, v5;
	_ =	sdelay $0x2  }
0x70: {  	[tilespmem:s5], [sflag:$0x2] =	stream.indirect_vreg.gather [hbm4b:s0+s2], $0x80, v6, vm0, $0xb8;
	[tilespmem:$0x12D00] =	vst v63  }
0x71: {  	_ = 	snop  }
0x72: {  	[tilespmem:s6], [sflag:$0x2] =	stream.indirect_vreg.gather [hbm4b:s0+s2], $0x80, v5, vm0, $0xb8;
	[tilespmem:$0x12D00] =	vst v63  }
0x73: {  	v5 =	vld [tilespmem:$0xA0];
	_ =	sdelay $0x4  }
0x74: {  	v6 =	vshll.u32 v5, $0x1  }
0x75: {  	v5 =	vand.u32 $0x7, v5;
	v6 =	vand.u32 $0xFFFFFFF0, v6  }
0x76: {  	v5 =	vor.u32 v5, v6  }
0x77: {  	v6 =	vperm.xlane v5, v0;
	_ =	sdelay $0x1  }
0x78: {  	v5 =	vperm.xlane v5, v2;
	v6 =	vadd.s32 v1, v6;
	_ =	sdelay $0x1  }
0x79: {  	v5 =	vadd.s32 v1, v5;
	_ =	sdelay $0x2  }
0x7a: {  	[tilespmem:s7], [sflag:$0x2] =	stream.indirect_vreg.gather [hbm4b:s0+s2], $0x80, v6, vm0, $0xb8;
	[tilespmem:$0x12D00] =	vst v63  }
0x7b: {  	_ = 	snop  }
0x7c: {  	[tilespmem:s8], [sflag:$0x2] =	stream.indirect_vreg.gather [hbm4b:s0+s2], $0x80, v5, vm0, $0xb8;
	[tilespmem:$0x12D00] =	vst v63  }
0x7d: {  	v5 =	vld [tilespmem:$0xB0];
	_ =	sdelay $0x4  }
0x7e: {  	v6 =	vshll.u32 v5, $0x1  }
0x7f: {  	v5 =	vand.u32 $0x7, v5;
	v6 =	vand.u32 $0xFFFFFFF0, v6  }
0x80: {  	v5 =	vor.u32 v5, v6  }
0x81: {  	v6 =	vperm.xlane v5, v0;
	_ =	sdelay $0x1  }
0x82: {  	v5 =	vperm.xlane v5, v2;
	v6 =	vadd.s32 v1, v6;
	_ =	sdelay $0x1  }
0x83: {  	v5 =	vadd.s32 v1, v5;
	_ =	sdelay $0x2  }
0x84: {  	[tilespmem:s9], [sflag:$0x2] =	stream.indirect_vreg.gather [hbm4b:s0+s2], $0x80, v6, vm0, $0xb8;
	[tilespmem:$0x12D00] =	vst v63  }
0x85: {  	_ = 	snop  }
0x86: {  	[tilespmem:s10], [sflag:$0x2] =	stream.indirect_vreg.gather [hbm4b:s0+s2], $0x80, v5, vm0, $0xb8;
	[tilespmem:$0x12D00] =	vst v63  }
0x87: {  	s30 =	rddreg [dreg:$0x7]  }
0x88: {  	[tilespmem:s11], [sflag:$0x4] =	stream.linear.gather [hbm4b:s30+s2], $0x4000, $0x38;
	[tilespmem:$0x12D00] =	vst v63  }
0x89: {  	_ =	swait.ge [sflag:s12], $0x4000  }
0x8a: {  	[sflag:s12] =	ssyncset.done $0x0  }
0x8b: {  	s24 =	rddreg [dreg:$0x8];
	[sflag:s12] =	ssyncadd.s32 $0xFFFFC000  }
0x8c: {  	[hbm4b:s24+s2] =	stream.linear.scatter [tilespmem:s26], [sflag:$0x5], $0x4000, $0x38;
	[tilespmem:$0x12D00] =	vst v63  }
0x8d: {  	_ =	swait.ge [sflag:s13], $0x4000  }
0x8e: {  	s29 =	sand.u32 $0x3800, s2;
	s24 =	sand.u32 $0x380, s2;
	[sflag:s13] =	ssyncset.done $0x0  }
0x8f: {  	s28 =	sor.u32 s24, s29;
	[sflag:s13] =	ssyncadd.s32 $0xFFFFC000  }
0x90: {  	v5 =	vld [tilespmem:s28+$0x400]  }
0x91: {  	v6 =	vld [tilespmem:s28+$0x8400]  }
0x92: {  	v7 =	vld [tilespmem:s28+$0x410]  }
0x93: {  	v8 =	vld [tilespmem:s28+$0x8410]  }
0x94: {  	v9 =	vld [tilespmem:s28+$0x420]  }
0x95: {  	v10 =	vld [tilespmem:s28+$0x8420]  }
0x96: {  	v11 =	vld [tilespmem:s28+$0x430];
	v5 =	vsub.f32 v5, v6  }
0x97: {  	v6 =	vld [tilespmem:s28+$0x8430]  }
0x98: {  	v12 =	vld [tilespmem:s28+$0x440];
	v7 =	vsub.f32 v7, v8;
	v5 =	vmul.f32 v5, v5  }
0x99: {  	v8 =	vld [tilespmem:s28+$0x8440]  }
0x9a: {  	v13 =	vld [tilespmem:s28+$0x450];
	v9 =	vsub.f32 v9, v10;
	v7 =	vmul.f32 v7, v7;
	v5 =	vadd.f32 v5, v3  }
0x9b: {  	v10 =	vld [tilespmem:s28+$0x8450]  }
0x9c: {  	v14 =	vld [tilespmem:s28+$0x460];
	v6 =	vsub.f32 v11, v6;
	v5 =	vadd.f32 v7, v5;
	v7 =	vmul.f32 v9, v9  }
0x9d: {  	v9 =	vld [tilespmem:s28+$0x8460]  }
0x9e: {  	v11 =	vld [tilespmem:s28+$0x470];
	v6 =	vmul.f32 v6, v6;
	v5 =	vadd.f32 v7, v5;
	v7 =	vsub.f32 v12, v8  }
0x9f: {  	v8 =	vld [tilespmem:s28+$0x8470]  }
0xa0: {  	v12 =	vld [tilespmem:s28+$0x800];
	v5 =	vadd.f32 v6, v5;
	v6 =	vmul.f32 v7, v7;
	v7 =	vsub.f32 v13, v10  }
0xa1: {  	v10 =	vld [tilespmem:s28+$0x8800]  }
0xa2: {  	v13 =	vld [tilespmem:s28+$0x810];
	v5 =	vadd.f32 v6, v5;
	v6 =	vmul.f32 v7, v7;
	v7 =	vsub.f32 v14, v9  }
0xa3: {  	v9 =	vld [tilespmem:s28+$0x8810]  }
0xa4: {  	v14 =	vld [tilespmem:s28+$0x820];
	v5 =	vadd.f32 v6, v5;
	v6 =	vmul.f32 v7, v7;
	v7 =	vsub.f32 v11, v8  }
0xa5: {  	v8 =	vld [tilespmem:s28+$0x8820]  }
0xa6: {  	v11 =	vld [tilespmem:s28+$0x830];
	v5 =	vadd.f32 v6, v5;
	v6 =	vmul.f32 v7, v7;
	v7 =	vsub.f32 v12, v10  }
0xa7: {  	v10 =	vld [tilespmem:s28+$0x8830]  }
0xa8: {  	v15 =	vld [tilespmem:s28+$0x8840];
	v9 =	vsub.f32 v13, v9;
	v6 =	vadd.f32 v6, v5;
	v7 =	vmul.f32 v7, v7  }
0xa9: {  	v12 =	vld [tilespmem:s28+$0x840]  }
0xaa: {  	v5 =	vld [tilespmem:s28+$0x850];
	v9 =	vmul.f32 v9, v9;
	v8 =	vsub.f32 v14, v8;
	v13 =	vadd.f32 v7, v6  }
0xab: {  	v7 =	vld [tilespmem:s28+$0x8850]  }
0xac: {  	v6 =	vld [tilespmem:s28+$0x860];
	v14 =	vmul.f32 v8, v8;
	v10 =	vsub.f32 v11, v10;
	v13 =	vadd.f32 v9, v13  }
0xad: {  	s30 =	simm.s32 $0x100;
	s24 =	simm.s32 $0x80;
	v8 =	vld [tilespmem:s28+$0x8860]  }
0xae: {  	s22 =	sand.u32 $0x3800, s30;
	s29 =	sand.u32 $0x380, s24;
	v12 =	vsub.f32 v12, v15;
	v9 =	vld [tilespmem:s28+$0x870];
	v11 =	vadd.f32 v14, v13;
	v13 =	vmul.f32 v10, v10  }
0xaf: {  	s22 =	sor.u32 s29, s22;
	v10 =	vld [tilespmem:s28+$0x8870];
	s28 =	simm.s32 $0x200  }
.LBB2_2:
0xb0: {  	p1 =	sne.s32 s28, $0x3F00;
	v14 =	vld [tilespmem:s22+$0x400];
	v11 =	vadd.f32 v13, v11;
	v12 =	vmul.f32 v12, v12;
	v5 =	vsub.f32 v5, v7  }
0xb1: {  	v7 =	vld [tilespmem:s22+$0x8400]  }
0xb2: {  	v13 =	vld [tilespmem:s22+$0x410];
	v11 =	vadd.f32 v12, v11;
	v5 =	vmul.f32 v5, v5;
	v6 =	vsub.f32 v6, v8  }
0xb3: {  	v8 =	vld [tilespmem:s22+$0x8410]  }
0xb4: {  	v12 =	vld [tilespmem:s22+$0x420];
	v5 =	vadd.f32 v5, v11;
	v6 =	vmul.f32 v6, v6;
	v9 =	vsub.f32 v9, v10  }
0xb5: {  	v10 =	vld [tilespmem:s22+$0x8420]  }
0xb6: {  	v7 =	vsub.f32 v14, v7;
	v11 =	vld [tilespmem:s22+$0x430];
	v5 =	vadd.f32 v6, v5;
	v6 =	vmul.f32 v9, v9  }
0xb7: {  	v9 =	vld [tilespmem:s22+$0x8430]  }
0xb8: {  	v7 =	vmul.f32 v7, v7;
	v8 =	vsub.f32 v13, v8;
	v13 =	vld [tilespmem:s22+$0x440];
	v5 =	vadd.f32 v6, v5  }
0xb9: {  	v6 =	vld [tilespmem:s22+$0x8440]  }
0xba: {  	v5 =	vadd.f32 v7, v5;
	v7 =	vmul.f32 v8, v8;
	v8 =	vsub.f32 v12, v10;
	v10 =	vld [tilespmem:s22+$0x450]  }
0xbb: {  	v12 =	vld [tilespmem:s22+$0x8450]  }
0xbc: {  	v5 =	vadd.f32 v7, v5;
	v7 =	vmul.f32 v8, v8;
	v8 =	vsub.f32 v11, v9;
	v9 =	vld [tilespmem:s22+$0x460]  }
0xbd: {  	v11 =	vld [tilespmem:s22+$0x8460]  }
0xbe: {  	v5 =	vadd.f32 v7, v5;
	v7 =	vmul.f32 v8, v8;
	v6 =	vsub.f32 v13, v6;
	v8 =	vld [tilespmem:s22+$0x470]  }
0xbf: {  	v13 =	vld [tilespmem:s22+$0x8470]  }
0xc0: {  	v5 =	vadd.f32 v7, v5;
	v6 =	vmul.f32 v6, v6;
	v7 =	vsub.f32 v10, v12;
	v10 =	vld [tilespmem:s22+$0x800]  }
0xc1: {  	v12 =	vld [tilespmem:s22+$0x8800]  }
0xc2: {  	v5 =	vadd.f32 v6, v5;
	v6 =	vmul.f32 v7, v7;
	v7 =	vsub.f32 v9, v11;
	v9 =	vld [tilespmem:s22+$0x810]  }
0xc3: {  	v11 =	vld [tilespmem:s22+$0x8810]  }
0xc4: {  	v5 =	vadd.f32 v6, v5;
	v6 =	vmul.f32 v7, v7;
	v7 =	vsub.f32 v8, v13;
	v8 =	vld [tilespmem:s22+$0x820]  }
0xc5: {  	v13 =	vld [tilespmem:s22+$0x8820]  }
0xc6: {  	v5 =	vadd.f32 v6, v5;
	v6 =	vmul.f32 v7, v7;
	v7 =	vsub.f32 v10, v12;
	v10 =	vld [tilespmem:s22+$0x830]  }
0xc7: {  	v12 =	vld [tilespmem:s22+$0x8830]  }
0xc8: {  	v5 =	vadd.f32 v6, v5;
	v6 =	vmul.f32 v7, v7;
	v7 =	vsub.f32 v9, v11;
	v9 =	vld [tilespmem:s22+$0x840]  }
0xc9: {  	v14 =	vld [tilespmem:s22+$0x8840]  }
0xca: {  	v6 =	vadd.f32 v6, v5;
	v11 =	vmul.f32 v7, v7;
	v8 =	vsub.f32 v8, v13;
	v5 =	vld [tilespmem:s22+$0x850]  }
.Ltmp2:
0xcb: {  	v7 =	vld [tilespmem:s22+$0x8850];
	(pc) =	sbr.rel @p1 .LBB2_2-.Ltmp2, $4  }
0xcc: {  	v11 =	vadd.f32 v11, v6;
	v13 =	vmul.f32 v8, v8;
	v10 =	vsub.f32 v10, v12;
	v6 =	vld [tilespmem:s22+$0x860]  }
0xcd: {  	s24 =	sadd.s32 $0x80, s24;
	v8 =	vld [tilespmem:s22+$0x8860]  }
0xce: {  	s29 =	sand.u32 $0x3800, s28;
	s30 =	sand.u32 $0x380, s24;
	v11 =	vadd.f32 v13, v11;
	v13 =	vmul.f32 v10, v10;
	v12 =	vsub.f32 v9, v14;
	v9 =	vld [tilespmem:s22+$0x870]  }
0xcf: {  	s28 =	sadd.s32 $0x100, s28;
	v10 =	vld [tilespmem:s22+$0x8870];
	s22 =	sor.u32 s30, s29  }
0xd0: {  	v14 =	vld [tilespmem:s22+$0x400]  }
0xd1: {  	v15 =	vld [tilespmem:s22+$0x8400]  }
0xd2: {  	v16 =	vld [tilespmem:s22+$0x410]  }
0xd3: {  	v17 =	vld [tilespmem:s22+$0x8410]  }
0xd4: {  	v18 =	vld [tilespmem:s22+$0x420]  }
0xd5: {  	v19 =	vld [tilespmem:s22+$0x8420]  }
0xd6: {  	v20 =	vld [tilespmem:s22+$0x430]  }
0xd7: {  	v21 =	vld [tilespmem:s22+$0x8430]  }
0xd8: {  	v22 =	vld [tilespmem:s22+$0x440]  }
0xd9: {  	v23 =	vld [tilespmem:s22+$0x8440]  }
0xda: {  	v24 =	vld [tilespmem:s22+$0x450]  }
0xdb: {  	v25 =	vld [tilespmem:s22+$0x8450]  }
0xdc: {  	v26 =	vld [tilespmem:s22+$0x460]  }
0xdd: {  	v27 =	vld [tilespmem:s22+$0x8460]  }
0xde: {  	v28 =	vld [tilespmem:s22+$0x470]  }
0xdf: {  	v29 =	vld [tilespmem:s22+$0x8470]  }
0xe0: {  	v30 =	vld [tilespmem:s22+$0x800]  }
0xe1: {  	v31 =	vld [tilespmem:s22+$0x8800]  }
0xe2: {  	v32 =	vld [tilespmem:s22+$0x810]  }
0xe3: {  	v33 =	vld [tilespmem:s22+$0x8810]  }
0xe4: {  	v34 =	vld [tilespmem:s22+$0x820]  }
0xe5: {  	v35 =	vld [tilespmem:s22+$0x8820]  }
0xe6: {  	v36 =	vld [tilespmem:s22+$0x830]  }
0xe7: {  	v37 =	vld [tilespmem:s22+$0x8830]  }
0xe8: {  	v38 =	vld [tilespmem:s22+$0x840]  }
0xe9: {  	v39 =	vld [tilespmem:s22+$0x8840]  }
0xea: {  	v40 =	vld [tilespmem:s22+$0x850]  }
0xeb: {  	v41 =	vld [tilespmem:s22+$0x8850]  }
0xec: {  	v42 =	vld [tilespmem:s22+$0x860]  }
0xed: {  	v43 =	vld [tilespmem:s22+$0x8860]  }
0xee: {  	v44 =	vld [tilespmem:s22+$0x870]  }
0xef: {  	v45 =	vld [tilespmem:s22+$0x8870];
	_ =	swait.ge [sflag:s14], $0x4000  }
0xf0: {  	[sflag:s14] =	ssyncset.done $0x0  }
0xf1: {  	[sflag:s14] =	ssyncadd.s32 $0xFFFFC000  }
0xf2: {  	v46 =	vld [tilespmem:$0x100];
	_ =	sdelay $0x4  }
0xf3: {  	v47 =	vshll.u32 v46, $0x1  }
0xf4: {  	v46 =	vand.u32 $0x7, v46;
	v47 =	vand.u32 $0xFFFFFFF0, v47  }
0xf5: {  	v46 =	vor.u32 v46, v47  }
0xf6: {  	v47 =	vperm.xlane v46, v0;
	_ =	sdelay $0x1  }
0xf7: {  	v46 =	vperm.xlane v46, v2;
	v47 =	vadd.s32 v1, v47;
	_ =	sdelay $0x1  }
0xf8: {  	v46 =	vadd.s32 v1, v46;
	_ =	sdelay $0x1  }
0xf9: {  	s22 =	simm.s32 $0x0  }
0xfa: {  	[tilespmem:s26], [sflag:$0x1] =	stream.indirect_vreg.gather [hbm4b:s0+s22], $0x80, v47, vm0, $0xb8;
	[tilespmem:$0x12D00] =	vst v63  }
0xfb: {  	s24 =	simm.s32 $0xC00  }
0xfc: {  	[tilespmem:s24], [sflag:$0x1] =	stream.indirect_vreg.gather [hbm4b:s0+s22], $0x80, v46, vm0, $0xb8;
	[tilespmem:$0x12D00] =	vst v63  }
0xfd: {  	v46 =	vld [tilespmem:$0x110];
	_ =	sdelay $0x4  }
0xfe: {  	v62 =	vshll.u32 v46, $0x1  }
0xff: {  	v46 =	vand.u32 $0x7, v46;
	v47 =	vand.u32 $0xFFFFFFF0, v62  }
0x100: {  	v46 =	vor.u32 v46, v47  }
0x101: {  	v47 =	vperm.xlane v46, v0;
	_ =	sdelay $0x1  }
0x102: {  	v46 =	vperm.xlane v46, v2;
	v47 =	vadd.s32 v1, v47;
	_ =	sdelay $0x1  }
0x103: {  	v46 =	vadd.s32 v1, v46;
	_ =	sdelay $0x1  }
0x104: {  	s29 =	simm.s32 $0x1400  }
0x105: {  	[tilespmem:s29], [sflag:$0x1] =	stream.indirect_vreg.gather [hbm4b:s0+s22], $0x80, v47, vm0, $0xb8;
	[tilespmem:$0x12D00] =	vst v63  }
0x106: {  	s30 =	simm.s32 $0x1C00  }
0x107: {  	[tilespmem:s30], [sflag:$0x1] =	stream.indirect_vreg.gather [hbm4b:s0+s22], $0x80, v46, vm0, $0xb8;
	[tilespmem:$0x12D00] =	vst v63  }
0x108: {  	v46 =	vld [tilespmem:$0x120];
	_ =	sdelay $0x4  }
0x109: {  	v63 =	vshll.u32 v46, $0x1  }
0x10a: {  	v46 =	vand.u32 $0x7, v46;
	v47 =	vand.u32 $0xFFFFFFF0, v63  }
0x10b: {  	v46 =	vor.u32 v46, v47  }
0x10c: {  	v47 =	vperm.xlane v46, v0;
	_ =	sdelay $0x1  }
0x10d: {  	v46 =	vperm.xlane v46, v2;
	v47 =	vadd.s32 v1, v47  }
0x10e: {  	v11 =	vadd.f32 v13, v11  }
0x10f: {  	v5 =	vsub.f32 v5, v7;
	v7 =	vmul.f32 v12, v12;
	v12 =	vadd.s32 v1, v46;
	_ =	sdelay $0x1  }
0x110: {  	v7 =	vadd.f32 v7, v11;
	v6 =	vsub.f32 v6, v8;
	v5 =	vmul.f32 v5, v5  }
0x111: {  	[tilespmem:s31], [sflag:$0x1] =	stream.indirect_vreg.gather [hbm4b:s0+s22], $0x80, v47, vm0, $0xb8;
	[tilespmem:$0x12D00] =	vst v63  }
0x112: {  	v5 =	vadd.f32 v5, v7;
	v7 =	vsub.f32 v9, v10;
	v6 =	vmul.f32 v6, v6  }
0x113: {  	[tilespmem:s16], [sflag:$0x1] =	stream.indirect_vreg.gather [hbm4b:s0+s22], $0x80, v12, vm0, $0xb8;
	[tilespmem:$0x12D00] =	vst v63  }
0x114: {  	v8 =	vsub.f32 v14, v15;
	v5 =	vadd.f32 v6, v5;
	v6 =	vmul.f32 v7, v7;
	v7 =	vld [tilespmem:$0x130];
	_ =	sdelay $0x1  }
0x115: {  	v9 =	vsub.f32 v16, v17;
	v5 =	vadd.f32 v6, v5;
	v6 =	vmul.f32 v8, v8;
	_ =	sdelay $0x1  }
0x116: {  	v5 =	vadd.f32 v6, v5;
	v6 =	vmul.f32 v9, v9  }
0x117: {  	v8 =	vsub.f32 v18, v19;
	v9 =	vshll.u32 v7, $0x1  }
0x118: {  	v5 =	vadd.f32 v6, v5;
	v6 =	vand.u32 $0x7, v7;
	v7 =	vand.u32 $0xFFFFFFF0, v9  }
0x119: {  	v8 =	vmul.f32 v8, v8;
	v9 =	vsub.f32 v20, v21;
	v6 =	vor.u32 v6, v7  }
0x11a: {  	v7 =	vperm.xlane v6, v0  }
0x11b: {  	v5 =	vadd.f32 v8, v5;
	v8 =	vmul.f32 v9, v9;
	v9 =	vsub.f32 v22, v23  }
0x11c: {  	v6 =	vperm.xlane v6, v2;
	v7 =	vadd.s32 v1, v7  }
0x11d: {  	v5 =	vadd.f32 v8, v5;
	v8 =	vsub.f32 v24, v25;
	v9 =	vmul.f32 v9, v9  }
0x11e: {  	v6 =	vadd.s32 v1, v6  }
0x11f: {  	v5 =	vadd.f32 v9, v5;
	v9 =	vsub.f32 v26, v27;
	v8 =	vmul.f32 v8, v8;
	_ =	sdelay $0x1  }
0x120: {  	v5 =	vadd.f32 v8, v5;
	v8 =	vmul.f32 v9, v9  }
0x121: {  	[tilespmem:s1], [sflag:$0x1] =	stream.indirect_vreg.gather [hbm4b:s0+s22], $0x80, v7, vm0, $0xb8;
	v7 =	vsub.f32 v28, v29;
	[tilespmem:$0x12D00] =	vst v63  }
0x122: {  	v5 =	vadd.f32 v8, v5  }
0x123: {  	[tilespmem:s21], [sflag:$0x1] =	stream.indirect_vreg.gather [hbm4b:s0+s22], $0x80, v6, vm0, $0xb8;
	v6 =	vsub.f32 v30, v31;
	v7 =	vmul.f32 v7, v7;
	[tilespmem:$0x12D00] =	vst v63  }
0x124: {  	s29 =	rddreg [dreg:$0x9]  }
0x125: {  	[tilespmem:s23], [sflag:$0x3] =	stream.linear.gather [hbm4b:s29+s22], $0x4000, $0x38;
	v5 =	vadd.f32 v7, v5;
	v7 =	vsub.f32 v32, v33;
	v6 =	vmul.f32 v6, v6;
	[tilespmem:$0x12D00] =	vst v63  }
0x126: {  	_ =	swait.ge [sflag:s15], $0x4000  }
0x127: {  	[sflag:s15] =	ssyncset.done $0x0;
	v5 =	vadd.f32 v6, v5;
	v6 =	vsub.f32 v34, v35;
	v7 =	vmul.f32 v7, v7  }
0x128: {  	s30 =	rddreg [dreg:$0xa];
	[sflag:s15] =	ssyncadd.s32 $0xFFFFC000  }
0x129: {  	[hbm4b:s30+s22] =	stream.linear.scatter [tilespmem:s3], [sflag:$0x6], $0x4000, $0x38;
	v5 =	vadd.f32 v7, v5;
	v7 =	vsub.f32 v36, v37;
	v6 =	vmul.f32 v6, v6;
	[tilespmem:$0x12D00] =	vst v63  }
0x12a: {  	_ =	swait.ge [sflag:s17], $0x4000  }
0x12b: {  	s29 =	sand.u32 $0x3800, s22;
	s22 =	sand.u32 $0x380, s22;
	[sflag:s17] =	ssyncset.done $0x0;
	v5 =	vadd.f32 v6, v5;
	v6 =	vmul.f32 v7, v7;
	v7 =	vsub.f32 v38, v39  }
0x12c: {  	s29 =	sor.u32 s22, s29;
	[sflag:s17] =	ssyncadd.s32 $0xFFFFC000  }
0x12d: {  	v8 =	vld [tilespmem:s29+$0x4400];
	v5 =	vadd.f32 v6, v5;
	v6 =	vmul.f32 v7, v7;
	v7 =	vsub.f32 v40, v41  }
0x12e: {  	v9 =	vld [tilespmem:s29+$0xC400]  }
0x12f: {  	v10 =	vld [tilespmem:s29+$0x4410];
	v5 =	vadd.f32 v6, v5;
	v6 =	vmul.f32 v7, v7;
	v7 =	vsub.f32 v42, v43  }
0x130: {  	v11 =	vld [tilespmem:s29+$0xC410]  }
0x131: {  	v12 =	vld [tilespmem:s29+$0x4420];
	v5 =	vadd.f32 v6, v5;
	v6 =	vmul.f32 v7, v7;
	v7 =	vsub.f32 v44, v45  }
0x132: {  	v13 =	vld [tilespmem:s29+$0xC420]  }
0x133: {  	v14 =	vld [tilespmem:s29+$0x4430];
	v5 =	vadd.f32 v6, v5;
	v6 =	vmul.f32 v7, v7;
	v7 =	vsub.f32 v8, v9  }
0x134: {  	v8 =	vld [tilespmem:s29+$0xC430]  }
0x135: {  	v9 =	vld [tilespmem:s29+$0x4440];
	v5 =	vadd.f32 v6, v5;
	v6 =	vmul.f32 v7, v7;
	v7 =	vsub.f32 v10, v11  }
0x136: {  	v10 =	vld [tilespmem:s29+$0xC440]  }
0x137: {  	v11 =	vld [tilespmem:s29+$0x4450];
	v5 =	vadd.f32 v6, v5;
	v6 =	vmul.f32 v7, v7;
	v7 =	vsub.f32 v12, v13  }
0x138: {  	v12 =	vld [tilespmem:s29+$0xC450]  }
0x139: {  	v13 =	vld [tilespmem:s29+$0x4460];
	v5 =	vadd.f32 v6, v5;
	v6 =	vmul.f32 v7, v7;
	v7 =	vsub.f32 v14, v8  }
0x13a: {  	v8 =	vld [tilespmem:s29+$0xC460]  }
0x13b: {  	v14 =	vld [tilespmem:s29+$0x4470];
	v5 =	vadd.f32 v6, v5;
	v6 =	vmul.f32 v7, v7;
	v7 =	vsub.f32 v9, v10  }
0x13c: {  	v9 =	vld [tilespmem:s29+$0xC470]  }
0x13d: {  	v10 =	vld [tilespmem:s29+$0x4800];
	v5 =	vadd.f32 v6, v5;
	v6 =	vmul.f32 v7, v7;
	v7 =	vsub.f32 v11, v12  }
0x13e: {  	v11 =	vld [tilespmem:s29+$0xC800]  }
0x13f: {  	v12 =	vld [tilespmem:s29+$0x4810];
	v5 =	vadd.f32 v6, v5;
	v6 =	vmul.f32 v7, v7;
	v7 =	vsub.f32 v13, v8  }
0x140: {  	v8 =	vld [tilespmem:s29+$0xC810]  }
0x141: {  	v13 =	vld [tilespmem:s29+$0x4820];
	v5 =	vadd.f32 v6, v5;
	v6 =	vmul.f32 v7, v7;
	v7 =	vsub.f32 v14, v9  }
0x142: {  	v9 =	vld [tilespmem:s29+$0xC820]  }
0x143: {  	v14 =	vld [tilespmem:s29+$0x4830];
	v5 =	vadd.f32 v6, v5;
	v6 =	vmul.f32 v7, v7;
	v7 =	vsub.f32 v10, v11  }
0x144: {  	v10 =	vld [tilespmem:s29+$0xC830]  }
0x145: {  	v15 =	vld [tilespmem:s29+$0x4840];
	v8 =	vsub.f32 v12, v8;
	v6 =	vadd.f32 v6, v5;
	v7 =	vmul.f32 v7, v7  }
0x146: {  	v12 =	vld [tilespmem:s29+$0xC840]  }
0x147: {  	v5 =	vld [tilespmem:s29+$0x4850];
	v8 =	vmul.f32 v8, v8;
	v9 =	vsub.f32 v13, v9;
	v11 =	vadd.f32 v7, v6  }
0x148: {  	v7 =	vld [tilespmem:s29+$0xC850]  }
0x149: {  	v6 =	vld [tilespmem:s29+$0x4860];
	v13 =	vmul.f32 v9, v9;
	v10 =	vsub.f32 v14, v10;
	v11 =	vadd.f32 v8, v11  }
0x14a: {  	s24 =	simm.s32 $0x80;
	s30 =	simm.s32 $0x100;
	v8 =	vld [tilespmem:s29+$0xC860]  }
0x14b: {  	s28 =	sand.u32 $0x380, s24;
	s22 =	sand.u32 $0x3800, s30;
	v9 =	vld [tilespmem:s29+$0x4870];
	v12 =	vsub.f32 v15, v12;
	v11 =	vadd.f32 v13, v11;
	v13 =	vmul.f32 v10, v10  }
0x14c: {  	s22 =	sor.u32 s28, s22;
	s28 =	simm.s32 $0x200;
	v10 =	vld [tilespmem:s29+$0xC870]  }
.LBB2_4:
0x14d: {  	p1 =	sne.s32 s28, $0x3F00;
	v14 =	vld [tilespmem:s22+$0x4400];
	v11 =	vadd.f32 v13, v11;
	v12 =	vmul.f32 v12, v12;
	v5 =	vsub.f32 v5, v7  }
0x14e: {  	v7 =	vld [tilespmem:s22+$0xC400]  }
0x14f: {  	v13 =	vld [tilespmem:s22+$0x4410];
	v11 =	vadd.f32 v12, v11;
	v5 =	vmul.f32 v5, v5;
	v6 =	vsub.f32 v6, v8  }
0x150: {  	v8 =	vld [tilespmem:s22+$0xC410]  }
0x151: {  	v12 =	vld [tilespmem:s22+$0x4420];
	v5 =	vadd.f32 v5, v11;
	v6 =	vmul.f32 v6, v6;
	v9 =	vsub.f32 v9, v10  }
0x152: {  	v10 =	vld [tilespmem:s22+$0xC420]  }
0x153: {  	v7 =	vsub.f32 v14, v7;
	v11 =	vld [tilespmem:s22+$0x4430];
	v5 =	vadd.f32 v6, v5;
	v6 =	vmul.f32 v9, v9  }
0x154: {  	v9 =	vld [tilespmem:s22+$0xC430]  }
0x155: {  	v7 =	vmul.f32 v7, v7;
	v8 =	vsub.f32 v13, v8;
	v13 =	vld [tilespmem:s22+$0x4440];
	v5 =	vadd.f32 v6, v5  }
0x156: {  	v6 =	vld [tilespmem:s22+$0xC440]  }
0x157: {  	v5 =	vadd.f32 v7, v5;
	v7 =	vmul.f32 v8, v8;
	v8 =	vsub.f32 v12, v10;
	v10 =	vld [tilespmem:s22+$0x4450]  }
0x158: {  	v12 =	vld [tilespmem:s22+$0xC450]  }
0x159: {  	v5 =	vadd.f32 v7, v5;
	v7 =	vmul.f32 v8, v8;
	v8 =	vsub.f32 v11, v9;
	v9 =	vld [tilespmem:s22+$0x4460]  }
0x15a: {  	v11 =	vld [tilespmem:s22+$0xC460]  }
0x15b: {  	v5 =	vadd.f32 v7, v5;
	v7 =	vmul.f32 v8, v8;
	v6 =	vsub.f32 v13, v6;
	v8 =	vld [tilespmem:s22+$0x4470]  }
0x15c: {  	v13 =	vld [tilespmem:s22+$0xC470]  }
0x15d: {  	v5 =	vadd.f32 v7, v5;
	v6 =	vmul.f32 v6, v6;
	v7 =	vsub.f32 v10, v12;
	v10 =	vld [tilespmem:s22+$0x4800]  }
0x15e: {  	v12 =	vld [tilespmem:s22+$0xC800]  }
0x15f: {  	v5 =	vadd.f32 v6, v5;
	v6 =	vmul.f32 v7, v7;
	v7 =	vsub.f32 v9, v11;
	v9 =	vld [tilespmem:s22+$0x4810]  }
0x160: {  	v11 =	vld [tilespmem:s22+$0xC810]  }
0x161: {  	v5 =	vadd.f32 v6, v5;
	v6 =	vmul.f32 v7, v7;
	v7 =	vsub.f32 v8, v13;
	v8 =	vld [tilespmem:s22+$0x4820]  }
0x162: {  	v13 =	vld [tilespmem:s22+$0xC820]  }
0x163: {  	v5 =	vadd.f32 v6, v5;
	v6 =	vmul.f32 v7, v7;
	v7 =	vsub.f32 v10, v12;
	v10 =	vld [tilespmem:s22+$0x4830]  }
0x164: {  	v12 =	vld [tilespmem:s22+$0xC830]  }
0x165: {  	v5 =	vadd.f32 v6, v5;
	v6 =	vmul.f32 v7, v7;
	v7 =	vsub.f32 v9, v11;
	v9 =	vld [tilespmem:s22+$0x4840]  }
0x166: {  	v14 =	vld [tilespmem:s22+$0xC840]  }
0x167: {  	v6 =	vadd.f32 v6, v5;
	v11 =	vmul.f32 v7, v7;
	v8 =	vsub.f32 v8, v13;
	v5 =	vld [tilespmem:s22+$0x4850]  }
.Ltmp3:
0x168: {  	v7 =	vld [tilespmem:s22+$0xC850];
	(pc) =	sbr.rel @p1 .LBB2_4-.Ltmp3, $4  }
0x169: {  	v11 =	vadd.f32 v11, v6;
	v13 =	vmul.f32 v8, v8;
	v10 =	vsub.f32 v10, v12;
	v6 =	vld [tilespmem:s22+$0x4860]  }
0x16a: {  	s24 =	sadd.s32 $0x80, s24;
	v8 =	vld [tilespmem:s22+$0xC860]  }
0x16b: {  	s29 =	sand.u32 $0x3800, s28;
	s30 =	sand.u32 $0x380, s24;
	v11 =	vadd.f32 v13, v11;
	v13 =	vmul.f32 v10, v10;
	v12 =	vsub.f32 v9, v14;
	v9 =	vld [tilespmem:s22+$0x4870]  }
0x16c: {  	s28 =	sadd.s32 $0x100, s28;
	v10 =	vld [tilespmem:s22+$0xC870];
	s22 =	sor.u32 s30, s29  }
0x16d: {  	v14 =	vld [tilespmem:s22+$0x4400]  }
0x16e: {  	v15 =	vld [tilespmem:s22+$0xC400]  }
0x16f: {  	v16 =	vld [tilespmem:s22+$0x4410]  }
0x170: {  	v17 =	vld [tilespmem:s22+$0xC410]  }
0x171: {  	v18 =	vld [tilespmem:s22+$0x4420]  }
0x172: {  	v19 =	vld [tilespmem:s22+$0xC420]  }
0x173: {  	v20 =	vld [tilespmem:s22+$0x4430]  }
0x174: {  	v21 =	vld [tilespmem:s22+$0xC430]  }
0x175: {  	v22 =	vld [tilespmem:s22+$0x4440]  }
0x176: {  	v23 =	vld [tilespmem:s22+$0xC440]  }
0x177: {  	v24 =	vld [tilespmem:s22+$0x4450]  }
0x178: {  	v25 =	vld [tilespmem:s22+$0xC450]  }
0x179: {  	v26 =	vld [tilespmem:s22+$0x4460]  }
0x17a: {  	v27 =	vld [tilespmem:s22+$0xC460]  }
0x17b: {  	v28 =	vld [tilespmem:s22+$0x4470]  }
0x17c: {  	v29 =	vld [tilespmem:s22+$0xC470]  }
0x17d: {  	v30 =	vld [tilespmem:s22+$0x4800]  }
0x17e: {  	v31 =	vld [tilespmem:s22+$0xC800]  }
0x17f: {  	v32 =	vld [tilespmem:s22+$0x4810]  }
0x180: {  	v33 =	vld [tilespmem:s22+$0xC810]  }
0x181: {  	v34 =	vld [tilespmem:s22+$0x4820]  }
0x182: {  	v35 =	vld [tilespmem:s22+$0xC820]  }
0x183: {  	v36 =	vld [tilespmem:s22+$0x4830]  }
0x184: {  	v37 =	vld [tilespmem:s22+$0xC830]  }
0x185: {  	v38 =	vld [tilespmem:s22+$0x4840]  }
0x186: {  	v39 =	vld [tilespmem:s22+$0xC840]  }
0x187: {  	v40 =	vld [tilespmem:s22+$0x4850]  }
0x188: {  	v41 =	vld [tilespmem:s22+$0xC850]  }
0x189: {  	v42 =	vld [tilespmem:s22+$0x4860]  }
0x18a: {  	v43 =	vld [tilespmem:s22+$0xC860]  }
0x18b: {  	v44 =	vld [tilespmem:s22+$0x4870]  }
0x18c: {  	v45 =	vld [tilespmem:s22+$0xC870];
	_ =	swait.ge [sflag:s18], $0x4000  }
0x18d: {  	[sflag:s18] =	ssyncset.done $0x0  }
0x18e: {  	[sflag:s18] =	ssyncadd.s32 $0xFFFFC000  }
0x18f: {  	v46 =	vld [tilespmem:$0x180];
	_ =	sdelay $0x4  }
0x190: {  	v47 =	vshll.u32 v46, $0x1  }
0x191: {  	v46 =	vand.u32 $0x7, v46;
	v47 =	vand.u32 $0xFFFFFFF0, v47  }
0x192: {  	v46 =	vor.u32 v46, v47  }
0x193: {  	v47 =	vperm.xlane v46, v0;
	_ =	sdelay $0x1  }
0x194: {  	v46 =	vperm.xlane v46, v2;
	v47 =	vadd.s32 v1, v47;
	_ =	sdelay $0x1  }
0x195: {  	v46 =	vadd.s32 v1, v46;
	_ =	sdelay $0x1  }
0x196: {  	s22 =	simm.s32 $0x0  }
0x197: {  	[tilespmem:s3], [sflag:$0x2] =	stream.indirect_vreg.gather [hbm4b:s0+s22], $0x80, v47, vm0, $0xb8;
	[tilespmem:$0x12D00] =	vst v63  }
0x198: {  	_ = 	snop  }
0x199: {  	[tilespmem:s4], [sflag:$0x2] =	stream.indirect_vreg.gather [hbm4b:s0+s22], $0x80, v46, vm0, $0xb8;
	[tilespmem:$0x12D00] =	vst v63  }
0x19a: {  	v46 =	vld [tilespmem:$0x190];
	_ =	sdelay $0x4  }
0x19b: {  	v62 =	vshll.u32 v46, $0x1  }
0x19c: {  	v46 =	vand.u32 $0x7, v46;
	v47 =	vand.u32 $0xFFFFFFF0, v62  }
0x19d: {  	v46 =	vor.u32 v46, v47  }
0x19e: {  	v47 =	vperm.xlane v46, v0;
	_ =	sdelay $0x1  }
0x19f: {  	v46 =	vperm.xlane v46, v2;
	v47 =	vadd.s32 v1, v47;
	_ =	sdelay $0x1  }
0x1a0: {  	v46 =	vadd.s32 v1, v46;
	_ =	sdelay $0x2  }
0x1a1: {  	[tilespmem:s5], [sflag:$0x2] =	stream.indirect_vreg.gather [hbm4b:s0+s22], $0x80, v47, vm0, $0xb8;
	[tilespmem:$0x12D00] =	vst v63  }
0x1a2: {  	_ = 	snop  }
0x1a3: {  	[tilespmem:s6], [sflag:$0x2] =	stream.indirect_vreg.gather [hbm4b:s0+s22], $0x80, v46, vm0, $0xb8;
	[tilespmem:$0x12D00] =	vst v63  }
0x1a4: {  	v46 =	vld [tilespmem:$0x1A0];
	_ =	sdelay $0x4  }
0x1a5: {  	v63 =	vshll.u32 v46, $0x1  }
0x1a6: {  	v46 =	vand.u32 $0x7, v46;
	v47 =	vand.u32 $0xFFFFFFF0, v63  }
0x1a7: {  	v46 =	vor.u32 v46, v47  }
0x1a8: {  	v47 =	vperm.xlane v46, v0;
	_ =	sdelay $0x1  }
0x1a9: {  	v46 =	vperm.xlane v46, v2;
	v47 =	vadd.s32 v1, v47  }
0x1aa: {  	v11 =	vadd.f32 v13, v11  }
0x1ab: {  	v5 =	vsub.f32 v5, v7;
	v7 =	vmul.f32 v12, v12;
	v12 =	vadd.s32 v1, v46;
	_ =	sdelay $0x1  }
0x1ac: {  	v7 =	vadd.f32 v7, v11;
	v6 =	vsub.f32 v6, v8;
	v5 =	vmul.f32 v5, v5  }
0x1ad: {  	[tilespmem:s7], [sflag:$0x2] =	stream.indirect_vreg.gather [hbm4b:s0+s22], $0x80, v47, vm0, $0xb8;
	[tilespmem:$0x12D00] =	vst v63  }
0x1ae: {  	v5 =	vadd.f32 v5, v7;
	v7 =	vsub.f32 v9, v10;
	v6 =	vmul.f32 v6, v6  }
0x1af: {  	[tilespmem:s8], [sflag:$0x2] =	stream.indirect_vreg.gather [hbm4b:s0+s22], $0x80, v12, vm0, $0xb8;
	[tilespmem:$0x12D00] =	vst v63  }
0x1b0: {  	v8 =	vsub.f32 v14, v15;
	v5 =	vadd.f32 v6, v5;
	v6 =	vmul.f32 v7, v7;
	v7 =	vld [tilespmem:$0x1B0];
	_ =	sdelay $0x1  }
0x1b1: {  	v9 =	vsub.f32 v16, v17;
	v5 =	vadd.f32 v6, v5;
	v6 =	vmul.f32 v8, v8;
	_ =	sdelay $0x1  }
0x1b2: {  	v5 =	vadd.f32 v6, v5;
	v6 =	vmul.f32 v9, v9  }
0x1b3: {  	v8 =	vsub.f32 v18, v19;
	v9 =	vshll.u32 v7, $0x1  }
0x1b4: {  	v5 =	vadd.f32 v6, v5;
	v6 =	vand.u32 $0x7, v7;
	v7 =	vand.u32 $0xFFFFFFF0, v9  }
0x1b5: {  	v8 =	vmul.f32 v8, v8;
	v9 =	vsub.f32 v20, v21;
	v6 =	vor.u32 v6, v7  }
0x1b6: {  	v7 =	vperm.xlane v6, v0  }
0x1b7: {  	v5 =	vadd.f32 v8, v5;
	v8 =	vmul.f32 v9, v9;
	v9 =	vsub.f32 v22, v23  }
0x1b8: {  	v6 =	vperm.xlane v6, v2;
	v7 =	vadd.s32 v1, v7  }
0x1b9: {  	v5 =	vadd.f32 v8, v5;
	v8 =	vsub.f32 v24, v25;
	v9 =	vmul.f32 v9, v9  }
0x1ba: {  	v6 =	vadd.s32 v1, v6  }
0x1bb: {  	v5 =	vadd.f32 v9, v5;
	v9 =	vsub.f32 v26, v27;
	v8 =	vmul.f32 v8, v8;
	_ =	sdelay $0x1  }
0x1bc: {  	v5 =	vadd.f32 v8, v5;
	v8 =	vmul.f32 v9, v9  }
0x1bd: {  	[tilespmem:s9], [sflag:$0x2] =	stream.indirect_vreg.gather [hbm4b:s0+s22], $0x80, v7, vm0, $0xb8;
	v7 =	vsub.f32 v28, v29;
	[tilespmem:$0x12D00] =	vst v63  }
0x1be: {  	v5 =	vadd.f32 v8, v5  }
0x1bf: {  	[tilespmem:s10], [sflag:$0x2] =	stream.indirect_vreg.gather [hbm4b:s0+s22], $0x80, v6, vm0, $0xb8;
	v6 =	vsub.f32 v30, v31;
	v7 =	vmul.f32 v7, v7;
	[tilespmem:$0x12D00] =	vst v63  }
0x1c0: {  	s24 =	rddreg [dreg:$0xb]  }
0x1c1: {  	[tilespmem:s11], [sflag:$0x4] =	stream.linear.gather [hbm4b:s24+s22], $0x4000, $0x38;
	v5 =	vadd.f32 v7, v5;
	v7 =	vsub.f32 v32, v33;
	v6 =	vmul.f32 v6, v6;
	[tilespmem:$0x12D00] =	vst v63  }
0x1c2: {  	_ =	swait.ge [sflag:s12], $0x4000  }
0x1c3: {  	[sflag:s12] =	ssyncset.done $0x0;
	v5 =	vadd.f32 v6, v5;
	v6 =	vsub.f32 v34, v35;
	v7 =	vmul.f32 v7, v7  }
0x1c4: {  	s30 =	rddreg [dreg:$0xc];
	[sflag:s12] =	ssyncadd.s32 $0xFFFFC000  }
0x1c5: {  	[hbm4b:s30+s22] =	stream.linear.scatter [tilespmem:s26], [sflag:$0x5], $0x4000, $0x38;
	v5 =	vadd.f32 v7, v5;
	v7 =	vsub.f32 v36, v37;
	v6 =	vmul.f32 v6, v6;
	[tilespmem:$0x12D00] =	vst v63  }
0x1c6: {  	_ =	swait.ge [sflag:s13], $0x4000  }
0x1c7: {  	s29 =	sand.u32 $0x3800, s22;
	s22 =	sand.u32 $0x380, s22;
	[sflag:s13] =	ssyncset.done $0x0;
	v5 =	vadd.f32 v6, v5;
	v6 =	vmul.f32 v7, v7;
	v7 =	vsub.f32 v38, v39  }
0x1c8: {  	s29 =	sor.u32 s22, s29;
	[sflag:s13] =	ssyncadd.s32 $0xFFFFC000  }
0x1c9: {  	v8 =	vld [tilespmem:s29+$0x400];
	v5 =	vadd.f32 v6, v5;
	v6 =	vmul.f32 v7, v7;
	v7 =	vsub.f32 v40, v41  }
0x1ca: {  	v9 =	vld [tilespmem:s29+$0x8400]  }
0x1cb: {  	v10 =	vld [tilespmem:s29+$0x410];
	v5 =	vadd.f32 v6, v5;
	v6 =	vmul.f32 v7, v7;
	v7 =	vsub.f32 v42, v43  }
0x1cc: {  	v11 =	vld [tilespmem:s29+$0x8410]  }
0x1cd: {  	v12 =	vld [tilespmem:s29+$0x420];
	v5 =	vadd.f32 v6, v5;
	v6 =	vmul.f32 v7, v7;
	v7 =	vsub.f32 v44, v45  }
0x1ce: {  	v13 =	vld [tilespmem:s29+$0x8420]  }
0x1cf: {  	v14 =	vld [tilespmem:s29+$0x430];
	v5 =	vadd.f32 v6, v5;
	v6 =	vmul.f32 v7, v7;
	v7 =	vsub.f32 v8, v9  }
0x1d0: {  	v8 =	vld [tilespmem:s29+$0x8430]  }
0x1d1: {  	v9 =	vld [tilespmem:s29+$0x440];
	v5 =	vadd.f32 v6, v5;
	v6 =	vmul.f32 v7, v7;
	v7 =	vsub.f32 v10, v11  }
0x1d2: {  	v10 =	vld [tilespmem:s29+$0x8440]  }
0x1d3: {  	v11 =	vld [tilespmem:s29+$0x450];
	v5 =	vadd.f32 v6, v5;
	v6 =	vmul.f32 v7, v7;
	v7 =	vsub.f32 v12, v13  }
0x1d4: {  	v12 =	vld [tilespmem:s29+$0x8450]  }
0x1d5: {  	v13 =	vld [tilespmem:s29+$0x460];
	v5 =	vadd.f32 v6, v5;
	v6 =	vmul.f32 v7, v7;
	v7 =	vsub.f32 v14, v8  }
0x1d6: {  	v8 =	vld [tilespmem:s29+$0x8460]  }
0x1d7: {  	v14 =	vld [tilespmem:s29+$0x470];
	v5 =	vadd.f32 v6, v5;
	v6 =	vmul.f32 v7, v7;
	v7 =	vsub.f32 v9, v10  }
0x1d8: {  	v9 =	vld [tilespmem:s29+$0x8470]  }
0x1d9: {  	v10 =	vld [tilespmem:s29+$0x800];
	v5 =	vadd.f32 v6, v5;
	v6 =	vmul.f32 v7, v7;
	v7 =	vsub.f32 v11, v12  }
0x1da: {  	v11 =	vld [tilespmem:s29+$0x8800]  }
0x1db: {  	v12 =	vld [tilespmem:s29+$0x810];
	v5 =	vadd.f32 v6, v5;
	v6 =	vmul.f32 v7, v7;
	v7 =	vsub.f32 v13, v8  }
0x1dc: {  	v8 =	vld [tilespmem:s29+$0x8810]  }
0x1dd: {  	v13 =	vld [tilespmem:s29+$0x820];
	v5 =	vadd.f32 v6, v5;
	v6 =	vmul.f32 v7, v7;
	v7 =	vsub.f32 v14, v9  }
0x1de: {  	v9 =	vld [tilespmem:s29+$0x8820]  }
0x1df: {  	v14 =	vld [tilespmem:s29+$0x830];
	v5 =	vadd.f32 v6, v5;
	v6 =	vmul.f32 v7, v7;
	v7 =	vsub.f32 v10, v11  }
0x1e0: {  	v10 =	vld [tilespmem:s29+$0x8830]  }
0x1e1: {  	v15 =	vld [tilespmem:s29+$0x840];
	v8 =	vsub.f32 v12, v8;
	v6 =	vadd.f32 v6, v5;
	v7 =	vmul.f32 v7, v7  }
0x1e2: {  	v12 =	vld [tilespmem:s29+$0x8840]  }
0x1e3: {  	v5 =	vld [tilespmem:s29+$0x850];
	v8 =	vmul.f32 v8, v8;
	v9 =	vsub.f32 v13, v9;
	v11 =	vadd.f32 v7, v6  }
0x1e4: {  	v7 =	vld [tilespmem:s29+$0x8850]  }
0x1e5: {  	v6 =	vld [tilespmem:s29+$0x860];
	v13 =	vmul.f32 v9, v9;
	v10 =	vsub.f32 v14, v10;
	v11 =	vadd.f32 v8, v11  }
0x1e6: {  	s24 =	simm.s32 $0x80;
	s30 =	simm.s32 $0x100;
	v8 =	vld [tilespmem:s29+$0x8860]  }
0x1e7: {  	s28 =	sand.u32 $0x380, s24;
	s22 =	sand.u32 $0x3800, s30;
	v9 =	vld [tilespmem:s29+$0x870];
	v12 =	vsub.f32 v15, v12;
	v11 =	vadd.f32 v13, v11;
	v13 =	vmul.f32 v10, v10  }
0x1e8: {  	s22 =	sor.u32 s28, s22;
	s28 =	simm.s32 $0x200;
	v10 =	vld [tilespmem:s29+$0x8870]  }
.LBB2_6:
0x1e9: {  	p1 =	sne.s32 s28, $0x3F00;
	v14 =	vld [tilespmem:s22+$0x400];
	v11 =	vadd.f32 v13, v11;
	v12 =	vmul.f32 v12, v12;
	v5 =	vsub.f32 v5, v7  }
0x1ea: {  	v7 =	vld [tilespmem:s22+$0x8400]  }
0x1eb: {  	v13 =	vld [tilespmem:s22+$0x410];
	v11 =	vadd.f32 v12, v11;
	v5 =	vmul.f32 v5, v5;
	v6 =	vsub.f32 v6, v8  }
0x1ec: {  	v8 =	vld [tilespmem:s22+$0x8410]  }
0x1ed: {  	v12 =	vld [tilespmem:s22+$0x420];
	v5 =	vadd.f32 v5, v11;
	v6 =	vmul.f32 v6, v6;
	v9 =	vsub.f32 v9, v10  }
0x1ee: {  	v10 =	vld [tilespmem:s22+$0x8420]  }
0x1ef: {  	v7 =	vsub.f32 v14, v7;
	v11 =	vld [tilespmem:s22+$0x430];
	v5 =	vadd.f32 v6, v5;
	v6 =	vmul.f32 v9, v9  }
0x1f0: {  	v9 =	vld [tilespmem:s22+$0x8430]  }
0x1f1: {  	v7 =	vmul.f32 v7, v7;
	v8 =	vsub.f32 v13, v8;
	v13 =	vld [tilespmem:s22+$0x440];
	v5 =	vadd.f32 v6, v5  }
0x1f2: {  	v6 =	vld [tilespmem:s22+$0x8440]  }
0x1f3: {  	v5 =	vadd.f32 v7, v5;
	v7 =	vmul.f32 v8, v8;
	v8 =	vsub.f32 v12, v10;
	v10 =	vld [tilespmem:s22+$0x450]  }
0x1f4: {  	v12 =	vld [tilespmem:s22+$0x8450]  }
0x1f5: {  	v5 =	vadd.f32 v7, v5;
	v7 =	vmul.f32 v8, v8;
	v8 =	vsub.f32 v11, v9;
	v9 =	vld [tilespmem:s22+$0x460]  }
0x1f6: {  	v11 =	vld [tilespmem:s22+$0x8460]  }
0x1f7: {  	v5 =	vadd.f32 v7, v5;
	v7 =	vmul.f32 v8, v8;
	v6 =	vsub.f32 v13, v6;
	v8 =	vld [tilespmem:s22+$0x470]  }
0x1f8: {  	v13 =	vld [tilespmem:s22+$0x8470]  }
0x1f9: {  	v5 =	vadd.f32 v7, v5;
	v6 =	vmul.f32 v6, v6;
	v7 =	vsub.f32 v10, v12;
	v10 =	vld [tilespmem:s22+$0x800]  }
0x1fa: {  	v12 =	vld [tilespmem:s22+$0x8800]  }
0x1fb: {  	v5 =	vadd.f32 v6, v5;
	v6 =	vmul.f32 v7, v7;
	v7 =	vsub.f32 v9, v11;
	v9 =	vld [tilespmem:s22+$0x810]  }
0x1fc: {  	v11 =	vld [tilespmem:s22+$0x8810]  }
0x1fd: {  	v5 =	vadd.f32 v6, v5;
	v6 =	vmul.f32 v7, v7;
	v7 =	vsub.f32 v8, v13;
	v8 =	vld [tilespmem:s22+$0x820]  }
0x1fe: {  	v13 =	vld [tilespmem:s22+$0x8820]  }
0x1ff: {  	v5 =	vadd.f32 v6, v5;
	v6 =	vmul.f32 v7, v7;
	v7 =	vsub.f32 v10, v12;
	v10 =	vld [tilespmem:s22+$0x830]  }
0x200: {  	v12 =	vld [tilespmem:s22+$0x8830]  }
0x201: {  	v5 =	vadd.f32 v6, v5;
	v6 =	vmul.f32 v7, v7;
	v7 =	vsub.f32 v9, v11;
	v9 =	vld [tilespmem:s22+$0x840]  }
0x202: {  	v14 =	vld [tilespmem:s22+$0x8840]  }
0x203: {  	v6 =	vadd.f32 v6, v5;
	v11 =	vmul.f32 v7, v7;
	v8 =	vsub.f32 v8, v13;
	v5 =	vld [tilespmem:s22+$0x850]  }
.Ltmp4:
0x204: {  	v7 =	vld [tilespmem:s22+$0x8850];
	(pc) =	sbr.rel @p1 .LBB2_6-.Ltmp4, $4  }
0x205: {  	v11 =	vadd.f32 v11, v6;
	v13 =	vmul.f32 v8, v8;
	v10 =	vsub.f32 v10, v12;
	v6 =	vld [tilespmem:s22+$0x860]  }
0x206: {  	s24 =	sadd.s32 $0x80, s24;
	v8 =	vld [tilespmem:s22+$0x8860]  }
0x207: {  	s29 =	sand.u32 $0x3800, s28;
	s30 =	sand.u32 $0x380, s24;
	v11 =	vadd.f32 v13, v11;
	v13 =	vmul.f32 v10, v10;
	v12 =	vsub.f32 v9, v14;
	v9 =	vld [tilespmem:s22+$0x870]  }
0x208: {  	s28 =	sadd.s32 $0x100, s28;
	v10 =	vld [tilespmem:s22+$0x8870];
	s22 =	sor.u32 s30, s29  }
0x209: {  	v14 =	vld [tilespmem:s22+$0x400]  }
0x20a: {  	v15 =	vld [tilespmem:s22+$0x8400]  }
0x20b: {  	v16 =	vld [tilespmem:s22+$0x410]  }
0x20c: {  	v17 =	vld [tilespmem:s22+$0x8410]  }
0x20d: {  	v18 =	vld [tilespmem:s22+$0x420]  }
0x20e: {  	v19 =	vld [tilespmem:s22+$0x8420]  }
0x20f: {  	v20 =	vld [tilespmem:s22+$0x430]  }
0x210: {  	v21 =	vld [tilespmem:s22+$0x8430]  }
0x211: {  	v22 =	vld [tilespmem:s22+$0x440]  }
0x212: {  	v23 =	vld [tilespmem:s22+$0x8440]  }
0x213: {  	v24 =	vld [tilespmem:s22+$0x450]  }
0x214: {  	v25 =	vld [tilespmem:s22+$0x8450]  }
0x215: {  	v26 =	vld [tilespmem:s22+$0x460]  }
0x216: {  	v27 =	vld [tilespmem:s22+$0x8460]  }
0x217: {  	v28 =	vld [tilespmem:s22+$0x470]  }
0x218: {  	v29 =	vld [tilespmem:s22+$0x8470]  }
0x219: {  	v30 =	vld [tilespmem:s22+$0x800]  }
0x21a: {  	v31 =	vld [tilespmem:s22+$0x8800]  }
0x21b: {  	v32 =	vld [tilespmem:s22+$0x810]  }
0x21c: {  	v33 =	vld [tilespmem:s22+$0x8810]  }
0x21d: {  	v34 =	vld [tilespmem:s22+$0x820]  }
0x21e: {  	v35 =	vld [tilespmem:s22+$0x8820]  }
0x21f: {  	v36 =	vld [tilespmem:s22+$0x830]  }
0x220: {  	v37 =	vld [tilespmem:s22+$0x8830]  }
0x221: {  	v38 =	vld [tilespmem:s22+$0x840]  }
0x222: {  	v39 =	vld [tilespmem:s22+$0x8840]  }
0x223: {  	v40 =	vld [tilespmem:s22+$0x850]  }
0x224: {  	v41 =	vld [tilespmem:s22+$0x8850]  }
0x225: {  	v42 =	vld [tilespmem:s22+$0x860]  }
0x226: {  	v43 =	vld [tilespmem:s22+$0x8860]  }
0x227: {  	v44 =	vld [tilespmem:s22+$0x870]  }
0x228: {  	v45 =	vld [tilespmem:s22+$0x8870];
	_ =	swait.ge [sflag:s14], $0x4000  }
0x229: {  	[sflag:s14] =	ssyncset.done $0x0  }
0x22a: {  	[sflag:s14] =	ssyncadd.s32 $0xFFFFC000  }
0x22b: {  	v46 =	vld [tilespmem:$0x200];
	_ =	sdelay $0x4  }
0x22c: {  	v47 =	vshll.u32 v46, $0x1  }
0x22d: {  	v46 =	vand.u32 $0x7, v46;
	v47 =	vand.u32 $0xFFFFFFF0, v47  }
0x22e: {  	v46 =	vor.u32 v46, v47  }
0x22f: {  	v47 =	vperm.xlane v46, v0;
	_ =	sdelay $0x1  }
0x230: {  	v46 =	vperm.xlane v46, v2;
	v47 =	vadd.s32 v1, v47;
	_ =	sdelay $0x1  }
0x231: {  	v46 =	vadd.s32 v1, v46;
	_ =	sdelay $0x1  }
0x232: {  	s22 =	simm.s32 $0x0  }
0x233: {  	[tilespmem:s26], [sflag:$0x1] =	stream.indirect_vreg.gather [hbm4b:s0+s22], $0x80, v47, vm0, $0xb8;
	[tilespmem:$0x12D00] =	vst v63  }
0x234: {  	s24 =	simm.s32 $0xC00  }
0x235: {  	[tilespmem:s24], [sflag:$0x1] =	stream.indirect_vreg.gather [hbm4b:s0+s22], $0x80, v46, vm0, $0xb8;
	[tilespmem:$0x12D00] =	vst v63  }
0x236: {  	v46 =	vld [tilespmem:$0x210];
	_ =	sdelay $0x4  }
0x237: {  	v62 =	vshll.u32 v46, $0x1  }
0x238: {  	v46 =	vand.u32 $0x7, v46;
	v47 =	vand.u32 $0xFFFFFFF0, v62  }
0x239: {  	v46 =	vor.u32 v46, v47  }
0x23a: {  	v47 =	vperm.xlane v46, v0;
	_ =	sdelay $0x1  }
0x23b: {  	v46 =	vperm.xlane v46, v2;
	v47 =	vadd.s32 v1, v47;
	_ =	sdelay $0x1  }
0x23c: {  	v46 =	vadd.s32 v1, v46;
	_ =	sdelay $0x1  }
0x23d: {  	s29 =	simm.s32 $0x1400  }
0x23e: {  	[tilespmem:s29], [sflag:$0x1] =	stream.indirect_vreg.gather [hbm4b:s0+s22], $0x80, v47, vm0, $0xb8;
	[tilespmem:$0x12D00] =	vst v63  }
0x23f: {  	s30 =	simm.s32 $0x1C00  }
0x240: {  	[tilespmem:s30], [sflag:$0x1] =	stream.indirect_vreg.gather [hbm4b:s0+s22], $0x80, v46, vm0, $0xb8;
	[tilespmem:$0x12D00] =	vst v63  }
0x241: {  	v46 =	vld [tilespmem:$0x220];
	_ =	sdelay $0x4  }
0x242: {  	v63 =	vshll.u32 v46, $0x1  }
0x243: {  	v46 =	vand.u32 $0x7, v46;
	v47 =	vand.u32 $0xFFFFFFF0, v63  }
0x244: {  	v46 =	vor.u32 v46, v47  }
0x245: {  	v47 =	vperm.xlane v46, v0;
	_ =	sdelay $0x1  }
0x246: {  	v46 =	vperm.xlane v46, v2;
	v47 =	vadd.s32 v1, v47  }
0x247: {  	v11 =	vadd.f32 v13, v11  }
0x248: {  	v5 =	vsub.f32 v5, v7;
	v7 =	vmul.f32 v12, v12;
	v12 =	vadd.s32 v1, v46;
	_ =	sdelay $0x1  }
0x249: {  	v7 =	vadd.f32 v7, v11;
	v6 =	vsub.f32 v6, v8;
	v5 =	vmul.f32 v5, v5  }
0x24a: {  	[tilespmem:s31], [sflag:$0x1] =	stream.indirect_vreg.gather [hbm4b:s0+s22], $0x80, v47, vm0, $0xb8;
	[tilespmem:$0x12D00] =	vst v63  }
0x24b: {  	v5 =	vadd.f32 v5, v7;
	v7 =	vsub.f32 v9, v10;
	v6 =	vmul.f32 v6, v6  }
0x24c: {  	[tilespmem:s16], [sflag:$0x1] =	stream.indirect_vreg.gather [hbm4b:s0+s22], $0x80, v12, vm0, $0xb8;
	[tilespmem:$0x12D00] =	vst v63  }
0x24d: {  	v8 =	vsub.f32 v14, v15;
	v5 =	vadd.f32 v6, v5;
	v6 =	vmul.f32 v7, v7;
	v7 =	vld [tilespmem:$0x230];
	_ =	sdelay $0x1  }
0x24e: {  	v9 =	vsub.f32 v16, v17;
	v5 =	vadd.f32 v6, v5;
	v6 =	vmul.f32 v8, v8;
	_ =	sdelay $0x1  }
0x24f: {  	v5 =	vadd.f32 v6, v5;
	v6 =	vmul.f32 v9, v9  }
0x250: {  	v8 =	vsub.f32 v18, v19;
	v9 =	vshll.u32 v7, $0x1  }
0x251: {  	v5 =	vadd.f32 v6, v5;
	v6 =	vand.u32 $0x7, v7;
	v7 =	vand.u32 $0xFFFFFFF0, v9  }
0x252: {  	v8 =	vmul.f32 v8, v8;
	v9 =	vsub.f32 v20, v21;
	v6 =	vor.u32 v6, v7  }
0x253: {  	v7 =	vperm.xlane v6, v0  }
0x254: {  	v5 =	vadd.f32 v8, v5;
	v8 =	vmul.f32 v9, v9;
	v9 =	vsub.f32 v22, v23  }
0x255: {  	v6 =	vperm.xlane v6, v2;
	v7 =	vadd.s32 v1, v7  }
0x256: {  	v5 =	vadd.f32 v8, v5;
	v8 =	vsub.f32 v24, v25;
	v9 =	vmul.f32 v9, v9  }
0x257: {  	v6 =	vadd.s32 v1, v6  }
0x258: {  	v5 =	vadd.f32 v9, v5;
	v9 =	vsub.f32 v26, v27;
	v8 =	vmul.f32 v8, v8;
	_ =	sdelay $0x1  }
0x259: {  	v5 =	vadd.f32 v8, v5;
	v8 =	vmul.f32 v9, v9  }
0x25a: {  	[tilespmem:s1], [sflag:$0x1] =	stream.indirect_vreg.gather [hbm4b:s0+s22], $0x80, v7, vm0, $0xb8;
	v7 =	vsub.f32 v28, v29;
	[tilespmem:$0x12D00] =	vst v63  }
0x25b: {  	v5 =	vadd.f32 v8, v5  }
0x25c: {  	[tilespmem:s21], [sflag:$0x1] =	stream.indirect_vreg.gather [hbm4b:s0+s22], $0x80, v6, vm0, $0xb8;
	v6 =	vsub.f32 v30, v31;
	v7 =	vmul.f32 v7, v7;
	[tilespmem:$0x12D00] =	vst v63  }
0x25d: {  	s29 =	rddreg [dreg:$0xd]  }
0x25e: {  	[tilespmem:s23], [sflag:$0x3] =	stream.linear.gather [hbm4b:s29+s22], $0x4000, $0x38;
	v5 =	vadd.f32 v7, v5;
	v7 =	vsub.f32 v32, v33;
	v6 =	vmul.f32 v6, v6;
	[tilespmem:$0x12D00] =	vst v63  }
0x25f: {  	_ =	swait.ge [sflag:s15], $0x4000  }
0x260: {  	[sflag:s15] =	ssyncset.done $0x0;
	v5 =	vadd.f32 v6, v5;
	v6 =	vsub.f32 v34, v35;
	v7 =	vmul.f32 v7, v7  }
0x261: {  	s30 =	rddreg [dreg:$0xe];
	[sflag:s15] =	ssyncadd.s32 $0xFFFFC000  }
0x262: {  	[hbm4b:s30+s22] =	stream.linear.scatter [tilespmem:s3], [sflag:$0x6], $0x4000, $0x38;
	v5 =	vadd.f32 v7, v5;
	v7 =	vsub.f32 v36, v37;
	v6 =	vmul.f32 v6, v6;
	[tilespmem:$0x12D00] =	vst v63  }
0x263: {  	_ =	swait.ge [sflag:s17], $0x4000  }
0x264: {  	s29 =	sand.u32 $0x3800, s22;
	s22 =	sand.u32 $0x380, s22;
	[sflag:s17] =	ssyncset.done $0x0;
	v5 =	vadd.f32 v6, v5;
	v6 =	vmul.f32 v7, v7;
	v7 =	vsub.f32 v38, v39  }
0x265: {  	s29 =	sor.u32 s22, s29;
	[sflag:s17] =	ssyncadd.s32 $0xFFFFC000  }
0x266: {  	v8 =	vld [tilespmem:s29+$0x4400];
	v5 =	vadd.f32 v6, v5;
	v6 =	vmul.f32 v7, v7;
	v7 =	vsub.f32 v40, v41  }
0x267: {  	v9 =	vld [tilespmem:s29+$0xC400]  }
0x268: {  	v10 =	vld [tilespmem:s29+$0x4410];
	v5 =	vadd.f32 v6, v5;
	v6 =	vmul.f32 v7, v7;
	v7 =	vsub.f32 v42, v43  }
0x269: {  	v11 =	vld [tilespmem:s29+$0xC410]  }
0x26a: {  	v12 =	vld [tilespmem:s29+$0x4420];
	v5 =	vadd.f32 v6, v5;
	v6 =	vmul.f32 v7, v7;
	v7 =	vsub.f32 v44, v45  }
0x26b: {  	v13 =	vld [tilespmem:s29+$0xC420]  }
0x26c: {  	v14 =	vld [tilespmem:s29+$0x4430];
	v5 =	vadd.f32 v6, v5;
	v6 =	vmul.f32 v7, v7;
	v7 =	vsub.f32 v8, v9  }
0x26d: {  	v8 =	vld [tilespmem:s29+$0xC430]  }
0x26e: {  	v9 =	vld [tilespmem:s29+$0x4440];
	v5 =	vadd.f32 v6, v5;
	v6 =	vmul.f32 v7, v7;
	v7 =	vsub.f32 v10, v11  }
0x26f: {  	v10 =	vld [tilespmem:s29+$0xC440]  }
0x270: {  	v11 =	vld [tilespmem:s29+$0x4450];
	v5 =	vadd.f32 v6, v5;
	v6 =	vmul.f32 v7, v7;
	v7 =	vsub.f32 v12, v13  }
0x271: {  	v12 =	vld [tilespmem:s29+$0xC450]  }
0x272: {  	v13 =	vld [tilespmem:s29+$0x4460];
	v5 =	vadd.f32 v6, v5;
	v6 =	vmul.f32 v7, v7;
	v7 =	vsub.f32 v14, v8  }
0x273: {  	v8 =	vld [tilespmem:s29+$0xC460]  }
0x274: {  	v14 =	vld [tilespmem:s29+$0x4470];
	v5 =	vadd.f32 v6, v5;
	v6 =	vmul.f32 v7, v7;
	v7 =	vsub.f32 v9, v10  }
0x275: {  	v9 =	vld [tilespmem:s29+$0xC470]  }
0x276: {  	v10 =	vld [tilespmem:s29+$0x4800];
	v5 =	vadd.f32 v6, v5;
	v6 =	vmul.f32 v7, v7;
	v7 =	vsub.f32 v11, v12  }
0x277: {  	v11 =	vld [tilespmem:s29+$0xC800]  }
0x278: {  	v12 =	vld [tilespmem:s29+$0x4810];
	v5 =	vadd.f32 v6, v5;
	v6 =	vmul.f32 v7, v7;
	v7 =	vsub.f32 v13, v8  }
0x279: {  	v8 =	vld [tilespmem:s29+$0xC810]  }
0x27a: {  	v13 =	vld [tilespmem:s29+$0x4820];
	v5 =	vadd.f32 v6, v5;
	v6 =	vmul.f32 v7, v7;
	v7 =	vsub.f32 v14, v9  }
0x27b: {  	v9 =	vld [tilespmem:s29+$0xC820]  }
0x27c: {  	v14 =	vld [tilespmem:s29+$0x4830];
	v5 =	vadd.f32 v6, v5;
	v6 =	vmul.f32 v7, v7;
	v7 =	vsub.f32 v10, v11  }
0x27d: {  	v10 =	vld [tilespmem:s29+$0xC830]  }
0x27e: {  	v15 =	vld [tilespmem:s29+$0x4840];
	v8 =	vsub.f32 v12, v8;
	v6 =	vadd.f32 v6, v5;
	v7 =	vmul.f32 v7, v7  }
0x27f: {  	v12 =	vld [tilespmem:s29+$0xC840]  }
0x280: {  	v5 =	vld [tilespmem:s29+$0x4850];
	v8 =	vmul.f32 v8, v8;
	v9 =	vsub.f32 v13, v9;
	v11 =	vadd.f32 v7, v6  }
0x281: {  	v7 =	vld [tilespmem:s29+$0xC850]  }
0x282: {  	v6 =	vld [tilespmem:s29+$0x4860];
	v13 =	vmul.f32 v9, v9;
	v10 =	vsub.f32 v14, v10;
	v11 =	vadd.f32 v8, v11  }
0x283: {  	s24 =	simm.s32 $0x80;
	s30 =	simm.s32 $0x100;
	v8 =	vld [tilespmem:s29+$0xC860]  }
0x284: {  	s28 =	sand.u32 $0x380, s24;
	s22 =	sand.u32 $0x3800, s30;
	v9 =	vld [tilespmem:s29+$0x4870];
	v12 =	vsub.f32 v15, v12;
	v11 =	vadd.f32 v13, v11;
	v13 =	vmul.f32 v10, v10  }
0x285: {  	s22 =	sor.u32 s28, s22;
	s28 =	simm.s32 $0x200;
	v10 =	vld [tilespmem:s29+$0xC870]  }
.LBB2_8:
0x286: {  	p1 =	sne.s32 s28, $0x3F00;
	v14 =	vld [tilespmem:s22+$0x4400];
	v11 =	vadd.f32 v13, v11;
	v12 =	vmul.f32 v12, v12;
	v5 =	vsub.f32 v5, v7  }
0x287: {  	v7 =	vld [tilespmem:s22+$0xC400]  }
0x288: {  	v13 =	vld [tilespmem:s22+$0x4410];
	v11 =	vadd.f32 v12, v11;
	v5 =	vmul.f32 v5, v5;
	v6 =	vsub.f32 v6, v8  }
0x289: {  	v8 =	vld [tilespmem:s22+$0xC410]  }
0x28a: {  	v12 =	vld [tilespmem:s22+$0x4420];
	v5 =	vadd.f32 v5, v11;
	v6 =	vmul.f32 v6, v6;
	v9 =	vsub.f32 v9, v10  }
0x28b: {  	v10 =	vld [tilespmem:s22+$0xC420]  }
0x28c: {  	v7 =	vsub.f32 v14, v7;
	v11 =	vld [tilespmem:s22+$0x4430];
	v5 =	vadd.f32 v6, v5;
	v6 =	vmul.f32 v9, v9  }
0x28d: {  	v9 =	vld [tilespmem:s22+$0xC430]  }
0x28e: {  	v7 =	vmul.f32 v7, v7;
	v8 =	vsub.f32 v13, v8;
	v13 =	vld [tilespmem:s22+$0x4440];
	v5 =	vadd.f32 v6, v5  }
0x28f: {  	v6 =	vld [tilespmem:s22+$0xC440]  }
0x290: {  	v5 =	vadd.f32 v7, v5;
	v7 =	vmul.f32 v8, v8;
	v8 =	vsub.f32 v12, v10;
	v10 =	vld [tilespmem:s22+$0x4450]  }
0x291: {  	v12 =	vld [tilespmem:s22+$0xC450]  }
0x292: {  	v5 =	vadd.f32 v7, v5;
	v7 =	vmul.f32 v8, v8;
	v8 =	vsub.f32 v11, v9;
	v9 =	vld [tilespmem:s22+$0x4460]  }
0x293: {  	v11 =	vld [tilespmem:s22+$0xC460]  }
0x294: {  	v5 =	vadd.f32 v7, v5;
	v7 =	vmul.f32 v8, v8;
	v6 =	vsub.f32 v13, v6;
	v8 =	vld [tilespmem:s22+$0x4470]  }
0x295: {  	v13 =	vld [tilespmem:s22+$0xC470]  }
0x296: {  	v5 =	vadd.f32 v7, v5;
	v6 =	vmul.f32 v6, v6;
	v7 =	vsub.f32 v10, v12;
	v10 =	vld [tilespmem:s22+$0x4800]  }
0x297: {  	v12 =	vld [tilespmem:s22+$0xC800]  }
0x298: {  	v5 =	vadd.f32 v6, v5;
	v6 =	vmul.f32 v7, v7;
	v7 =	vsub.f32 v9, v11;
	v9 =	vld [tilespmem:s22+$0x4810]  }
0x299: {  	v11 =	vld [tilespmem:s22+$0xC810]  }
0x29a: {  	v5 =	vadd.f32 v6, v5;
	v6 =	vmul.f32 v7, v7;
	v7 =	vsub.f32 v8, v13;
	v8 =	vld [tilespmem:s22+$0x4820]  }
0x29b: {  	v13 =	vld [tilespmem:s22+$0xC820]  }
0x29c: {  	v5 =	vadd.f32 v6, v5;
	v6 =	vmul.f32 v7, v7;
	v7 =	vsub.f32 v10, v12;
	v10 =	vld [tilespmem:s22+$0x4830]  }
0x29d: {  	v12 =	vld [tilespmem:s22+$0xC830]  }
0x29e: {  	v5 =	vadd.f32 v6, v5;
	v6 =	vmul.f32 v7, v7;
	v7 =	vsub.f32 v9, v11;
	v9 =	vld [tilespmem:s22+$0x4840]  }
0x29f: {  	v14 =	vld [tilespmem:s22+$0xC840]  }
0x2a0: {  	v6 =	vadd.f32 v6, v5;
	v11 =	vmul.f32 v7, v7;
	v8 =	vsub.f32 v8, v13;
	v5 =	vld [tilespmem:s22+$0x4850]  }
.Ltmp5:
0x2a1: {  	v7 =	vld [tilespmem:s22+$0xC850];
	(pc) =	sbr.rel @p1 .LBB2_8-.Ltmp5, $4  }
0x2a2: {  	v11 =	vadd.f32 v11, v6;
	v13 =	vmul.f32 v8, v8;
	v10 =	vsub.f32 v10, v12;
	v6 =	vld [tilespmem:s22+$0x4860]  }
0x2a3: {  	s24 =	sadd.s32 $0x80, s24;
	v8 =	vld [tilespmem:s22+$0xC860]  }
0x2a4: {  	s29 =	sand.u32 $0x3800, s28;
	s30 =	sand.u32 $0x380, s24;
	v11 =	vadd.f32 v13, v11;
	v13 =	vmul.f32 v10, v10;
	v12 =	vsub.f32 v9, v14;
	v9 =	vld [tilespmem:s22+$0x4870]  }
0x2a5: {  	s28 =	sadd.s32 $0x100, s28;
	v10 =	vld [tilespmem:s22+$0xC870];
	s22 =	sor.u32 s30, s29  }
0x2a6: {  	v14 =	vld [tilespmem:s22+$0x4400]  }
0x2a7: {  	v15 =	vld [tilespmem:s22+$0xC400]  }
0x2a8: {  	v16 =	vld [tilespmem:s22+$0x4410]  }
0x2a9: {  	v17 =	vld [tilespmem:s22+$0xC410]  }
0x2aa: {  	v18 =	vld [tilespmem:s22+$0x4420]  }
0x2ab: {  	v19 =	vld [tilespmem:s22+$0xC420]  }
0x2ac: {  	v20 =	vld [tilespmem:s22+$0x4430]  }
0x2ad: {  	v21 =	vld [tilespmem:s22+$0xC430]  }
0x2ae: {  	v22 =	vld [tilespmem:s22+$0x4440]  }
0x2af: {  	v23 =	vld [tilespmem:s22+$0xC440]  }
0x2b0: {  	v24 =	vld [tilespmem:s22+$0x4450]  }
0x2b1: {  	v25 =	vld [tilespmem:s22+$0xC450]  }
0x2b2: {  	v26 =	vld [tilespmem:s22+$0x4460]  }
0x2b3: {  	v27 =	vld [tilespmem:s22+$0xC460]  }
0x2b4: {  	v28 =	vld [tilespmem:s22+$0x4470]  }
0x2b5: {  	v29 =	vld [tilespmem:s22+$0xC470]  }
0x2b6: {  	v30 =	vld [tilespmem:s22+$0x4800]  }
0x2b7: {  	v31 =	vld [tilespmem:s22+$0xC800]  }
0x2b8: {  	v32 =	vld [tilespmem:s22+$0x4810]  }
0x2b9: {  	v33 =	vld [tilespmem:s22+$0xC810]  }
0x2ba: {  	v34 =	vld [tilespmem:s22+$0x4820]  }
0x2bb: {  	v35 =	vld [tilespmem:s22+$0xC820]  }
0x2bc: {  	v36 =	vld [tilespmem:s22+$0x4830]  }
0x2bd: {  	v37 =	vld [tilespmem:s22+$0xC830]  }
0x2be: {  	v38 =	vld [tilespmem:s22+$0x4840]  }
0x2bf: {  	v39 =	vld [tilespmem:s22+$0xC840]  }
0x2c0: {  	v40 =	vld [tilespmem:s22+$0x4850]  }
0x2c1: {  	v41 =	vld [tilespmem:s22+$0xC850]  }
0x2c2: {  	v42 =	vld [tilespmem:s22+$0x4860]  }
0x2c3: {  	v43 =	vld [tilespmem:s22+$0xC860]  }
0x2c4: {  	v44 =	vld [tilespmem:s22+$0x4870]  }
0x2c5: {  	v45 =	vld [tilespmem:s22+$0xC870];
	_ =	swait.ge [sflag:s18], $0x4000  }
0x2c6: {  	[sflag:s18] =	ssyncset.done $0x0  }
0x2c7: {  	[sflag:s18] =	ssyncadd.s32 $0xFFFFC000  }
0x2c8: {  	v46 =	vld [tilespmem:$0x280];
	_ =	sdelay $0x4  }
0x2c9: {  	v47 =	vshll.u32 v46, $0x1  }
0x2ca: {  	v46 =	vand.u32 $0x7, v46;
	v47 =	vand.u32 $0xFFFFFFF0, v47  }
0x2cb: {  	v46 =	vor.u32 v46, v47  }
0x2cc: {  	v47 =	vperm.xlane v46, v0;
	_ =	sdelay $0x1  }
0x2cd: {  	v46 =	vperm.xlane v46, v2;
	v47 =	vadd.s32 v1, v47;
	_ =	sdelay $0x1  }
0x2ce: {  	v46 =	vadd.s32 v1, v46;
	_ =	sdelay $0x1  }
0x2cf: {  	s22 =	simm.s32 $0x0  }
0x2d0: {  	[tilespmem:s3], [sflag:$0x2] =	stream.indirect_vreg.gather [hbm4b:s0+s22], $0x80, v47, vm0, $0xb8;
	[tilespmem:$0x12D00] =	vst v63  }
0x2d1: {  	_ = 	snop  }
0x2d2: {  	[tilespmem:s4], [sflag:$0x2] =	stream.indirect_vreg.gather [hbm4b:s0+s22], $0x80, v46, vm0, $0xb8;
	[tilespmem:$0x12D00] =	vst v63  }
0x2d3: {  	v46 =	vld [tilespmem:$0x290];
	_ =	sdelay $0x4  }
0x2d4: {  	v62 =	vshll.u32 v46, $0x1  }
0x2d5: {  	v46 =	vand.u32 $0x7, v46;
	v47 =	vand.u32 $0xFFFFFFF0, v62  }
0x2d6: {  	v46 =	vor.u32 v46, v47  }
0x2d7: {  	v47 =	vperm.xlane v46, v0;
	_ =	sdelay $0x1  }
0x2d8: {  	v46 =	vperm.xlane v46, v2;
	v47 =	vadd.s32 v1, v47;
	_ =	sdelay $0x1  }
0x2d9: {  	v46 =	vadd.s32 v1, v46;
	_ =	sdelay $0x2  }
0x2da: {  	[tilespmem:s5], [sflag:$0x2] =	stream.indirect_vreg.gather [hbm4b:s0+s22], $0x80, v47, vm0, $0xb8;
	[tilespmem:$0x12D00] =	vst v63  }
0x2db: {  	_ = 	snop  }
0x2dc: {  	[tilespmem:s6], [sflag:$0x2] =	stream.indirect_vreg.gather [hbm4b:s0+s22], $0x80, v46, vm0, $0xb8;
	[tilespmem:$0x12D00] =	vst v63  }
0x2dd: {  	v46 =	vld [tilespmem:$0x2A0];
	_ =	sdelay $0x4  }
0x2de: {  	v63 =	vshll.u32 v46, $0x1  }
0x2df: {  	v46 =	vand.u32 $0x7, v46;
	v47 =	vand.u32 $0xFFFFFFF0, v63  }
0x2e0: {  	v46 =	vor.u32 v46, v47  }
0x2e1: {  	v47 =	vperm.xlane v46, v0;
	_ =	sdelay $0x1  }
0x2e2: {  	v46 =	vperm.xlane v46, v2;
	v47 =	vadd.s32 v1, v47  }
0x2e3: {  	v11 =	vadd.f32 v13, v11  }
0x2e4: {  	v5 =	vsub.f32 v5, v7;
	v7 =	vmul.f32 v12, v12;
	v12 =	vadd.s32 v1, v46;
	_ =	sdelay $0x1  }
0x2e5: {  	v7 =	vadd.f32 v7, v11;
	v6 =	vsub.f32 v6, v8;
	v5 =	vmul.f32 v5, v5  }
0x2e6: {  	[tilespmem:s7], [sflag:$0x2] =	stream.indirect_vreg.gather [hbm4b:s0+s22], $0x80, v47, vm0, $0xb8;
	[tilespmem:$0x12D00] =	vst v63  }
0x2e7: {  	v5 =	vadd.f32 v5, v7;
	v7 =	vsub.f32 v9, v10;
	v6 =	vmul.f32 v6, v6  }
0x2e8: {  	[tilespmem:s8], [sflag:$0x2] =	stream.indirect_vreg.gather [hbm4b:s0+s22], $0x80, v12, vm0, $0xb8;
	[tilespmem:$0x12D00] =	vst v63  }
0x2e9: {  	v8 =	vsub.f32 v14, v15;
	v5 =	vadd.f32 v6, v5;
	v6 =	vmul.f32 v7, v7;
	v7 =	vld [tilespmem:$0x2B0];
	_ =	sdelay $0x1  }
0x2ea: {  	v9 =	vsub.f32 v16, v17;
	v5 =	vadd.f32 v6, v5;
	v6 =	vmul.f32 v8, v8;
	_ =	sdelay $0x1  }
0x2eb: {  	v5 =	vadd.f32 v6, v5;
	v6 =	vmul.f32 v9, v9  }
0x2ec: {  	v8 =	vsub.f32 v18, v19;
	v9 =	vshll.u32 v7, $0x1  }
0x2ed: {  	v5 =	vadd.f32 v6, v5;
	v6 =	vand.u32 $0x7, v7;
	v7 =	vand.u32 $0xFFFFFFF0, v9  }
0x2ee: {  	v8 =	vmul.f32 v8, v8;
	v9 =	vsub.f32 v20, v21;
	v6 =	vor.u32 v6, v7  }
0x2ef: {  	v7 =	vperm.xlane v6, v0  }
0x2f0: {  	v5 =	vadd.f32 v8, v5;
	v8 =	vmul.f32 v9, v9;
	v9 =	vsub.f32 v22, v23  }
0x2f1: {  	v6 =	vperm.xlane v6, v2;
	v7 =	vadd.s32 v1, v7  }
0x2f2: {  	v5 =	vadd.f32 v8, v5;
	v8 =	vsub.f32 v24, v25;
	v9 =	vmul.f32 v9, v9  }
0x2f3: {  	v6 =	vadd.s32 v1, v6  }
0x2f4: {  	v5 =	vadd.f32 v9, v5;
	v9 =	vsub.f32 v26, v27;
	v8 =	vmul.f32 v8, v8;
	_ =	sdelay $0x1  }
0x2f5: {  	v5 =	vadd.f32 v8, v5;
	v8 =	vmul.f32 v9, v9  }
0x2f6: {  	[tilespmem:s9], [sflag:$0x2] =	stream.indirect_vreg.gather [hbm4b:s0+s22], $0x80, v7, vm0, $0xb8;
	v7 =	vsub.f32 v28, v29;
	[tilespmem:$0x12D00] =	vst v63  }
0x2f7: {  	v5 =	vadd.f32 v8, v5  }
0x2f8: {  	[tilespmem:s10], [sflag:$0x2] =	stream.indirect_vreg.gather [hbm4b:s0+s22], $0x80, v6, vm0, $0xb8;
	v6 =	vsub.f32 v30, v31;
	v7 =	vmul.f32 v7, v7;
	[tilespmem:$0x12D00] =	vst v63  }
0x2f9: {  	s24 =	rddreg [dreg:$0xf]  }
0x2fa: {  	[tilespmem:s11], [sflag:$0x4] =	stream.linear.gather [hbm4b:s24+s22], $0x4000, $0x38;
	v5 =	vadd.f32 v7, v5;
	v7 =	vsub.f32 v32, v33;
	v6 =	vmul.f32 v6, v6;
	[tilespmem:$0x12D00] =	vst v63  }
0x2fb: {  	_ =	swait.ge [sflag:s12], $0x4000  }
0x2fc: {  	[sflag:s12] =	ssyncset.done $0x0;
	v5 =	vadd.f32 v6, v5;
	v6 =	vsub.f32 v34, v35;
	v7 =	vmul.f32 v7, v7  }
0x2fd: {  	s30 =	rddreg [dreg:$0x10];
	[sflag:s12] =	ssyncadd.s32 $0xFFFFC000  }
0x2fe: {  	[hbm4b:s30+s22] =	stream.linear.scatter [tilespmem:s26], [sflag:$0x5], $0x4000, $0x38;
	v5 =	vadd.f32 v7, v5;
	v7 =	vsub.f32 v36, v37;
	v6 =	vmul.f32 v6, v6;
	[tilespmem:$0x12D00] =	vst v63  }
0x2ff: {  	_ =	swait.ge [sflag:s13], $0x4000  }
0x300: {  	s29 =	sand.u32 $0x3800, s22;
	s22 =	sand.u32 $0x380, s22;
	[sflag:s13] =	ssyncset.done $0x0;
	v5 =	vadd.f32 v6, v5;
	v6 =	vmul.f32 v7, v7;
	v7 =	vsub.f32 v38, v39  }
0x301: {  	s29 =	sor.u32 s22, s29;
	[sflag:s13] =	ssyncadd.s32 $0xFFFFC000  }
0x302: {  	v8 =	vld [tilespmem:s29+$0x400];
	v5 =	vadd.f32 v6, v5;
	v6 =	vmul.f32 v7, v7;
	v7 =	vsub.f32 v40, v41  }
0x303: {  	v9 =	vld [tilespmem:s29+$0x8400]  }
0x304: {  	v10 =	vld [tilespmem:s29+$0x410];
	v5 =	vadd.f32 v6, v5;
	v6 =	vmul.f32 v7, v7;
	v7 =	vsub.f32 v42, v43  }
0x305: {  	v11 =	vld [tilespmem:s29+$0x8410]  }
0x306: {  	v12 =	vld [tilespmem:s29+$0x420];
	v5 =	vadd.f32 v6, v5;
	v6 =	vmul.f32 v7, v7;
	v7 =	vsub.f32 v44, v45  }
0x307: {  	v13 =	vld [tilespmem:s29+$0x8420]  }
0x308: {  	v14 =	vld [tilespmem:s29+$0x430];
	v5 =	vadd.f32 v6, v5;
	v6 =	vmul.f32 v7, v7;
	v7 =	vsub.f32 v8, v9  }
0x309: {  	v8 =	vld [tilespmem:s29+$0x8430]  }
0x30a: {  	v9 =	vld [tilespmem:s29+$0x440];
	v5 =	vadd.f32 v6, v5;
	v6 =	vmul.f32 v7, v7;
	v7 =	vsub.f32 v10, v11  }
0x30b: {  	v10 =	vld [tilespmem:s29+$0x8440]  }
0x30c: {  	v11 =	vld [tilespmem:s29+$0x450];
	v5 =	vadd.f32 v6, v5;
	v6 =	vmul.f32 v7, v7;
	v7 =	vsub.f32 v12, v13  }
0x30d: {  	v12 =	vld [tilespmem:s29+$0x8450]  }
0x30e: {  	v13 =	vld [tilespmem:s29+$0x460];
	v5 =	vadd.f32 v6, v5;
	v6 =	vmul.f32 v7, v7;
	v7 =	vsub.f32 v14, v8  }
0x30f: {  	v8 =	vld [tilespmem:s29+$0x8460]  }
0x310: {  	v14 =	vld [tilespmem:s29+$0x470];
	v5 =	vadd.f32 v6, v5;
	v6 =	vmul.f32 v7, v7;
	v7 =	vsub.f32 v9, v10  }
0x311: {  	v9 =	vld [tilespmem:s29+$0x8470]  }
0x312: {  	v10 =	vld [tilespmem:s29+$0x800];
	v5 =	vadd.f32 v6, v5;
	v6 =	vmul.f32 v7, v7;
	v7 =	vsub.f32 v11, v12  }
0x313: {  	v11 =	vld [tilespmem:s29+$0x8800]  }
0x314: {  	v12 =	vld [tilespmem:s29+$0x810];
	v5 =	vadd.f32 v6, v5;
	v6 =	vmul.f32 v7, v7;
	v7 =	vsub.f32 v13, v8  }
0x315: {  	v8 =	vld [tilespmem:s29+$0x8810]  }
0x316: {  	v13 =	vld [tilespmem:s29+$0x820];
	v5 =	vadd.f32 v6, v5;
	v6 =	vmul.f32 v7, v7;
	v7 =	vsub.f32 v14, v9  }
0x317: {  	v9 =	vld [tilespmem:s29+$0x8820]  }
0x318: {  	v14 =	vld [tilespmem:s29+$0x830];
	v5 =	vadd.f32 v6, v5;
	v6 =	vmul.f32 v7, v7;
	v7 =	vsub.f32 v10, v11  }
0x319: {  	v10 =	vld [tilespmem:s29+$0x8830]  }
0x31a: {  	v15 =	vld [tilespmem:s29+$0x840];
	v8 =	vsub.f32 v12, v8;
	v6 =	vadd.f32 v6, v5;
	v7 =	vmul.f32 v7, v7  }
0x31b: {  	v12 =	vld [tilespmem:s29+$0x8840]  }
0x31c: {  	v5 =	vld [tilespmem:s29+$0x850];
	v8 =	vmul.f32 v8, v8;
	v9 =	vsub.f32 v13, v9;
	v11 =	vadd.f32 v7, v6  }
0x31d: {  	v7 =	vld [tilespmem:s29+$0x8850]  }
0x31e: {  	v6 =	vld [tilespmem:s29+$0x860];
	v13 =	vmul.f32 v9, v9;
	v10 =	vsub.f32 v14, v10;
	v11 =	vadd.f32 v8, v11  }
0x31f: {  	s24 =	simm.s32 $0x80;
	s30 =	simm.s32 $0x100;
	v8 =	vld [tilespmem:s29+$0x8860]  }
0x320: {  	s28 =	sand.u32 $0x380, s24;
	s22 =	sand.u32 $0x3800, s30;
	v9 =	vld [tilespmem:s29+$0x870];
	v12 =	vsub.f32 v15, v12;
	v11 =	vadd.f32 v13, v11;
	v13 =	vmul.f32 v10, v10  }
0x321: {  	s22 =	sor.u32 s28, s22;
	s28 =	simm.s32 $0x200;
	v10 =	vld [tilespmem:s29+$0x8870]  }
.LBB2_10:
0x322: {  	p1 =	sne.s32 s28, $0x3F00;
	v14 =	vld [tilespmem:s22+$0x400];
	v11 =	vadd.f32 v13, v11;
	v12 =	vmul.f32 v12, v12;
	v5 =	vsub.f32 v5, v7  }
0x323: {  	v7 =	vld [tilespmem:s22+$0x8400]  }
0x324: {  	v13 =	vld [tilespmem:s22+$0x410];
	v11 =	vadd.f32 v12, v11;
	v5 =	vmul.f32 v5, v5;
	v6 =	vsub.f32 v6, v8  }
0x325: {  	v8 =	vld [tilespmem:s22+$0x8410]  }
0x326: {  	v12 =	vld [tilespmem:s22+$0x420];
	v5 =	vadd.f32 v5, v11;
	v6 =	vmul.f32 v6, v6;
	v9 =	vsub.f32 v9, v10  }
0x327: {  	v10 =	vld [tilespmem:s22+$0x8420]  }
0x328: {  	v7 =	vsub.f32 v14, v7;
	v11 =	vld [tilespmem:s22+$0x430];
	v5 =	vadd.f32 v6, v5;
	v6 =	vmul.f32 v9, v9  }
0x329: {  	v9 =	vld [tilespmem:s22+$0x8430]  }
0x32a: {  	v7 =	vmul.f32 v7, v7;
	v8 =	vsub.f32 v13, v8;
	v13 =	vld [tilespmem:s22+$0x440];
	v5 =	vadd.f32 v6, v5  }
0x32b: {  	v6 =	vld [tilespmem:s22+$0x8440]  }
0x32c: {  	v5 =	vadd.f32 v7, v5;
	v7 =	vmul.f32 v8, v8;
	v8 =	vsub.f32 v12, v10;
	v10 =	vld [tilespmem:s22+$0x450]  }
0x32d: {  	v12 =	vld [tilespmem:s22+$0x8450]  }
0x32e: {  	v5 =	vadd.f32 v7, v5;
	v7 =	vmul.f32 v8, v8;
	v8 =	vsub.f32 v11, v9;
	v9 =	vld [tilespmem:s22+$0x460]  }
0x32f: {  	v11 =	vld [tilespmem:s22+$0x8460]  }
0x330: {  	v5 =	vadd.f32 v7, v5;
	v7 =	vmul.f32 v8, v8;
	v6 =	vsub.f32 v13, v6;
	v8 =	vld [tilespmem:s22+$0x470]  }
0x331: {  	v13 =	vld [tilespmem:s22+$0x8470]  }
0x332: {  	v5 =	vadd.f32 v7, v5;
	v6 =	vmul.f32 v6, v6;
	v7 =	vsub.f32 v10, v12;
	v10 =	vld [tilespmem:s22+$0x800]  }
0x333: {  	v12 =	vld [tilespmem:s22+$0x8800]  }
0x334: {  	v5 =	vadd.f32 v6, v5;
	v6 =	vmul.f32 v7, v7;
	v7 =	vsub.f32 v9, v11;
	v9 =	vld [tilespmem:s22+$0x810]  }
0x335: {  	v11 =	vld [tilespmem:s22+$0x8810]  }
0x336: {  	v5 =	vadd.f32 v6, v5;
	v6 =	vmul.f32 v7, v7;
	v7 =	vsub.f32 v8, v13;
	v8 =	vld [tilespmem:s22+$0x820]  }
0x337: {  	v13 =	vld [tilespmem:s22+$0x8820]  }
0x338: {  	v5 =	vadd.f32 v6, v5;
	v6 =	vmul.f32 v7, v7;
	v7 =	vsub.f32 v10, v12;
	v10 =	vld [tilespmem:s22+$0x830]  }
0x339: {  	v12 =	vld [tilespmem:s22+$0x8830]  }
0x33a: {  	v5 =	vadd.f32 v6, v5;
	v6 =	vmul.f32 v7, v7;
	v7 =	vsub.f32 v9, v11;
	v9 =	vld [tilespmem:s22+$0x840]  }
0x33b: {  	v14 =	vld [tilespmem:s22+$0x8840]  }
0x33c: {  	v6 =	vadd.f32 v6, v5;
	v11 =	vmul.f32 v7, v7;
	v8 =	vsub.f32 v8, v13;
	v5 =	vld [tilespmem:s22+$0x850]  }
.Ltmp6:
0x33d: {  	v7 =	vld [tilespmem:s22+$0x8850];
	(pc) =	sbr.rel @p1 .LBB2_10-.Ltmp6, $4  }
0x33e: {  	v11 =	vadd.f32 v11, v6;
	v13 =	vmul.f32 v8, v8;
	v10 =	vsub.f32 v10, v12;
	v6 =	vld [tilespmem:s22+$0x860]  }
0x33f: {  	s24 =	sadd.s32 $0x80, s24;
	v8 =	vld [tilespmem:s22+$0x8860]  }
0x340: {  	s29 =	sand.u32 $0x3800, s28;
	s30 =	sand.u32 $0x380, s24;
	v11 =	vadd.f32 v13, v11;
	v13 =	vmul.f32 v10, v10;
	v12 =	vsub.f32 v9, v14;
	v9 =	vld [tilespmem:s22+$0x870]  }
0x341: {  	s28 =	sadd.s32 $0x100, s28;
	v10 =	vld [tilespmem:s22+$0x8870];
	s22 =	sor.u32 s30, s29  }
0x342: {  	v14 =	vld [tilespmem:s22+$0x400]  }
0x343: {  	v15 =	vld [tilespmem:s22+$0x8400]  }
0x344: {  	v16 =	vld [tilespmem:s22+$0x410]  }
0x345: {  	v17 =	vld [tilespmem:s22+$0x8410]  }
0x346: {  	v18 =	vld [tilespmem:s22+$0x420]  }
0x347: {  	v19 =	vld [tilespmem:s22+$0x8420]  }
0x348: {  	v20 =	vld [tilespmem:s22+$0x430]  }
0x349: {  	v21 =	vld [tilespmem:s22+$0x8430]  }
0x34a: {  	v22 =	vld [tilespmem:s22+$0x440]  }
0x34b: {  	v23 =	vld [tilespmem:s22+$0x8440]  }
0x34c: {  	v24 =	vld [tilespmem:s22+$0x450]  }
0x34d: {  	v25 =	vld [tilespmem:s22+$0x8450]  }
0x34e: {  	v26 =	vld [tilespmem:s22+$0x460]  }
0x34f: {  	v27 =	vld [tilespmem:s22+$0x8460]  }
0x350: {  	v28 =	vld [tilespmem:s22+$0x470]  }
0x351: {  	v29 =	vld [tilespmem:s22+$0x8470]  }
0x352: {  	v30 =	vld [tilespmem:s22+$0x800]  }
0x353: {  	v31 =	vld [tilespmem:s22+$0x8800]  }
0x354: {  	v32 =	vld [tilespmem:s22+$0x810]  }
0x355: {  	v33 =	vld [tilespmem:s22+$0x8810]  }
0x356: {  	v34 =	vld [tilespmem:s22+$0x820]  }
0x357: {  	v35 =	vld [tilespmem:s22+$0x8820]  }
0x358: {  	v36 =	vld [tilespmem:s22+$0x830]  }
0x359: {  	v37 =	vld [tilespmem:s22+$0x8830]  }
0x35a: {  	v38 =	vld [tilespmem:s22+$0x840]  }
0x35b: {  	v39 =	vld [tilespmem:s22+$0x8840]  }
0x35c: {  	v40 =	vld [tilespmem:s22+$0x850]  }
0x35d: {  	v41 =	vld [tilespmem:s22+$0x8850]  }
0x35e: {  	v42 =	vld [tilespmem:s22+$0x860]  }
0x35f: {  	v43 =	vld [tilespmem:s22+$0x8860]  }
0x360: {  	v44 =	vld [tilespmem:s22+$0x870]  }
0x361: {  	v45 =	vld [tilespmem:s22+$0x8870];
	_ =	swait.ge [sflag:s14], $0x4000  }
0x362: {  	[sflag:s14] =	ssyncset.done $0x0  }
0x363: {  	[sflag:s14] =	ssyncadd.s32 $0xFFFFC000  }
0x364: {  	v46 =	vld [tilespmem:$0x300];
	_ =	sdelay $0x4  }
0x365: {  	v47 =	vshll.u32 v46, $0x1  }
0x366: {  	v46 =	vand.u32 $0x7, v46;
	v47 =	vand.u32 $0xFFFFFFF0, v47  }
0x367: {  	v46 =	vor.u32 v46, v47  }
0x368: {  	v47 =	vperm.xlane v46, v0;
	_ =	sdelay $0x1  }
0x369: {  	v46 =	vperm.xlane v46, v2;
	v47 =	vadd.s32 v1, v47;
	_ =	sdelay $0x1  }
0x36a: {  	v46 =	vadd.s32 v1, v46;
	_ =	sdelay $0x1  }
0x36b: {  	s22 =	simm.s32 $0x0  }
0x36c: {  	[tilespmem:s26], [sflag:$0x1] =	stream.indirect_vreg.gather [hbm4b:s0+s22], $0x80, v47, vm0, $0xb8;
	[tilespmem:$0x12D00] =	vst v63  }
0x36d: {  	s24 =	simm.s32 $0xC00  }
0x36e: {  	[tilespmem:s24], [sflag:$0x1] =	stream.indirect_vreg.gather [hbm4b:s0+s22], $0x80, v46, vm0, $0xb8;
	[tilespmem:$0x12D00] =	vst v63  }
0x36f: {  	v46 =	vld [tilespmem:$0x310];
	_ =	sdelay $0x4  }
0x370: {  	v62 =	vshll.u32 v46, $0x1  }
0x371: {  	v46 =	vand.u32 $0x7, v46;
	v47 =	vand.u32 $0xFFFFFFF0, v62  }
0x372: {  	v46 =	vor.u32 v46, v47  }
0x373: {  	v47 =	vperm.xlane v46, v0;
	_ =	sdelay $0x1  }
0x374: {  	v46 =	vperm.xlane v46, v2;
	v47 =	vadd.s32 v1, v47;
	_ =	sdelay $0x1  }
0x375: {  	v46 =	vadd.s32 v1, v46;
	_ =	sdelay $0x1  }
0x376: {  	s29 =	simm.s32 $0x1400  }
0x377: {  	[tilespmem:s29], [sflag:$0x1] =	stream.indirect_vreg.gather [hbm4b:s0+s22], $0x80, v47, vm0, $0xb8;
	[tilespmem:$0x12D00] =	vst v63  }
0x378: {  	s30 =	simm.s32 $0x1C00  }
0x379: {  	[tilespmem:s30], [sflag:$0x1] =	stream.indirect_vreg.gather [hbm4b:s0+s22], $0x80, v46, vm0, $0xb8;
	[tilespmem:$0x12D00] =	vst v63  }
0x37a: {  	v46 =	vld [tilespmem:$0x320];
	_ =	sdelay $0x4  }
0x37b: {  	v63 =	vshll.u32 v46, $0x1  }
0x37c: {  	v46 =	vand.u32 $0x7, v46;
	v47 =	vand.u32 $0xFFFFFFF0, v63  }
0x37d: {  	v46 =	vor.u32 v46, v47  }
0x37e: {  	v47 =	vperm.xlane v46, v0;
	_ =	sdelay $0x1  }
0x37f: {  	v46 =	vperm.xlane v46, v2;
	v47 =	vadd.s32 v1, v47  }
0x380: {  	v11 =	vadd.f32 v13, v11  }
0x381: {  	v5 =	vsub.f32 v5, v7;
	v7 =	vmul.f32 v12, v12;
	v12 =	vadd.s32 v1, v46;
	_ =	sdelay $0x1  }
0x382: {  	v7 =	vadd.f32 v7, v11;
	v6 =	vsub.f32 v6, v8;
	v5 =	vmul.f32 v5, v5  }
0x383: {  	[tilespmem:s31], [sflag:$0x1] =	stream.indirect_vreg.gather [hbm4b:s0+s22], $0x80, v47, vm0, $0xb8;
	[tilespmem:$0x12D00] =	vst v63  }
0x384: {  	v5 =	vadd.f32 v5, v7;
	v7 =	vsub.f32 v9, v10;
	v6 =	vmul.f32 v6, v6  }
0x385: {  	[tilespmem:s16], [sflag:$0x1] =	stream.indirect_vreg.gather [hbm4b:s0+s22], $0x80, v12, vm0, $0xb8;
	[tilespmem:$0x12D00] =	vst v63  }
0x386: {  	v8 =	vsub.f32 v14, v15;
	v5 =	vadd.f32 v6, v5;
	v6 =	vmul.f32 v7, v7;
	v7 =	vld [tilespmem:$0x330];
	_ =	sdelay $0x1  }
0x387: {  	v9 =	vsub.f32 v16, v17;
	v5 =	vadd.f32 v6, v5;
	v6 =	vmul.f32 v8, v8;
	_ =	sdelay $0x1  }
0x388: {  	v5 =	vadd.f32 v6, v5;
	v6 =	vmul.f32 v9, v9  }
0x389: {  	v8 =	vsub.f32 v18, v19;
	v9 =	vshll.u32 v7, $0x1  }
0x38a: {  	v5 =	vadd.f32 v6, v5;
	v6 =	vand.u32 $0x7, v7;
	v7 =	vand.u32 $0xFFFFFFF0, v9  }
0x38b: {  	v8 =	vmul.f32 v8, v8;
	v9 =	vsub.f32 v20, v21;
	v6 =	vor.u32 v6, v7  }
0x38c: {  	v7 =	vperm.xlane v6, v0  }
0x38d: {  	v5 =	vadd.f32 v8, v5;
	v8 =	vmul.f32 v9, v9;
	v9 =	vsub.f32 v22, v23  }
0x38e: {  	v6 =	vperm.xlane v6, v2;
	v7 =	vadd.s32 v1, v7  }
0x38f: {  	v5 =	vadd.f32 v8, v5;
	v8 =	vsub.f32 v24, v25;
	v9 =	vmul.f32 v9, v9  }
0x390: {  	v6 =	vadd.s32 v1, v6  }
0x391: {  	v5 =	vadd.f32 v9, v5;
	v9 =	vsub.f32 v26, v27;
	v8 =	vmul.f32 v8, v8;
	_ =	sdelay $0x1  }
0x392: {  	v5 =	vadd.f32 v8, v5;
	v8 =	vmul.f32 v9, v9  }
0x393: {  	[tilespmem:s1], [sflag:$0x1] =	stream.indirect_vreg.gather [hbm4b:s0+s22], $0x80, v7, vm0, $0xb8;
	v7 =	vsub.f32 v28, v29;
	[tilespmem:$0x12D00] =	vst v63  }
0x394: {  	v5 =	vadd.f32 v8, v5  }
0x395: {  	[tilespmem:s21], [sflag:$0x1] =	stream.indirect_vreg.gather [hbm4b:s0+s22], $0x80, v6, vm0, $0xb8;
	v6 =	vsub.f32 v30, v31;
	v7 =	vmul.f32 v7, v7;
	[tilespmem:$0x12D00] =	vst v63  }
0x396: {  	s29 =	rddreg [dreg:$0x11]  }
0x397: {  	[tilespmem:s23], [sflag:$0x3] =	stream.linear.gather [hbm4b:s29+s22], $0x4000, $0x38;
	v5 =	vadd.f32 v7, v5;
	v7 =	vsub.f32 v32, v33;
	v6 =	vmul.f32 v6, v6;
	[tilespmem:$0x12D00] =	vst v63  }
0x398: {  	_ =	swait.ge [sflag:s15], $0x4000  }
0x399: {  	[sflag:s15] =	ssyncset.done $0x0;
	v5 =	vadd.f32 v6, v5;
	v6 =	vsub.f32 v34, v35;
	v7 =	vmul.f32 v7, v7  }
0x39a: {  	s30 =	rddreg [dreg:$0x12];
	[sflag:s15] =	ssyncadd.s32 $0xFFFFC000  }
0x39b: {  	[hbm4b:s30+s22] =	stream.linear.scatter [tilespmem:s3], [sflag:$0x6], $0x4000, $0x38;
	v5 =	vadd.f32 v7, v5;
	v7 =	vsub.f32 v36, v37;
	v6 =	vmul.f32 v6, v6;
	[tilespmem:$0x12D00] =	vst v63  }
0x39c: {  	_ =	swait.ge [sflag:s17], $0x4000  }
0x39d: {  	s29 =	sand.u32 $0x3800, s22;
	s22 =	sand.u32 $0x380, s22;
	[sflag:s17] =	ssyncset.done $0x0;
	v5 =	vadd.f32 v6, v5;
	v6 =	vmul.f32 v7, v7;
	v7 =	vsub.f32 v38, v39  }
0x39e: {  	s29 =	sor.u32 s22, s29;
	[sflag:s17] =	ssyncadd.s32 $0xFFFFC000  }
0x39f: {  	v8 =	vld [tilespmem:s29+$0x4400];
	v5 =	vadd.f32 v6, v5;
	v6 =	vmul.f32 v7, v7;
	v7 =	vsub.f32 v40, v41  }
0x3a0: {  	v9 =	vld [tilespmem:s29+$0xC400]  }
0x3a1: {  	v10 =	vld [tilespmem:s29+$0x4410];
	v5 =	vadd.f32 v6, v5;
	v6 =	vmul.f32 v7, v7;
	v7 =	vsub.f32 v42, v43  }
0x3a2: {  	v11 =	vld [tilespmem:s29+$0xC410]  }
0x3a3: {  	v12 =	vld [tilespmem:s29+$0x4420];
	v5 =	vadd.f32 v6, v5;
	v6 =	vmul.f32 v7, v7;
	v7 =	vsub.f32 v44, v45  }
0x3a4: {  	v13 =	vld [tilespmem:s29+$0xC420]  }
0x3a5: {  	v14 =	vld [tilespmem:s29+$0x4430];
	v5 =	vadd.f32 v6, v5;
	v6 =	vmul.f32 v7, v7;
	v7 =	vsub.f32 v8, v9  }
0x3a6: {  	v8 =	vld [tilespmem:s29+$0xC430]  }
0x3a7: {  	v9 =	vld [tilespmem:s29+$0x4440];
	v5 =	vadd.f32 v6, v5;
	v6 =	vmul.f32 v7, v7;
	v7 =	vsub.f32 v10, v11  }
0x3a8: {  	v10 =	vld [tilespmem:s29+$0xC440]  }
0x3a9: {  	v11 =	vld [tilespmem:s29+$0x4450];
	v5 =	vadd.f32 v6, v5;
	v6 =	vmul.f32 v7, v7;
	v7 =	vsub.f32 v12, v13  }
0x3aa: {  	v12 =	vld [tilespmem:s29+$0xC450]  }
0x3ab: {  	v13 =	vld [tilespmem:s29+$0x4460];
	v5 =	vadd.f32 v6, v5;
	v6 =	vmul.f32 v7, v7;
	v7 =	vsub.f32 v14, v8  }
0x3ac: {  	v8 =	vld [tilespmem:s29+$0xC460]  }
0x3ad: {  	v14 =	vld [tilespmem:s29+$0x4470];
	v5 =	vadd.f32 v6, v5;
	v6 =	vmul.f32 v7, v7;
	v7 =	vsub.f32 v9, v10  }
0x3ae: {  	v9 =	vld [tilespmem:s29+$0xC470]  }
0x3af: {  	v10 =	vld [tilespmem:s29+$0x4800];
	v5 =	vadd.f32 v6, v5;
	v6 =	vmul.f32 v7, v7;
	v7 =	vsub.f32 v11, v12  }
0x3b0: {  	v11 =	vld [tilespmem:s29+$0xC800]  }
0x3b1: {  	v12 =	vld [tilespmem:s29+$0x4810];
	v5 =	vadd.f32 v6, v5;
	v6 =	vmul.f32 v7, v7;
	v7 =	vsub.f32 v13, v8  }
0x3b2: {  	v8 =	vld [tilespmem:s29+$0xC810]  }
0x3b3: {  	v13 =	vld [tilespmem:s29+$0x4820];
	v5 =	vadd.f32 v6, v5;
	v6 =	vmul.f32 v7, v7;
	v7 =	vsub.f32 v14, v9  }
0x3b4: {  	v9 =	vld [tilespmem:s29+$0xC820]  }
0x3b5: {  	v14 =	vld [tilespmem:s29+$0x4830];
	v5 =	vadd.f32 v6, v5;
	v6 =	vmul.f32 v7, v7;
	v7 =	vsub.f32 v10, v11  }
0x3b6: {  	v10 =	vld [tilespmem:s29+$0xC830]  }
0x3b7: {  	v15 =	vld [tilespmem:s29+$0x4840];
	v8 =	vsub.f32 v12, v8;
	v6 =	vadd.f32 v6, v5;
	v7 =	vmul.f32 v7, v7  }
0x3b8: {  	v12 =	vld [tilespmem:s29+$0xC840]  }
0x3b9: {  	v5 =	vld [tilespmem:s29+$0x4850];
	v8 =	vmul.f32 v8, v8;
	v9 =	vsub.f32 v13, v9;
	v11 =	vadd.f32 v7, v6  }
0x3ba: {  	v7 =	vld [tilespmem:s29+$0xC850]  }
0x3bb: {  	v6 =	vld [tilespmem:s29+$0x4860];
	v13 =	vmul.f32 v9, v9;
	v10 =	vsub.f32 v14, v10;
	v11 =	vadd.f32 v8, v11  }
0x3bc: {  	s24 =	simm.s32 $0x80;
	s30 =	simm.s32 $0x100;
	v8 =	vld [tilespmem:s29+$0xC860]  }
0x3bd: {  	s28 =	sand.u32 $0x380, s24;
	s22 =	sand.u32 $0x3800, s30;
	v9 =	vld [tilespmem:s29+$0x4870];
	v12 =	vsub.f32 v15, v12;
	v11 =	vadd.f32 v13, v11;
	v13 =	vmul.f32 v10, v10  }
0x3be: {  	s22 =	sor.u32 s28, s22;
	s28 =	simm.s32 $0x200;
	v10 =	vld [tilespmem:s29+$0xC870]  }
.LBB2_12:
0x3bf: {  	p1 =	sne.s32 s28, $0x3F00;
	v14 =	vld [tilespmem:s22+$0x4400];
	v11 =	vadd.f32 v13, v11;
	v12 =	vmul.f32 v12, v12;
	v5 =	vsub.f32 v5, v7  }
0x3c0: {  	v7 =	vld [tilespmem:s22+$0xC400]  }
0x3c1: {  	v13 =	vld [tilespmem:s22+$0x4410];
	v11 =	vadd.f32 v12, v11;
	v5 =	vmul.f32 v5, v5;
	v6 =	vsub.f32 v6, v8  }
0x3c2: {  	v8 =	vld [tilespmem:s22+$0xC410]  }
0x3c3: {  	v12 =	vld [tilespmem:s22+$0x4420];
	v5 =	vadd.f32 v5, v11;
	v6 =	vmul.f32 v6, v6;
	v9 =	vsub.f32 v9, v10  }
0x3c4: {  	v10 =	vld [tilespmem:s22+$0xC420]  }
0x3c5: {  	v7 =	vsub.f32 v14, v7;
	v11 =	vld [tilespmem:s22+$0x4430];
	v5 =	vadd.f32 v6, v5;
	v6 =	vmul.f32 v9, v9  }
0x3c6: {  	v9 =	vld [tilespmem:s22+$0xC430]  }
0x3c7: {  	v7 =	vmul.f32 v7, v7;
	v8 =	vsub.f32 v13, v8;
	v13 =	vld [tilespmem:s22+$0x4440];
	v5 =	vadd.f32 v6, v5  }
0x3c8: {  	v6 =	vld [tilespmem:s22+$0xC440]  }
0x3c9: {  	v5 =	vadd.f32 v7, v5;
	v7 =	vmul.f32 v8, v8;
	v8 =	vsub.f32 v12, v10;
	v10 =	vld [tilespmem:s22+$0x4450]  }
0x3ca: {  	v12 =	vld [tilespmem:s22+$0xC450]  }
0x3cb: {  	v5 =	vadd.f32 v7, v5;
	v7 =	vmul.f32 v8, v8;
	v8 =	vsub.f32 v11, v9;
	v9 =	vld [tilespmem:s22+$0x4460]  }
0x3cc: {  	v11 =	vld [tilespmem:s22+$0xC460]  }
0x3cd: {  	v5 =	vadd.f32 v7, v5;
	v7 =	vmul.f32 v8, v8;
	v6 =	vsub.f32 v13, v6;
	v8 =	vld [tilespmem:s22+$0x4470]  }
0x3ce: {  	v13 =	vld [tilespmem:s22+$0xC470]  }
0x3cf: {  	v5 =	vadd.f32 v7, v5;
	v6 =	vmul.f32 v6, v6;
	v7 =	vsub.f32 v10, v12;
	v10 =	vld [tilespmem:s22+$0x4800]  }
0x3d0: {  	v12 =	vld [tilespmem:s22+$0xC800]  }
0x3d1: {  	v5 =	vadd.f32 v6, v5;
	v6 =	vmul.f32 v7, v7;
	v7 =	vsub.f32 v9, v11;
	v9 =	vld [tilespmem:s22+$0x4810]  }
0x3d2: {  	v11 =	vld [tilespmem:s22+$0xC810]  }
0x3d3: {  	v5 =	vadd.f32 v6, v5;
	v6 =	vmul.f32 v7, v7;
	v7 =	vsub.f32 v8, v13;
	v8 =	vld [tilespmem:s22+$0x4820]  }
0x3d4: {  	v13 =	vld [tilespmem:s22+$0xC820]  }
0x3d5: {  	v5 =	vadd.f32 v6, v5;
	v6 =	vmul.f32 v7, v7;
	v7 =	vsub.f32 v10, v12;
	v10 =	vld [tilespmem:s22+$0x4830]  }
0x3d6: {  	v12 =	vld [tilespmem:s22+$0xC830]  }
0x3d7: {  	v5 =	vadd.f32 v6, v5;
	v6 =	vmul.f32 v7, v7;
	v7 =	vsub.f32 v9, v11;
	v9 =	vld [tilespmem:s22+$0x4840]  }
0x3d8: {  	v14 =	vld [tilespmem:s22+$0xC840]  }
0x3d9: {  	v6 =	vadd.f32 v6, v5;
	v11 =	vmul.f32 v7, v7;
	v8 =	vsub.f32 v8, v13;
	v5 =	vld [tilespmem:s22+$0x4850]  }
.Ltmp7:
0x3da: {  	v7 =	vld [tilespmem:s22+$0xC850];
	(pc) =	sbr.rel @p1 .LBB2_12-.Ltmp7, $4  }
0x3db: {  	v11 =	vadd.f32 v11, v6;
	v13 =	vmul.f32 v8, v8;
	v10 =	vsub.f32 v10, v12;
	v6 =	vld [tilespmem:s22+$0x4860]  }
0x3dc: {  	s24 =	sadd.s32 $0x80, s24;
	v8 =	vld [tilespmem:s22+$0xC860]  }
0x3dd: {  	s29 =	sand.u32 $0x3800, s28;
	s30 =	sand.u32 $0x380, s24;
	v11 =	vadd.f32 v13, v11;
	v13 =	vmul.f32 v10, v10;
	v12 =	vsub.f32 v9, v14;
	v9 =	vld [tilespmem:s22+$0x4870]  }
0x3de: {  	s28 =	sadd.s32 $0x100, s28;
	v10 =	vld [tilespmem:s22+$0xC870];
	s22 =	sor.u32 s30, s29  }
0x3df: {  	v14 =	vld [tilespmem:s22+$0x4400]  }
0x3e0: {  	v15 =	vld [tilespmem:s22+$0xC400]  }
0x3e1: {  	v16 =	vld [tilespmem:s22+$0x4410]  }
0x3e2: {  	v17 =	vld [tilespmem:s22+$0xC410]  }
0x3e3: {  	v18 =	vld [tilespmem:s22+$0x4420]  }
0x3e4: {  	v19 =	vld [tilespmem:s22+$0xC420]  }
0x3e5: {  	v20 =	vld [tilespmem:s22+$0x4430]  }
0x3e6: {  	v21 =	vld [tilespmem:s22+$0xC430]  }
0x3e7: {  	v22 =	vld [tilespmem:s22+$0x4440]  }
0x3e8: {  	v23 =	vld [tilespmem:s22+$0xC440]  }
0x3e9: {  	v24 =	vld [tilespmem:s22+$0x4450]  }
0x3ea: {  	v25 =	vld [tilespmem:s22+$0xC450]  }
0x3eb: {  	v26 =	vld [tilespmem:s22+$0x4460]  }
0x3ec: {  	v27 =	vld [tilespmem:s22+$0xC460]  }
0x3ed: {  	v28 =	vld [tilespmem:s22+$0x4470]  }
0x3ee: {  	v29 =	vld [tilespmem:s22+$0xC470]  }
0x3ef: {  	v30 =	vld [tilespmem:s22+$0x4800]  }
0x3f0: {  	v31 =	vld [tilespmem:s22+$0xC800]  }
0x3f1: {  	v32 =	vld [tilespmem:s22+$0x4810]  }
0x3f2: {  	v33 =	vld [tilespmem:s22+$0xC810]  }
0x3f3: {  	v34 =	vld [tilespmem:s22+$0x4820]  }
0x3f4: {  	v35 =	vld [tilespmem:s22+$0xC820]  }
0x3f5: {  	v36 =	vld [tilespmem:s22+$0x4830]  }
0x3f6: {  	v37 =	vld [tilespmem:s22+$0xC830]  }
0x3f7: {  	v38 =	vld [tilespmem:s22+$0x4840]  }
0x3f8: {  	v39 =	vld [tilespmem:s22+$0xC840]  }
0x3f9: {  	v40 =	vld [tilespmem:s22+$0x4850]  }
0x3fa: {  	v41 =	vld [tilespmem:s22+$0xC850]  }
0x3fb: {  	v42 =	vld [tilespmem:s22+$0x4860]  }
0x3fc: {  	v43 =	vld [tilespmem:s22+$0xC860]  }
0x3fd: {  	v44 =	vld [tilespmem:s22+$0x4870]  }
0x3fe: {  	v45 =	vld [tilespmem:s22+$0xC870];
	_ =	swait.ge [sflag:s18], $0x4000  }
0x3ff: {  	[sflag:s18] =	ssyncset.done $0x0  }
0x400: {  	[sflag:s18] =	ssyncadd.s32 $0xFFFFC000  }
0x401: {  	v46 =	vld [tilespmem:$0x380];
	_ =	sdelay $0x4  }
0x402: {  	v47 =	vshll.u32 v46, $0x1  }
0x403: {  	v46 =	vand.u32 $0x7, v46;
	v47 =	vand.u32 $0xFFFFFFF0, v47  }
0x404: {  	v46 =	vor.u32 v46, v47  }
0x405: {  	v47 =	vperm.xlane v46, v0;
	_ =	sdelay $0x1  }
0x406: {  	v46 =	vperm.xlane v46, v2;
	v47 =	vadd.s32 v1, v47;
	_ =	sdelay $0x1  }
0x407: {  	v46 =	vadd.s32 v1, v46;
	_ =	sdelay $0x1  }
0x408: {  	s22 =	simm.s32 $0x0  }
0x409: {  	[tilespmem:s3], [sflag:$0x2] =	stream.indirect_vreg.gather [hbm4b:s0+s22], $0x80, v47, vm0, $0xb8;
	[tilespmem:$0x12D00] =	vst v63  }
0x40a: {  	_ = 	snop  }
0x40b: {  	[tilespmem:s4], [sflag:$0x2] =	stream.indirect_vreg.gather [hbm4b:s0+s22], $0x80, v46, vm0, $0xb8;
	[tilespmem:$0x12D00] =	vst v63  }
0x40c: {  	v46 =	vld [tilespmem:$0x390];
	_ =	sdelay $0x4  }
0x40d: {  	v61 =	vshll.u32 v46, $0x1  }
0x40e: {  	v46 =	vand.u32 $0x7, v46;
	v47 =	vand.u32 $0xFFFFFFF0, v61  }
0x40f: {  	v46 =	vor.u32 v46, v47  }
0x410: {  	v47 =	vperm.xlane v46, v0;
	_ =	sdelay $0x1  }
0x411: {  	v46 =	vperm.xlane v46, v2;
	v47 =	vadd.s32 v1, v47;
	_ =	sdelay $0x1  }
0x412: {  	v46 =	vadd.s32 v1, v46;
	_ =	sdelay $0x2  }
0x413: {  	[tilespmem:s5], [sflag:$0x2] =	stream.indirect_vreg.gather [hbm4b:s0+s22], $0x80, v47, vm0, $0xb8;
	[tilespmem:$0x12D00] =	vst v63  }
0x414: {  	_ = 	snop  }
0x415: {  	[tilespmem:s6], [sflag:$0x2] =	stream.indirect_vreg.gather [hbm4b:s0+s22], $0x80, v46, vm0, $0xb8;
	[tilespmem:$0x12D00] =	vst v63  }
0x416: {  	v46 =	vld [tilespmem:$0x3A0];
	_ =	sdelay $0x4  }
0x417: {  	v62 =	vshll.u32 v46, $0x1  }
0x418: {  	v46 =	vand.u32 $0x7, v46;
	v47 =	vand.u32 $0xFFFFFFF0, v62  }
0x419: {  	v46 =	vor.u32 v46, v47  }
0x41a: {  	v47 =	vperm.xlane v46, v0;
	_ =	sdelay $0x1  }
0x41b: {  	v46 =	vperm.xlane v46, v2;
	v47 =	vadd.s32 v1, v47  }
0x41c: {  	v11 =	vadd.f32 v13, v11  }
0x41d: {  	v5 =	vsub.f32 v5, v7;
	v7 =	vmul.f32 v12, v12;
	v12 =	vadd.s32 v1, v46;
	_ =	sdelay $0x1  }
0x41e: {  	v7 =	vadd.f32 v7, v11;
	v6 =	vsub.f32 v6, v8;
	v5 =	vmul.f32 v5, v5  }
0x41f: {  	[tilespmem:s7], [sflag:$0x2] =	stream.indirect_vreg.gather [hbm4b:s0+s22], $0x80, v47, vm0, $0xb8;
	[tilespmem:$0x12D00] =	vst v63  }
0x420: {  	v5 =	vadd.f32 v5, v7;
	v7 =	vsub.f32 v9, v10;
	v6 =	vmul.f32 v6, v6  }
0x421: {  	[tilespmem:s8], [sflag:$0x2] =	stream.indirect_vreg.gather [hbm4b:s0+s22], $0x80, v12, vm0, $0xb8;
	[tilespmem:$0x12D00] =	vst v63  }
0x422: {  	v8 =	vsub.f32 v14, v15;
	v5 =	vadd.f32 v6, v5;
	v6 =	vmul.f32 v7, v7;
	v7 =	vld [tilespmem:$0x3B0];
	_ =	sdelay $0x1  }
0x423: {  	v9 =	vsub.f32 v16, v17;
	v5 =	vadd.f32 v6, v5;
	v6 =	vmul.f32 v8, v8;
	_ =	sdelay $0x1  }
0x424: {  	v5 =	vadd.f32 v6, v5;
	v6 =	vmul.f32 v9, v9  }
0x425: {  	v8 =	vsub.f32 v18, v19;
	v9 =	vshll.u32 v7, $0x1  }
0x426: {  	v5 =	vadd.f32 v6, v5;
	v6 =	vand.u32 $0x7, v7;
	v7 =	vand.u32 $0xFFFFFFF0, v9  }
0x427: {  	v8 =	vmul.f32 v8, v8;
	v9 =	vsub.f32 v20, v21;
	v6 =	vor.u32 v6, v7  }
0x428: {  	v7 =	vperm.xlane v6, v0  }
0x429: {  	v5 =	vadd.f32 v8, v5;
	v8 =	vmul.f32 v9, v9;
	v9 =	vsub.f32 v22, v23  }
0x42a: {  	v6 =	vperm.xlane v6, v2;
	v7 =	vadd.s32 v1, v7  }
0x42b: {  	v5 =	vadd.f32 v8, v5;
	v8 =	vsub.f32 v24, v25;
	v9 =	vmul.f32 v9, v9  }
0x42c: {  	v6 =	vadd.s32 v1, v6  }
0x42d: {  	v5 =	vadd.f32 v9, v5;
	v9 =	vsub.f32 v26, v27;
	v8 =	vmul.f32 v8, v8;
	_ =	sdelay $0x1  }
0x42e: {  	v5 =	vadd.f32 v8, v5;
	v8 =	vmul.f32 v9, v9  }
0x42f: {  	[tilespmem:s9], [sflag:$0x2] =	stream.indirect_vreg.gather [hbm4b:s0+s22], $0x80, v7, vm0, $0xb8;
	v7 =	vsub.f32 v28, v29;
	[tilespmem:$0x12D00] =	vst v63  }
0x430: {  	v5 =	vadd.f32 v8, v5  }
0x431: {  	[tilespmem:s10], [sflag:$0x2] =	stream.indirect_vreg.gather [hbm4b:s0+s22], $0x80, v6, vm0, $0xb8;
	v6 =	vsub.f32 v30, v31;
	v7 =	vmul.f32 v7, v7;
	[tilespmem:$0x12D00] =	vst v63  }
0x432: {  	s24 =	rddreg [dreg:$0x13]  }
0x433: {  	[tilespmem:s11], [sflag:$0x4] =	stream.linear.gather [hbm4b:s24+s22], $0x4000, $0x38;
	v5 =	vadd.f32 v7, v5;
	v7 =	vsub.f32 v32, v33;
	v6 =	vmul.f32 v6, v6;
	[tilespmem:$0x12D00] =	vst v63  }
0x434: {  	_ =	swait.ge [sflag:s12], $0x4000  }
0x435: {  	[sflag:s12] =	ssyncset.done $0x0;
	v5 =	vadd.f32 v6, v5;
	v6 =	vsub.f32 v34, v35;
	v7 =	vmul.f32 v7, v7  }
0x436: {  	s30 =	rddreg [dreg:$0x14];
	[sflag:s12] =	ssyncadd.s32 $0xFFFFC000  }
0x437: {  	[hbm4b:s30+s22] =	stream.linear.scatter [tilespmem:s26], [sflag:$0x5], $0x4000, $0x38;
	v5 =	vadd.f32 v7, v5;
	v7 =	vsub.f32 v36, v37;
	v6 =	vmul.f32 v6, v6;
	[tilespmem:$0x12D00] =	vst v63  }
0x438: {  	_ =	swait.ge [sflag:s13], $0x4000  }
0x439: {  	s29 =	sand.u32 $0x3800, s22;
	s22 =	sand.u32 $0x380, s22;
	[sflag:s13] =	ssyncset.done $0x0;
	v5 =	vadd.f32 v6, v5;
	v6 =	vmul.f32 v7, v7;
	v7 =	vsub.f32 v38, v39  }
0x43a: {  	s29 =	sor.u32 s22, s29;
	[sflag:s13] =	ssyncadd.s32 $0xFFFFC000  }
0x43b: {  	v8 =	vld [tilespmem:s29+$0x400];
	v5 =	vadd.f32 v6, v5;
	v6 =	vmul.f32 v7, v7;
	v7 =	vsub.f32 v40, v41  }
0x43c: {  	v9 =	vld [tilespmem:s29+$0x8400]  }
0x43d: {  	v10 =	vld [tilespmem:s29+$0x410];
	v5 =	vadd.f32 v6, v5;
	v6 =	vmul.f32 v7, v7;
	v7 =	vsub.f32 v42, v43  }
0x43e: {  	v11 =	vld [tilespmem:s29+$0x8410]  }
0x43f: {  	v12 =	vld [tilespmem:s29+$0x420];
	v5 =	vadd.f32 v6, v5;
	v6 =	vmul.f32 v7, v7;
	v7 =	vsub.f32 v44, v45  }
0x440: {  	v13 =	vld [tilespmem:s29+$0x8420]  }
0x441: {  	v14 =	vld [tilespmem:s29+$0x430];
	v5 =	vadd.f32 v6, v5;
	v6 =	vmul.f32 v7, v7;
	v7 =	vsub.f32 v8, v9  }
0x442: {  	v8 =	vld [tilespmem:s29+$0x8430]  }
0x443: {  	v9 =	vld [tilespmem:s29+$0x440];
	v5 =	vadd.f32 v6, v5;
	v6 =	vmul.f32 v7, v7;
	v7 =	vsub.f32 v10, v11  }
0x444: {  	v10 =	vld [tilespmem:s29+$0x8440]  }
0x445: {  	v11 =	vld [tilespmem:s29+$0x450];
	v5 =	vadd.f32 v6, v5;
	v6 =	vmul.f32 v7, v7;
	v7 =	vsub.f32 v12, v13  }
0x446: {  	v12 =	vld [tilespmem:s29+$0x8450]  }
0x447: {  	v13 =	vld [tilespmem:s29+$0x460];
	v5 =	vadd.f32 v6, v5;
	v6 =	vmul.f32 v7, v7;
	v7 =	vsub.f32 v14, v8  }
0x448: {  	v8 =	vld [tilespmem:s29+$0x8460]  }
0x449: {  	v14 =	vld [tilespmem:s29+$0x470];
	v5 =	vadd.f32 v6, v5;
	v6 =	vmul.f32 v7, v7;
	v7 =	vsub.f32 v9, v10  }
0x44a: {  	v9 =	vld [tilespmem:s29+$0x8470]  }
0x44b: {  	v10 =	vld [tilespmem:s29+$0x800];
	v5 =	vadd.f32 v6, v5;
	v6 =	vmul.f32 v7, v7;
	v7 =	vsub.f32 v11, v12  }
0x44c: {  	v11 =	vld [tilespmem:s29+$0x8800]  }
0x44d: {  	v12 =	vld [tilespmem:s29+$0x810];
	v5 =	vadd.f32 v6, v5;
	v6 =	vmul.f32 v7, v7;
	v7 =	vsub.f32 v13, v8  }
0x44e: {  	v8 =	vld [tilespmem:s29+$0x8810]  }
0x44f: {  	v13 =	vld [tilespmem:s29+$0x820];
	v5 =	vadd.f32 v6, v5;
	v6 =	vmul.f32 v7, v7;
	v7 =	vsub.f32 v14, v9  }
0x450: {  	v9 =	vld [tilespmem:s29+$0x8820]  }
0x451: {  	v14 =	vld [tilespmem:s29+$0x830];
	v5 =	vadd.f32 v6, v5;
	v6 =	vmul.f32 v7, v7;
	v7 =	vsub.f32 v10, v11  }
0x452: {  	v10 =	vld [tilespmem:s29+$0x8830]  }
0x453: {  	v15 =	vld [tilespmem:s29+$0x840];
	v8 =	vsub.f32 v12, v8;
	v6 =	vadd.f32 v6, v5;
	v7 =	vmul.f32 v7, v7  }
0x454: {  	v63 =	vld [tilespmem:s29+$0x8840]  }
0x455: {  	v5 =	vld [tilespmem:s29+$0x850];
	v8 =	vmul.f32 v8, v8;
	v9 =	vsub.f32 v13, v9;
	v11 =	vadd.f32 v7, v6  }
0x456: {  	v7 =	vld [tilespmem:s29+$0x8850]  }
0x457: {  	v6 =	vld [tilespmem:s29+$0x860];
	v12 =	vmul.f32 v9, v9;
	v10 =	vsub.f32 v14, v10;
	v11 =	vadd.f32 v8, v11  }
0x458: {  	s24 =	simm.s32 $0x80;
	s30 =	simm.s32 $0x100;
	v8 =	vld [tilespmem:s29+$0x8860]  }
0x459: {  	s28 =	sand.u32 $0x380, s24;
	s22 =	sand.u32 $0x3800, s30;
	v13 =	vsub.f32 v15, v63;
	v9 =	vld [tilespmem:s29+$0x870];
	v11 =	vadd.f32 v12, v11;
	v12 =	vmul.f32 v10, v10  }
0x45a: {  	s22 =	sor.u32 s28, s22;
	s28 =	simm.s32 $0x200;
	v10 =	vld [tilespmem:s29+$0x8870]  }
.LBB2_14:
0x45b: {  	p1 =	sne.s32 s28, $0x3F00;
	v14 =	vld [tilespmem:s22+$0x400];
	v11 =	vadd.f32 v12, v11;
	v12 =	vmul.f32 v13, v13;
	v5 =	vsub.f32 v5, v7  }
0x45c: {  	v7 =	vld [tilespmem:s22+$0x8400]  }
0x45d: {  	v13 =	vld [tilespmem:s22+$0x410];
	v11 =	vadd.f32 v12, v11;
	v5 =	vmul.f32 v5, v5;
	v6 =	vsub.f32 v6, v8  }
0x45e: {  	v8 =	vld [tilespmem:s22+$0x8410]  }
0x45f: {  	v12 =	vld [tilespmem:s22+$0x420];
	v5 =	vadd.f32 v5, v11;
	v6 =	vmul.f32 v6, v6;
	v9 =	vsub.f32 v9, v10  }
0x460: {  	v10 =	vld [tilespmem:s22+$0x8420]  }
0x461: {  	v7 =	vsub.f32 v14, v7;
	v11 =	vld [tilespmem:s22+$0x430];
	v5 =	vadd.f32 v6, v5;
	v6 =	vmul.f32 v9, v9  }
0x462: {  	v9 =	vld [tilespmem:s22+$0x8430]  }
0x463: {  	v7 =	vmul.f32 v7, v7;
	v8 =	vsub.f32 v13, v8;
	v13 =	vld [tilespmem:s22+$0x440];
	v5 =	vadd.f32 v6, v5  }
0x464: {  	v6 =	vld [tilespmem:s22+$0x8440]  }
0x465: {  	v5 =	vadd.f32 v7, v5;
	v7 =	vmul.f32 v8, v8;
	v8 =	vsub.f32 v12, v10;
	v10 =	vld [tilespmem:s22+$0x450]  }
0x466: {  	v12 =	vld [tilespmem:s22+$0x8450]  }
0x467: {  	v5 =	vadd.f32 v7, v5;
	v7 =	vmul.f32 v8, v8;
	v8 =	vsub.f32 v11, v9;
	v9 =	vld [tilespmem:s22+$0x460]  }
0x468: {  	v11 =	vld [tilespmem:s22+$0x8460]  }
0x469: {  	v5 =	vadd.f32 v7, v5;
	v7 =	vmul.f32 v8, v8;
	v6 =	vsub.f32 v13, v6;
	v8 =	vld [tilespmem:s22+$0x470]  }
0x46a: {  	v13 =	vld [tilespmem:s22+$0x8470]  }
0x46b: {  	v5 =	vadd.f32 v7, v5;
	v6 =	vmul.f32 v6, v6;
	v7 =	vsub.f32 v10, v12;
	v10 =	vld [tilespmem:s22+$0x800]  }
0x46c: {  	v12 =	vld [tilespmem:s22+$0x8800]  }
0x46d: {  	v5 =	vadd.f32 v6, v5;
	v6 =	vmul.f32 v7, v7;
	v7 =	vsub.f32 v9, v11;
	v9 =	vld [tilespmem:s22+$0x810]  }
0x46e: {  	v11 =	vld [tilespmem:s22+$0x8810]  }
0x46f: {  	v5 =	vadd.f32 v6, v5;
	v6 =	vmul.f32 v7, v7;
	v7 =	vsub.f32 v8, v13;
	v8 =	vld [tilespmem:s22+$0x820]  }
0x470: {  	v13 =	vld [tilespmem:s22+$0x8820]  }
0x471: {  	v5 =	vadd.f32 v6, v5;
	v6 =	vmul.f32 v7, v7;
	v7 =	vsub.f32 v10, v12;
	v10 =	vld [tilespmem:s22+$0x830]  }
0x472: {  	v12 =	vld [tilespmem:s22+$0x8830]  }
0x473: {  	v5 =	vadd.f32 v6, v5;
	v6 =	vmul.f32 v7, v7;
	v7 =	vsub.f32 v9, v11;
	v9 =	vld [tilespmem:s22+$0x840]  }
0x474: {  	v14 =	vld [tilespmem:s22+$0x8840]  }
0x475: {  	v6 =	vadd.f32 v6, v5;
	v11 =	vmul.f32 v7, v7;
	v8 =	vsub.f32 v8, v13;
	v5 =	vld [tilespmem:s22+$0x850]  }
.Ltmp8:
0x476: {  	v7 =	vld [tilespmem:s22+$0x8850];
	(pc) =	sbr.rel @p1 .LBB2_14-.Ltmp8, $4  }
0x477: {  	v11 =	vadd.f32 v11, v6;
	v13 =	vmul.f32 v8, v8;
	v10 =	vsub.f32 v10, v12;
	v6 =	vld [tilespmem:s22+$0x860]  }
0x478: {  	s24 =	sadd.s32 $0x80, s24;
	v8 =	vld [tilespmem:s22+$0x8860]  }
0x479: {  	s29 =	sand.u32 $0x3800, s28;
	s30 =	sand.u32 $0x380, s24;
	v11 =	vadd.f32 v13, v11;
	v12 =	vmul.f32 v10, v10;
	v13 =	vsub.f32 v9, v14;
	v9 =	vld [tilespmem:s22+$0x870]  }
0x47a: {  	s28 =	sadd.s32 $0x100, s28;
	v10 =	vld [tilespmem:s22+$0x8870];
	s22 =	sor.u32 s30, s29  }
0x47b: {  	v14 =	vld [tilespmem:s22+$0x400]  }
0x47c: {  	v15 =	vld [tilespmem:s22+$0x8400]  }
0x47d: {  	v16 =	vld [tilespmem:s22+$0x410]  }
0x47e: {  	v17 =	vld [tilespmem:s22+$0x8410]  }
0x47f: {  	v18 =	vld [tilespmem:s22+$0x420]  }
0x480: {  	v19 =	vld [tilespmem:s22+$0x8420]  }
0x481: {  	v20 =	vld [tilespmem:s22+$0x430];
	v11 =	vadd.f32 v12, v11;
	v12 =	vmul.f32 v13, v13;
	v5 =	vsub.f32 v5, v7  }
0x482: {  	v21 =	vld [tilespmem:s22+$0x8430]  }
0x483: {  	v7 =	vld [tilespmem:s22+$0x440];
	v11 =	vadd.f32 v12, v11;
	v5 =	vmul.f32 v5, v5;
	v6 =	vsub.f32 v6, v8  }
0x484: {  	v13 =	vld [tilespmem:s22+$0x8440]  }
0x485: {  	v54 =	vld [tilespmem:s22+$0x8800];
	v5 =	vadd.f32 v5, v11;
	v6 =	vmul.f32 v6, v6;
	v9 =	vsub.f32 v9, v10  }
0x486: {  	v56 =	vld [tilespmem:s22+$0x810]  }
0x487: {  	v57 =	vld [tilespmem:s22+$0x8810];
	v14 =	vsub.f32 v14, v15;
	v5 =	vadd.f32 v6, v5;
	v6 =	vmul.f32 v9, v9  }
0x488: {  	v59 =	vld [tilespmem:s22+$0x820]  }
0x489: {  	v60 =	vld [tilespmem:s22+$0x8820];
	v16 =	vsub.f32 v16, v17;
	v14 =	vmul.f32 v14, v14;
	v5 =	vadd.f32 v6, v5  }
0x48a: {  	v61 =	vld [tilespmem:s22+$0x8830]  }
0x48b: {  	v8 =	vld [tilespmem:s22+$0x450];
	v55 =	vsub.f32 v18, v19;
	v5 =	vadd.f32 v14, v5;
	v14 =	vmul.f32 v16, v16  }
0x48c: {  	v12 =	vld [tilespmem:s22+$0x8450]  }
0x48d: {  	v10 =	vld [tilespmem:s22+$0x460];
	v58 =	vsub.f32 v20, v21;
	v5 =	vadd.f32 v14, v5;
	v14 =	vmul.f32 v55, v55  }
0x48e: {  	v11 =	vld [tilespmem:s22+$0x8460]  }
0x48f: {  	v15 =	vld [tilespmem:s22+$0x8470];
	v7 =	vsub.f32 v7, v13;
	v5 =	vadd.f32 v14, v5;
	v14 =	vmul.f32 v58, v58  }
0x490: {  	v9 =	vld [tilespmem:s22+$0x470]  }
0x491: {  	v62 =	vld [tilespmem:s22+$0x8870];
	v7 =	vmul.f32 v7, v7;
	v8 =	vsub.f32 v8, v12;
	v5 =	vadd.f32 v14, v5  }
0x492: {  	v6 =	vld [tilespmem:s22+$0x800]  }
0x493: {  	v13 =	vld [tilespmem:s22+$0x830];
	v5 =	vadd.f32 v7, v5;
	v7 =	vmul.f32 v8, v8;
	v8 =	vsub.f32 v10, v11  }
0x494: {  	v12 =	vld [tilespmem:s22+$0x840]  }
0x495: {  	v14 =	vld [tilespmem:s22+$0x8840];
	v5 =	vadd.f32 v7, v5;
	v7 =	vmul.f32 v8, v8;
	v8 =	vsub.f32 v9, v15  }
0x496: {  	v10 =	vld [tilespmem:s22+$0x850]  }
0x497: {  	v6 =	vsub.f32 v6, v54;
	v11 =	vld [tilespmem:s22+$0x8850];
	v5 =	vadd.f32 v7, v5;
	v7 =	vmul.f32 v8, v8  }
0x498: {  	v9 =	vld [tilespmem:s22+$0x860]  }
0x499: {  	v6 =	vmul.f32 v6, v6;
	v15 =	vld [tilespmem:s22+$0x8860];
	v5 =	vadd.f32 v7, v5;
	v7 =	vsub.f32 v56, v57  }
0x49a: {  	v8 =	vld [tilespmem:s22+$0x870];
	_ =	swait.ge [sflag:s15], $0x4000  }
0x49b: {  	[sflag:s15] =	ssyncset.done $0x0;
	v5 =	vadd.f32 v6, v5;
	v6 =	vsub.f32 v59, v60;
	v7 =	vmul.f32 v7, v7  }
0x49c: {  	s30 =	simm.s32 $0x0;
	s24 =	rddreg [dreg:$0x15];
	[sflag:s15] =	ssyncadd.s32 $0xFFFFC000  }
0x49d: {  	[hbm4b:s24+s30] =	stream.linear.scatter [tilespmem:s3], [sflag:$0x6], $0x4000, $0x38;
	v5 =	vadd.f32 v7, v5;
	v7 =	vsub.f32 v13, v61;
	v6 =	vmul.f32 v6, v6;
	[tilespmem:$0x12D00] =	vst v63  }
0x49e: {  	_ =	swait.ge [sflag:s17], $0x4000  }
0x49f: {  	s29 =	sand.u32 $0x3800, s30;
	s22 =	sand.u32 $0x380, s30;
	[sflag:s17] =	ssyncset.done $0x0;
	v5 =	vadd.f32 v6, v5;
	v6 =	vmul.f32 v7, v7;
	v7 =	vsub.f32 v12, v14  }
0x4a0: {  	s29 =	sor.u32 s22, s29;
	[sflag:s17] =	ssyncadd.s32 $0xFFFFC000  }
0x4a1: {  	v12 =	vld [tilespmem:s29+$0x4400];
	v5 =	vadd.f32 v6, v5;
	v6 =	vmul.f32 v7, v7;
	v7 =	vsub.f32 v10, v11  }
0x4a2: {  	v10 =	vld [tilespmem:s29+$0xC400]  }
0x4a3: {  	v11 =	vld [tilespmem:s29+$0x4410];
	v5 =	vadd.f32 v6, v5;
	v6 =	vmul.f32 v7, v7;
	v7 =	vsub.f32 v9, v15  }
0x4a4: {  	v9 =	vld [tilespmem:s29+$0xC410]  }
0x4a5: {  	v13 =	vld [tilespmem:s29+$0x4420];
	v5 =	vadd.f32 v6, v5;
	v6 =	vmul.f32 v7, v7;
	v7 =	vsub.f32 v8, v62  }
0x4a6: {  	v8 =	vld [tilespmem:s29+$0xC420]  }
0x4a7: {  	v14 =	vld [tilespmem:s29+$0x4430];
	v5 =	vadd.f32 v6, v5;
	v6 =	vmul.f32 v7, v7;
	v7 =	vsub.f32 v12, v10  }
0x4a8: {  	v10 =	vld [tilespmem:s29+$0xC430]  }
0x4a9: {  	v12 =	vld [tilespmem:s29+$0x4440];
	v5 =	vadd.f32 v6, v5;
	v6 =	vmul.f32 v7, v7;
	v7 =	vsub.f32 v11, v9  }
0x4aa: {  	v9 =	vld [tilespmem:s29+$0xC440]  }
0x4ab: {  	v11 =	vld [tilespmem:s29+$0x4450];
	v5 =	vadd.f32 v6, v5;
	v6 =	vmul.f32 v7, v7;
	v7 =	vsub.f32 v13, v8  }
0x4ac: {  	v8 =	vld [tilespmem:s29+$0xC450]  }
0x4ad: {  	v13 =	vld [tilespmem:s29+$0x4460];
	v5 =	vadd.f32 v6, v5;
	v6 =	vmul.f32 v7, v7;
	v7 =	vsub.f32 v14, v10  }
0x4ae: {  	v10 =	vld [tilespmem:s29+$0xC460]  }
0x4af: {  	v14 =	vld [tilespmem:s29+$0x4470];
	v5 =	vadd.f32 v6, v5;
	v6 =	vmul.f32 v7, v7;
	v7 =	vsub.f32 v12, v9  }
0x4b0: {  	v9 =	vld [tilespmem:s29+$0xC470]  }
0x4b1: {  	v12 =	vld [tilespmem:s29+$0x4800];
	v5 =	vadd.f32 v6, v5;
	v6 =	vmul.f32 v7, v7;
	v7 =	vsub.f32 v11, v8  }
0x4b2: {  	v8 =	vld [tilespmem:s29+$0xC800]  }
0x4b3: {  	v11 =	vld [tilespmem:s29+$0x4810];
	v5 =	vadd.f32 v6, v5;
	v6 =	vmul.f32 v7, v7;
	v7 =	vsub.f32 v13, v10  }
0x4b4: {  	v10 =	vld [tilespmem:s29+$0xC810]  }
0x4b5: {  	v13 =	vld [tilespmem:s29+$0x4820];
	v5 =	vadd.f32 v6, v5;
	v6 =	vmul.f32 v7, v7;
	v7 =	vsub.f32 v14, v9  }
0x4b6: {  	v9 =	vld [tilespmem:s29+$0xC820]  }
0x4b7: {  	v14 =	vld [tilespmem:s29+$0x4830];
	v5 =	vadd.f32 v6, v5;
	v6 =	vmul.f32 v7, v7;
	v7 =	vsub.f32 v12, v8  }
0x4b8: {  	v8 =	vld [tilespmem:s29+$0xC830]  }
0x4b9: {  	v63 =	vld [tilespmem:s29+$0xC840];
	v10 =	vsub.f32 v11, v10;
	v6 =	vadd.f32 v6, v5;
	v7 =	vmul.f32 v7, v7  }
0x4ba: {  	v15 =	vld [tilespmem:s29+$0x4840]  }
0x4bb: {  	v5 =	vld [tilespmem:s29+$0x4850];
	v10 =	vmul.f32 v10, v10;
	v9 =	vsub.f32 v13, v9;
	v11 =	vadd.f32 v7, v6  }
0x4bc: {  	v7 =	vld [tilespmem:s29+$0xC850]  }
0x4bd: {  	v6 =	vld [tilespmem:s29+$0x4860];
	v12 =	vsub.f32 v14, v8;
	v10 =	vadd.f32 v10, v11;
	v11 =	vmul.f32 v9, v9  }
0x4be: {  	s30 =	simm.s32 $0x100;
	s24 =	simm.s32 $0x80;
	v8 =	vld [tilespmem:s29+$0xC860]  }
0x4bf: {  	s22 =	sand.u32 $0x3800, s30;
	s28 =	sand.u32 $0x380, s24;
	v13 =	vsub.f32 v15, v63;
	v9 =	vld [tilespmem:s29+$0x4870];
	v12 =	vmul.f32 v12, v12;
	v11 =	vadd.f32 v11, v10  }
0x4c0: {  	s22 =	sor.u32 s28, s22;
	s28 =	simm.s32 $0x200;
	v10 =	vld [tilespmem:s29+$0xC870]  }
.LBB2_16:
0x4c1: {  	p1 =	sne.s32 s28, $0x3F00;
	v14 =	vld [tilespmem:s22+$0x4400];
	v11 =	vadd.f32 v12, v11;
	v12 =	vmul.f32 v13, v13;
	v5 =	vsub.f32 v5, v7  }
0x4c2: {  	v7 =	vld [tilespmem:s22+$0xC400]  }
0x4c3: {  	v13 =	vld [tilespmem:s22+$0x4410];
	v11 =	vadd.f32 v12, v11;
	v5 =	vmul.f32 v5, v5;
	v6 =	vsub.f32 v6, v8  }
0x4c4: {  	v8 =	vld [tilespmem:s22+$0xC410]  }
0x4c5: {  	v12 =	vld [tilespmem:s22+$0x4420];
	v5 =	vadd.f32 v5, v11;
	v6 =	vmul.f32 v6, v6;
	v9 =	vsub.f32 v9, v10  }
0x4c6: {  	v10 =	vld [tilespmem:s22+$0xC420]  }
0x4c7: {  	v7 =	vsub.f32 v14, v7;
	v11 =	vld [tilespmem:s22+$0x4430];
	v5 =	vadd.f32 v6, v5;
	v6 =	vmul.f32 v9, v9  }
0x4c8: {  	v9 =	vld [tilespmem:s22+$0xC430]  }
0x4c9: {  	v7 =	vmul.f32 v7, v7;
	v8 =	vsub.f32 v13, v8;
	v13 =	vld [tilespmem:s22+$0x4440];
	v5 =	vadd.f32 v6, v5  }
0x4ca: {  	v6 =	vld [tilespmem:s22+$0xC440]  }
0x4cb: {  	v5 =	vadd.f32 v7, v5;
	v7 =	vmul.f32 v8, v8;
	v8 =	vsub.f32 v12, v10;
	v10 =	vld [tilespmem:s22+$0x4450]  }
0x4cc: {  	v12 =	vld [tilespmem:s22+$0xC450]  }
0x4cd: {  	v5 =	vadd.f32 v7, v5;
	v7 =	vmul.f32 v8, v8;
	v8 =	vsub.f32 v11, v9;
	v9 =	vld [tilespmem:s22+$0x4460]  }
0x4ce: {  	v11 =	vld [tilespmem:s22+$0xC460]  }
0x4cf: {  	v5 =	vadd.f32 v7, v5;
	v7 =	vmul.f32 v8, v8;
	v6 =	vsub.f32 v13, v6;
	v8 =	vld [tilespmem:s22+$0x4470]  }
0x4d0: {  	v13 =	vld [tilespmem:s22+$0xC470]  }
0x4d1: {  	v5 =	vadd.f32 v7, v5;
	v6 =	vmul.f32 v6, v6;
	v7 =	vsub.f32 v10, v12;
	v10 =	vld [tilespmem:s22+$0x4800]  }
0x4d2: {  	v12 =	vld [tilespmem:s22+$0xC800]  }
0x4d3: {  	v5 =	vadd.f32 v6, v5;
	v6 =	vmul.f32 v7, v7;
	v7 =	vsub.f32 v9, v11;
	v9 =	vld [tilespmem:s22+$0x4810]  }
0x4d4: {  	v11 =	vld [tilespmem:s22+$0xC810]  }
0x4d5: {  	v5 =	vadd.f32 v6, v5;
	v6 =	vmul.f32 v7, v7;
	v7 =	vsub.f32 v8, v13;
	v8 =	vld [tilespmem:s22+$0x4820]  }
0x4d6: {  	v13 =	vld [tilespmem:s22+$0xC820]  }
0x4d7: {  	v5 =	vadd.f32 v6, v5;
	v6 =	vmul.f32 v7, v7;
	v7 =	vsub.f32 v10, v12;
	v10 =	vld [tilespmem:s22+$0x4830]  }
0x4d8: {  	v12 =	vld [tilespmem:s22+$0xC830]  }
0x4d9: {  	v5 =	vadd.f32 v6, v5;
	v6 =	vmul.f32 v7, v7;
	v7 =	vsub.f32 v9, v11;
	v9 =	vld [tilespmem:s22+$0x4840]  }
0x4da: {  	v14 =	vld [tilespmem:s22+$0xC840]  }
0x4db: {  	v6 =	vadd.f32 v6, v5;
	v11 =	vmul.f32 v7, v7;
	v8 =	vsub.f32 v8, v13;
	v5 =	vld [tilespmem:s22+$0x4850]  }
.Ltmp9:
0x4dc: {  	v7 =	vld [tilespmem:s22+$0xC850];
	(pc) =	sbr.rel @p1 .LBB2_16-.Ltmp9, $4  }
0x4dd: {  	v11 =	vadd.f32 v11, v6;
	v13 =	vmul.f32 v8, v8;
	v10 =	vsub.f32 v10, v12;
	v6 =	vld [tilespmem:s22+$0x4860]  }
0x4de: {  	s24 =	sadd.s32 $0x80, s24;
	v8 =	vld [tilespmem:s22+$0xC860]  }
0x4df: {  	s29 =	sand.u32 $0x3800, s28;
	s30 =	sand.u32 $0x380, s24;
	v11 =	vadd.f32 v13, v11;
	v12 =	vmul.f32 v10, v10;
	v13 =	vsub.f32 v9, v14;
	v9 =	vld [tilespmem:s22+$0x4870]  }
0x4e0: {  	s28 =	sadd.s32 $0x100, s28;
	v10 =	vld [tilespmem:s22+$0xC870];
	s22 =	sor.u32 s30, s29  }
0x4e1: {  	v14 =	vld [tilespmem:s22+$0x4400];
	v11 =	vadd.f32 v12, v11;
	v32 =	vmul.f32 v13, v13;
	v5 =	vsub.f32 v5, v7  }
0x4e2: {  	v7 =	vld [tilespmem:s22+$0xC400]  }
0x4e3: {  	v33 =	vld [tilespmem:s22+$0x4410];
	v11 =	vadd.f32 v32, v11;
	v5 =	vmul.f32 v5, v5;
	v6 =	vsub.f32 v6, v8  }
0x4e4: {  	v34 =	vld [tilespmem:s22+$0xC410]  }
0x4e5: {  	v35 =	vld [tilespmem:s22+$0x4420];
	v5 =	vadd.f32 v5, v11;
	v6 =	vmul.f32 v6, v6;
	v9 =	vsub.f32 v9, v10  }
0x4e6: {  	v36 =	vld [tilespmem:s22+$0xC420]  }
0x4e7: {  	v37 =	vld [tilespmem:s22+$0x4430];
	v7 =	vsub.f32 v14, v7;
	v5 =	vadd.f32 v6, v5;
	v6 =	vmul.f32 v9, v9  }
0x4e8: {  	v38 =	vld [tilespmem:s22+$0xC430]  }
0x4e9: {  	v39 =	vld [tilespmem:s22+$0x4440];
	v8 =	vsub.f32 v33, v34;
	v7 =	vmul.f32 v7, v7;
	v5 =	vadd.f32 v6, v5  }
0x4ea: {  	v6 =	vld [tilespmem:s22+$0xC440]  }
0x4eb: {  	v41 =	vld [tilespmem:s22+$0x4450];
	v40 =	vsub.f32 v35, v36;
	v5 =	vadd.f32 v7, v5;
	v7 =	vmul.f32 v8, v8  }
0x4ec: {  	v42 =	vld [tilespmem:s22+$0xC450]  }
0x4ed: {  	v44 =	vld [tilespmem:s22+$0x4460];
	v43 =	vsub.f32 v37, v38;
	v5 =	vadd.f32 v7, v5;
	v7 =	vmul.f32 v40, v40  }
0x4ee: {  	v45 =	vld [tilespmem:s22+$0xC460]  }
0x4ef: {  	v46 =	vld [tilespmem:s22+$0x4470];
	v6 =	vsub.f32 v39, v6;
	v5 =	vadd.f32 v7, v5;
	v7 =	vmul.f32 v43, v43  }
0x4f0: {  	v47 =	vld [tilespmem:s22+$0xC470]  }
0x4f1: {  	v48 =	vld [tilespmem:s22+$0x4800];
	v6 =	vmul.f32 v6, v6;
	v5 =	vadd.f32 v7, v5;
	v7 =	vsub.f32 v41, v42  }
0x4f2: {  	v49 =	vld [tilespmem:s22+$0xC800]  }
0x4f3: {  	v50 =	vld [tilespmem:s22+$0x4810];
	v5 =	vadd.f32 v6, v5;
	v6 =	vmul.f32 v7, v7;
	v7 =	vsub.f32 v44, v45  }
0x4f4: {  	v51 =	vld [tilespmem:s22+$0xC810]  }
0x4f5: {  	v52 =	vld [tilespmem:s22+$0x4820];
	v5 =	vadd.f32 v6, v5;
	v6 =	vmul.f32 v7, v7;
	v7 =	vsub.f32 v46, v47  }
0x4f6: {  	v53 =	vld [tilespmem:s22+$0xC820]  }
0x4f7: {  	v54 =	vld [tilespmem:s22+$0x4830];
	v5 =	vadd.f32 v6, v5;
	v6 =	vmul.f32 v7, v7;
	v7 =	vsub.f32 v48, v49  }
0x4f8: {  	v55 =	vld [tilespmem:s22+$0xC830]  }
0x4f9: {  	v56 =	vld [tilespmem:s22+$0x4840];
	v5 =	vadd.f32 v6, v5;
	v6 =	vmul.f32 v7, v7;
	v7 =	vsub.f32 v50, v51  }
0x4fa: {  	v57 =	vld [tilespmem:s22+$0xC840]  }
0x4fb: {  	v58 =	vld [tilespmem:s22+$0x4850];
	v5 =	vadd.f32 v6, v5;
	v6 =	vmul.f32 v7, v7;
	v7 =	vsub.f32 v52, v53  }
0x4fc: {  	v59 =	vld [tilespmem:s22+$0xC850]  }
0x4fd: {  	v60 =	vld [tilespmem:s22+$0x4860];
	v5 =	vadd.f32 v6, v5;
	v6 =	vmul.f32 v7, v7;
	v7 =	vsub.f32 v54, v55  }
0x4fe: {  	v61 =	vld [tilespmem:s22+$0xC860]  }
0x4ff: {  	v62 =	vld [tilespmem:s22+$0x4870];
	v5 =	vadd.f32 v6, v5;
	v6 =	vmul.f32 v7, v7;
	v7 =	vsub.f32 v56, v57  }
0x500: {  	v63 =	vld [tilespmem:s22+$0xC870]  }
0x501: {  	v5 =	vadd.f32 v6, v5;
	v6 =	vmul.f32 v7, v7;
	v7 =	vsub.f32 v58, v59;
	_ =	sdelay $0x1  }
0x502: {  	v5 =	vadd.f32 v6, v5;
	v6 =	vmul.f32 v7, v7;
	v7 =	vsub.f32 v60, v61;
	_ =	sdelay $0x1  }
0x503: {  	_ =	swait.ge [sflag:s14], $0x4000;
	v5 =	vadd.f32 v6, v5;
	v6 =	vmul.f32 v7, v7;
	v7 =	vsub.f32 v62, v63  }
0x504: {  	[sflag:s14] =	ssyncset.done $0x0  }
0x505: {  	[sflag:s14] =	ssyncadd.s32 $0xFFFFC000;
	v5 =	vadd.f32 v6, v5;
	v6 =	vmul.f32 v7, v7  }
0x506: {  	_ =	swait.ge [sflag:s18], $0x4000  }
0x507: {  	[sflag:s18] =	ssyncset.done $0x0;
	v5 =	vadd.f32 v6, v5  }
0x508: {  	[sflag:s18] =	ssyncadd.s32 $0xFFFFC000  }
.Ltmp10:
0x509: {  	s24 =	simm.s32 $0x12C00;
	s30 =	rddreg [dreg:$0x18];
	[tilespmem:$0x12C00] =	vst v5;
	(pc) =	sbr.rel @p0 .LBB2_23-.Ltmp10, $4  }
0x50a: {  	[hbm4b:s30+s2] =	stream.linear.scatter [tilespmem:s24], [sflag:$0x7], $0x80, $0x38;
	[tilespmem:$0x12D00] =	vst v63  }
0x50b: {  	_ =	swait.ge [sflag:s25], $0x80  }
0x50c: {  	[sflag:s25] =	ssyncset.done $0x0  }
0x50d: {  	[sflag:s25] =	ssyncadd.s32 $0xFFFFFF80  }
0x50e: {  	s22 =	simm.s32 $0x0;
	s24 =	rddreg [dreg:$0x17];
	s28 =	simm.s32 $0x10400  }
0x50f: {  	[tilespmem:s28], [sflag:$0x7] =	stream.linear.gather [hbm4b:s24+s22], $0x800, $0x38;
	[tilespmem:$0x12D00] =	vst v63  }
0x510: {  	_ =	swait.ge [sflag:s25], $0x800  }
0x511: {  	[sflag:s25] =	ssyncset.done $0x0  }
0x512: {  	s22 =	simm.s32 $0x40;
	s24 =	simm.s32 $0x0;
	[sflag:s25] =	ssyncadd.s32 $0xFFFFF800  }
.LBB2_19:
0x513: {  	p1 =	sne.s32 s22, $0x7FC0;
	[tilespmem:s24+$0x10C00] =	vst v3;
	s24 =	smov.u32 s22;
	s22 =	sadd.s32 $0x40, s22  }
.Ltmp11:
0x514: {  	(pc) =	sbr.rel @p1 .LBB2_19-.Ltmp11, $2  }
0x515: {  	_ =	sdelay $0x2  }
0x516: {  	s24 =	sshra.s32 s24, $0x2  }
0x517: {  	[tilespmem:s24+$0x10C00] =	vst v3  }
0x518: {  	v5 =	vld [tilespmem:$0x10400];
	_ =	sdelay $0x7  }
0x519: {  	[tilespmem:v5+s19+$0x0] =	vst.idx.msk $0xffff, v4  }
0x51a: {  	v5 =	vld [tilespmem:$0x10410];
	_ =	sdelay $0x7  }
0x51b: {  	[tilespmem:v5+s19+$0x0] =	vst.idx.msk $0xffff, v4  }
0x51c: {  	v5 =	vld [tilespmem:$0x10420];
	_ =	sdelay $0x7  }
0x51d: {  	[tilespmem:v5+s19+$0x0] =	vst.idx.msk $0xffff, v4  }
0x51e: {  	v5 =	vld [tilespmem:$0x10430];
	_ =	sdelay $0x7  }
0x51f: {  	[tilespmem:v5+s19+$0x0] =	vst.idx.msk $0xffff, v4  }
0x520: {  	v5 =	vld [tilespmem:$0x10480];
	_ =	sdelay $0x7  }
0x521: {  	[tilespmem:v5+s19+$0x0] =	vst.idx.msk $0xffff, v4  }
0x522: {  	v5 =	vld [tilespmem:$0x10490];
	_ =	sdelay $0x7  }
0x523: {  	[tilespmem:v5+s19+$0x0] =	vst.idx.msk $0xffff, v4  }
0x524: {  	v5 =	vld [tilespmem:$0x104A0];
	_ =	sdelay $0x7  }
0x525: {  	[tilespmem:v5+s19+$0x0] =	vst.idx.msk $0xffff, v4  }
0x526: {  	v5 =	vld [tilespmem:$0x104B0];
	_ =	sdelay $0x7  }
0x527: {  	[tilespmem:v5+s19+$0x0] =	vst.idx.msk $0xffff, v4  }
0x528: {  	v5 =	vld [tilespmem:$0x10500];
	_ =	sdelay $0x7  }
0x529: {  	[tilespmem:v5+s19+$0x0] =	vst.idx.msk $0xffff, v4  }
0x52a: {  	v5 =	vld [tilespmem:$0x10510];
	_ =	sdelay $0x7  }
0x52b: {  	[tilespmem:v5+s19+$0x0] =	vst.idx.msk $0xffff, v4  }
0x52c: {  	v5 =	vld [tilespmem:$0x10520];
	_ =	sdelay $0x7  }
0x52d: {  	[tilespmem:v5+s19+$0x0] =	vst.idx.msk $0xffff, v4  }
0x52e: {  	v5 =	vld [tilespmem:$0x10530];
	_ =	sdelay $0x7  }
0x52f: {  	[tilespmem:v5+s19+$0x0] =	vst.idx.msk $0xffff, v4  }
0x530: {  	v5 =	vld [tilespmem:$0x10580];
	_ =	sdelay $0x7  }
0x531: {  	[tilespmem:v5+s19+$0x0] =	vst.idx.msk $0xffff, v4  }
0x532: {  	v5 =	vld [tilespmem:$0x10590];
	_ =	sdelay $0x7  }
0x533: {  	[tilespmem:v5+s19+$0x0] =	vst.idx.msk $0xffff, v4  }
0x534: {  	v5 =	vld [tilespmem:$0x105A0];
	_ =	sdelay $0x7  }
0x535: {  	[tilespmem:v5+s19+$0x0] =	vst.idx.msk $0xffff, v4  }
0x536: {  	v5 =	vld [tilespmem:$0x105B0];
	_ =	sdelay $0x7  }
0x537: {  	[tilespmem:v5+s19+$0x0] =	vst.idx.msk $0xffff, v4  }
0x538: {  	v5 =	vld [tilespmem:$0x10600];
	_ =	sdelay $0x7  }
0x539: {  	[tilespmem:v5+s19+$0x0] =	vst.idx.msk $0xffff, v4  }
0x53a: {  	v5 =	vld [tilespmem:$0x10610];
	_ =	sdelay $0x7  }
0x53b: {  	[tilespmem:v5+s19+$0x0] =	vst.idx.msk $0xffff, v4  }
0x53c: {  	v5 =	vld [tilespmem:$0x10620];
	_ =	sdelay $0x7  }
0x53d: {  	[tilespmem:v5+s19+$0x0] =	vst.idx.msk $0xffff, v4  }
0x53e: {  	v5 =	vld [tilespmem:$0x10630];
	_ =	sdelay $0x7  }
0x53f: {  	[tilespmem:v5+s19+$0x0] =	vst.idx.msk $0xffff, v4  }
0x540: {  	v5 =	vld [tilespmem:$0x10680];
	_ =	sdelay $0x7  }
0x541: {  	[tilespmem:v5+s19+$0x0] =	vst.idx.msk $0xffff, v4  }
0x542: {  	v5 =	vld [tilespmem:$0x10690];
	_ =	sdelay $0x7  }
0x543: {  	[tilespmem:v5+s19+$0x0] =	vst.idx.msk $0xffff, v4  }
0x544: {  	v5 =	vld [tilespmem:$0x106A0];
	_ =	sdelay $0x7  }
0x545: {  	[tilespmem:v5+s19+$0x0] =	vst.idx.msk $0xffff, v4  }
0x546: {  	v5 =	vld [tilespmem:$0x106B0];
	_ =	sdelay $0x7  }
0x547: {  	[tilespmem:v5+s19+$0x0] =	vst.idx.msk $0xffff, v4  }
0x548: {  	v5 =	vld [tilespmem:$0x10700];
	_ =	sdelay $0x7  }
0x549: {  	[tilespmem:v5+s19+$0x0] =	vst.idx.msk $0xffff, v4  }
0x54a: {  	v5 =	vld [tilespmem:$0x10710];
	_ =	sdelay $0x7  }
0x54b: {  	[tilespmem:v5+s19+$0x0] =	vst.idx.msk $0xffff, v4  }
0x54c: {  	v5 =	vld [tilespmem:$0x10720];
	_ =	sdelay $0x7  }
0x54d: {  	[tilespmem:v5+s19+$0x0] =	vst.idx.msk $0xffff, v4  }
0x54e: {  	v5 =	vld [tilespmem:$0x10730];
	_ =	sdelay $0x7  }
0x54f: {  	[tilespmem:v5+s19+$0x0] =	vst.idx.msk $0xffff, v4  }
0x550: {  	v5 =	vld [tilespmem:$0x10780];
	_ =	sdelay $0x7  }
0x551: {  	[tilespmem:v5+s19+$0x0] =	vst.idx.msk $0xffff, v4  }
0x552: {  	v5 =	vld [tilespmem:$0x10790];
	_ =	sdelay $0x7  }
0x553: {  	[tilespmem:v5+s19+$0x0] =	vst.idx.msk $0xffff, v4  }
0x554: {  	v5 =	vld [tilespmem:$0x107A0];
	_ =	sdelay $0x7  }
0x555: {  	[tilespmem:v5+s19+$0x0] =	vst.idx.msk $0xffff, v4  }
0x556: {  	v5 =	vld [tilespmem:$0x107B0];
	_ =	sdelay $0x7  }
0x557: {  	[tilespmem:v5+s19+$0x0] =	vst.idx.msk $0xffff, v4  }
0x558: {  	v5 =	vld [tilespmem:$0x10800];
	_ =	sdelay $0x7  }
0x559: {  	[tilespmem:v5+s19+$0x0] =	vst.idx.msk $0xffff, v4  }
0x55a: {  	v5 =	vld [tilespmem:$0x10810];
	_ =	sdelay $0x7  }
0x55b: {  	[tilespmem:v5+s19+$0x0] =	vst.idx.msk $0xffff, v4  }
0x55c: {  	v5 =	vld [tilespmem:$0x10820];
	_ =	sdelay $0x7  }
0x55d: {  	[tilespmem:v5+s19+$0x0] =	vst.idx.msk $0xffff, v4  }
0x55e: {  	v5 =	vld [tilespmem:$0x10830];
	_ =	sdelay $0x7  }
0x55f: {  	[tilespmem:v5+s19+$0x0] =	vst.idx.msk $0xffff, v4  }
0x560: {  	v5 =	vld [tilespmem:$0x10880];
	_ =	sdelay $0x7  }
0x561: {  	[tilespmem:v5+s19+$0x0] =	vst.idx.msk $0xffff, v4  }
0x562: {  	v5 =	vld [tilespmem:$0x10890];
	_ =	sdelay $0x7  }
0x563: {  	[tilespmem:v5+s19+$0x0] =	vst.idx.msk $0xffff, v4  }
0x564: {  	v5 =	vld [tilespmem:$0x108A0];
	_ =	sdelay $0x7  }
0x565: {  	[tilespmem:v5+s19+$0x0] =	vst.idx.msk $0xffff, v4  }
0x566: {  	v5 =	vld [tilespmem:$0x108B0];
	_ =	sdelay $0x7  }
0x567: {  	[tilespmem:v5+s19+$0x0] =	vst.idx.msk $0xffff, v4  }
0x568: {  	v5 =	vld [tilespmem:$0x10900];
	_ =	sdelay $0x7  }
0x569: {  	[tilespmem:v5+s19+$0x0] =	vst.idx.msk $0xffff, v4  }
0x56a: {  	v5 =	vld [tilespmem:$0x10910];
	_ =	sdelay $0x7  }
0x56b: {  	[tilespmem:v5+s19+$0x0] =	vst.idx.msk $0xffff, v4  }
0x56c: {  	v5 =	vld [tilespmem:$0x10920];
	_ =	sdelay $0x7  }
0x56d: {  	[tilespmem:v5+s19+$0x0] =	vst.idx.msk $0xffff, v4  }
0x56e: {  	v5 =	vld [tilespmem:$0x10930];
	_ =	sdelay $0x7  }
0x56f: {  	[tilespmem:v5+s19+$0x0] =	vst.idx.msk $0xffff, v4  }
0x570: {  	v5 =	vld [tilespmem:$0x10980];
	_ =	sdelay $0x7  }
0x571: {  	[tilespmem:v5+s19+$0x0] =	vst.idx.msk $0xffff, v4  }
0x572: {  	v5 =	vld [tilespmem:$0x10990];
	_ =	sdelay $0x7  }
0x573: {  	[tilespmem:v5+s19+$0x0] =	vst.idx.msk $0xffff, v4  }
0x574: {  	v5 =	vld [tilespmem:$0x109A0];
	_ =	sdelay $0x7  }
0x575: {  	[tilespmem:v5+s19+$0x0] =	vst.idx.msk $0xffff, v4  }
0x576: {  	v5 =	vld [tilespmem:$0x109B0];
	_ =	sdelay $0x7  }
0x577: {  	[tilespmem:v5+s19+$0x0] =	vst.idx.msk $0xffff, v4  }
0x578: {  	v5 =	vld [tilespmem:$0x10A00];
	_ =	sdelay $0x7  }
0x579: {  	[tilespmem:v5+s19+$0x0] =	vst.idx.msk $0xffff, v4  }
0x57a: {  	v5 =	vld [tilespmem:$0x10A10];
	_ =	sdelay $0x7  }
0x57b: {  	[tilespmem:v5+s19+$0x0] =	vst.idx.msk $0xffff, v4  }
0x57c: {  	v5 =	vld [tilespmem:$0x10A20];
	_ =	sdelay $0x7  }
0x57d: {  	[tilespmem:v5+s19+$0x0] =	vst.idx.msk $0xffff, v4  }
0x57e: {  	v5 =	vld [tilespmem:$0x10A30];
	_ =	sdelay $0x7  }
0x57f: {  	[tilespmem:v5+s19+$0x0] =	vst.idx.msk $0xffff, v4  }
0x580: {  	v5 =	vld [tilespmem:$0x10A80];
	_ =	sdelay $0x7  }
0x581: {  	[tilespmem:v5+s19+$0x0] =	vst.idx.msk $0xffff, v4  }
0x582: {  	v5 =	vld [tilespmem:$0x10A90];
	_ =	sdelay $0x7  }
0x583: {  	[tilespmem:v5+s19+$0x0] =	vst.idx.msk $0xffff, v4  }
0x584: {  	v5 =	vld [tilespmem:$0x10AA0];
	_ =	sdelay $0x7  }
0x585: {  	[tilespmem:v5+s19+$0x0] =	vst.idx.msk $0xffff, v4  }
0x586: {  	v5 =	vld [tilespmem:$0x10AB0];
	_ =	sdelay $0x7  }
0x587: {  	[tilespmem:v5+s19+$0x0] =	vst.idx.msk $0xffff, v4  }
0x588: {  	v5 =	vld [tilespmem:$0x10B00];
	_ =	sdelay $0x7  }
0x589: {  	[tilespmem:v5+s19+$0x0] =	vst.idx.msk $0xffff, v4  }
0x58a: {  	v5 =	vld [tilespmem:$0x10B10];
	_ =	sdelay $0x7  }
0x58b: {  	[tilespmem:v5+s19+$0x0] =	vst.idx.msk $0xffff, v4  }
0x58c: {  	v5 =	vld [tilespmem:$0x10B20];
	_ =	sdelay $0x7  }
0x58d: {  	[tilespmem:v5+s19+$0x0] =	vst.idx.msk $0xffff, v4  }
0x58e: {  	v5 =	vld [tilespmem:$0x10B30];
	_ =	sdelay $0x7  }
0x58f: {  	[tilespmem:v5+s19+$0x0] =	vst.idx.msk $0xffff, v4  }
0x590: {  	v5 =	vld [tilespmem:$0x10B80];
	_ =	sdelay $0x7  }
0x591: {  	[tilespmem:v5+s19+$0x0] =	vst.idx.msk $0xffff, v4  }
0x592: {  	v5 =	vld [tilespmem:$0x10B90];
	_ =	sdelay $0x7  }
0x593: {  	[tilespmem:v5+s19+$0x0] =	vst.idx.msk $0xffff, v4  }
0x594: {  	v5 =	vld [tilespmem:$0x10BA0];
	_ =	sdelay $0x7  }
0x595: {  	[tilespmem:v5+s19+$0x0] =	vst.idx.msk $0xffff, v4  }
0x596: {  	v5 =	vld [tilespmem:$0x10BB0];
	_ =	sdelay $0x7  }
0x597: {  	s30 =	simm.s32 $0x0;
	[tilespmem:v5+s19+$0x0] =	vst.idx.msk $0xffff, v4  }
0x598: {  	s22 =	simm.s32 $0x40;
	v5 =	vimm.f32 $0.0e+00;
	v6 =	vld [tilespmem:s30+$0x10C00]  }
.LBB2_21:
0x599: {  	p1 =	sne.s32 s22, $0x7FC0  }
.Ltmp12:
0x59a: {  	_ = 	snop;
	(pc) =	sbr.rel @p1 .LBB2_21-.Ltmp12, $3  }
0x59b: {  	_ =	sdelay $0x1  }
0x59c: {  	s24 =	sshra.s32 s22, $0x2;
	s22 =	sadd.s32 $0x40, s22;
	v5 =	vadd.f32 v6, v5  }
0x59d: {  	v6 =	vld [tilespmem:s24+$0x10C00]  }
.Ltmp13:
0x59e: {  	_ = 	snop;
	(pc) =	sbr.rel .LBB2_22-.Ltmp13, $1  }
0x59f: {  	_ =	sdelay $0x3  }
.LBB2_24:
0x5a0: {  	_ =	sfence.sel $0x180000  }
0x5a1: {  	[bflag:$0x0] =	sbarrier.arrive $0xFFFF  }
0x5a2: {  	_ =	strace $0x90000047  }
0x5a3: {  	s0 =	stileid.u32;
	[bflag:$0x2] =	sbarrier.arrive $0xFFFF  }
0x5a4: {  	p0 =	sne.s32 s0, $0x0;
	s0 =	rddreg [dreg:$0x5]  }
0x5a5: {  	s0 =	sadd.s32 @!p0 $0x100000, s0  }
0x5a6: {  	[sflag:s0] =	ssyncadd.tile.s32 @!p0 $0x1;
	_ =	shalt  }
.Lfunc_end2:
_tile_overlayer_lowered:
.L_overlay_start_2:
0x5a7: {  	(tag) =	ssettag $0x2  }
0x5a8: {  	s0 =	rddreg [dreg:$0x0];
	s2 =	stileid.u32  }
0x5a9: {  	s1 =	rddreg [dreg:$0x1];
	p0 =	sne.s32 s2, $0x0  }
0x5aa: {  	s3 =	rddreg [dreg:$0x2];
	[bflag:$0x3] =	sbarrier.arrive $0xFFFF;
	s2 =	simm.s32 @!p0 $0x1C07  }
0x5ab: {  	[timem:s3], [sflag:s2] =	dma.local @!p0 [hbm:s0], s1  }
0x5ac: {  	s0 =	simm.s32 @!p0 $0x7  }
0x5ad: {  	_ =	swait.ge @!p0 [sflag:s0], s1  }
0x5ae: {  	s1 =	ssub.s32 @!p0 $0x0, s1;
	[sflag:s0] =	ssyncset.done @!p0 $0x0  }
0x5af: {  	[sflag:s0] =	ssyncadd.s32 @!p0 s1  }
0x5b0: {  	[bflag:$0x3] =	sbarrier.arrive $0xFFFF  }
0x5b1: {  	_ =	shalt  }

</sc_bundles>
